<compile_context>
chip_gen: v7x
topology: tpu7x:2x2x1
jax: 0.10.2.dev20260603
libtpu: 0.0.44.dev20260713+nightly
codegen_flags: <defaults>
</compile_context>

<pallas_src>
import functools

import jax
import jax.numpy as jnp
from jax import lax
from jax.experimental import pallas as pl
from jax.experimental.pallas import tpu as pltpu
from jax.experimental.pallas import tpu_sc as plsc

_N = 50000
_D = 256
_B = 1024
_K = 128
_L = 32

_NC = 2
_NS = 16
_NW = _NC * _NS
_GPW = _B // _NW
_LANES = 16
_CHUNKS = _D // _LANES


def _pooled_sparsecore(table, idx_flat):
    mesh = plsc.VectorSubcoreMesh(core_axis_name="c", subcore_axis_name="s")

    @functools.partial(
        pl.kernel,
        mesh=mesh,
        out_type=jax.ShapeDtypeStruct((_B, _D), jnp.float32),
        scratch_types=[
            pltpu.VMEM((_GPW * _K,), jnp.int32),
            pltpu.VMEM((3, _K, _D), jnp.float32),
            pltpu.VMEM((_GPW, _D), jnp.float32),
            pltpu.SemaphoreType.DMA,
            pltpu.SemaphoreType.DMA,
            pltpu.SemaphoreType.DMA,
        ],
    )
    def sc_kernel(table_hbm, idx_hbm, out_hbm, idx_v, rows_v, pooled_v,
                  sem0, sem1, sem2):
        sems = (sem0, sem1, sem2)
        wid = lax.axis_index("s") * _NC + lax.axis_index("c")
        base = wid * _GPW
        pltpu.sync_copy(idx_hbm.at[pl.ds(base * _K, _GPW * _K)], idx_v)

        def gather(j, slot):
            pltpu.async_copy(table_hbm.at[idx_v.at[pl.ds(j * _K, _K)]],
                             rows_v.at[slot], sems[slot])

        def accumulate(j, slot):
            pltpu.make_async_copy(table_hbm.at[idx_v.at[pl.ds(j * _K, _K)]],
                                  rows_v.at[slot], sems[slot]).wait()
            buf = rows_v.at[slot]

            def body(r, accs):
                r2 = 2 * r
                return tuple(
                    accs[c]
                    + buf[r2, pl.ds(c * _LANES, _LANES)]
                    + buf[r2 + 1, pl.ds(c * _LANES, _LANES)]
                    for c in range(_CHUNKS)
                )

            zeros = tuple(
                jnp.zeros((_LANES,), jnp.float32) for _ in range(_CHUNKS)
            )
            accs = lax.fori_loop(0, _K // 2, body, zeros)
            for c in range(_CHUNKS):
                pooled_v[j, pl.ds(c * _LANES, _LANES)] = accs[c]

        gather(0, 0)
        gather(1, 1)
        gather(2, 2)

        def outer(t, _):
            j0 = 3 * t
            for u in range(3):
                accumulate(j0 + u, u)
                gather(j0 + u + 3, u)
            return 0

        lax.fori_loop(0, _GPW // 3 - 1, outer, 0)
        accumulate(27, 0)
        gather(30, 0)
        accumulate(28, 1)
        gather(31, 1)
        accumulate(29, 2)
        accumulate(30, 0)
        accumulate(31, 1)

        pltpu.sync_copy(pooled_v, out_hbm.at[pl.ds(base, _GPW)])

    return sc_kernel(table, idx_flat)


def _head_kernel(pooled_ref, w_ref, b_ref, out_ref):
    logits = (
        jnp.dot(pooled_ref[...], w_ref[...],
                preferred_element_type=jnp.float32)
        + b_ref[...][None, :]
    )
    m = jnp.max(logits, axis=1, keepdims=True)
    shifted = logits - m
    lse = jnp.log(jnp.sum(jnp.exp(shifted), axis=1, keepdims=True))
    out_ref[...] = shifted - lse


def _head(pooled, W, b):
    return pl.pallas_call(
        _head_kernel,
        out_shape=jax.ShapeDtypeStruct((_B, _L), jnp.float32),
    )(pooled, W, b)


def kernel(node_embedding_matrix, batch_x_index, W, b):
    pooled = _pooled_sparsecore(node_embedding_matrix,
                                batch_x_index.reshape(-1))
    return _head(pooled, W, b)

# --- scband reference (transcript-rebuilt; emitter-appended) ---
"""Pipeline reference for scband-downstream-task-10539849744787 (READ-ONLY COPY).

The authoritative reference and input builder live on the scoring server;
editing this copy changes nothing except your own understanding.
"""

import jax, jax.numpy as jnp
import numpy as np

N = 50000
D = 256
B = 1024
K = 128
L = 32


def setup_inputs(seed: int = 0) -> dict:
    key = jax.random.key(seed)
    k1, k2, k3, k4 = jax.random.split(key, 4)
    node_embedding_matrix = jax.random.normal(k1, (N, D), dtype=jnp.float32)
    batch_x_index = jax.random.randint(k2, (B, K), 0, N, dtype=jnp.int32)
    # Linear layer params (torch.nn.Linear(gnn_embedding_dim, num_labels))
    bound = 1.0 / np.sqrt(D)
    W = jax.random.uniform(k3, (D, L), dtype=jnp.float32, minval=-bound, maxval=bound)
    b = jax.random.uniform(k4, (L,), dtype=jnp.float32, minval=-bound, maxval=bound)
    return {
        "node_embedding_matrix": node_embedding_matrix,
        "batch_x_index": batch_x_index,
        "W": W,
        "b": b,
    }


def reference(node_embedding_matrix, batch_x_index, W, b):
    # node_embedding_sum_pooling_to_graph_embedding:
    # gather per-graph node embeddings and sum-pool into graph embeddings
    gathered = jnp.take(node_embedding_matrix, batch_x_index, axis=0)  # [B, K, D]
    batch_graph_embedding = jnp.sum(gathered, axis=1)  # [B, D]
    # self.mlp (Linear)
    logits = batch_graph_embedding @ W + b  # [B, L]
    # mode='train' -> log_softmax
    predict_y = jax.nn.log_softmax(logits, axis=1)
    return predict_y

if __name__ == "__main__":
    import jax
    _d = setup_inputs()
    print(jax.jit(kernel)(*tuple(_d.values())))

</pallas_src>

<mosaic_0001>
#map = affine_map<(d0, d1) -> (0, 0)>
#map1 = affine_map<(d0, d1) -> (0)>
module attributes {stable_mosaic.version = 14 : i64} {
  func.func @sc_kernel(%arg0: i32, %arg1: i32, %arg2: memref<50000x256xf32, #tpu.memory_space<hbm>>, %arg3: memref<131072xi32, #tpu.memory_space<hbm>>, %arg4: memref<1024x256xf32, #tpu.memory_space<hbm>>, %arg5: memref<4096xi32, #tpu.memory_space<vmem>>, %arg6: memref<3x128x256xf32, #tpu.memory_space<vmem>>, %arg7: memref<32x256xf32, #tpu.memory_space<vmem>>, %arg8: memref<!tpu.dma_semaphore, #tpu.memory_space<semaphore_mem>>, %arg9: memref<!tpu.dma_semaphore, #tpu.memory_space<semaphore_mem>>, %arg10: memref<!tpu.dma_semaphore, #tpu.memory_space<semaphore_mem>>) attributes {dimension_semantics = [#tpu.dimension_semantics<core_parallel>, #tpu.dimension_semantics<subcore_parallel>], iteration_bounds = array<i64: 2, 16>, scalar_prefetch = 0 : i64, scratch_operands = 6 : i64, tpu.core_type = #tpu.core_type<sc_vector_subcore>, window_params = [{transform_indices = #map}, {transform_indices = #map1}, {transform_indices = #map}]} {
    %mul3A = arith.constant 2 : i32
    %mul3A_0 = arith.muli %arg1, %mul3A : i32
    %add3A = arith.addi %mul3A_0, %arg0 : i32
    %mul3A_1 = arith.constant 32 : i32
    %mul3A_2 = arith.muli %add3A, %mul3A_1 : i32
    %mul3A_3 = arith.constant 128 : i32
    %mul3A_4 = arith.muli %mul3A_2, %mul3A_3 : i32
    "tpu.region"() ({
      %run_scoped3A = tpu.sem_alloc : memref<!tpu.dma_semaphore, #tpu.memory_space<semaphore_mem>>
      %dma_start3A_782 = tpu.memref_slice %arg3[%mul3A_4] : memref<131072xi32, #tpu.memory_space<hbm>> -> memref<4096xi32, #tpu.memory_space<hbm>>
      %dma_start3A_783 = tpu.memref_slice %arg3[%mul3A_4] : memref<131072xi32, #tpu.memory_space<hbm>> -> memref<4096xi32, #tpu.memory_space<hbm>>
      tpu.enqueue_dma source(%dma_start3A_783 : memref<4096xi32, #tpu.memory_space<hbm>>) target(%arg5 : memref<4096xi32, #tpu.memory_space<vmem>>) target_semaphore(%run_scoped3A : memref<!tpu.dma_semaphore, #tpu.memory_space<semaphore_mem>>)
      %dma_wait3A_784 = tpu.memref_slice %arg3[%mul3A_4] : memref<131072xi32, #tpu.memory_space<hbm>> -> memref<4096xi32, #tpu.memory_space<hbm>>
      %dma_wait3A_785 = tpu.memref_slice %arg3[%mul3A_4] : memref<131072xi32, #tpu.memory_space<hbm>> -> memref<4096xi32, #tpu.memory_space<hbm>>
      tpu.wait_dma2 semaphore(%run_scoped3A : memref<!tpu.dma_semaphore, #tpu.memory_space<semaphore_mem>>) src(%dma_wait3A_785 : memref<4096xi32, #tpu.memory_space<hbm>>) dst(%arg5 : memref<4096xi32, #tpu.memory_space<vmem>>)
      tpu.yield
    }) : () -> ()
    %dma_start3A = arith.constant 0 : i32
    %dma_start3A_5 = arith.constant 0 : i32
    %dma_start3A_6 = arith.constant 0 : i32
    %dma_start3A_7 = tpu.memref_slice %arg6[%dma_start3A, %dma_start3A_5, %dma_start3A_6] : memref<3x128x256xf32, #tpu.memory_space<vmem>> -> memref<1x128x256xf32, #tpu.memory_space<vmem>>
    %dma_start3A_8 = tpu.memref_squeeze %dma_start3A_7 : memref<1x128x256xf32, #tpu.memory_space<vmem>> -> memref<128x256xf32, #tpu.memory_space<vmem>>
    %dma_start3A_9 = arith.constant 0 : i32
    %dma_start3A_10 = tpu.memref_slice %arg5[%dma_start3A_9] : memref<4096xi32, #tpu.memory_space<vmem>> -> memref<128xi32, #tpu.memory_space<vmem>>
    %dma_start3A_11 = arith.constant 0 : i32
    %dma_start3A_12 = arith.constant 0 : i32
    %dma_start3A_13 = tpu.memref_slice %arg2[%dma_start3A_11, %dma_start3A_12] : memref<50000x256xf32, #tpu.memory_space<hbm>> -> memref<50000x256xf32, #tpu.memory_space<hbm>>
    tpu.enqueue_indirect_dma source(%dma_start3A_13 : memref<50000x256xf32, #tpu.memory_space<hbm>>) target(%dma_start3A_8 : memref<128x256xf32, #tpu.memory_space<vmem>>) offsets(%dma_start3A_10 : memref<128xi32, #tpu.memory_space<vmem>>) semaphore(%arg8 : memref<!tpu.dma_semaphore, #tpu.memory_space<semaphore_mem>>)
    %dma_start3A_14 = arith.constant 1 : i32
    %dma_start3A_15 = arith.constant 0 : i32
    %dma_start3A_16 = arith.constant 0 : i32
    %dma_start3A_17 = tpu.memref_slice %arg6[%dma_start3A_14, %dma_start3A_15, %dma_start3A_16] : memref<3x128x256xf32, #tpu.memory_space<vmem>> -> memref<1x128x256xf32, #tpu.memory_space<vmem>>
    %dma_start3A_18 = tpu.memref_squeeze %dma_start3A_17 : memref<1x128x256xf32, #tpu.memory_space<vmem>> -> memref<128x256xf32, #tpu.memory_space<vmem>>
    %dma_start3A_19 = arith.constant 128 : i32
    %dma_start3A_20 = tpu.memref_slice %arg5[%dma_start3A_19] : memref<4096xi32, #tpu.memory_space<vmem>> -> memref<128xi32, #tpu.memory_space<vmem>>
    %dma_start3A_21 = arith.constant 0 : i32
    %dma_start3A_22 = arith.constant 0 : i32
    %dma_start3A_23 = tpu.memref_slice %arg2[%dma_start3A_21, %dma_start3A_22] : memref<50000x256xf32, #tpu.memory_space<hbm>> -> memref<50000x256xf32, #tpu.memory_space<hbm>>
    tpu.enqueue_indirect_dma source(%dma_start3A_23 : memref<50000x256xf32, #tpu.memory_space<hbm>>) target(%dma_start3A_18 : memref<128x256xf32, #tpu.memory_space<vmem>>) offsets(%dma_start3A_20 : memref<128xi32, #tpu.memory_space<vmem>>) semaphore(%arg9 : memref<!tpu.dma_semaphore, #tpu.memory_space<semaphore_mem>>)
    %dma_start3A_24 = arith.constant 2 : i32
    %dma_start3A_25 = arith.constant 0 : i32
    %dma_start3A_26 = arith.constant 0 : i32
    %dma_start3A_27 = tpu.memref_slice %arg6[%dma_start3A_24, %dma_start3A_25, %dma_start3A_26] : memref<3x128x256xf32, #tpu.memory_space<vmem>> -> memref<1x128x256xf32, #tpu.memory_space<vmem>>
    %dma_start3A_28 = tpu.memref_squeeze %dma_start3A_27 : memref<1x128x256xf32, #tpu.memory_space<vmem>> -> memref<128x256xf32, #tpu.memory_space<vmem>>
    %dma_start3A_29 = arith.constant 256 : i32
    %dma_start3A_30 = tpu.memref_slice %arg5[%dma_start3A_29] : memref<4096xi32, #tpu.memory_space<vmem>> -> memref<128xi32, #tpu.memory_space<vmem>>
    %dma_start3A_31 = arith.constant 0 : i32
    %dma_start3A_32 = arith.constant 0 : i32
    %dma_start3A_33 = tpu.memref_slice %arg2[%dma_start3A_31, %dma_start3A_32] : memref<50000x256xf32, #tpu.memory_space<hbm>> -> memref<50000x256xf32, #tpu.memory_space<hbm>>
    tpu.enqueue_indirect_dma source(%dma_start3A_33 : memref<50000x256xf32, #tpu.memory_space<hbm>>) target(%dma_start3A_28 : memref<128x256xf32, #tpu.memory_space<vmem>>) offsets(%dma_start3A_30 : memref<128xi32, #tpu.memory_space<vmem>>) semaphore(%arg10 : memref<!tpu.dma_semaphore, #tpu.memory_space<semaphore_mem>>)
    %scan3A = arith.constant 0 : i32
    %scan3A_34 = arith.constant 0 : i32
    %scan3A_35 = arith.constant 9 : i32
    %scan3A_36 = arith.addi %scan3A_34, %scan3A_35 : i32
    %scan3A_37 = arith.constant 1 : i32
    %scan3A_38 = scf.for %scan3A_782 = %scan3A_34 to %scan3A_36 step %scan3A_37 iter_args(%scan3A_783 = %scan3A) -> (i32)  : i32 {
      %mul3A_784 = arith.constant 3 : i32
      %mul3A_785 = arith.muli %mul3A_784, %scan3A_782 : i32
      %add3A_786 = arith.constant 0 : i32
      %add3A_787 = arith.addi %mul3A_785, %add3A_786 : i32
      %mul3A_788 = arith.constant 128 : i32
      %mul3A_789 = arith.muli %add3A_787, %mul3A_788 : i32
      %dma_wait3A_790 = arith.constant 0 : i32
      %dma_wait3A_791 = arith.constant 0 : i32
      %dma_wait3A_792 = arith.constant 0 : i32
      %dma_wait3A_793 = tpu.memref_slice %arg6[%dma_wait3A_790, %dma_wait3A_791, %dma_wait3A_792] : memref<3x128x256xf32, #tpu.memory_space<vmem>> -> memref<1x128x256xf32, #tpu.memory_space<vmem>>
      %dma_wait3A_794 = tpu.memref_squeeze %dma_wait3A_793 : memref<1x128x256xf32, #tpu.memory_space<vmem>> -> memref<128x256xf32, #tpu.memory_space<vmem>>
      %dma_wait3A_795 = tpu.memref_slice %arg5[%mul3A_789] : memref<4096xi32, #tpu.memory_space<vmem>> -> memref<128xi32, #tpu.memory_space<vmem>>
      %dma_wait3A_796 = arith.constant 0 : i32
      %dma_wait3A_797 = arith.constant 0 : i32
      %dma_wait3A_798 = tpu.memref_slice %arg2[%dma_wait3A_796, %dma_wait3A_797] : memref<50000x256xf32, #tpu.memory_space<hbm>> -> memref<50000x256xf32, #tpu.memory_space<hbm>>
      tpu.wait_indirect_dma semaphore(%arg8 : memref<!tpu.dma_semaphore, #tpu.memory_space<semaphore_mem>>) src(%dma_wait3A_798 : memref<50000x256xf32, #tpu.memory_space<hbm>>) dst(%dma_wait3A_794 : memref<128x256xf32, #tpu.memory_space<vmem>>)
      %broadcast_in_dim3A_799 = arith.constant 0.000000e+00 : f32
      %broadcast_in_dim3A_800 = vector.broadcast %broadcast_in_dim3A_799 : f32 to vector<16xf32>
      %broadcast_in_dim3A_801 = arith.constant 0.000000e+00 : f32
      %broadcast_in_dim3A_802 = vector.broadcast %broadcast_in_dim3A_801 : f32 to vector<16xf32>
      %broadcast_in_dim3A_803 = arith.constant 0.000000e+00 : f32
      %broadcast_in_dim3A_804 = vector.broadcast %broadcast_in_dim3A_803 : f32 to vector<16xf32>
      %broadcast_in_dim3A_805 = arith.constant 0.000000e+00 : f32
      %broadcast_in_dim3A_806 = vector.broadcast %broadcast_in_dim3A_805 : f32 to vector<16xf32>
      %broadcast_in_dim3A_807 = arith.constant 0.000000e+00 : f32
      %broadcast_in_dim3A_808 = vector.broadcast %broadcast_in_dim3A_807 : f32 to vector<16xf32>
      %broadcast_in_dim3A_809 = arith.constant 0.000000e+00 : f32
      %broadcast_in_dim3A_810 = vector.broadcast %broadcast_in_dim3A_809 : f32 to vector<16xf32>
      %broadcast_in_dim3A_811 = arith.constant 0.000000e+00 : f32
      %broadcast_in_dim3A_812 = vector.broadcast %broadcast_in_dim3A_811 : f32 to vector<16xf32>
      %broadcast_in_dim3A_813 = arith.constant 0.000000e+00 : f32
      %broadcast_in_dim3A_814 = vector.broadcast %broadcast_in_dim3A_813 : f32 to vector<16xf32>
      %broadcast_in_dim3A_815 = arith.constant 0.000000e+00 : f32
      %broadcast_in_dim3A_816 = vector.broadcast %broadcast_in_dim3A_815 : f32 to vector<16xf32>
      %broadcast_in_dim3A_817 = arith.constant 0.000000e+00 : f32
      %broadcast_in_dim3A_818 = vector.broadcast %broadcast_in_dim3A_817 : f32 to vector<16xf32>
      %broadcast_in_dim3A_819 = arith.constant 0.000000e+00 : f32
      %broadcast_in_dim3A_820 = vector.broadcast %broadcast_in_dim3A_819 : f32 to vector<16xf32>
      %broadcast_in_dim3A_821 = arith.constant 0.000000e+00 : f32
      %broadcast_in_dim3A_822 = vector.broadcast %broadcast_in_dim3A_821 : f32 to vector<16xf32>
      %broadcast_in_dim3A_823 = arith.constant 0.000000e+00 : f32
      %broadcast_in_dim3A_824 = vector.broadcast %broadcast_in_dim3A_823 : f32 to vector<16xf32>
      %broadcast_in_dim3A_825 = arith.constant 0.000000e+00 : f32
      %broadcast_in_dim3A_826 = vector.broadcast %broadcast_in_dim3A_825 : f32 to vector<16xf32>
      %broadcast_in_dim3A_827 = arith.constant 0.000000e+00 : f32
      %broadcast_in_dim3A_828 = vector.broadcast %broadcast_in_dim3A_827 : f32 to vector<16xf32>
      %broadcast_in_dim3A_829 = arith.constant 0.000000e+00 : f32
      %broadcast_in_dim3A_830 = vector.broadcast %broadcast_in_dim3A_829 : f32 to vector<16xf32>
      %scan3A_831 = arith.constant 0 : i32
      %scan3A_832 = arith.constant 0 : i32
      %scan3A_833 = arith.constant 64 : i32
      %scan3A_834 = arith.addi %scan3A_832, %scan3A_833 : i32
      %scan3A_835 = arith.constant 1 : i32
      %scan3A_836:16 = scf.for %scan3A_1228 = %scan3A_832 to %scan3A_834 step %scan3A_835 iter_args(%scan3A_1229 = %broadcast_in_dim3A_800, %scan3A_1230 = %broadcast_in_dim3A_802, %scan3A_1231 = %broadcast_in_dim3A_804, %scan3A_1232 = %broadcast_in_dim3A_806, %scan3A_1233 = %broadcast_in_dim3A_808, %scan3A_1234 = %broadcast_in_dim3A_810, %scan3A_1235 = %broadcast_in_dim3A_812, %scan3A_1236 = %broadcast_in_dim3A_814, %scan3A_1237 = %broadcast_in_dim3A_816, %scan3A_1238 = %broadcast_in_dim3A_818, %scan3A_1239 = %broadcast_in_dim3A_820, %scan3A_1240 = %broadcast_in_dim3A_822, %scan3A_1241 = %broadcast_in_dim3A_824, %scan3A_1242 = %broadcast_in_dim3A_826, %scan3A_1243 = %broadcast_in_dim3A_828, %scan3A_1244 = %broadcast_in_dim3A_830) -> (vector<16xf32>, vector<16xf32>, vector<16xf32>, vector<16xf32>, vector<16xf32>, vector<16xf32>, vector<16xf32>, vector<16xf32>, vector<16xf32>, vector<16xf32>, vector<16xf32>, vector<16xf32>, vector<16xf32>, vector<16xf32>, vector<16xf32>, vector<16xf32>)  : i32 {
        %mul3A_1245 = arith.constant 2 : i32
        %mul3A_1246 = arith.muli %mul3A_1245, %scan3A_1228 : i32
        %get3A = arith.constant 0 : i32
        %get3A_1247 = arith.constant 0 : i32
        %get3A_1248 = tpu.memref_slice %arg6[%scan3A_831, %get3A, %get3A_1247] : memref<3x128x256xf32, #tpu.memory_space<vmem>> -> memref<1x128x256xf32, #tpu.memory_space<vmem>>
        %get3A_1249 = tpu.memref_squeeze %get3A_1248 : memref<1x128x256xf32, #tpu.memory_space<vmem>> -> memref<128x256xf32, #tpu.memory_space<vmem>>
        %get3A_1250 = arith.index_cast %mul3A_1246 : i32 to index
        %get3A_1251 = arith.constant 0 : index
        %get3A_1252 = tpu.vector_load %get3A_1249[%get3A_1250, %get3A_1251] {strides = array<i32>} : memref<128x256xf32, #tpu.memory_space<vmem>>, vector<1x16xf32>,
        %get3A_1253 = vector.shape_cast %get3A_1252 : vector<1x16xf32> to vector<16xf32>
        %add3A_1254 = arith.addf %scan3A_1229, %get3A_1253 : vector<16xf32>
        %add3A_1255 = arith.constant 1 : i32
        %add3A_1256 = arith.addi %mul3A_1246, %add3A_1255 : i32
        %get3A_1257 = arith.constant 0 : i32
        %get3A_1258 = arith.constant 0 : i32
        %get3A_1259 = tpu.memref_slice %arg6[%scan3A_831, %get3A_1257, %get3A_1258] : memref<3x128x256xf32, #tpu.memory_space<vmem>> -> memref<1x128x256xf32, #tpu.memory_space<vmem>>
        %get3A_1260 = tpu.memref_squeeze %get3A_1259 : memref<1x128x256xf32, #tpu.memory_space<vmem>> -> memref<128x256xf32, #tpu.memory_space<vmem>>
        %get3A_1261 = arith.index_cast %add3A_1256 : i32 to index
        %get3A_1262 = arith.constant 0 : index
        %get3A_1263 = tpu.vector_load %get3A_1260[%get3A_1261, %get3A_1262] {strides = array<i32>} : memref<128x256xf32, #tpu.memory_space<vmem>>, vector<1x16xf32>,
        %get3A_1264 = vector.shape_cast %get3A_1263 : vector<1x16xf32> to vector<16xf32>
        %add3A_1265 = arith.addf %add3A_1254, %get3A_1264 : vector<16xf32>
        %get3A_1266 = arith.constant 0 : i32
        %get3A_1267 = arith.constant 0 : i32
        %get3A_1268 = tpu.memref_slice %arg6[%scan3A_831, %get3A_1266, %get3A_1267] : memref<3x128x256xf32, #tpu.memory_space<vmem>> -> memref<1x128x256xf32, #tpu.memory_space<vmem>>
        %get3A_1269 = tpu.memref_squeeze %get3A_1268 : memref<1x128x256xf32, #tpu.memory_space<vmem>> -> memref<128x256xf32, #tpu.memory_space<vmem>>
        %get3A_1270 = arith.index_cast %mul3A_1246 : i32 to index
        %get3A_1271 = arith.constant 16 : index
        %get3A_1272 = tpu.vector_load %get3A_1269[%get3A_1270, %get3A_1271] {strides = array<i32>} : memref<128x256xf32, #tpu.memory_space<vmem>>, vector<1x16xf32>,
        %get3A_1273 = vector.shape_cast %get3A_1272 : vector<1x16xf32> to vector<16xf32>
        %add3A_1274 = arith.addf %scan3A_1230, %get3A_1273 : vector<16xf32>
        %add3A_1275 = arith.constant 1 : i32
        %add3A_1276 = arith.addi %mul3A_1246, %add3A_1275 : i32
        %get3A_1277 = arith.constant 0 : i32
        %get3A_1278 = arith.constant 0 : i32
        %get3A_1279 = tpu.memref_slice %arg6[%scan3A_831, %get3A_1277, %get3A_1278] : memref<3x128x256xf32, #tpu.memory_space<vmem>> -> memref<1x128x256xf32, #tpu.memory_space<vmem>>
        %get3A_1280 = tpu.memref_squeeze %get3A_1279 : memref<1x128x256xf32, #tpu.memory_space<vmem>> -> memref<128x256xf32, #tpu.memory_space<vmem>>
        %get3A_1281 = arith.index_cast %add3A_1276 : i32 to index
        %get3A_1282 = arith.constant 16 : index
        %get3A_1283 = tpu.vector_load %get3A_1280[%get3A_1281, %get3A_1282] {strides = array<i32>} : memref<128x256xf32, #tpu.memory_space<vmem>>, vector<1x16xf32>,
        %get3A_1284 = vector.shape_cast %get3A_1283 : vector<1x16xf32> to vector<16xf32>
        %add3A_1285 = arith.addf %add3A_1274, %get3A_1284 : vector<16xf32>
        %get3A_1286 = arith.constant 0 : i32
        %get3A_1287 = arith.constant 0 : i32
        %get3A_1288 = tpu.memref_slice %arg6[%scan3A_831, %get3A_1286, %get3A_1287] : memref<3x128x256xf32, #tpu.memory_space<vmem>> -> memref<1x128x256xf32, #tpu.memory_space<vmem>>
        %get3A_1289 = tpu.memref_squeeze %get3A_1288 : memref<1x128x256xf32, #tpu.memory_space<vmem>> -> memref<128x256xf32, #tpu.memory_space<vmem>>
        %get3A_1290 = arith.index_cast %mul3A_1246 : i32 to index
        %get3A_1291 = arith.constant 32 : index
        %get3A_1292 = tpu.vector_load %get3A_1289[%get3A_1290, %get3A_1291] {strides = array<i32>} : memref<128x256xf32, #tpu.memory_space<vmem>>, vector<1x16xf32>,
        %get3A_1293 = vector.shape_cast %get3A_1292 : vector<1x16xf32> to vector<16xf32>
        %add3A_1294 = arith.addf %scan3A_1231, %get3A_1293 : vector<16xf32>
        %add3A_1295 = arith.constant 1 : i32
        %add3A_1296 = arith.addi %mul3A_1246, %add3A_1295 : i32
        %get3A_1297 = arith.constant 0 : i32
        %get3A_1298 = arith.constant 0 : i32
        %get3A_1299 = tpu.memref_slice %arg6[%scan3A_831, %get3A_1297, %get3A_1298] : memref<3x128x256xf32, #tpu.memory_space<vmem>> -> memref<1x128x256xf32, #tpu.memory_space<vmem>>
        %get3A_1300 = tpu.memref_squeeze %get3A_1299 : memref<1x128x256xf32, #tpu.memory_space<vmem>> -> memref<128x256xf32, #tpu.memory_space<vmem>>
        %get3A_1301 = arith.index_cast %add3A_1296 : i32 to index
        %get3A_1302 = arith.constant 32 : index
        %get3A_1303 = tpu.vector_load %get3A_1300[%get3A_1301, %get3A_1302] {strides = array<i32>} : memref<128x256xf32, #tpu.memory_space<vmem>>, vector<1x16xf32>,
        %get3A_1304 = vector.shape_cast %get3A_1303 : vector<1x16xf32> to vector<16xf32>
        %add3A_1305 = arith.addf %add3A_1294, %get3A_1304 : vector<16xf32>
        %get3A_1306 = arith.constant 0 : i32
        %get3A_1307 = arith.constant 0 : i32
        %get3A_1308 = tpu.memref_slice %arg6[%scan3A_831, %get3A_1306, %get3A_1307] : memref<3x128x256xf32, #tpu.memory_space<vmem>> -> memref<1x128x256xf32, #tpu.memory_space<vmem>>
        %get3A_1309 = tpu.memref_squeeze %get3A_1308 : memref<1x128x256xf32, #tpu.memory_space<vmem>> -> memref<128x256xf32, #tpu.memory_space<vmem>>
        %get3A_1310 = arith.index_cast %mul3A_1246 : i32 to index
        %get3A_1311 = arith.constant 48 : index
        %get3A_1312 = tpu.vector_load %get3A_1309[%get3A_1310, %get3A_1311] {strides = array<i32>} : memref<128x256xf32, #tpu.memory_space<vmem>>, vector<1x16xf32>,
        %get3A_1313 = vector.shape_cast %get3A_1312 : vector<1x16xf32> to vector<16xf32>
        %add3A_1314 = arith.addf %scan3A_1232, %get3A_1313 : vector<16xf32>
        %add3A_1315 = arith.constant 1 : i32
        %add3A_1316 = arith.addi %mul3A_1246, %add3A_1315 : i32
        %get3A_1317 = arith.constant 0 : i32
        %get3A_1318 = arith.constant 0 : i32
        %get3A_1319 = tpu.memref_slice %arg6[%scan3A_831, %get3A_1317, %get3A_1318] : memref<3x128x256xf32, #tpu.memory_space<vmem>> -> memref<1x128x256xf32, #tpu.memory_space<vmem>>
        %get3A_1320 = tpu.memref_squeeze %get3A_1319 : memref<1x128x256xf32, #tpu.memory_space<vmem>> -> memref<128x256xf32, #tpu.memory_space<vmem>>
        %get3A_1321 = arith.index_cast %add3A_1316 : i32 to index
        %get3A_1322 = arith.constant 48 : index
        %get3A_1323 = tpu.vector_load %get3A_1320[%get3A_1321, %get3A_1322] {strides = array<i32>} : memref<128x256xf32, #tpu.memory_space<vmem>>, vector<1x16xf32>,
        %get3A_1324 = vector.shape_cast %get3A_1323 : vector<1x16xf32> to vector<16xf32>
        %add3A_1325 = arith.addf %add3A_1314, %get3A_1324 : vector<16xf32>
        %get3A_1326 = arith.constant 0 : i32
        %get3A_1327 = arith.constant 0 : i32
        %get3A_1328 = tpu.memref_slice %arg6[%scan3A_831, %get3A_1326, %get3A_1327] : memref<3x128x256xf32, #tpu.memory_space<vmem>> -> memref<1x128x256xf32, #tpu.memory_space<vmem>>
        %get3A_1329 = tpu.memref_squeeze %get3A_1328 : memref<1x128x256xf32, #tpu.memory_space<vmem>> -> memref<128x256xf32, #tpu.memory_space<vmem>>
        %get3A_1330 = arith.index_cast %mul3A_1246 : i32 to index
        %get3A_1331 = arith.constant 64 : index
        %get3A_1332 = tpu.vector_load %get3A_1329[%get3A_1330, %get3A_1331] {strides = array<i32>} : memref<128x256xf32, #tpu.memory_space<vmem>>, vector<1x16xf32>,
        %get3A_1333 = vector.shape_cast %get3A_1332 : vector<1x16xf32> to vector<16xf32>
        %add3A_1334 = arith.addf %scan3A_1233, %get3A_1333 : vector<16xf32>
        %add3A_1335 = arith.constant 1 : i32
        %add3A_1336 = arith.addi %mul3A_1246, %add3A_1335 : i32
        %get3A_1337 = arith.constant 0 : i32
        %get3A_1338 = arith.constant 0 : i32
        %get3A_1339 = tpu.memref_slice %arg6[%scan3A_831, %get3A_1337, %get3A_1338] : memref<3x128x256xf32, #tpu.memory_space<vmem>> -> memref<1x128x256xf32, #tpu.memory_space<vmem>>
        %get3A_1340 = tpu.memref_squeeze %get3A_1339 : memref<1x128x256xf32, #tpu.memory_space<vmem>> -> memref<128x256xf32, #tpu.memory_space<vmem>>
        %get3A_1341 = arith.index_cast %add3A_1336 : i32 to index
        %get3A_1342 = arith.constant 64 : index
        %get3A_1343 = tpu.vector_load %get3A_1340[%get3A_1341, %get3A_1342] {strides = array<i32>} : memref<128x256xf32, #tpu.memory_space<vmem>>, vector<1x16xf32>,
        %get3A_1344 = vector.shape_cast %get3A_1343 : vector<1x16xf32> to vector<16xf32>
        %add3A_1345 = arith.addf %add3A_1334, %get3A_1344 : vector<16xf32>
        %get3A_1346 = arith.constant 0 : i32
        %get3A_1347 = arith.constant 0 : i32
        %get3A_1348 = tpu.memref_slice %arg6[%scan3A_831, %get3A_1346, %get3A_1347] : memref<3x128x256xf32, #tpu.memory_space<vmem>> -> memref<1x128x256xf32, #tpu.memory_space<vmem>>
        %get3A_1349 = tpu.memref_squeeze %get3A_1348 : memref<1x128x256xf32, #tpu.memory_space<vmem>> -> memref<128x256xf32, #tpu.memory_space<vmem>>
        %get3A_1350 = arith.index_cast %mul3A_1246 : i32 to index
        %get3A_1351 = arith.constant 80 : index
        %get3A_1352 = tpu.vector_load %get3A_1349[%get3A_1350, %get3A_1351] {strides = array<i32>} : memref<128x256xf32, #tpu.memory_space<vmem>>, vector<1x16xf32>,
        %get3A_1353 = vector.shape_cast %get3A_1352 : vector<1x16xf32> to vector<16xf32>
        %add3A_1354 = arith.addf %scan3A_1234, %get3A_1353 : vector<16xf32>
        %add3A_1355 = arith.constant 1 : i32
        %add3A_1356 = arith.addi %mul3A_1246, %add3A_1355 : i32
        %get3A_1357 = arith.constant 0 : i32
        %get3A_1358 = arith.constant 0 : i32
        %get3A_1359 = tpu.memref_slice %arg6[%scan3A_831, %get3A_1357, %get3A_1358] : memref<3x128x256xf32, #tpu.memory_space<vmem>> -> memref<1x128x256xf32, #tpu.memory_space<vmem>>
        %get3A_1360 = tpu.memref_squeeze %get3A_1359 : memref<1x128x256xf32, #tpu.memory_space<vmem>> -> memref<128x256xf32, #tpu.memory_space<vmem>>
        %get3A_1361 = arith.index_cast %add3A_1356 : i32 to index
        %get3A_1362 = arith.constant 80 : index
        %get3A_1363 = tpu.vector_load %get3A_1360[%get3A_1361, %get3A_1362] {strides = array<i32>} : memref<128x256xf32, #tpu.memory_space<vmem>>, vector<1x16xf32>,
        %get3A_1364 = vector.shape_cast %get3A_1363 : vector<1x16xf32> to vector<16xf32>
        %add3A_1365 = arith.addf %add3A_1354, %get3A_1364 : vector<16xf32>
        %get3A_1366 = arith.constant 0 : i32
        %get3A_1367 = arith.constant 0 : i32
        %get3A_1368 = tpu.memref_slice %arg6[%scan3A_831, %get3A_1366, %get3A_1367] : memref<3x128x256xf32, #tpu.memory_space<vmem>> -> memref<1x128x256xf32, #tpu.memory_space<vmem>>
        %get3A_1369 = tpu.memref_squeeze %get3A_1368 : memref<1x128x256xf32, #tpu.memory_space<vmem>> -> memref<128x256xf32, #tpu.memory_space<vmem>>
        %get3A_1370 = arith.index_cast %mul3A_1246 : i32 to index
        %get3A_1371 = arith.constant 96 : index
        %get3A_1372 = tpu.vector_load %get3A_1369[%get3A_1370, %get3A_1371] {strides = array<i32>} : memref<128x256xf32, #tpu.memory_space<vmem>>, vector<1x16xf32>,
        %get3A_1373 = vector.shape_cast %get3A_1372 : vector<1x16xf32> to vector<16xf32>
        %add3A_1374 = arith.addf %scan3A_1235, %get3A_1373 : vector<16xf32>
        %add3A_1375 = arith.constant 1 : i32
        %add3A_1376 = arith.addi %mul3A_1246, %add3A_1375 : i32
        %get3A_1377 = arith.constant 0 : i32
        %get3A_1378 = arith.constant 0 : i32
        %get3A_1379 = tpu.memref_slice %arg6[%scan3A_831, %get3A_1377, %get3A_1378] : memref<3x128x256xf32, #tpu.memory_space<vmem>> -> memref<1x128x256xf32, #tpu.memory_space<vmem>>
        %get3A_1380 = tpu.memref_squeeze %get3A_1379 : memref<1x128x256xf32, #tpu.memory_space<vmem>> -> memref<128x256xf32, #tpu.memory_space<vmem>>
        %get3A_1381 = arith.index_cast %add3A_1376 : i32 to index
        %get3A_1382 = arith.constant 96 : index
        %get3A_1383 = tpu.vector_load %get3A_1380[%get3A_1381, %get3A_1382] {strides = array<i32>} : memref<128x256xf32, #tpu.memory_space<vmem>>, vector<1x16xf32>,
        %get3A_1384 = vector.shape_cast %get3A_1383 : vector<1x16xf32> to vector<16xf32>
        %add3A_1385 = arith.addf %add3A_1374, %get3A_1384 : vector<16xf32>
        %get3A_1386 = arith.constant 0 : i32
        %get3A_1387 = arith.constant 0 : i32
        %get3A_1388 = tpu.memref_slice %arg6[%scan3A_831, %get3A_1386, %get3A_1387] : memref<3x128x256xf32, #tpu.memory_space<vmem>> -> memref<1x128x256xf32, #tpu.memory_space<vmem>>
        %get3A_1389 = tpu.memref_squeeze %get3A_1388 : memref<1x128x256xf32, #tpu.memory_space<vmem>> -> memref<128x256xf32, #tpu.memory_space<vmem>>
        %get3A_1390 = arith.index_cast %mul3A_1246 : i32 to index
        %get3A_1391 = arith.constant 112 : index
        %get3A_1392 = tpu.vector_load %get3A_1389[%get3A_1390, %get3A_1391] {strides = array<i32>} : memref<128x256xf32, #tpu.memory_space<vmem>>, vector<1x16xf32>,
        %get3A_1393 = vector.shape_cast %get3A_1392 : vector<1x16xf32> to vector<16xf32>
        %add3A_1394 = arith.addf %scan3A_1236, %get3A_1393 : vector<16xf32>
        %add3A_1395 = arith.constant 1 : i32
        %add3A_1396 = arith.addi %mul3A_1246, %add3A_1395 : i32
        %get3A_1397 = arith.constant 0 : i32
        %get3A_1398 = arith.constant 0 : i32
        %get3A_1399 = tpu.memref_slice %arg6[%scan3A_831, %get3A_1397, %get3A_1398] : memref<3x128x256xf32, #tpu.memory_space<vmem>> -> memref<1x128x256xf32, #tpu.memory_space<vmem>>
        %get3A_1400 = tpu.memref_squeeze %get3A_1399 : memref<1x128x256xf32, #tpu.memory_space<vmem>> -> memref<128x256xf32, #tpu.memory_space<vmem>>
        %get3A_1401 = arith.index_cast %add3A_1396 : i32 to index
        %get3A_1402 = arith.constant 112 : index
        %get3A_1403 = tpu.vector_load %get3A_1400[%get3A_1401, %get3A_1402] {strides = array<i32>} : memref<128x256xf32, #tpu.memory_space<vmem>>, vector<1x16xf32>,
        %get3A_1404 = vector.shape_cast %get3A_1403 : vector<1x16xf32> to vector<16xf32>
        %add3A_1405 = arith.addf %add3A_1394, %get3A_1404 : vector<16xf32>
        %get3A_1406 = arith.constant 0 : i32
        %get3A_1407 = arith.constant 0 : i32
        %get3A_1408 = tpu.memref_slice %arg6[%scan3A_831, %get3A_1406, %get3A_1407] : memref<3x128x256xf32, #tpu.memory_space<vmem>> -> memref<1x128x256xf32, #tpu.memory_space<vmem>>
        %get3A_1409 = tpu.memref_squeeze %get3A_1408 : memref<1x128x256xf32, #tpu.memory_space<vmem>> -> memref<128x256xf32, #tpu.memory_space<vmem>>
        %get3A_1410 = arith.index_cast %mul3A_1246 : i32 to index
        %get3A_1411 = arith.constant 128 : index
        %get3A_1412 = tpu.vector_load %get3A_1409[%get3A_1410, %get3A_1411] {strides = array<i32>} : memref<128x256xf32, #tpu.memory_space<vmem>>, vector<1x16xf32>,
        %get3A_1413 = vector.shape_cast %get3A_1412 : vector<1x16xf32> to vector<16xf32>
        %add3A_1414 = arith.addf %scan3A_1237, %get3A_1413 : vector<16xf32>
        %add3A_1415 = arith.constant 1 : i32
        %add3A_1416 = arith.addi %mul3A_1246, %add3A_1415 : i32
        %get3A_1417 = arith.constant 0 : i32
        %get3A_1418 = arith.constant 0 : i32
        %get3A_1419 = tpu.memref_slice %arg6[%scan3A_831, %get3A_1417, %get3A_1418] : memref<3x128x256xf32, #tpu.memory_space<vmem>> -> memref<1x128x256xf32, #tpu.memory_space<vmem>>
        %get3A_1420 = tpu.memref_squeeze %get3A_1419 : memref<1x128x256xf32, #tpu.memory_space<vmem>> -> memref<128x256xf32, #tpu.memory_space<vmem>>
        %get3A_1421 = arith.index_cast %add3A_1416 : i32 to index
        %get3A_1422 = arith.constant 128 : index
        %get3A_1423 = tpu.vector_load %get3A_1420[%get3A_1421, %get3A_1422] {strides = array<i32>} : memref<128x256xf32, #tpu.memory_space<vmem>>, vector<1x16xf32>,
        %get3A_1424 = vector.shape_cast %get3A_1423 : vector<1x16xf32> to vector<16xf32>
        %add3A_1425 = arith.addf %add3A_1414, %get3A_1424 : vector<16xf32>
        %get3A_1426 = arith.constant 0 : i32
        %get3A_1427 = arith.constant 0 : i32
        %get3A_1428 = tpu.memref_slice %arg6[%scan3A_831, %get3A_1426, %get3A_1427] : memref<3x128x256xf32, #tpu.memory_space<vmem>> -> memref<1x128x256xf32, #tpu.memory_space<vmem>>
        %get3A_1429 = tpu.memref_squeeze %get3A_1428 : memref<1x128x256xf32, #tpu.memory_space<vmem>> -> memref<128x256xf32, #tpu.memory_space<vmem>>
        %get3A_1430 = arith.index_cast %mul3A_1246 : i32 to index
        %get3A_1431 = arith.constant 144 : index
        %get3A_1432 = tpu.vector_load %get3A_1429[%get3A_1430, %get3A_1431] {strides = array<i32>} : memref<128x256xf32, #tpu.memory_space<vmem>>, vector<1x16xf32>,
        %get3A_1433 = vector.shape_cast %get3A_1432 : vector<1x16xf32> to vector<16xf32>
        %add3A_1434 = arith.addf %scan3A_1238, %get3A_1433 : vector<16xf32>
        %add3A_1435 = arith.constant 1 : i32
        %add3A_1436 = arith.addi %mul3A_1246, %add3A_1435 : i32
        %get3A_1437 = arith.constant 0 : i32
        %get3A_1438 = arith.constant 0 : i32
        %get3A_1439 = tpu.memref_slice %arg6[%scan3A_831, %get3A_1437, %get3A_1438] : memref<3x128x256xf32, #tpu.memory_space<vmem>> -> memref<1x128x256xf32, #tpu.memory_space<vmem>>
        %get3A_1440 = tpu.memref_squeeze %get3A_1439 : memref<1x128x256xf32, #tpu.memory_space<vmem>> -> memref<128x256xf32, #tpu.memory_space<vmem>>
        %get3A_1441 = arith.index_cast %add3A_1436 : i32 to index
        %get3A_1442 = arith.constant 144 : index
        %get3A_1443 = tpu.vector_load %get3A_1440[%get3A_1441, %get3A_1442] {strides = array<i32>} : memref<128x256xf32, #tpu.memory_space<vmem>>, vector<1x16xf32>,
        %get3A_1444 = vector.shape_cast %get3A_1443 : vector<1x16xf32> to vector<16xf32>
        %add3A_1445 = arith.addf %add3A_1434, %get3A_1444 : vector<16xf32>
        %get3A_1446 = arith.constant 0 : i32
        %get3A_1447 = arith.constant 0 : i32
        %get3A_1448 = tpu.memref_slice %arg6[%scan3A_831, %get3A_1446, %get3A_1447] : memref<3x128x256xf32, #tpu.memory_space<vmem>> -> memref<1x128x256xf32, #tpu.memory_space<vmem>>
        %get3A_1449 = tpu.memref_squeeze %get3A_1448 : memref<1x128x256xf32, #tpu.memory_space<vmem>> -> memref<128x256xf32, #tpu.memory_space<vmem>>
        %get3A_1450 = arith.index_cast %mul3A_1246 : i32 to index
        %get3A_1451 = arith.constant 160 : index
        %get3A_1452 = tpu.vector_load %get3A_1449[%get3A_1450, %get3A_1451] {strides = array<i32>} : memref<128x256xf32, #tpu.memory_space<vmem>>, vector<1x16xf32>,
        %get3A_1453 = vector.shape_cast %get3A_1452 : vector<1x16xf32> to vector<16xf32>
        %add3A_1454 = arith.addf %scan3A_1239, %get3A_1453 : vector<16xf32>
        %add3A_1455 = arith.constant 1 : i32
        %add3A_1456 = arith.addi %mul3A_1246, %add3A_1455 : i32
        %get3A_1457 = arith.constant 0 : i32
        %get3A_1458 = arith.constant 0 : i32
        %get3A_1459 = tpu.memref_slice %arg6[%scan3A_831, %get3A_1457, %get3A_1458] : memref<3x128x256xf32, #tpu.memory_space<vmem>> -> memref<1x128x256xf32, #tpu.memory_space<vmem>>
        %get3A_1460 = tpu.memref_squeeze %get3A_1459 : memref<1x128x256xf32, #tpu.memory_space<vmem>> -> memref<128x256xf32, #tpu.memory_space<vmem>>
        %get3A_1461 = arith.index_cast %add3A_1456 : i32 to index
        %get3A_1462 = arith.constant 160 : index
        %get3A_1463 = tpu.vector_load %get3A_1460[%get3A_1461, %get3A_1462] {strides = array<i32>} : memref<128x256xf32, #tpu.memory_space<vmem>>, vector<1x16xf32>,
        %get3A_1464 = vector.shape_cast %get3A_1463 : vector<1x16xf32> to vector<16xf32>
        %add3A_1465 = arith.addf %add3A_1454, %get3A_1464 : vector<16xf32>
        %get3A_1466 = arith.constant 0 : i32
        %get3A_1467 = arith.constant 0 : i32
        %get3A_1468 = tpu.memref_slice %arg6[%scan3A_831, %get3A_1466, %get3A_1467] : memref<3x128x256xf32, #tpu.memory_space<vmem>> -> memref<1x128x256xf32, #tpu.memory_space<vmem>>
        %get3A_1469 = tpu.memref_squeeze %get3A_1468 : memref<1x128x256xf32, #tpu.memory_space<vmem>> -> memref<128x256xf32, #tpu.memory_space<vmem>>
        %get3A_1470 = arith.index_cast %mul3A_1246 : i32 to index
        %get3A_1471 = arith.constant 176 : index
        %get3A_1472 = tpu.vector_load %get3A_1469[%get3A_1470, %get3A_1471] {strides = array<i32>} : memref<128x256xf32, #tpu.memory_space<vmem>>, vector<1x16xf32>,
        %get3A_1473 = vector.shape_cast %get3A_1472 : vector<1x16xf32> to vector<16xf32>
        %add3A_1474 = arith.addf %scan3A_1240, %get3A_1473 : vector<16xf32>
        %add3A_1475 = arith.constant 1 : i32
        %add3A_1476 = arith.addi %mul3A_1246, %add3A_1475 : i32
        %get3A_1477 = arith.constant 0 : i32
        %get3A_1478 = arith.constant 0 : i32
        %get3A_1479 = tpu.memref_slice %arg6[%scan3A_831, %get3A_1477, %get3A_1478] : memref<3x128x256xf32, #tpu.memory_space<vmem>> -> memref<1x128x256xf32, #tpu.memory_space<vmem>>
        %get3A_1480 = tpu.memref_squeeze %get3A_1479 : memref<1x128x256xf32, #tpu.memory_space<vmem>> -> memref<128x256xf32, #tpu.memory_space<vmem>>
        %get3A_1481 = arith.index_cast %add3A_1476 : i32 to index
        %get3A_1482 = arith.constant 176 : index
        %get3A_1483 = tpu.vector_load %get3A_1480[%get3A_1481, %get3A_1482] {strides = array<i32>} : memref<128x256xf32, #tpu.memory_space<vmem>>, vector<1x16xf32>,
        %get3A_1484 = vector.shape_cast %get3A_1483 : vector<1x16xf32> to vector<16xf32>
        %add3A_1485 = arith.addf %add3A_1474, %get3A_1484 : vector<16xf32>
        %get3A_1486 = arith.constant 0 : i32
        %get3A_1487 = arith.constant 0 : i32
        %get3A_1488 = tpu.memref_slice %arg6[%scan3A_831, %get3A_1486, %get3A_1487] : memref<3x128x256xf32, #tpu.memory_space<vmem>> -> memref<1x128x256xf32, #tpu.memory_space<vmem>>
        %get3A_1489 = tpu.memref_squeeze %get3A_1488 : memref<1x128x256xf32, #tpu.memory_space<vmem>> -> memref<128x256xf32, #tpu.memory_space<vmem>>
        %get3A_1490 = arith.index_cast %mul3A_1246 : i32 to index
        %get3A_1491 = arith.constant 192 : index
        %get3A_1492 = tpu.vector_load %get3A_1489[%get3A_1490, %get3A_1491] {strides = array<i32>} : memref<128x256xf32, #tpu.memory_space<vmem>>, vector<1x16xf32>,
        %get3A_1493 = vector.shape_cast %get3A_1492 : vector<1x16xf32> to vector<16xf32>
        %add3A_1494 = arith.addf %scan3A_1241, %get3A_1493 : vector<16xf32>
        %add3A_1495 = arith.constant 1 : i32
        %add3A_1496 = arith.addi %mul3A_1246, %add3A_1495 : i32
        %get3A_1497 = arith.constant 0 : i32
        %get3A_1498 = arith.constant 0 : i32
        %get3A_1499 = tpu.memref_slice %arg6[%scan3A_831, %get3A_1497, %get3A_1498] : memref<3x128x256xf32, #tpu.memory_space<vmem>> -> memref<1x128x256xf32, #tpu.memory_space<vmem>>
        %get3A_1500 = tpu.memref_squeeze %get3A_1499 : memref<1x128x256xf32, #tpu.memory_space<vmem>> -> memref<128x256xf32, #tpu.memory_space<vmem>>
        %get3A_1501 = arith.index_cast %add3A_1496 : i32 to index
        %get3A_1502 = arith.constant 192 : index
        %get3A_1503 = tpu.vector_load %get3A_1500[%get3A_1501, %get3A_1502] {strides = array<i32>} : memref<128x256xf32, #tpu.memory_space<vmem>>, vector<1x16xf32>,
        %get3A_1504 = vector.shape_cast %get3A_1503 : vector<1x16xf32> to vector<16xf32>
        %add3A_1505 = arith.addf %add3A_1494, %get3A_1504 : vector<16xf32>
        %get3A_1506 = arith.constant 0 : i32
        %get3A_1507 = arith.constant 0 : i32
        %get3A_1508 = tpu.memref_slice %arg6[%scan3A_831, %get3A_1506, %get3A_1507] : memref<3x128x256xf32, #tpu.memory_space<vmem>> -> memref<1x128x256xf32, #tpu.memory_space<vmem>>
        %get3A_1509 = tpu.memref_squeeze %get3A_1508 : memref<1x128x256xf32, #tpu.memory_space<vmem>> -> memref<128x256xf32, #tpu.memory_space<vmem>>
        %get3A_1510 = arith.index_cast %mul3A_1246 : i32 to index
        %get3A_1511 = arith.constant 208 : index
        %get3A_1512 = tpu.vector_load %get3A_1509[%get3A_1510, %get3A_1511] {strides = array<i32>} : memref<128x256xf32, #tpu.memory_space<vmem>>, vector<1x16xf32>,
        %get3A_1513 = vector.shape_cast %get3A_1512 : vector<1x16xf32> to vector<16xf32>
        %add3A_1514 = arith.addf %scan3A_1242, %get3A_1513 : vector<16xf32>
        %add3A_1515 = arith.constant 1 : i32
        %add3A_1516 = arith.addi %mul3A_1246, %add3A_1515 : i32
        %get3A_1517 = arith.constant 0 : i32
        %get3A_1518 = arith.constant 0 : i32
        %get3A_1519 = tpu.memref_slice %arg6[%scan3A_831, %get3A_1517, %get3A_1518] : memref<3x128x256xf32, #tpu.memory_space<vmem>> -> memref<1x128x256xf32, #tpu.memory_space<vmem>>
        %get3A_1520 = tpu.memref_squeeze %get3A_1519 : memref<1x128x256xf32, #tpu.memory_space<vmem>> -> memref<128x256xf32, #tpu.memory_space<vmem>>
        %get3A_1521 = arith.index_cast %add3A_1516 : i32 to index
        %get3A_1522 = arith.constant 208 : index
        %get3A_1523 = tpu.vector_load %get3A_1520[%get3A_1521, %get3A_1522] {strides = array<i32>} : memref<128x256xf32, #tpu.memory_space<vmem>>, vector<1x16xf32>,
        %get3A_1524 = vector.shape_cast %get3A_1523 : vector<1x16xf32> to vector<16xf32>
        %add3A_1525 = arith.addf %add3A_1514, %get3A_1524 : vector<16xf32>
        %get3A_1526 = arith.constant 0 : i32
        %get3A_1527 = arith.constant 0 : i32
        %get3A_1528 = tpu.memref_slice %arg6[%scan3A_831, %get3A_1526, %get3A_1527] : memref<3x128x256xf32, #tpu.memory_space<vmem>> -> memref<1x128x256xf32, #tpu.memory_space<vmem>>
        %get3A_1529 = tpu.memref_squeeze %get3A_1528 : memref<1x128x256xf32, #tpu.memory_space<vmem>> -> memref<128x256xf32, #tpu.memory_space<vmem>>
        %get3A_1530 = arith.index_cast %mul3A_1246 : i32 to index
        %get3A_1531 = arith.constant 224 : index
        %get3A_1532 = tpu.vector_load %get3A_1529[%get3A_1530, %get3A_1531] {strides = array<i32>} : memref<128x256xf32, #tpu.memory_space<vmem>>, vector<1x16xf32>,
        %get3A_1533 = vector.shape_cast %get3A_1532 : vector<1x16xf32> to vector<16xf32>
        %add3A_1534 = arith.addf %scan3A_1243, %get3A_1533 : vector<16xf32>
        %add3A_1535 = arith.constant 1 : i32
        %add3A_1536 = arith.addi %mul3A_1246, %add3A_1535 : i32
        %get3A_1537 = arith.constant 0 : i32
        %get3A_1538 = arith.constant 0 : i32
        %get3A_1539 = tpu.memref_slice %arg6[%scan3A_831, %get3A_1537, %get3A_1538] : memref<3x128x256xf32, #tpu.memory_space<vmem>> -> memref<1x128x256xf32, #tpu.memory_space<vmem>>
        %get3A_1540 = tpu.memref_squeeze %get3A_1539 : memref<1x128x256xf32, #tpu.memory_space<vmem>> -> memref<128x256xf32, #tpu.memory_space<vmem>>
        %get3A_1541 = arith.index_cast %add3A_1536 : i32 to index
        %get3A_1542 = arith.constant 224 : index
        %get3A_1543 = tpu.vector_load %get3A_1540[%get3A_1541, %get3A_1542] {strides = array<i32>} : memref<128x256xf32, #tpu.memory_space<vmem>>, vector<1x16xf32>,
        %get3A_1544 = vector.shape_cast %get3A_1543 : vector<1x16xf32> to vector<16xf32>
        %add3A_1545 = arith.addf %add3A_1534, %get3A_1544 : vector<16xf32>
        %get3A_1546 = arith.constant 0 : i32
        %get3A_1547 = arith.constant 0 : i32
        %get3A_1548 = tpu.memref_slice %arg6[%scan3A_831, %get3A_1546, %get3A_1547] : memref<3x128x256xf32, #tpu.memory_space<vmem>> -> memref<1x128x256xf32, #tpu.memory_space<vmem>>
        %get3A_1549 = tpu.memref_squeeze %get3A_1548 : memref<1x128x256xf32, #tpu.memory_space<vmem>> -> memref<128x256xf32, #tpu.memory_space<vmem>>
        %get3A_1550 = arith.index_cast %mul3A_1246 : i32 to index
        %get3A_1551 = arith.constant 240 : index
        %get3A_1552 = tpu.vector_load %get3A_1549[%get3A_1550, %get3A_1551] {strides = array<i32>} : memref<128x256xf32, #tpu.memory_space<vmem>>, vector<1x16xf32>,
        %get3A_1553 = vector.shape_cast %get3A_1552 : vector<1x16xf32> to vector<16xf32>
        %add3A_1554 = arith.addf %scan3A_1244, %get3A_1553 : vector<16xf32>
        %add3A_1555 = arith.constant 1 : i32
        %add3A_1556 = arith.addi %mul3A_1246, %add3A_1555 : i32
        %get3A_1557 = arith.constant 0 : i32
        %get3A_1558 = arith.constant 0 : i32
        %get3A_1559 = tpu.memref_slice %arg6[%scan3A_831, %get3A_1557, %get3A_1558] : memref<3x128x256xf32, #tpu.memory_space<vmem>> -> memref<1x128x256xf32, #tpu.memory_space<vmem>>
        %get3A_1560 = tpu.memref_squeeze %get3A_1559 : memref<1x128x256xf32, #tpu.memory_space<vmem>> -> memref<128x256xf32, #tpu.memory_space<vmem>>
        %get3A_1561 = arith.index_cast %add3A_1556 : i32 to index
        %get3A_1562 = arith.constant 240 : index
        %get3A_1563 = tpu.vector_load %get3A_1560[%get3A_1561, %get3A_1562] {strides = array<i32>} : memref<128x256xf32, #tpu.memory_space<vmem>>, vector<1x16xf32>,
        %get3A_1564 = vector.shape_cast %get3A_1563 : vector<1x16xf32> to vector<16xf32>
        %add3A_1565 = arith.addf %add3A_1554, %get3A_1564 : vector<16xf32>
        scf.yield %add3A_1265, %add3A_1285, %add3A_1305, %add3A_1325, %add3A_1345, %add3A_1365, %add3A_1385, %add3A_1405, %add3A_1425, %add3A_1445, %add3A_1465, %add3A_1485, %add3A_1505, %add3A_1525, %add3A_1545, %add3A_1565 : vector<16xf32>, vector<16xf32>, vector<16xf32>, vector<16xf32>, vector<16xf32>, vector<16xf32>, vector<16xf32>, vector<16xf32>, vector<16xf32>, vector<16xf32>, vector<16xf32>, vector<16xf32>, vector<16xf32>, vector<16xf32>, vector<16xf32>, vector<16xf32>
      }
      %scan3A_837 = arith.constant 64 : i32
      %swap3A_838 = arith.index_cast %add3A_787 : i32 to index
      %swap3A_839 = arith.constant 0 : index
      %swap3A_840 = tpu.vector_load %arg7[%swap3A_838, %swap3A_839] {strides = array<i32>} : memref<32x256xf32, #tpu.memory_space<vmem>>, vector<1x16xf32>,
      %swap3A_841 = vector.shape_cast %swap3A_840 : vector<1x16xf32> to vector<16xf32>
      %swap3A_842 = vector.shape_cast %scan3A_836#0 : vector<16xf32> to vector<1x16xf32>
      tpu.vector_store %arg7[%swap3A_838, %swap3A_839], %swap3A_842 {strides = array<i32>} : memref<32x256xf32, #tpu.memory_space<vmem>>, vector<1x16xf32>,
      %swap3A_843 = arith.index_cast %add3A_787 : i32 to index
      %swap3A_844 = arith.constant 16 : index
      %swap3A_845 = tpu.vector_load %arg7[%swap3A_843, %swap3A_844] {strides = array<i32>} : memref<32x256xf32, #tpu.memory_space<vmem>>, vector<1x16xf32>,
      %swap3A_846 = vector.shape_cast %swap3A_845 : vector<1x16xf32> to vector<16xf32>
      %swap3A_847 = vector.shape_cast %scan3A_836#1 : vector<16xf32> to vector<1x16xf32>
      tpu.vector_store %arg7[%swap3A_843, %swap3A_844], %swap3A_847 {strides = array<i32>} : memref<32x256xf32, #tpu.memory_space<vmem>>, vector<1x16xf32>,
      %swap3A_848 = arith.index_cast %add3A_787 : i32 to index
      %swap3A_849 = arith.constant 32 : index
      %swap3A_850 = tpu.vector_load %arg7[%swap3A_848, %swap3A_849] {strides = array<i32>} : memref<32x256xf32, #tpu.memory_space<vmem>>, vector<1x16xf32>,
      %swap3A_851 = vector.shape_cast %swap3A_850 : vector<1x16xf32> to vector<16xf32>
      %swap3A_852 = vector.shape_cast %scan3A_836#2 : vector<16xf32> to vector<1x16xf32>
      tpu.vector_store %arg7[%swap3A_848, %swap3A_849], %swap3A_852 {strides = array<i32>} : memref<32x256xf32, #tpu.memory_space<vmem>>, vector<1x16xf32>,
      %swap3A_853 = arith.index_cast %add3A_787 : i32 to index
      %swap3A_854 = arith.constant 48 : index
      %swap3A_855 = tpu.vector_load %arg7[%swap3A_853, %swap3A_854] {strides = array<i32>} : memref<32x256xf32, #tpu.memory_space<vmem>>, vector<1x16xf32>,
      %swap3A_856 = vector.shape_cast %swap3A_855 : vector<1x16xf32> to vector<16xf32>
      %swap3A_857 = vector.shape_cast %scan3A_836#3 : vector<16xf32> to vector<1x16xf32>
      tpu.vector_store %arg7[%swap3A_853, %swap3A_854], %swap3A_857 {strides = array<i32>} : memref<32x256xf32, #tpu.memory_space<vmem>>, vector<1x16xf32>,
      %swap3A_858 = arith.index_cast %add3A_787 : i32 to index
      %swap3A_859 = arith.constant 64 : index
      %swap3A_860 = tpu.vector_load %arg7[%swap3A_858, %swap3A_859] {strides = array<i32>} : memref<32x256xf32, #tpu.memory_space<vmem>>, vector<1x16xf32>,
      %swap3A_861 = vector.shape_cast %swap3A_860 : vector<1x16xf32> to vector<16xf32>
      %swap3A_862 = vector.shape_cast %scan3A_836#4 : vector<16xf32> to vector<1x16xf32>
      tpu.vector_store %arg7[%swap3A_858, %swap3A_859], %swap3A_862 {strides = array<i32>} : memref<32x256xf32, #tpu.memory_space<vmem>>, vector<1x16xf32>,
      %swap3A_863 = arith.index_cast %add3A_787 : i32 to index
      %swap3A_864 = arith.constant 80 : index
      %swap3A_865 = tpu.vector_load %arg7[%swap3A_863, %swap3A_864] {strides = array<i32>} : memref<32x256xf32, #tpu.memory_space<vmem>>, vector<1x16xf32>,
      %swap3A_866 = vector.shape_cast %swap3A_865 : vector<1x16xf32> to vector<16xf32>
      %swap3A_867 = vector.shape_cast %scan3A_836#5 : vector<16xf32> to vector<1x16xf32>
      tpu.vector_store %arg7[%swap3A_863, %swap3A_864], %swap3A_867 {strides = array<i32>} : memref<32x256xf32, #tpu.memory_space<vmem>>, vector<1x16xf32>,
      %swap3A_868 = arith.index_cast %add3A_787 : i32 to index
      %swap3A_869 = arith.constant 96 : index
      %swap3A_870 = tpu.vector_load %arg7[%swap3A_868, %swap3A_869] {strides = array<i32>} : memref<32x256xf32, #tpu.memory_space<vmem>>, vector<1x16xf32>,
      %swap3A_871 = vector.shape_cast %swap3A_870 : vector<1x16xf32> to vector<16xf32>
      %swap3A_872 = vector.shape_cast %scan3A_836#6 : vector<16xf32> to vector<1x16xf32>
      tpu.vector_store %arg7[%swap3A_868, %swap3A_869], %swap3A_872 {strides = array<i32>} : memref<32x256xf32, #tpu.memory_space<vmem>>, vector<1x16xf32>,
      %swap3A_873 = arith.index_cast %add3A_787 : i32 to index
      %swap3A_874 = arith.constant 112 : index
      %swap3A_875 = tpu.vector_load %arg7[%swap3A_873, %swap3A_874] {strides = array<i32>} : memref<32x256xf32, #tpu.memory_space<vmem>>, vector<1x16xf32>,
      %swap3A_876 = vector.shape_cast %swap3A_875 : vector<1x16xf32> to vector<16xf32>
      %swap3A_877 = vector.shape_cast %scan3A_836#7 : vector<16xf32> to vector<1x16xf32>
      tpu.vector_store %arg7[%swap3A_873, %swap3A_874], %swap3A_877 {strides = array<i32>} : memref<32x256xf32, #tpu.memory_space<vmem>>, vector<1x16xf32>,
      %swap3A_878 = arith.index_cast %add3A_787 : i32 to index
      %swap3A_879 = arith.constant 128 : index
      %swap3A_880 = tpu.vector_load %arg7[%swap3A_878, %swap3A_879] {strides = array<i32>} : memref<32x256xf32, #tpu.memory_space<vmem>>, vector<1x16xf32>,
      %swap3A_881 = vector.shape_cast %swap3A_880 : vector<1x16xf32> to vector<16xf32>
      %swap3A_882 = vector.shape_cast %scan3A_836#8 : vector<16xf32> to vector<1x16xf32>
      tpu.vector_store %arg7[%swap3A_878, %swap3A_879], %swap3A_882 {strides = array<i32>} : memref<32x256xf32, #tpu.memory_space<vmem>>, vector<1x16xf32>,
      %swap3A_883 = arith.index_cast %add3A_787 : i32 to index
      %swap3A_884 = arith.constant 144 : index
      %swap3A_885 = tpu.vector_load %arg7[%swap3A_883, %swap3A_884] {strides = array<i32>} : memref<32x256xf32, #tpu.memory_space<vmem>>, vector<1x16xf32>,
      %swap3A_886 = vector.shape_cast %swap3A_885 : vector<1x16xf32> to vector<16xf32>
      %swap3A_887 = vector.shape_cast %scan3A_836#9 : vector<16xf32> to vector<1x16xf32>
      tpu.vector_store %arg7[%swap3A_883, %swap3A_884], %swap3A_887 {strides = array<i32>} : memref<32x256xf32, #tpu.memory_space<vmem>>, vector<1x16xf32>,
      %swap3A_888 = arith.index_cast %add3A_787 : i32 to index
      %swap3A_889 = arith.constant 160 : index
      %swap3A_890 = tpu.vector_load %arg7[%swap3A_888, %swap3A_889] {strides = array<i32>} : memref<32x256xf32, #tpu.memory_space<vmem>>, vector<1x16xf32>,
      %swap3A_891 = vector.shape_cast %swap3A_890 : vector<1x16xf32> to vector<16xf32>
      %swap3A_892 = vector.shape_cast %scan3A_836#10 : vector<16xf32> to vector<1x16xf32>
      tpu.vector_store %arg7[%swap3A_888, %swap3A_889], %swap3A_892 {strides = array<i32>} : memref<32x256xf32, #tpu.memory_space<vmem>>, vector<1x16xf32>,
      %swap3A_893 = arith.index_cast %add3A_787 : i32 to index
      %swap3A_894 = arith.constant 176 : index
      %swap3A_895 = tpu.vector_load %arg7[%swap3A_893, %swap3A_894] {strides = array<i32>} : memref<32x256xf32, #tpu.memory_space<vmem>>, vector<1x16xf32>,
      %swap3A_896 = vector.shape_cast %swap3A_895 : vector<1x16xf32> to vector<16xf32>
      %swap3A_897 = vector.shape_cast %scan3A_836#11 : vector<16xf32> to vector<1x16xf32>
      tpu.vector_store %arg7[%swap3A_893, %swap3A_894], %swap3A_897 {strides = array<i32>} : memref<32x256xf32, #tpu.memory_space<vmem>>, vector<1x16xf32>,
      %swap3A_898 = arith.index_cast %add3A_787 : i32 to index
      %swap3A_899 = arith.constant 192 : index
      %swap3A_900 = tpu.vector_load %arg7[%swap3A_898, %swap3A_899] {strides = array<i32>} : memref<32x256xf32, #tpu.memory_space<vmem>>, vector<1x16xf32>,
      %swap3A_901 = vector.shape_cast %swap3A_900 : vector<1x16xf32> to vector<16xf32>
      %swap3A_902 = vector.shape_cast %scan3A_836#12 : vector<16xf32> to vector<1x16xf32>
      tpu.vector_store %arg7[%swap3A_898, %swap3A_899], %swap3A_902 {strides = array<i32>} : memref<32x256xf32, #tpu.memory_space<vmem>>, vector<1x16xf32>,
      %swap3A_903 = arith.index_cast %add3A_787 : i32 to index
      %swap3A_904 = arith.constant 208 : index
      %swap3A_905 = tpu.vector_load %arg7[%swap3A_903, %swap3A_904] {strides = array<i32>} : memref<32x256xf32, #tpu.memory_space<vmem>>, vector<1x16xf32>,
      %swap3A_906 = vector.shape_cast %swap3A_905 : vector<1x16xf32> to vector<16xf32>
      %swap3A_907 = vector.shape_cast %scan3A_836#13 : vector<16xf32> to vector<1x16xf32>
      tpu.vector_store %arg7[%swap3A_903, %swap3A_904], %swap3A_907 {strides = array<i32>} : memref<32x256xf32, #tpu.memory_space<vmem>>, vector<1x16xf32>,
      %swap3A_908 = arith.index_cast %add3A_787 : i32 to index
      %swap3A_909 = arith.constant 224 : index
      %swap3A_910 = tpu.vector_load %arg7[%swap3A_908, %swap3A_909] {strides = array<i32>} : memref<32x256xf32, #tpu.memory_space<vmem>>, vector<1x16xf32>,
      %swap3A_911 = vector.shape_cast %swap3A_910 : vector<1x16xf32> to vector<16xf32>
      %swap3A_912 = vector.shape_cast %scan3A_836#14 : vector<16xf32> to vector<1x16xf32>
      tpu.vector_store %arg7[%swap3A_908, %swap3A_909], %swap3A_912 {strides = array<i32>} : memref<32x256xf32, #tpu.memory_space<vmem>>, vector<1x16xf32>,
      %swap3A_913 = arith.index_cast %add3A_787 : i32 to index
      %swap3A_914 = arith.constant 240 : index
      %swap3A_915 = tpu.vector_load %arg7[%swap3A_913, %swap3A_914] {strides = array<i32>} : memref<32x256xf32, #tpu.memory_space<vmem>>, vector<1x16xf32>,
      %swap3A_916 = vector.shape_cast %swap3A_915 : vector<1x16xf32> to vector<16xf32>
      %swap3A_917 = vector.shape_cast %scan3A_836#15 : vector<16xf32> to vector<1x16xf32>
      tpu.vector_store %arg7[%swap3A_913, %swap3A_914], %swap3A_917 {strides = array<i32>} : memref<32x256xf32, #tpu.memory_space<vmem>>, vector<1x16xf32>,
      %add3A_918 = arith.constant 0 : i32
      %add3A_919 = arith.addi %mul3A_785, %add3A_918 : i32
      %add3A_920 = arith.constant 3 : i32
      %add3A_921 = arith.addi %add3A_919, %add3A_920 : i32
      %mul3A_922 = arith.constant 128 : i32
      %mul3A_923 = arith.muli %add3A_921, %mul3A_922 : i32
      %dma_start3A_924 = arith.constant 0 : i32
      %dma_start3A_925 = arith.constant 0 : i32
      %dma_start3A_926 = arith.constant 0 : i32
      %dma_start3A_927 = tpu.memref_slice %arg6[%dma_start3A_924, %dma_start3A_925, %dma_start3A_926] : memref<3x128x256xf32, #tpu.memory_space<vmem>> -> memref<1x128x256xf32, #tpu.memory_space<vmem>>
      %dma_start3A_928 = tpu.memref_squeeze %dma_start3A_927 : memref<1x128x256xf32, #tpu.memory_space<vmem>> -> memref<128x256xf32, #tpu.memory_space<vmem>>
      %dma_start3A_929 = tpu.memref_slice %arg5[%mul3A_923] : memref<4096xi32, #tpu.memory_space<vmem>> -> memref<128xi32, #tpu.memory_space<vmem>>
      %dma_start3A_930 = arith.constant 0 : i32
      %dma_start3A_931 = arith.constant 0 : i32
      %dma_start3A_932 = tpu.memref_slice %arg2[%dma_start3A_930, %dma_start3A_931] : memref<50000x256xf32, #tpu.memory_space<hbm>> -> memref<50000x256xf32, #tpu.memory_space<hbm>>
      tpu.enqueue_indirect_dma source(%dma_start3A_932 : memref<50000x256xf32, #tpu.memory_space<hbm>>) target(%dma_start3A_928 : memref<128x256xf32, #tpu.memory_space<vmem>>) offsets(%dma_start3A_929 : memref<128xi32, #tpu.memory_space<vmem>>) semaphore(%arg8 : memref<!tpu.dma_semaphore, #tpu.memory_space<semaphore_mem>>)
      %add3A_933 = arith.constant 1 : i32
      %add3A_934 = arith.addi %mul3A_785, %add3A_933 : i32
      %mul3A_935 = arith.constant 128 : i32
      %mul3A_936 = arith.muli %add3A_934, %mul3A_935 : i32
      %dma_wait3A_937 = arith.constant 1 : i32
      %dma_wait3A_938 = arith.constant 0 : i32
      %dma_wait3A_939 = arith.constant 0 : i32
      %dma_wait3A_940 = tpu.memref_slice %arg6[%dma_wait3A_937, %dma_wait3A_938, %dma_wait3A_939] : memref<3x128x256xf32, #tpu.memory_space<vmem>> -> memref<1x128x256xf32, #tpu.memory_space<vmem>>
      %dma_wait3A_941 = tpu.memref_squeeze %dma_wait3A_940 : memref<1x128x256xf32, #tpu.memory_space<vmem>> -> memref<128x256xf32, #tpu.memory_space<vmem>>
      %dma_wait3A_942 = tpu.memref_slice %arg5[%mul3A_936] : memref<4096xi32, #tpu.memory_space<vmem>> -> memref<128xi32, #tpu.memory_space<vmem>>
      %dma_wait3A_943 = arith.constant 0 : i32
      %dma_wait3A_944 = arith.constant 0 : i32
      %dma_wait3A_945 = tpu.memref_slice %arg2[%dma_wait3A_943, %dma_wait3A_944] : memref<50000x256xf32, #tpu.memory_space<hbm>> -> memref<50000x256xf32, #tpu.memory_space<hbm>>
      tpu.wait_indirect_dma semaphore(%arg9 : memref<!tpu.dma_semaphore, #tpu.memory_space<semaphore_mem>>) src(%dma_wait3A_945 : memref<50000x256xf32, #tpu.memory_space<hbm>>) dst(%dma_wait3A_941 : memref<128x256xf32, #tpu.memory_space<vmem>>)
      %broadcast_in_dim3A_946 = arith.constant 0.000000e+00 : f32
      %broadcast_in_dim3A_947 = vector.broadcast %broadcast_in_dim3A_946 : f32 to vector<16xf32>
      %broadcast_in_dim3A_948 = arith.constant 0.000000e+00 : f32
      %broadcast_in_dim3A_949 = vector.broadcast %broadcast_in_dim3A_948 : f32 to vector<16xf32>
      %broadcast_in_dim3A_950 = arith.constant 0.000000e+00 : f32
      %broadcast_in_dim3A_951 = vector.broadcast %broadcast_in_dim3A_950 : f32 to vector<16xf32>
      %broadcast_in_dim3A_952 = arith.constant 0.000000e+00 : f32
      %broadcast_in_dim3A_953 = vector.broadcast %broadcast_in_dim3A_952 : f32 to vector<16xf32>
      %broadcast_in_dim3A_954 = arith.constant 0.000000e+00 : f32
      %broadcast_in_dim3A_955 = vector.broadcast %broadcast_in_dim3A_954 : f32 to vector<16xf32>
      %broadcast_in_dim3A_956 = arith.constant 0.000000e+00 : f32
      %broadcast_in_dim3A_957 = vector.broadcast %broadcast_in_dim3A_956 : f32 to vector<16xf32>
      %broadcast_in_dim3A_958 = arith.constant 0.000000e+00 : f32
      %broadcast_in_dim3A_959 = vector.broadcast %broadcast_in_dim3A_958 : f32 to vector<16xf32>
      %broadcast_in_dim3A_960 = arith.constant 0.000000e+00 : f32
      %broadcast_in_dim3A_961 = vector.broadcast %broadcast_in_dim3A_960 : f32 to vector<16xf32>
      %broadcast_in_dim3A_962 = arith.constant 0.000000e+00 : f32
      %broadcast_in_dim3A_963 = vector.broadcast %broadcast_in_dim3A_962 : f32 to vector<16xf32>
      %broadcast_in_dim3A_964 = arith.constant 0.000000e+00 : f32
      %broadcast_in_dim3A_965 = vector.broadcast %broadcast_in_dim3A_964 : f32 to vector<16xf32>
      %broadcast_in_dim3A_966 = arith.constant 0.000000e+00 : f32
      %broadcast_in_dim3A_967 = vector.broadcast %broadcast_in_dim3A_966 : f32 to vector<16xf32>
      %broadcast_in_dim3A_968 = arith.constant 0.000000e+00 : f32
      %broadcast_in_dim3A_969 = vector.broadcast %broadcast_in_dim3A_968 : f32 to vector<16xf32>
      %broadcast_in_dim3A_970 = arith.constant 0.000000e+00 : f32
      %broadcast_in_dim3A_971 = vector.broadcast %broadcast_in_dim3A_970 : f32 to vector<16xf32>
      %broadcast_in_dim3A_972 = arith.constant 0.000000e+00 : f32
      %broadcast_in_dim3A_973 = vector.broadcast %broadcast_in_dim3A_972 : f32 to vector<16xf32>
      %broadcast_in_dim3A_974 = arith.constant 0.000000e+00 : f32
      %broadcast_in_dim3A_975 = vector.broadcast %broadcast_in_dim3A_974 : f32 to vector<16xf32>
      %broadcast_in_dim3A_976 = arith.constant 0.000000e+00 : f32
      %broadcast_in_dim3A_977 = vector.broadcast %broadcast_in_dim3A_976 : f32 to vector<16xf32>
      %scan3A_978 = arith.constant 1 : i32
      %scan3A_979 = arith.constant 0 : i32
      %scan3A_980 = arith.constant 64 : i32
      %scan3A_981 = arith.addi %scan3A_979, %scan3A_980 : i32
      %scan3A_982 = arith.constant 1 : i32
      %scan3A_983:16 = scf.for %scan3A_1228 = %scan3A_979 to %scan3A_981 step %scan3A_982 iter_args(%scan3A_1229 = %broadcast_in_dim3A_947, %scan3A_1230 = %broadcast_in_dim3A_949, %scan3A_1231 = %broadcast_in_dim3A_951, %scan3A_1232 = %broadcast_in_dim3A_953, %scan3A_1233 = %broadcast_in_dim3A_955, %scan3A_1234 = %broadcast_in_dim3A_957, %scan3A_1235 = %broadcast_in_dim3A_959, %scan3A_1236 = %broadcast_in_dim3A_961, %scan3A_1237 = %broadcast_in_dim3A_963, %scan3A_1238 = %broadcast_in_dim3A_965, %scan3A_1239 = %broadcast_in_dim3A_967, %scan3A_1240 = %broadcast_in_dim3A_969, %scan3A_1241 = %broadcast_in_dim3A_971, %scan3A_1242 = %broadcast_in_dim3A_973, %scan3A_1243 = %broadcast_in_dim3A_975, %scan3A_1244 = %broadcast_in_dim3A_977) -> (vector<16xf32>, vector<16xf32>, vector<16xf32>, vector<16xf32>, vector<16xf32>, vector<16xf32>, vector<16xf32>, vector<16xf32>, vector<16xf32>, vector<16xf32>, vector<16xf32>, vector<16xf32>, vector<16xf32>, vector<16xf32>, vector<16xf32>, vector<16xf32>)  : i32 {
        %mul3A_1245 = arith.constant 2 : i32
        %mul3A_1246 = arith.muli %mul3A_1245, %scan3A_1228 : i32
        %get3A = arith.constant 0 : i32
        %get3A_1247 = arith.constant 0 : i32
        %get3A_1248 = tpu.memref_slice %arg6[%scan3A_978, %get3A, %get3A_1247] : memref<3x128x256xf32, #tpu.memory_space<vmem>> -> memref<1x128x256xf32, #tpu.memory_space<vmem>>
        %get3A_1249 = tpu.memref_squeeze %get3A_1248 : memref<1x128x256xf32, #tpu.memory_space<vmem>> -> memref<128x256xf32, #tpu.memory_space<vmem>>
        %get3A_1250 = arith.index_cast %mul3A_1246 : i32 to index
        %get3A_1251 = arith.constant 0 : index
        %get3A_1252 = tpu.vector_load %get3A_1249[%get3A_1250, %get3A_1251] {strides = array<i32>} : memref<128x256xf32, #tpu.memory_space<vmem>>, vector<1x16xf32>,
        %get3A_1253 = vector.shape_cast %get3A_1252 : vector<1x16xf32> to vector<16xf32>
        %add3A_1254 = arith.addf %scan3A_1229, %get3A_1253 : vector<16xf32>
        %add3A_1255 = arith.constant 1 : i32
        %add3A_1256 = arith.addi %mul3A_1246, %add3A_1255 : i32
        %get3A_1257 = arith.constant 0 : i32
        %get3A_1258 = arith.constant 0 : i32
        %get3A_1259 = tpu.memref_slice %arg6[%scan3A_978, %get3A_1257, %get3A_1258] : memref<3x128x256xf32, #tpu.memory_space<vmem>> -> memref<1x128x256xf32, #tpu.memory_space<vmem>>
        %get3A_1260 = tpu.memref_squeeze %get3A_1259 : memref<1x128x256xf32, #tpu.memory_space<vmem>> -> memref<128x256xf32, #tpu.memory_space<vmem>>
        %get3A_1261 = arith.index_cast %add3A_1256 : i32 to index
        %get3A_1262 = arith.constant 0 : index
        %get3A_1263 = tpu.vector_load %get3A_1260[%get3A_1261, %get3A_1262] {strides = array<i32>} : memref<128x256xf32, #tpu.memory_space<vmem>>, vector<1x16xf32>,
        %get3A_1264 = vector.shape_cast %get3A_1263 : vector<1x16xf32> to vector<16xf32>
        %add3A_1265 = arith.addf %add3A_1254, %get3A_1264 : vector<16xf32>
        %get3A_1266 = arith.constant 0 : i32
        %get3A_1267 = arith.constant 0 : i32
        %get3A_1268 = tpu.memref_slice %arg6[%scan3A_978, %get3A_1266, %get3A_1267] : memref<3x128x256xf32, #tpu.memory_space<vmem>> -> memref<1x128x256xf32, #tpu.memory_space<vmem>>
        %get3A_1269 = tpu.memref_squeeze %get3A_1268 : memref<1x128x256xf32, #tpu.memory_space<vmem>> -> memref<128x256xf32, #tpu.memory_space<vmem>>
        %get3A_1270 = arith.index_cast %mul3A_1246 : i32 to index
        %get3A_1271 = arith.constant 16 : index
        %get3A_1272 = tpu.vector_load %get3A_1269[%get3A_1270, %get3A_1271] {strides = array<i32>} : memref<128x256xf32, #tpu.memory_space<vmem>>, vector<1x16xf32>,
        %get3A_1273 = vector.shape_cast %get3A_1272 : vector<1x16xf32> to vector<16xf32>
        %add3A_1274 = arith.addf %scan3A_1230, %get3A_1273 : vector<16xf32>
        %add3A_1275 = arith.constant 1 : i32
        %add3A_1276 = arith.addi %mul3A_1246, %add3A_1275 : i32
        %get3A_1277 = arith.constant 0 : i32
        %get3A_1278 = arith.constant 0 : i32
        %get3A_1279 = tpu.memref_slice %arg6[%scan3A_978, %get3A_1277, %get3A_1278] : memref<3x128x256xf32, #tpu.memory_space<vmem>> -> memref<1x128x256xf32, #tpu.memory_space<vmem>>
        %get3A_1280 = tpu.memref_squeeze %get3A_1279 : memref<1x128x256xf32, #tpu.memory_space<vmem>> -> memref<128x256xf32, #tpu.memory_space<vmem>>
        %get3A_1281 = arith.index_cast %add3A_1276 : i32 to index
        %get3A_1282 = arith.constant 16 : index
        %get3A_1283 = tpu.vector_load %get3A_1280[%get3A_1281, %get3A_1282] {strides = array<i32>} : memref<128x256xf32, #tpu.memory_space<vmem>>, vector<1x16xf32>,
        %get3A_1284 = vector.shape_cast %get3A_1283 : vector<1x16xf32> to vector<16xf32>
        %add3A_1285 = arith.addf %add3A_1274, %get3A_1284 : vector<16xf32>
        %get3A_1286 = arith.constant 0 : i32
        %get3A_1287 = arith.constant 0 : i32
        %get3A_1288 = tpu.memref_slice %arg6[%scan3A_978, %get3A_1286, %get3A_1287] : memref<3x128x256xf32, #tpu.memory_space<vmem>> -> memref<1x128x256xf32, #tpu.memory_space<vmem>>
        %get3A_1289 = tpu.memref_squeeze %get3A_1288 : memref<1x128x256xf32, #tpu.memory_space<vmem>> -> memref<128x256xf32, #tpu.memory_space<vmem>>
        %get3A_1290 = arith.index_cast %mul3A_1246 : i32 to index
        %get3A_1291 = arith.constant 32 : index
        %get3A_1292 = tpu.vector_load %get3A_1289[%get3A_1290, %get3A_1291] {strides = array<i32>} : memref<128x256xf32, #tpu.memory_space<vmem>>, vector<1x16xf32>,
        %get3A_1293 = vector.shape_cast %get3A_1292 : vector<1x16xf32> to vector<16xf32>
        %add3A_1294 = arith.addf %scan3A_1231, %get3A_1293 : vector<16xf32>
        %add3A_1295 = arith.constant 1 : i32
        %add3A_1296 = arith.addi %mul3A_1246, %add3A_1295 : i32
        %get3A_1297 = arith.constant 0 : i32
        %get3A_1298 = arith.constant 0 : i32
        %get3A_1299 = tpu.memref_slice %arg6[%scan3A_978, %get3A_1297, %get3A_1298] : memref<3x128x256xf32, #tpu.memory_space<vmem>> -> memref<1x128x256xf32, #tpu.memory_space<vmem>>
        %get3A_1300 = tpu.memref_squeeze %get3A_1299 : memref<1x128x256xf32, #tpu.memory_space<vmem>> -> memref<128x256xf32, #tpu.memory_space<vmem>>
        %get3A_1301 = arith.index_cast %add3A_1296 : i32 to index
        %get3A_1302 = arith.constant 32 : index
        %get3A_1303 = tpu.vector_load %get3A_1300[%get3A_1301, %get3A_1302] {strides = array<i32>} : memref<128x256xf32, #tpu.memory_space<vmem>>, vector<1x16xf32>,
        %get3A_1304 = vector.shape_cast %get3A_1303 : vector<1x16xf32> to vector<16xf32>
        %add3A_1305 = arith.addf %add3A_1294, %get3A_1304 : vector<16xf32>
        %get3A_1306 = arith.constant 0 : i32
        %get3A_1307 = arith.constant 0 : i32
        %get3A_1308 = tpu.memref_slice %arg6[%scan3A_978, %get3A_1306, %get3A_1307] : memref<3x128x256xf32, #tpu.memory_space<vmem>> -> memref<1x128x256xf32, #tpu.memory_space<vmem>>
        %get3A_1309 = tpu.memref_squeeze %get3A_1308 : memref<1x128x256xf32, #tpu.memory_space<vmem>> -> memref<128x256xf32, #tpu.memory_space<vmem>>
        %get3A_1310 = arith.index_cast %mul3A_1246 : i32 to index
        %get3A_1311 = arith.constant 48 : index
        %get3A_1312 = tpu.vector_load %get3A_1309[%get3A_1310, %get3A_1311] {strides = array<i32>} : memref<128x256xf32, #tpu.memory_space<vmem>>, vector<1x16xf32>,
        %get3A_1313 = vector.shape_cast %get3A_1312 : vector<1x16xf32> to vector<16xf32>
        %add3A_1314 = arith.addf %scan3A_1232, %get3A_1313 : vector<16xf32>
        %add3A_1315 = arith.constant 1 : i32
        %add3A_1316 = arith.addi %mul3A_1246, %add3A_1315 : i32
        %get3A_1317 = arith.constant 0 : i32
        %get3A_1318 = arith.constant 0 : i32
        %get3A_1319 = tpu.memref_slice %arg6[%scan3A_978, %get3A_1317, %get3A_1318] : memref<3x128x256xf32, #tpu.memory_space<vmem>> -> memref<1x128x256xf32, #tpu.memory_space<vmem>>
        %get3A_1320 = tpu.memref_squeeze %get3A_1319 : memref<1x128x256xf32, #tpu.memory_space<vmem>> -> memref<128x256xf32, #tpu.memory_space<vmem>>
        %get3A_1321 = arith.index_cast %add3A_1316 : i32 to index
        %get3A_1322 = arith.constant 48 : index
        %get3A_1323 = tpu.vector_load %get3A_1320[%get3A_1321, %get3A_1322] {strides = array<i32>} : memref<128x256xf32, #tpu.memory_space<vmem>>, vector<1x16xf32>,
        %get3A_1324 = vector.shape_cast %get3A_1323 : vector<1x16xf32> to vector<16xf32>
        %add3A_1325 = arith.addf %add3A_1314, %get3A_1324 : vector<16xf32>
        %get3A_1326 = arith.constant 0 : i32
        %get3A_1327 = arith.constant 0 : i32
        %get3A_1328 = tpu.memref_slice %arg6[%scan3A_978, %get3A_1326, %get3A_1327] : memref<3x128x256xf32, #tpu.memory_space<vmem>> -> memref<1x128x256xf32, #tpu.memory_space<vmem>>
        %get3A_1329 = tpu.memref_squeeze %get3A_1328 : memref<1x128x256xf32, #tpu.memory_space<vmem>> -> memref<128x256xf32, #tpu.memory_space<vmem>>
        %get3A_1330 = arith.index_cast %mul3A_1246 : i32 to index
        %get3A_1331 = arith.constant 64 : index
        %get3A_1332 = tpu.vector_load %get3A_1329[%get3A_1330, %get3A_1331] {strides = array<i32>} : memref<128x256xf32, #tpu.memory_space<vmem>>, vector<1x16xf32>,
        %get3A_1333 = vector.shape_cast %get3A_1332 : vector<1x16xf32> to vector<16xf32>
        %add3A_1334 = arith.addf %scan3A_1233, %get3A_1333 : vector<16xf32>
        %add3A_1335 = arith.constant 1 : i32
        %add3A_1336 = arith.addi %mul3A_1246, %add3A_1335 : i32
        %get3A_1337 = arith.constant 0 : i32
        %get3A_1338 = arith.constant 0 : i32
        %get3A_1339 = tpu.memref_slice %arg6[%scan3A_978, %get3A_1337, %get3A_1338] : memref<3x128x256xf32, #tpu.memory_space<vmem>> -> memref<1x128x256xf32, #tpu.memory_space<vmem>>
        %get3A_1340 = tpu.memref_squeeze %get3A_1339 : memref<1x128x256xf32, #tpu.memory_space<vmem>> -> memref<128x256xf32, #tpu.memory_space<vmem>>
        %get3A_1341 = arith.index_cast %add3A_1336 : i32 to index
        %get3A_1342 = arith.constant 64 : index
        %get3A_1343 = tpu.vector_load %get3A_1340[%get3A_1341, %get3A_1342] {strides = array<i32>} : memref<128x256xf32, #tpu.memory_space<vmem>>, vector<1x16xf32>,
        %get3A_1344 = vector.shape_cast %get3A_1343 : vector<1x16xf32> to vector<16xf32>
        %add3A_1345 = arith.addf %add3A_1334, %get3A_1344 : vector<16xf32>
        %get3A_1346 = arith.constant 0 : i32
        %get3A_1347 = arith.constant 0 : i32
        %get3A_1348 = tpu.memref_slice %arg6[%scan3A_978, %get3A_1346, %get3A_1347] : memref<3x128x256xf32, #tpu.memory_space<vmem>> -> memref<1x128x256xf32, #tpu.memory_space<vmem>>
        %get3A_1349 = tpu.memref_squeeze %get3A_1348 : memref<1x128x256xf32, #tpu.memory_space<vmem>> -> memref<128x256xf32, #tpu.memory_space<vmem>>
        %get3A_1350 = arith.index_cast %mul3A_1246 : i32 to index
        %get3A_1351 = arith.constant 80 : index
        %get3A_1352 = tpu.vector_load %get3A_1349[%get3A_1350, %get3A_1351] {strides = array<i32>} : memref<128x256xf32, #tpu.memory_space<vmem>>, vector<1x16xf32>,
        %get3A_1353 = vector.shape_cast %get3A_1352 : vector<1x16xf32> to vector<16xf32>
        %add3A_1354 = arith.addf %scan3A_1234, %get3A_1353 : vector<16xf32>
        %add3A_1355 = arith.constant 1 : i32
        %add3A_1356 = arith.addi %mul3A_1246, %add3A_1355 : i32
        %get3A_1357 = arith.constant 0 : i32
        %get3A_1358 = arith.constant 0 : i32
        %get3A_1359 = tpu.memref_slice %arg6[%scan3A_978, %get3A_1357, %get3A_1358] : memref<3x128x256xf32, #tpu.memory_space<vmem>> -> memref<1x128x256xf32, #tpu.memory_space<vmem>>
        %get3A_1360 = tpu.memref_squeeze %get3A_1359 : memref<1x128x256xf32, #tpu.memory_space<vmem>> -> memref<128x256xf32, #tpu.memory_space<vmem>>
        %get3A_1361 = arith.index_cast %add3A_1356 : i32 to index
        %get3A_1362 = arith.constant 80 : index
        %get3A_1363 = tpu.vector_load %get3A_1360[%get3A_1361, %get3A_1362] {strides = array<i32>} : memref<128x256xf32, #tpu.memory_space<vmem>>, vector<1x16xf32>,
        %get3A_1364 = vector.shape_cast %get3A_1363 : vector<1x16xf32> to vector<16xf32>
        %add3A_1365 = arith.addf %add3A_1354, %get3A_1364 : vector<16xf32>
        %get3A_1366 = arith.constant 0 : i32
        %get3A_1367 = arith.constant 0 : i32
        %get3A_1368 = tpu.memref_slice %arg6[%scan3A_978, %get3A_1366, %get3A_1367] : memref<3x128x256xf32, #tpu.memory_space<vmem>> -> memref<1x128x256xf32, #tpu.memory_space<vmem>>
        %get3A_1369 = tpu.memref_squeeze %get3A_1368 : memref<1x128x256xf32, #tpu.memory_space<vmem>> -> memref<128x256xf32, #tpu.memory_space<vmem>>
        %get3A_1370 = arith.index_cast %mul3A_1246 : i32 to index
        %get3A_1371 = arith.constant 96 : index
        %get3A_1372 = tpu.vector_load %get3A_1369[%get3A_1370, %get3A_1371] {strides = array<i32>} : memref<128x256xf32, #tpu.memory_space<vmem>>, vector<1x16xf32>,
        %get3A_1373 = vector.shape_cast %get3A_1372 : vector<1x16xf32> to vector<16xf32>
        %add3A_1374 = arith.addf %scan3A_1235, %get3A_1373 : vector<16xf32>
        %add3A_1375 = arith.constant 1 : i32
        %add3A_1376 = arith.addi %mul3A_1246, %add3A_1375 : i32
        %get3A_1377 = arith.constant 0 : i32
        %get3A_1378 = arith.constant 0 : i32
        %get3A_1379 = tpu.memref_slice %arg6[%scan3A_978, %get3A_1377, %get3A_1378] : memref<3x128x256xf32, #tpu.memory_space<vmem>> -> memref<1x128x256xf32, #tpu.memory_space<vmem>>
        %get3A_1380 = tpu.memref_squeeze %get3A_1379 : memref<1x128x256xf32, #tpu.memory_space<vmem>> -> memref<128x256xf32, #tpu.memory_space<vmem>>
        %get3A_1381 = arith.index_cast %add3A_1376 : i32 to index
        %get3A_1382 = arith.constant 96 : index
        %get3A_1383 = tpu.vector_load %get3A_1380[%get3A_1381, %get3A_1382] {strides = array<i32>} : memref<128x256xf32, #tpu.memory_space<vmem>>, vector<1x16xf32>,
        %get3A_1384 = vector.shape_cast %get3A_1383 : vector<1x16xf32> to vector<16xf32>
        %add3A_1385 = arith.addf %add3A_1374, %get3A_1384 : vector<16xf32>
        %get3A_1386 = arith.constant 0 : i32
        %get3A_1387 = arith.constant 0 : i32
        %get3A_1388 = tpu.memref_slice %arg6[%scan3A_978, %get3A_1386, %get3A_1387] : memref<3x128x256xf32, #tpu.memory_space<vmem>> -> memref<1x128x256xf32, #tpu.memory_space<vmem>>
        %get3A_1389 = tpu.memref_squeeze %get3A_1388 : memref<1x128x256xf32, #tpu.memory_space<vmem>> -> memref<128x256xf32, #tpu.memory_space<vmem>>
        %get3A_1390 = arith.index_cast %mul3A_1246 : i32 to index
        %get3A_1391 = arith.constant 112 : index
        %get3A_1392 = tpu.vector_load %get3A_1389[%get3A_1390, %get3A_1391] {strides = array<i32>} : memref<128x256xf32, #tpu.memory_space<vmem>>, vector<1x16xf32>,
        %get3A_1393 = vector.shape_cast %get3A_1392 : vector<1x16xf32> to vector<16xf32>
        %add3A_1394 = arith.addf %scan3A_1236, %get3A_1393 : vector<16xf32>
        %add3A_1395 = arith.constant 1 : i32
        %add3A_1396 = arith.addi %mul3A_1246, %add3A_1395 : i32
        %get3A_1397 = arith.constant 0 : i32
        %get3A_1398 = arith.constant 0 : i32
        %get3A_1399 = tpu.memref_slice %arg6[%scan3A_978, %get3A_1397, %get3A_1398] : memref<3x128x256xf32, #tpu.memory_space<vmem>> -> memref<1x128x256xf32, #tpu.memory_space<vmem>>
        %get3A_1400 = tpu.memref_squeeze %get3A_1399 : memref<1x128x256xf32, #tpu.memory_space<vmem>> -> memref<128x256xf32, #tpu.memory_space<vmem>>
        %get3A_1401 = arith.index_cast %add3A_1396 : i32 to index
        %get3A_1402 = arith.constant 112 : index
        %get3A_1403 = tpu.vector_load %get3A_1400[%get3A_1401, %get3A_1402] {strides = array<i32>} : memref<128x256xf32, #tpu.memory_space<vmem>>, vector<1x16xf32>,
        %get3A_1404 = vector.shape_cast %get3A_1403 : vector<1x16xf32> to vector<16xf32>
        %add3A_1405 = arith.addf %add3A_1394, %get3A_1404 : vector<16xf32>
        %get3A_1406 = arith.constant 0 : i32
        %get3A_1407 = arith.constant 0 : i32
        %get3A_1408 = tpu.memref_slice %arg6[%scan3A_978, %get3A_1406, %get3A_1407] : memref<3x128x256xf32, #tpu.memory_space<vmem>> -> memref<1x128x256xf32, #tpu.memory_space<vmem>>
        %get3A_1409 = tpu.memref_squeeze %get3A_1408 : memref<1x128x256xf32, #tpu.memory_space<vmem>> -> memref<128x256xf32, #tpu.memory_space<vmem>>
        %get3A_1410 = arith.index_cast %mul3A_1246 : i32 to index
        %get3A_1411 = arith.constant 128 : index
        %get3A_1412 = tpu.vector_load %get3A_1409[%get3A_1410, %get3A_1411] {strides = array<i32>} : memref<128x256xf32, #tpu.memory_space<vmem>>, vector<1x16xf32>,
        %get3A_1413 = vector.shape_cast %get3A_1412 : vector<1x16xf32> to vector<16xf32>
        %add3A_1414 = arith.addf %scan3A_1237, %get3A_1413 : vector<16xf32>
        %add3A_1415 = arith.constant 1 : i32
        %add3A_1416 = arith.addi %mul3A_1246, %add3A_1415 : i32
        %get3A_1417 = arith.constant 0 : i32
        %get3A_1418 = arith.constant 0 : i32
        %get3A_1419 = tpu.memref_slice %arg6[%scan3A_978, %get3A_1417, %get3A_1418] : memref<3x128x256xf32, #tpu.memory_space<vmem>> -> memref<1x128x256xf32, #tpu.memory_space<vmem>>
        %get3A_1420 = tpu.memref_squeeze %get3A_1419 : memref<1x128x256xf32, #tpu.memory_space<vmem>> -> memref<128x256xf32, #tpu.memory_space<vmem>>
        %get3A_1421 = arith.index_cast %add3A_1416 : i32 to index
        %get3A_1422 = arith.constant 128 : index
        %get3A_1423 = tpu.vector_load %get3A_1420[%get3A_1421, %get3A_1422] {strides = array<i32>} : memref<128x256xf32, #tpu.memory_space<vmem>>, vector<1x16xf32>,
        %get3A_1424 = vector.shape_cast %get3A_1423 : vector<1x16xf32> to vector<16xf32>
        %add3A_1425 = arith.addf %add3A_1414, %get3A_1424 : vector<16xf32>
        %get3A_1426 = arith.constant 0 : i32
        %get3A_1427 = arith.constant 0 : i32
        %get3A_1428 = tpu.memref_slice %arg6[%scan3A_978, %get3A_1426, %get3A_1427] : memref<3x128x256xf32, #tpu.memory_space<vmem>> -> memref<1x128x256xf32, #tpu.memory_space<vmem>>
        %get3A_1429 = tpu.memref_squeeze %get3A_1428 : memref<1x128x256xf32, #tpu.memory_space<vmem>> -> memref<128x256xf32, #tpu.memory_space<vmem>>
        %get3A_1430 = arith.index_cast %mul3A_1246 : i32 to index
        %get3A_1431 = arith.constant 144 : index
        %get3A_1432 = tpu.vector_load %get3A_1429[%get3A_1430, %get3A_1431] {strides = array<i32>} : memref<128x256xf32, #tpu.memory_space<vmem>>, vector<1x16xf32>,
        %get3A_1433 = vector.shape_cast %get3A_1432 : vector<1x16xf32> to vector<16xf32>
        %add3A_1434 = arith.addf %scan3A_1238, %get3A_1433 : vector<16xf32>
        %add3A_1435 = arith.constant 1 : i32
        %add3A_1436 = arith.addi %mul3A_1246, %add3A_1435 : i32
        %get3A_1437 = arith.constant 0 : i32
        %get3A_1438 = arith.constant 0 : i32
        %get3A_1439 = tpu.memref_slice %arg6[%scan3A_978, %get3A_1437, %get3A_1438] : memref<3x128x256xf32, #tpu.memory_space<vmem>> -> memref<1x128x256xf32, #tpu.memory_space<vmem>>
        %get3A_1440 = tpu.memref_squeeze %get3A_1439 : memref<1x128x256xf32, #tpu.memory_space<vmem>> -> memref<128x256xf32, #tpu.memory_space<vmem>>
        %get3A_1441 = arith.index_cast %add3A_1436 : i32 to index
        %get3A_1442 = arith.constant 144 : index
        %get3A_1443 = tpu.vector_load %get3A_1440[%get3A_1441, %get3A_1442] {strides = array<i32>} : memref<128x256xf32, #tpu.memory_space<vmem>>, vector<1x16xf32>,
        %get3A_1444 = vector.shape_cast %get3A_1443 : vector<1x16xf32> to vector<16xf32>
        %add3A_1445 = arith.addf %add3A_1434, %get3A_1444 : vector<16xf32>
        %get3A_1446 = arith.constant 0 : i32
        %get3A_1447 = arith.constant 0 : i32
        %get3A_1448 = tpu.memref_slice %arg6[%scan3A_978, %get3A_1446, %get3A_1447] : memref<3x128x256xf32, #tpu.memory_space<vmem>> -> memref<1x128x256xf32, #tpu.memory_space<vmem>>
        %get3A_1449 = tpu.memref_squeeze %get3A_1448 : memref<1x128x256xf32, #tpu.memory_space<vmem>> -> memref<128x256xf32, #tpu.memory_space<vmem>>
        %get3A_1450 = arith.index_cast %mul3A_1246 : i32 to index
        %get3A_1451 = arith.constant 160 : index
        %get3A_1452 = tpu.vector_load %get3A_1449[%get3A_1450, %get3A_1451] {strides = array<i32>} : memref<128x256xf32, #tpu.memory_space<vmem>>, vector<1x16xf32>,
        %get3A_1453 = vector.shape_cast %get3A_1452 : vector<1x16xf32> to vector<16xf32>
        %add3A_1454 = arith.addf %scan3A_1239, %get3A_1453 : vector<16xf32>
        %add3A_1455 = arith.constant 1 : i32
        %add3A_1456 = arith.addi %mul3A_1246, %add3A_1455 : i32
        %get3A_1457 = arith.constant 0 : i32
        %get3A_1458 = arith.constant 0 : i32
        %get3A_1459 = tpu.memref_slice %arg6[%scan3A_978, %get3A_1457, %get3A_1458] : memref<3x128x256xf32, #tpu.memory_space<vmem>> -> memref<1x128x256xf32, #tpu.memory_space<vmem>>
        %get3A_1460 = tpu.memref_squeeze %get3A_1459 : memref<1x128x256xf32, #tpu.memory_space<vmem>> -> memref<128x256xf32, #tpu.memory_space<vmem>>
        %get3A_1461 = arith.index_cast %add3A_1456 : i32 to index
        %get3A_1462 = arith.constant 160 : index
        %get3A_1463 = tpu.vector_load %get3A_1460[%get3A_1461, %get3A_1462] {strides = array<i32>} : memref<128x256xf32, #tpu.memory_space<vmem>>, vector<1x16xf32>,
        %get3A_1464 = vector.shape_cast %get3A_1463 : vector<1x16xf32> to vector<16xf32>
        %add3A_1465 = arith.addf %add3A_1454, %get3A_1464 : vector<16xf32>
        %get3A_1466 = arith.constant 0 : i32
        %get3A_1467 = arith.constant 0 : i32
        %get3A_1468 = tpu.memref_slice %arg6[%scan3A_978, %get3A_1466, %get3A_1467] : memref<3x128x256xf32, #tpu.memory_space<vmem>> -> memref<1x128x256xf32, #tpu.memory_space<vmem>>
        %get3A_1469 = tpu.memref_squeeze %get3A_1468 : memref<1x128x256xf32, #tpu.memory_space<vmem>> -> memref<128x256xf32, #tpu.memory_space<vmem>>
        %get3A_1470 = arith.index_cast %mul3A_1246 : i32 to index
        %get3A_1471 = arith.constant 176 : index
        %get3A_1472 = tpu.vector_load %get3A_1469[%get3A_1470, %get3A_1471] {strides = array<i32>} : memref<128x256xf32, #tpu.memory_space<vmem>>, vector<1x16xf32>,
        %get3A_1473 = vector.shape_cast %get3A_1472 : vector<1x16xf32> to vector<16xf32>
        %add3A_1474 = arith.addf %scan3A_1240, %get3A_1473 : vector<16xf32>
        %add3A_1475 = arith.constant 1 : i32
        %add3A_1476 = arith.addi %mul3A_1246, %add3A_1475 : i32
        %get3A_1477 = arith.constant 0 : i32
        %get3A_1478 = arith.constant 0 : i32
        %get3A_1479 = tpu.memref_slice %arg6[%scan3A_978, %get3A_1477, %get3A_1478] : memref<3x128x256xf32, #tpu.memory_space<vmem>> -> memref<1x128x256xf32, #tpu.memory_space<vmem>>
        %get3A_1480 = tpu.memref_squeeze %get3A_1479 : memref<1x128x256xf32, #tpu.memory_space<vmem>> -> memref<128x256xf32, #tpu.memory_space<vmem>>
        %get3A_1481 = arith.index_cast %add3A_1476 : i32 to index
        %get3A_1482 = arith.constant 176 : index
        %get3A_1483 = tpu.vector_load %get3A_1480[%get3A_1481, %get3A_1482] {strides = array<i32>} : memref<128x256xf32, #tpu.memory_space<vmem>>, vector<1x16xf32>,
        %get3A_1484 = vector.shape_cast %get3A_1483 : vector<1x16xf32> to vector<16xf32>
        %add3A_1485 = arith.addf %add3A_1474, %get3A_1484 : vector<16xf32>
        %get3A_1486 = arith.constant 0 : i32
        %get3A_1487 = arith.constant 0 : i32
        %get3A_1488 = tpu.memref_slice %arg6[%scan3A_978, %get3A_1486, %get3A_1487] : memref<3x128x256xf32, #tpu.memory_space<vmem>> -> memref<1x128x256xf32, #tpu.memory_space<vmem>>
        %get3A_1489 = tpu.memref_squeeze %get3A_1488 : memref<1x128x256xf32, #tpu.memory_space<vmem>> -> memref<128x256xf32, #tpu.memory_space<vmem>>
        %get3A_1490 = arith.index_cast %mul3A_1246 : i32 to index
        %get3A_1491 = arith.constant 192 : index
        %get3A_1492 = tpu.vector_load %get3A_1489[%get3A_1490, %get3A_1491] {strides = array<i32>} : memref<128x256xf32, #tpu.memory_space<vmem>>, vector<1x16xf32>,
        %get3A_1493 = vector.shape_cast %get3A_1492 : vector<1x16xf32> to vector<16xf32>
        %add3A_1494 = arith.addf %scan3A_1241, %get3A_1493 : vector<16xf32>
        %add3A_1495 = arith.constant 1 : i32
        %add3A_1496 = arith.addi %mul3A_1246, %add3A_1495 : i32
        %get3A_1497 = arith.constant 0 : i32
        %get3A_1498 = arith.constant 0 : i32
        %get3A_1499 = tpu.memref_slice %arg6[%scan3A_978, %get3A_1497, %get3A_1498] : memref<3x128x256xf32, #tpu.memory_space<vmem>> -> memref<1x128x256xf32, #tpu.memory_space<vmem>>
        %get3A_1500 = tpu.memref_squeeze %get3A_1499 : memref<1x128x256xf32, #tpu.memory_space<vmem>> -> memref<128x256xf32, #tpu.memory_space<vmem>>
        %get3A_1501 = arith.index_cast %add3A_1496 : i32 to index
        %get3A_1502 = arith.constant 192 : index
        %get3A_1503 = tpu.vector_load %get3A_1500[%get3A_1501, %get3A_1502] {strides = array<i32>} : memref<128x256xf32, #tpu.memory_space<vmem>>, vector<1x16xf32>,
        %get3A_1504 = vector.shape_cast %get3A_1503 : vector<1x16xf32> to vector<16xf32>
        %add3A_1505 = arith.addf %add3A_1494, %get3A_1504 : vector<16xf32>
        %get3A_1506 = arith.constant 0 : i32
        %get3A_1507 = arith.constant 0 : i32
        %get3A_1508 = tpu.memref_slice %arg6[%scan3A_978, %get3A_1506, %get3A_1507] : memref<3x128x256xf32, #tpu.memory_space<vmem>> -> memref<1x128x256xf32, #tpu.memory_space<vmem>>
        %get3A_1509 = tpu.memref_squeeze %get3A_1508 : memref<1x128x256xf32, #tpu.memory_space<vmem>> -> memref<128x256xf32, #tpu.memory_space<vmem>>
        %get3A_1510 = arith.index_cast %mul3A_1246 : i32 to index
        %get3A_1511 = arith.constant 208 : index
        %get3A_1512 = tpu.vector_load %get3A_1509[%get3A_1510, %get3A_1511] {strides = array<i32>} : memref<128x256xf32, #tpu.memory_space<vmem>>, vector<1x16xf32>,
        %get3A_1513 = vector.shape_cast %get3A_1512 : vector<1x16xf32> to vector<16xf32>
        %add3A_1514 = arith.addf %scan3A_1242, %get3A_1513 : vector<16xf32>
        %add3A_1515 = arith.constant 1 : i32
        %add3A_1516 = arith.addi %mul3A_1246, %add3A_1515 : i32
        %get3A_1517 = arith.constant 0 : i32
        %get3A_1518 = arith.constant 0 : i32
        %get3A_1519 = tpu.memref_slice %arg6[%scan3A_978, %get3A_1517, %get3A_1518] : memref<3x128x256xf32, #tpu.memory_space<vmem>> -> memref<1x128x256xf32, #tpu.memory_space<vmem>>
        %get3A_1520 = tpu.memref_squeeze %get3A_1519 : memref<1x128x256xf32, #tpu.memory_space<vmem>> -> memref<128x256xf32, #tpu.memory_space<vmem>>
        %get3A_1521 = arith.index_cast %add3A_1516 : i32 to index
        %get3A_1522 = arith.constant 208 : index
        %get3A_1523 = tpu.vector_load %get3A_1520[%get3A_1521, %get3A_1522] {strides = array<i32>} : memref<128x256xf32, #tpu.memory_space<vmem>>, vector<1x16xf32>,
        %get3A_1524 = vector.shape_cast %get3A_1523 : vector<1x16xf32> to vector<16xf32>
        %add3A_1525 = arith.addf %add3A_1514, %get3A_1524 : vector<16xf32>
        %get3A_1526 = arith.constant 0 : i32
        %get3A_1527 = arith.constant 0 : i32
        %get3A_1528 = tpu.memref_slice %arg6[%scan3A_978, %get3A_1526, %get3A_1527] : memref<3x128x256xf32, #tpu.memory_space<vmem>> -> memref<1x128x256xf32, #tpu.memory_space<vmem>>
        %get3A_1529 = tpu.memref_squeeze %get3A_1528 : memref<1x128x256xf32, #tpu.memory_space<vmem>> -> memref<128x256xf32, #tpu.memory_space<vmem>>
        %get3A_1530 = arith.index_cast %mul3A_1246 : i32 to index
        %get3A_1531 = arith.constant 224 : index
        %get3A_1532 = tpu.vector_load %get3A_1529[%get3A_1530, %get3A_1531] {strides = array<i32>} : memref<128x256xf32, #tpu.memory_space<vmem>>, vector<1x16xf32>,
        %get3A_1533 = vector.shape_cast %get3A_1532 : vector<1x16xf32> to vector<16xf32>
        %add3A_1534 = arith.addf %scan3A_1243, %get3A_1533 : vector<16xf32>
        %add3A_1535 = arith.constant 1 : i32
        %add3A_1536 = arith.addi %mul3A_1246, %add3A_1535 : i32
        %get3A_1537 = arith.constant 0 : i32
        %get3A_1538 = arith.constant 0 : i32
        %get3A_1539 = tpu.memref_slice %arg6[%scan3A_978, %get3A_1537, %get3A_1538] : memref<3x128x256xf32, #tpu.memory_space<vmem>> -> memref<1x128x256xf32, #tpu.memory_space<vmem>>
        %get3A_1540 = tpu.memref_squeeze %get3A_1539 : memref<1x128x256xf32, #tpu.memory_space<vmem>> -> memref<128x256xf32, #tpu.memory_space<vmem>>
        %get3A_1541 = arith.index_cast %add3A_1536 : i32 to index
        %get3A_1542 = arith.constant 224 : index
        %get3A_1543 = tpu.vector_load %get3A_1540[%get3A_1541, %get3A_1542] {strides = array<i32>} : memref<128x256xf32, #tpu.memory_space<vmem>>, vector<1x16xf32>,
        %get3A_1544 = vector.shape_cast %get3A_1543 : vector<1x16xf32> to vector<16xf32>
        %add3A_1545 = arith.addf %add3A_1534, %get3A_1544 : vector<16xf32>
        %get3A_1546 = arith.constant 0 : i32
        %get3A_1547 = arith.constant 0 : i32
        %get3A_1548 = tpu.memref_slice %arg6[%scan3A_978, %get3A_1546, %get3A_1547] : memref<3x128x256xf32, #tpu.memory_space<vmem>> -> memref<1x128x256xf32, #tpu.memory_space<vmem>>
        %get3A_1549 = tpu.memref_squeeze %get3A_1548 : memref<1x128x256xf32, #tpu.memory_space<vmem>> -> memref<128x256xf32, #tpu.memory_space<vmem>>
        %get3A_1550 = arith.index_cast %mul3A_1246 : i32 to index
        %get3A_1551 = arith.constant 240 : index
        %get3A_1552 = tpu.vector_load %get3A_1549[%get3A_1550, %get3A_1551] {strides = array<i32>} : memref<128x256xf32, #tpu.memory_space<vmem>>, vector<1x16xf32>,
        %get3A_1553 = vector.shape_cast %get3A_1552 : vector<1x16xf32> to vector<16xf32>
        %add3A_1554 = arith.addf %scan3A_1244, %get3A_1553 : vector<16xf32>
        %add3A_1555 = arith.constant 1 : i32
        %add3A_1556 = arith.addi %mul3A_1246, %add3A_1555 : i32
        %get3A_1557 = arith.constant 0 : i32
        %get3A_1558 = arith.constant 0 : i32
        %get3A_1559 = tpu.memref_slice %arg6[%scan3A_978, %get3A_1557, %get3A_1558] : memref<3x128x256xf32, #tpu.memory_space<vmem>> -> memref<1x128x256xf32, #tpu.memory_space<vmem>>
        %get3A_1560 = tpu.memref_squeeze %get3A_1559 : memref<1x128x256xf32, #tpu.memory_space<vmem>> -> memref<128x256xf32, #tpu.memory_space<vmem>>
        %get3A_1561 = arith.index_cast %add3A_1556 : i32 to index
        %get3A_1562 = arith.constant 240 : index
        %get3A_1563 = tpu.vector_load %get3A_1560[%get3A_1561, %get3A_1562] {strides = array<i32>} : memref<128x256xf32, #tpu.memory_space<vmem>>, vector<1x16xf32>,
        %get3A_1564 = vector.shape_cast %get3A_1563 : vector<1x16xf32> to vector<16xf32>
        %add3A_1565 = arith.addf %add3A_1554, %get3A_1564 : vector<16xf32>
        scf.yield %add3A_1265, %add3A_1285, %add3A_1305, %add3A_1325, %add3A_1345, %add3A_1365, %add3A_1385, %add3A_1405, %add3A_1425, %add3A_1445, %add3A_1465, %add3A_1485, %add3A_1505, %add3A_1525, %add3A_1545, %add3A_1565 : vector<16xf32>, vector<16xf32>, vector<16xf32>, vector<16xf32>, vector<16xf32>, vector<16xf32>, vector<16xf32>, vector<16xf32>, vector<16xf32>, vector<16xf32>, vector<16xf32>, vector<16xf32>, vector<16xf32>, vector<16xf32>, vector<16xf32>, vector<16xf32>
      }
      %scan3A_984 = arith.constant 64 : i32
      %swap3A_985 = arith.index_cast %add3A_934 : i32 to index
      %swap3A_986 = arith.constant 0 : index
      %swap3A_987 = tpu.vector_load %arg7[%swap3A_985, %swap3A_986] {strides = array<i32>} : memref<32x256xf32, #tpu.memory_space<vmem>>, vector<1x16xf32>,
      %swap3A_988 = vector.shape_cast %swap3A_987 : vector<1x16xf32> to vector<16xf32>
      %swap3A_989 = vector.shape_cast %scan3A_983#0 : vector<16xf32> to vector<1x16xf32>
      tpu.vector_store %arg7[%swap3A_985, %swap3A_986], %swap3A_989 {strides = array<i32>} : memref<32x256xf32, #tpu.memory_space<vmem>>, vector<1x16xf32>,
      %swap3A_990 = arith.index_cast %add3A_934 : i32 to index
      %swap3A_991 = arith.constant 16 : index
      %swap3A_992 = tpu.vector_load %arg7[%swap3A_990, %swap3A_991] {strides = array<i32>} : memref<32x256xf32, #tpu.memory_space<vmem>>, vector<1x16xf32>,
      %swap3A_993 = vector.shape_cast %swap3A_992 : vector<1x16xf32> to vector<16xf32>
      %swap3A_994 = vector.shape_cast %scan3A_983#1 : vector<16xf32> to vector<1x16xf32>
      tpu.vector_store %arg7[%swap3A_990, %swap3A_991], %swap3A_994 {strides = array<i32>} : memref<32x256xf32, #tpu.memory_space<vmem>>, vector<1x16xf32>,
      %swap3A_995 = arith.index_cast %add3A_934 : i32 to index
      %swap3A_996 = arith.constant 32 : index
      %swap3A_997 = tpu.vector_load %arg7[%swap3A_995, %swap3A_996] {strides = array<i32>} : memref<32x256xf32, #tpu.memory_space<vmem>>, vector<1x16xf32>,
      %swap3A_998 = vector.shape_cast %swap3A_997 : vector<1x16xf32> to vector<16xf32>
      %swap3A_999 = vector.shape_cast %scan3A_983#2 : vector<16xf32> to vector<1x16xf32>
      tpu.vector_store %arg7[%swap3A_995, %swap3A_996], %swap3A_999 {strides = array<i32>} : memref<32x256xf32, #tpu.memory_space<vmem>>, vector<1x16xf32>,
      %swap3A_1000 = arith.index_cast %add3A_934 : i32 to index
      %swap3A_1001 = arith.constant 48 : index
      %swap3A_1002 = tpu.vector_load %arg7[%swap3A_1000, %swap3A_1001] {strides = array<i32>} : memref<32x256xf32, #tpu.memory_space<vmem>>, vector<1x16xf32>,
      %swap3A_1003 = vector.shape_cast %swap3A_1002 : vector<1x16xf32> to vector<16xf32>
      %swap3A_1004 = vector.shape_cast %scan3A_983#3 : vector<16xf32> to vector<1x16xf32>
      tpu.vector_store %arg7[%swap3A_1000, %swap3A_1001], %swap3A_1004 {strides = array<i32>} : memref<32x256xf32, #tpu.memory_space<vmem>>, vector<1x16xf32>,
      %swap3A_1005 = arith.index_cast %add3A_934 : i32 to index
      %swap3A_1006 = arith.constant 64 : index
      %swap3A_1007 = tpu.vector_load %arg7[%swap3A_1005, %swap3A_1006] {strides = array<i32>} : memref<32x256xf32, #tpu.memory_space<vmem>>, vector<1x16xf32>,
      %swap3A_1008 = vector.shape_cast %swap3A_1007 : vector<1x16xf32> to vector<16xf32>
      %swap3A_1009 = vector.shape_cast %scan3A_983#4 : vector<16xf32> to vector<1x16xf32>
      tpu.vector_store %arg7[%swap3A_1005, %swap3A_1006], %swap3A_1009 {strides = array<i32>} : memref<32x256xf32, #tpu.memory_space<vmem>>, vector<1x16xf32>,
      %swap3A_1010 = arith.index_cast %add3A_934 : i32 to index
      %swap3A_1011 = arith.constant 80 : index
      %swap3A_1012 = tpu.vector_load %arg7[%swap3A_1010, %swap3A_1011] {strides = array<i32>} : memref<32x256xf32, #tpu.memory_space<vmem>>, vector<1x16xf32>,
      %swap3A_1013 = vector.shape_cast %swap3A_1012 : vector<1x16xf32> to vector<16xf32>
      %swap3A_1014 = vector.shape_cast %scan3A_983#5 : vector<16xf32> to vector<1x16xf32>
      tpu.vector_store %arg7[%swap3A_1010, %swap3A_1011], %swap3A_1014 {strides = array<i32>} : memref<32x256xf32, #tpu.memory_space<vmem>>, vector<1x16xf32>,
      %swap3A_1015 = arith.index_cast %add3A_934 : i32 to index
      %swap3A_1016 = arith.constant 96 : index
      %swap3A_1017 = tpu.vector_load %arg7[%swap3A_1015, %swap3A_1016] {strides = array<i32>} : memref<32x256xf32, #tpu.memory_space<vmem>>, vector<1x16xf32>,
      %swap3A_1018 = vector.shape_cast %swap3A_1017 : vector<1x16xf32> to vector<16xf32>
      %swap3A_1019 = vector.shape_cast %scan3A_983#6 : vector<16xf32> to vector<1x16xf32>
      tpu.vector_store %arg7[%swap3A_1015, %swap3A_1016], %swap3A_1019 {strides = array<i32>} : memref<32x256xf32, #tpu.memory_space<vmem>>, vector<1x16xf32>,
      %swap3A_1020 = arith.index_cast %add3A_934 : i32 to index
      %swap3A_1021 = arith.constant 112 : index
      %swap3A_1022 = tpu.vector_load %arg7[%swap3A_1020, %swap3A_1021] {strides = array<i32>} : memref<32x256xf32, #tpu.memory_space<vmem>>, vector<1x16xf32>,
      %swap3A_1023 = vector.shape_cast %swap3A_1022 : vector<1x16xf32> to vector<16xf32>
      %swap3A_1024 = vector.shape_cast %scan3A_983#7 : vector<16xf32> to vector<1x16xf32>
      tpu.vector_store %arg7[%swap3A_1020, %swap3A_1021], %swap3A_1024 {strides = array<i32>} : memref<32x256xf32, #tpu.memory_space<vmem>>, vector<1x16xf32>,
      %swap3A_1025 = arith.index_cast %add3A_934 : i32 to index
      %swap3A_1026 = arith.constant 128 : index
      %swap3A_1027 = tpu.vector_load %arg7[%swap3A_1025, %swap3A_1026] {strides = array<i32>} : memref<32x256xf32, #tpu.memory_space<vmem>>, vector<1x16xf32>,
      %swap3A_1028 = vector.shape_cast %swap3A_1027 : vector<1x16xf32> to vector<16xf32>
      %swap3A_1029 = vector.shape_cast %scan3A_983#8 : vector<16xf32> to vector<1x16xf32>
      tpu.vector_store %arg7[%swap3A_1025, %swap3A_1026], %swap3A_1029 {strides = array<i32>} : memref<32x256xf32, #tpu.memory_space<vmem>>, vector<1x16xf32>,
      %swap3A_1030 = arith.index_cast %add3A_934 : i32 to index
      %swap3A_1031 = arith.constant 144 : index
      %swap3A_1032 = tpu.vector_load %arg7[%swap3A_1030, %swap3A_1031] {strides = array<i32>} : memref<32x256xf32, #tpu.memory_space<vmem>>, vector<1x16xf32>,
      %swap3A_1033 = vector.shape_cast %swap3A_1032 : vector<1x16xf32> to vector<16xf32>
      %swap3A_1034 = vector.shape_cast %scan3A_983#9 : vector<16xf32> to vector<1x16xf32>
      tpu.vector_store %arg7[%swap3A_1030, %swap3A_1031], %swap3A_1034 {strides = array<i32>} : memref<32x256xf32, #tpu.memory_space<vmem>>, vector<1x16xf32>,
      %swap3A_1035 = arith.index_cast %add3A_934 : i32 to index
      %swap3A_1036 = arith.constant 160 : index
      %swap3A_1037 = tpu.vector_load %arg7[%swap3A_1035, %swap3A_1036] {strides = array<i32>} : memref<32x256xf32, #tpu.memory_space<vmem>>, vector<1x16xf32>,
      %swap3A_1038 = vector.shape_cast %swap3A_1037 : vector<1x16xf32> to vector<16xf32>
      %swap3A_1039 = vector.shape_cast %scan3A_983#10 : vector<16xf32> to vector<1x16xf32>
      tpu.vector_store %arg7[%swap3A_1035, %swap3A_1036], %swap3A_1039 {strides = array<i32>} : memref<32x256xf32, #tpu.memory_space<vmem>>, vector<1x16xf32>,
      %swap3A_1040 = arith.index_cast %add3A_934 : i32 to index
      %swap3A_1041 = arith.constant 176 : index
      %swap3A_1042 = tpu.vector_load %arg7[%swap3A_1040, %swap3A_1041] {strides = array<i32>} : memref<32x256xf32, #tpu.memory_space<vmem>>, vector<1x16xf32>,
      %swap3A_1043 = vector.shape_cast %swap3A_1042 : vector<1x16xf32> to vector<16xf32>
      %swap3A_1044 = vector.shape_cast %scan3A_983#11 : vector<16xf32> to vector<1x16xf32>
      tpu.vector_store %arg7[%swap3A_1040, %swap3A_1041], %swap3A_1044 {strides = array<i32>} : memref<32x256xf32, #tpu.memory_space<vmem>>, vector<1x16xf32>,
      %swap3A_1045 = arith.index_cast %add3A_934 : i32 to index
      %swap3A_1046 = arith.constant 192 : index
      %swap3A_1047 = tpu.vector_load %arg7[%swap3A_1045, %swap3A_1046] {strides = array<i32>} : memref<32x256xf32, #tpu.memory_space<vmem>>, vector<1x16xf32>,
      %swap3A_1048 = vector.shape_cast %swap3A_1047 : vector<1x16xf32> to vector<16xf32>
      %swap3A_1049 = vector.shape_cast %scan3A_983#12 : vector<16xf32> to vector<1x16xf32>
      tpu.vector_store %arg7[%swap3A_1045, %swap3A_1046], %swap3A_1049 {strides = array<i32>} : memref<32x256xf32, #tpu.memory_space<vmem>>, vector<1x16xf32>,
      %swap3A_1050 = arith.index_cast %add3A_934 : i32 to index
      %swap3A_1051 = arith.constant 208 : index
      %swap3A_1052 = tpu.vector_load %arg7[%swap3A_1050, %swap3A_1051] {strides = array<i32>} : memref<32x256xf32, #tpu.memory_space<vmem>>, vector<1x16xf32>,
      %swap3A_1053 = vector.shape_cast %swap3A_1052 : vector<1x16xf32> to vector<16xf32>
      %swap3A_1054 = vector.shape_cast %scan3A_983#13 : vector<16xf32> to vector<1x16xf32>
      tpu.vector_store %arg7[%swap3A_1050, %swap3A_1051], %swap3A_1054 {strides = array<i32>} : memref<32x256xf32, #tpu.memory_space<vmem>>, vector<1x16xf32>,
      %swap3A_1055 = arith.index_cast %add3A_934 : i32 to index
      %swap3A_1056 = arith.constant 224 : index
      %swap3A_1057 = tpu.vector_load %arg7[%swap3A_1055, %swap3A_1056] {strides = array<i32>} : memref<32x256xf32, #tpu.memory_space<vmem>>, vector<1x16xf32>,
      %swap3A_1058 = vector.shape_cast %swap3A_1057 : vector<1x16xf32> to vector<16xf32>
      %swap3A_1059 = vector.shape_cast %scan3A_983#14 : vector<16xf32> to vector<1x16xf32>
      tpu.vector_store %arg7[%swap3A_1055, %swap3A_1056], %swap3A_1059 {strides = array<i32>} : memref<32x256xf32, #tpu.memory_space<vmem>>, vector<1x16xf32>,
      %swap3A_1060 = arith.index_cast %add3A_934 : i32 to index
      %swap3A_1061 = arith.constant 240 : index
      %swap3A_1062 = tpu.vector_load %arg7[%swap3A_1060, %swap3A_1061] {strides = array<i32>} : memref<32x256xf32, #tpu.memory_space<vmem>>, vector<1x16xf32>,
      %swap3A_1063 = vector.shape_cast %swap3A_1062 : vector<1x16xf32> to vector<16xf32>
      %swap3A_1064 = vector.shape_cast %scan3A_983#15 : vector<16xf32> to vector<1x16xf32>
      tpu.vector_store %arg7[%swap3A_1060, %swap3A_1061], %swap3A_1064 {strides = array<i32>} : memref<32x256xf32, #tpu.memory_space<vmem>>, vector<1x16xf32>,
      %add3A_1065 = arith.constant 1 : i32
      %add3A_1066 = arith.addi %mul3A_785, %add3A_1065 : i32
      %add3A_1067 = arith.constant 3 : i32
      %add3A_1068 = arith.addi %add3A_1066, %add3A_1067 : i32
      %mul3A_1069 = arith.constant 128 : i32
      %mul3A_1070 = arith.muli %add3A_1068, %mul3A_1069 : i32
      %dma_start3A_1071 = arith.constant 1 : i32
      %dma_start3A_1072 = arith.constant 0 : i32
      %dma_start3A_1073 = arith.constant 0 : i32
      %dma_start3A_1074 = tpu.memref_slice %arg6[%dma_start3A_1071, %dma_start3A_1072, %dma_start3A_1073] : memref<3x128x256xf32, #tpu.memory_space<vmem>> -> memref<1x128x256xf32, #tpu.memory_space<vmem>>
      %dma_start3A_1075 = tpu.memref_squeeze %dma_start3A_1074 : memref<1x128x256xf32, #tpu.memory_space<vmem>> -> memref<128x256xf32, #tpu.memory_space<vmem>>
      %dma_start3A_1076 = tpu.memref_slice %arg5[%mul3A_1070] : memref<4096xi32, #tpu.memory_space<vmem>> -> memref<128xi32, #tpu.memory_space<vmem>>
      %dma_start3A_1077 = arith.constant 0 : i32
      %dma_start3A_1078 = arith.constant 0 : i32
      %dma_start3A_1079 = tpu.memref_slice %arg2[%dma_start3A_1077, %dma_start3A_1078] : memref<50000x256xf32, #tpu.memory_space<hbm>> -> memref<50000x256xf32, #tpu.memory_space<hbm>>
      tpu.enqueue_indirect_dma source(%dma_start3A_1079 : memref<50000x256xf32, #tpu.memory_space<hbm>>) target(%dma_start3A_1075 : memref<128x256xf32, #tpu.memory_space<vmem>>) offsets(%dma_start3A_1076 : memref<128xi32, #tpu.memory_space<vmem>>) semaphore(%arg9 : memref<!tpu.dma_semaphore, #tpu.memory_space<semaphore_mem>>)
      %add3A_1080 = arith.constant 2 : i32
      %add3A_1081 = arith.addi %mul3A_785, %add3A_1080 : i32
      %mul3A_1082 = arith.constant 128 : i32
      %mul3A_1083 = arith.muli %add3A_1081, %mul3A_1082 : i32
      %dma_wait3A_1084 = arith.constant 2 : i32
      %dma_wait3A_1085 = arith.constant 0 : i32
      %dma_wait3A_1086 = arith.constant 0 : i32
      %dma_wait3A_1087 = tpu.memref_slice %arg6[%dma_wait3A_1084, %dma_wait3A_1085, %dma_wait3A_1086] : memref<3x128x256xf32, #tpu.memory_space<vmem>> -> memref<1x128x256xf32, #tpu.memory_space<vmem>>
      %dma_wait3A_1088 = tpu.memref_squeeze %dma_wait3A_1087 : memref<1x128x256xf32, #tpu.memory_space<vmem>> -> memref<128x256xf32, #tpu.memory_space<vmem>>
      %dma_wait3A_1089 = tpu.memref_slice %arg5[%mul3A_1083] : memref<4096xi32, #tpu.memory_space<vmem>> -> memref<128xi32, #tpu.memory_space<vmem>>
      %dma_wait3A_1090 = arith.constant 0 : i32
      %dma_wait3A_1091 = arith.constant 0 : i32
      %dma_wait3A_1092 = tpu.memref_slice %arg2[%dma_wait3A_1090, %dma_wait3A_1091] : memref<50000x256xf32, #tpu.memory_space<hbm>> -> memref<50000x256xf32, #tpu.memory_space<hbm>>
      tpu.wait_indirect_dma semaphore(%arg10 : memref<!tpu.dma_semaphore, #tpu.memory_space<semaphore_mem>>) src(%dma_wait3A_1092 : memref<50000x256xf32, #tpu.memory_space<hbm>>) dst(%dma_wait3A_1088 : memref<128x256xf32, #tpu.memory_space<vmem>>)
      %broadcast_in_dim3A_1093 = arith.constant 0.000000e+00 : f32
      %broadcast_in_dim3A_1094 = vector.broadcast %broadcast_in_dim3A_1093 : f32 to vector<16xf32>
      %broadcast_in_dim3A_1095 = arith.constant 0.000000e+00 : f32
      %broadcast_in_dim3A_1096 = vector.broadcast %broadcast_in_dim3A_1095 : f32 to vector<16xf32>
      %broadcast_in_dim3A_1097 = arith.constant 0.000000e+00 : f32
      %broadcast_in_dim3A_1098 = vector.broadcast %broadcast_in_dim3A_1097 : f32 to vector<16xf32>
      %broadcast_in_dim3A_1099 = arith.constant 0.000000e+00 : f32
      %broadcast_in_dim3A_1100 = vector.broadcast %broadcast_in_dim3A_1099 : f32 to vector<16xf32>
      %broadcast_in_dim3A_1101 = arith.constant 0.000000e+00 : f32
      %broadcast_in_dim3A_1102 = vector.broadcast %broadcast_in_dim3A_1101 : f32 to vector<16xf32>
      %broadcast_in_dim3A_1103 = arith.constant 0.000000e+00 : f32
      %broadcast_in_dim3A_1104 = vector.broadcast %broadcast_in_dim3A_1103 : f32 to vector<16xf32>
      %broadcast_in_dim3A_1105 = arith.constant 0.000000e+00 : f32
      %broadcast_in_dim3A_1106 = vector.broadcast %broadcast_in_dim3A_1105 : f32 to vector<16xf32>
      %broadcast_in_dim3A_1107 = arith.constant 0.000000e+00 : f32
      %broadcast_in_dim3A_1108 = vector.broadcast %broadcast_in_dim3A_1107 : f32 to vector<16xf32>
      %broadcast_in_dim3A_1109 = arith.constant 0.000000e+00 : f32
      %broadcast_in_dim3A_1110 = vector.broadcast %broadcast_in_dim3A_1109 : f32 to vector<16xf32>
      %broadcast_in_dim3A_1111 = arith.constant 0.000000e+00 : f32
      %broadcast_in_dim3A_1112 = vector.broadcast %broadcast_in_dim3A_1111 : f32 to vector<16xf32>
      %broadcast_in_dim3A_1113 = arith.constant 0.000000e+00 : f32
      %broadcast_in_dim3A_1114 = vector.broadcast %broadcast_in_dim3A_1113 : f32 to vector<16xf32>
      %broadcast_in_dim3A_1115 = arith.constant 0.000000e+00 : f32
      %broadcast_in_dim3A_1116 = vector.broadcast %broadcast_in_dim3A_1115 : f32 to vector<16xf32>
      %broadcast_in_dim3A_1117 = arith.constant 0.000000e+00 : f32
      %broadcast_in_dim3A_1118 = vector.broadcast %broadcast_in_dim3A_1117 : f32 to vector<16xf32>
      %broadcast_in_dim3A_1119 = arith.constant 0.000000e+00 : f32
      %broadcast_in_dim3A_1120 = vector.broadcast %broadcast_in_dim3A_1119 : f32 to vector<16xf32>
      %broadcast_in_dim3A_1121 = arith.constant 0.000000e+00 : f32
      %broadcast_in_dim3A_1122 = vector.broadcast %broadcast_in_dim3A_1121 : f32 to vector<16xf32>
      %broadcast_in_dim3A_1123 = arith.constant 0.000000e+00 : f32
      %broadcast_in_dim3A_1124 = vector.broadcast %broadcast_in_dim3A_1123 : f32 to vector<16xf32>
      %scan3A_1125 = arith.constant 2 : i32
      %scan3A_1126 = arith.constant 0 : i32
      %scan3A_1127 = arith.constant 64 : i32
      %scan3A_1128 = arith.addi %scan3A_1126, %scan3A_1127 : i32
      %scan3A_1129 = arith.constant 1 : i32
      %scan3A_1130:16 = scf.for %scan3A_1228 = %scan3A_1126 to %scan3A_1128 step %scan3A_1129 iter_args(%scan3A_1229 = %broadcast_in_dim3A_1094, %scan3A_1230 = %broadcast_in_dim3A_1096, %scan3A_1231 = %broadcast_in_dim3A_1098, %scan3A_1232 = %broadcast_in_dim3A_1100, %scan3A_1233 = %broadcast_in_dim3A_1102, %scan3A_1234 = %broadcast_in_dim3A_1104, %scan3A_1235 = %broadcast_in_dim3A_1106, %scan3A_1236 = %broadcast_in_dim3A_1108, %scan3A_1237 = %broadcast_in_dim3A_1110, %scan3A_1238 = %broadcast_in_dim3A_1112, %scan3A_1239 = %broadcast_in_dim3A_1114, %scan3A_1240 = %broadcast_in_dim3A_1116, %scan3A_1241 = %broadcast_in_dim3A_1118, %scan3A_1242 = %broadcast_in_dim3A_1120, %scan3A_1243 = %broadcast_in_dim3A_1122, %scan3A_1244 = %broadcast_in_dim3A_1124) -> (vector<16xf32>, vector<16xf32>, vector<16xf32>, vector<16xf32>, vector<16xf32>, vector<16xf32>, vector<16xf32>, vector<16xf32>, vector<16xf32>, vector<16xf32>, vector<16xf32>, vector<16xf32>, vector<16xf32>, vector<16xf32>, vector<16xf32>, vector<16xf32>)  : i32 {
        %mul3A_1245 = arith.constant 2 : i32
        %mul3A_1246 = arith.muli %mul3A_1245, %scan3A_1228 : i32
        %get3A = arith.constant 0 : i32
        %get3A_1247 = arith.constant 0 : i32
        %get3A_1248 = tpu.memref_slice %arg6[%scan3A_1125, %get3A, %get3A_1247] : memref<3x128x256xf32, #tpu.memory_space<vmem>> -> memref<1x128x256xf32, #tpu.memory_space<vmem>>
        %get3A_1249 = tpu.memref_squeeze %get3A_1248 : memref<1x128x256xf32, #tpu.memory_space<vmem>> -> memref<128x256xf32, #tpu.memory_space<vmem>>
        %get3A_1250 = arith.index_cast %mul3A_1246 : i32 to index
        %get3A_1251 = arith.constant 0 : index
        %get3A_1252 = tpu.vector_load %get3A_1249[%get3A_1250, %get3A_1251] {strides = array<i32>} : memref<128x256xf32, #tpu.memory_space<vmem>>, vector<1x16xf32>,
        %get3A_1253 = vector.shape_cast %get3A_1252 : vector<1x16xf32> to vector<16xf32>
        %add3A_1254 = arith.addf %scan3A_1229, %get3A_1253 : vector<16xf32>
        %add3A_1255 = arith.constant 1 : i32
        %add3A_1256 = arith.addi %mul3A_1246, %add3A_1255 : i32
        %get3A_1257 = arith.constant 0 : i32
        %get3A_1258 = arith.constant 0 : i32
        %get3A_1259 = tpu.memref_slice %arg6[%scan3A_1125, %get3A_1257, %get3A_1258] : memref<3x128x256xf32, #tpu.memory_space<vmem>> -> memref<1x128x256xf32, #tpu.memory_space<vmem>>
        %get3A_1260 = tpu.memref_squeeze %get3A_1259 : memref<1x128x256xf32, #tpu.memory_space<vmem>> -> memref<128x256xf32, #tpu.memory_space<vmem>>
        %get3A_1261 = arith.index_cast %add3A_1256 : i32 to index
        %get3A_1262 = arith.constant 0 : index
        %get3A_1263 = tpu.vector_load %get3A_1260[%get3A_1261, %get3A_1262] {strides = array<i32>} : memref<128x256xf32, #tpu.memory_space<vmem>>, vector<1x16xf32>,
        %get3A_1264 = vector.shape_cast %get3A_1263 : vector<1x16xf32> to vector<16xf32>
        %add3A_1265 = arith.addf %add3A_1254, %get3A_1264 : vector<16xf32>
        %get3A_1266 = arith.constant 0 : i32
        %get3A_1267 = arith.constant 0 : i32
        %get3A_1268 = tpu.memref_slice %arg6[%scan3A_1125, %get3A_1266, %get3A_1267] : memref<3x128x256xf32, #tpu.memory_space<vmem>> -> memref<1x128x256xf32, #tpu.memory_space<vmem>>
        %get3A_1269 = tpu.memref_squeeze %get3A_1268 : memref<1x128x256xf32, #tpu.memory_space<vmem>> -> memref<128x256xf32, #tpu.memory_space<vmem>>
        %get3A_1270 = arith.index_cast %mul3A_1246 : i32 to index
        %get3A_1271 = arith.constant 16 : index
        %get3A_1272 = tpu.vector_load %get3A_1269[%get3A_1270, %get3A_1271] {strides = array<i32>} : memref<128x256xf32, #tpu.memory_space<vmem>>, vector<1x16xf32>,
        %get3A_1273 = vector.shape_cast %get3A_1272 : vector<1x16xf32> to vector<16xf32>
        %add3A_1274 = arith.addf %scan3A_1230, %get3A_1273 : vector<16xf32>
        %add3A_1275 = arith.constant 1 : i32
        %add3A_1276 = arith.addi %mul3A_1246, %add3A_1275 : i32
        %get3A_1277 = arith.constant 0 : i32
        %get3A_1278 = arith.constant 0 : i32
        %get3A_1279 = tpu.memref_slice %arg6[%scan3A_1125, %get3A_1277, %get3A_1278] : memref<3x128x256xf32, #tpu.memory_space<vmem>> -> memref<1x128x256xf32, #tpu.memory_space<vmem>>
        %get3A_1280 = tpu.memref_squeeze %get3A_1279 : memref<1x128x256xf32, #tpu.memory_space<vmem>> -> memref<128x256xf32, #tpu.memory_space<vmem>>
        %get3A_1281 = arith.index_cast %add3A_1276 : i32 to index
        %get3A_1282 = arith.constant 16 : index
        %get3A_1283 = tpu.vector_load %get3A_1280[%get3A_1281, %get3A_1282] {strides = array<i32>} : memref<128x256xf32, #tpu.memory_space<vmem>>, vector<1x16xf32>,
        %get3A_1284 = vector.shape_cast %get3A_1283 : vector<1x16xf32> to vector<16xf32>
        %add3A_1285 = arith.addf %add3A_1274, %get3A_1284 : vector<16xf32>
        %get3A_1286 = arith.constant 0 : i32
        %get3A_1287 = arith.constant 0 : i32
        %get3A_1288 = tpu.memref_slice %arg6[%scan3A_1125, %get3A_1286, %get3A_1287] : memref<3x128x256xf32, #tpu.memory_space<vmem>> -> memref<1x128x256xf32, #tpu.memory_space<vmem>>
        %get3A_1289 = tpu.memref_squeeze %get3A_1288 : memref<1x128x256xf32, #tpu.memory_space<vmem>> -> memref<128x256xf32, #tpu.memory_space<vmem>>
        %get3A_1290 = arith.index_cast %mul3A_1246 : i32 to index
        %get3A_1291 = arith.constant 32 : index
        %get3A_1292 = tpu.vector_load %get3A_1289[%get3A_1290, %get3A_1291] {strides = array<i32>} : memref<128x256xf32, #tpu.memory_space<vmem>>, vector<1x16xf32>,
        %get3A_1293 = vector.shape_cast %get3A_1292 : vector<1x16xf32> to vector<16xf32>
        %add3A_1294 = arith.addf %scan3A_1231, %get3A_1293 : vector<16xf32>
        %add3A_1295 = arith.constant 1 : i32
        %add3A_1296 = arith.addi %mul3A_1246, %add3A_1295 : i32
        %get3A_1297 = arith.constant 0 : i32
        %get3A_1298 = arith.constant 0 : i32
        %get3A_1299 = tpu.memref_slice %arg6[%scan3A_1125, %get3A_1297, %get3A_1298] : memref<3x128x256xf32, #tpu.memory_space<vmem>> -> memref<1x128x256xf32, #tpu.memory_space<vmem>>
        %get3A_1300 = tpu.memref_squeeze %get3A_1299 : memref<1x128x256xf32, #tpu.memory_space<vmem>> -> memref<128x256xf32, #tpu.memory_space<vmem>>
        %get3A_1301 = arith.index_cast %add3A_1296 : i32 to index
        %get3A_1302 = arith.constant 32 : index
        %get3A_1303 = tpu.vector_load %get3A_1300[%get3A_1301, %get3A_1302] {strides = array<i32>} : memref<128x256xf32, #tpu.memory_space<vmem>>, vector<1x16xf32>,
        %get3A_1304 = vector.shape_cast %get3A_1303 : vector<1x16xf32> to vector<16xf32>
        %add3A_1305 = arith.addf %add3A_1294, %get3A_1304 : vector<16xf32>
        %get3A_1306 = arith.constant 0 : i32
        %get3A_1307 = arith.constant 0 : i32
        %get3A_1308 = tpu.memref_slice %arg6[%scan3A_1125, %get3A_1306, %get3A_1307] : memref<3x128x256xf32, #tpu.memory_space<vmem>> -> memref<1x128x256xf32, #tpu.memory_space<vmem>>
        %get3A_1309 = tpu.memref_squeeze %get3A_1308 : memref<1x128x256xf32, #tpu.memory_space<vmem>> -> memref<128x256xf32, #tpu.memory_space<vmem>>
        %get3A_1310 = arith.index_cast %mul3A_1246 : i32 to index
        %get3A_1311 = arith.constant 48 : index
        %get3A_1312 = tpu.vector_load %get3A_1309[%get3A_1310, %get3A_1311] {strides = array<i32>} : memref<128x256xf32, #tpu.memory_space<vmem>>, vector<1x16xf32>,
        %get3A_1313 = vector.shape_cast %get3A_1312 : vector<1x16xf32> to vector<16xf32>
        %add3A_1314 = arith.addf %scan3A_1232, %get3A_1313 : vector<16xf32>
        %add3A_1315 = arith.constant 1 : i32
        %add3A_1316 = arith.addi %mul3A_1246, %add3A_1315 : i32
        %get3A_1317 = arith.constant 0 : i32
        %get3A_1318 = arith.constant 0 : i32
        %get3A_1319 = tpu.memref_slice %arg6[%scan3A_1125, %get3A_1317, %get3A_1318] : memref<3x128x256xf32, #tpu.memory_space<vmem>> -> memref<1x128x256xf32, #tpu.memory_space<vmem>>
        %get3A_1320 = tpu.memref_squeeze %get3A_1319 : memref<1x128x256xf32, #tpu.memory_space<vmem>> -> memref<128x256xf32, #tpu.memory_space<vmem>>
        %get3A_1321 = arith.index_cast %add3A_1316 : i32 to index
        %get3A_1322 = arith.constant 48 : index
        %get3A_1323 = tpu.vector_load %get3A_1320[%get3A_1321, %get3A_1322] {strides = array<i32>} : memref<128x256xf32, #tpu.memory_space<vmem>>, vector<1x16xf32>,
        %get3A_1324 = vector.shape_cast %get3A_1323 : vector<1x16xf32> to vector<16xf32>
        %add3A_1325 = arith.addf %add3A_1314, %get3A_1324 : vector<16xf32>
        %get3A_1326 = arith.constant 0 : i32
        %get3A_1327 = arith.constant 0 : i32
        %get3A_1328 = tpu.memref_slice %arg6[%scan3A_1125, %get3A_1326, %get3A_1327] : memref<3x128x256xf32, #tpu.memory_space<vmem>> -> memref<1x128x256xf32, #tpu.memory_space<vmem>>
        %get3A_1329 = tpu.memref_squeeze %get3A_1328 : memref<1x128x256xf32, #tpu.memory_space<vmem>> -> memref<128x256xf32, #tpu.memory_space<vmem>>
        %get3A_1330 = arith.index_cast %mul3A_1246 : i32 to index
        %get3A_1331 = arith.constant 64 : index
        %get3A_1332 = tpu.vector_load %get3A_1329[%get3A_1330, %get3A_1331] {strides = array<i32>} : memref<128x256xf32, #tpu.memory_space<vmem>>, vector<1x16xf32>,
        %get3A_1333 = vector.shape_cast %get3A_1332 : vector<1x16xf32> to vector<16xf32>
        %add3A_1334 = arith.addf %scan3A_1233, %get3A_1333 : vector<16xf32>
        %add3A_1335 = arith.constant 1 : i32
        %add3A_1336 = arith.addi %mul3A_1246, %add3A_1335 : i32
        %get3A_1337 = arith.constant 0 : i32
        %get3A_1338 = arith.constant 0 : i32
        %get3A_1339 = tpu.memref_slice %arg6[%scan3A_1125, %get3A_1337, %get3A_1338] : memref<3x128x256xf32, #tpu.memory_space<vmem>> -> memref<1x128x256xf32, #tpu.memory_space<vmem>>
        %get3A_1340 = tpu.memref_squeeze %get3A_1339 : memref<1x128x256xf32, #tpu.memory_space<vmem>> -> memref<128x256xf32, #tpu.memory_space<vmem>>
        %get3A_1341 = arith.index_cast %add3A_1336 : i32 to index
        %get3A_1342 = arith.constant 64 : index
        %get3A_1343 = tpu.vector_load %get3A_1340[%get3A_1341, %get3A_1342] {strides = array<i32>} : memref<128x256xf32, #tpu.memory_space<vmem>>, vector<1x16xf32>,
        %get3A_1344 = vector.shape_cast %get3A_1343 : vector<1x16xf32> to vector<16xf32>
        %add3A_1345 = arith.addf %add3A_1334, %get3A_1344 : vector<16xf32>
        %get3A_1346 = arith.constant 0 : i32
        %get3A_1347 = arith.constant 0 : i32
        %get3A_1348 = tpu.memref_slice %arg6[%scan3A_1125, %get3A_1346, %get3A_1347] : memref<3x128x256xf32, #tpu.memory_space<vmem>> -> memref<1x128x256xf32, #tpu.memory_space<vmem>>
        %get3A_1349 = tpu.memref_squeeze %get3A_1348 : memref<1x128x256xf32, #tpu.memory_space<vmem>> -> memref<128x256xf32, #tpu.memory_space<vmem>>
        %get3A_1350 = arith.index_cast %mul3A_1246 : i32 to index
        %get3A_1351 = arith.constant 80 : index
        %get3A_1352 = tpu.vector_load %get3A_1349[%get3A_1350, %get3A_1351] {strides = array<i32>} : memref<128x256xf32, #tpu.memory_space<vmem>>, vector<1x16xf32>,
        %get3A_1353 = vector.shape_cast %get3A_1352 : vector<1x16xf32> to vector<16xf32>
        %add3A_1354 = arith.addf %scan3A_1234, %get3A_1353 : vector<16xf32>
        %add3A_1355 = arith.constant 1 : i32
        %add3A_1356 = arith.addi %mul3A_1246, %add3A_1355 : i32
        %get3A_1357 = arith.constant 0 : i32
        %get3A_1358 = arith.constant 0 : i32
        %get3A_1359 = tpu.memref_slice %arg6[%scan3A_1125, %get3A_1357, %get3A_1358] : memref<3x128x256xf32, #tpu.memory_space<vmem>> -> memref<1x128x256xf32, #tpu.memory_space<vmem>>
        %get3A_1360 = tpu.memref_squeeze %get3A_1359 : memref<1x128x256xf32, #tpu.memory_space<vmem>> -> memref<128x256xf32, #tpu.memory_space<vmem>>
        %get3A_1361 = arith.index_cast %add3A_1356 : i32 to index
        %get3A_1362 = arith.constant 80 : index
        %get3A_1363 = tpu.vector_load %get3A_1360[%get3A_1361, %get3A_1362] {strides = array<i32>} : memref<128x256xf32, #tpu.memory_space<vmem>>, vector<1x16xf32>,
        %get3A_1364 = vector.shape_cast %get3A_1363 : vector<1x16xf32> to vector<16xf32>
        %add3A_1365 = arith.addf %add3A_1354, %get3A_1364 : vector<16xf32>
        %get3A_1366 = arith.constant 0 : i32
        %get3A_1367 = arith.constant 0 : i32
        %get3A_1368 = tpu.memref_slice %arg6[%scan3A_1125, %get3A_1366, %get3A_1367] : memref<3x128x256xf32, #tpu.memory_space<vmem>> -> memref<1x128x256xf32, #tpu.memory_space<vmem>>
        %get3A_1369 = tpu.memref_squeeze %get3A_1368 : memref<1x128x256xf32, #tpu.memory_space<vmem>> -> memref<128x256xf32, #tpu.memory_space<vmem>>
        %get3A_1370 = arith.index_cast %mul3A_1246 : i32 to index
        %get3A_1371 = arith.constant 96 : index
        %get3A_1372 = tpu.vector_load %get3A_1369[%get3A_1370, %get3A_1371] {strides = array<i32>} : memref<128x256xf32, #tpu.memory_space<vmem>>, vector<1x16xf32>,
        %get3A_1373 = vector.shape_cast %get3A_1372 : vector<1x16xf32> to vector<16xf32>
        %add3A_1374 = arith.addf %scan3A_1235, %get3A_1373 : vector<16xf32>
        %add3A_1375 = arith.constant 1 : i32
        %add3A_1376 = arith.addi %mul3A_1246, %add3A_1375 : i32
        %get3A_1377 = arith.constant 0 : i32
        %get3A_1378 = arith.constant 0 : i32
        %get3A_1379 = tpu.memref_slice %arg6[%scan3A_1125, %get3A_1377, %get3A_1378] : memref<3x128x256xf32, #tpu.memory_space<vmem>> -> memref<1x128x256xf32, #tpu.memory_space<vmem>>
        %get3A_1380 = tpu.memref_squeeze %get3A_1379 : memref<1x128x256xf32, #tpu.memory_space<vmem>> -> memref<128x256xf32, #tpu.memory_space<vmem>>
        %get3A_1381 = arith.index_cast %add3A_1376 : i32 to index
        %get3A_1382 = arith.constant 96 : index
        %get3A_1383 = tpu.vector_load %get3A_1380[%get3A_1381, %get3A_1382] {strides = array<i32>} : memref<128x256xf32, #tpu.memory_space<vmem>>, vector<1x16xf32>,
        %get3A_1384 = vector.shape_cast %get3A_1383 : vector<1x16xf32> to vector<16xf32>
        %add3A_1385 = arith.addf %add3A_1374, %get3A_1384 : vector<16xf32>
        %get3A_1386 = arith.constant 0 : i32
        %get3A_1387 = arith.constant 0 : i32
        %get3A_1388 = tpu.memref_slice %arg6[%scan3A_1125, %get3A_1386, %get3A_1387] : memref<3x128x256xf32, #tpu.memory_space<vmem>> -> memref<1x128x256xf32, #tpu.memory_space<vmem>>
        %get3A_1389 = tpu.memref_squeeze %get3A_1388 : memref<1x128x256xf32, #tpu.memory_space<vmem>> -> memref<128x256xf32, #tpu.memory_space<vmem>>
        %get3A_1390 = arith.index_cast %mul3A_1246 : i32 to index
        %get3A_1391 = arith.constant 112 : index
        %get3A_1392 = tpu.vector_load %get3A_1389[%get3A_1390, %get3A_1391] {strides = array<i32>} : memref<128x256xf32, #tpu.memory_space<vmem>>, vector<1x16xf32>,
        %get3A_1393 = vector.shape_cast %get3A_1392 : vector<1x16xf32> to vector<16xf32>
        %add3A_1394 = arith.addf %scan3A_1236, %get3A_1393 : vector<16xf32>
        %add3A_1395 = arith.constant 1 : i32
        %add3A_1396 = arith.addi %mul3A_1246, %add3A_1395 : i32
        %get3A_1397 = arith.constant 0 : i32
        %get3A_1398 = arith.constant 0 : i32
        %get3A_1399 = tpu.memref_slice %arg6[%scan3A_1125, %get3A_1397, %get3A_1398] : memref<3x128x256xf32, #tpu.memory_space<vmem>> -> memref<1x128x256xf32, #tpu.memory_space<vmem>>
        %get3A_1400 = tpu.memref_squeeze %get3A_1399 : memref<1x128x256xf32, #tpu.memory_space<vmem>> -> memref<128x256xf32, #tpu.memory_space<vmem>>
        %get3A_1401 = arith.index_cast %add3A_1396 : i32 to index
        %get3A_1402 = arith.constant 112 : index
        %get3A_1403 = tpu.vector_load %get3A_1400[%get3A_1401, %get3A_1402] {strides = array<i32>} : memref<128x256xf32, #tpu.memory_space<vmem>>, vector<1x16xf32>,
        %get3A_1404 = vector.shape_cast %get3A_1403 : vector<1x16xf32> to vector<16xf32>
        %add3A_1405 = arith.addf %add3A_1394, %get3A_1404 : vector<16xf32>
        %get3A_1406 = arith.constant 0 : i32
        %get3A_1407 = arith.constant 0 : i32
        %get3A_1408 = tpu.memref_slice %arg6[%scan3A_1125, %get3A_1406, %get3A_1407] : memref<3x128x256xf32, #tpu.memory_space<vmem>> -> memref<1x128x256xf32, #tpu.memory_space<vmem>>
        %get3A_1409 = tpu.memref_squeeze %get3A_1408 : memref<1x128x256xf32, #tpu.memory_space<vmem>> -> memref<128x256xf32, #tpu.memory_space<vmem>>
        %get3A_1410 = arith.index_cast %mul3A_1246 : i32 to index
        %get3A_1411 = arith.constant 128 : index
        %get3A_1412 = tpu.vector_load %get3A_1409[%get3A_1410, %get3A_1411] {strides = array<i32>} : memref<128x256xf32, #tpu.memory_space<vmem>>, vector<1x16xf32>,
        %get3A_1413 = vector.shape_cast %get3A_1412 : vector<1x16xf32> to vector<16xf32>
        %add3A_1414 = arith.addf %scan3A_1237, %get3A_1413 : vector<16xf32>
        %add3A_1415 = arith.constant 1 : i32
        %add3A_1416 = arith.addi %mul3A_1246, %add3A_1415 : i32
        %get3A_1417 = arith.constant 0 : i32
        %get3A_1418 = arith.constant 0 : i32
        %get3A_1419 = tpu.memref_slice %arg6[%scan3A_1125, %get3A_1417, %get3A_1418] : memref<3x128x256xf32, #tpu.memory_space<vmem>> -> memref<1x128x256xf32, #tpu.memory_space<vmem>>
        %get3A_1420 = tpu.memref_squeeze %get3A_1419 : memref<1x128x256xf32, #tpu.memory_space<vmem>> -> memref<128x256xf32, #tpu.memory_space<vmem>>
        %get3A_1421 = arith.index_cast %add3A_1416 : i32 to index
        %get3A_1422 = arith.constant 128 : index
        %get3A_1423 = tpu.vector_load %get3A_1420[%get3A_1421, %get3A_1422] {strides = array<i32>} : memref<128x256xf32, #tpu.memory_space<vmem>>, vector<1x16xf32>,
        %get3A_1424 = vector.shape_cast %get3A_1423 : vector<1x16xf32> to vector<16xf32>
        %add3A_1425 = arith.addf %add3A_1414, %get3A_1424 : vector<16xf32>
        %get3A_1426 = arith.constant 0 : i32
        %get3A_1427 = arith.constant 0 : i32
        %get3A_1428 = tpu.memref_slice %arg6[%scan3A_1125, %get3A_1426, %get3A_1427] : memref<3x128x256xf32, #tpu.memory_space<vmem>> -> memref<1x128x256xf32, #tpu.memory_space<vmem>>
        %get3A_1429 = tpu.memref_squeeze %get3A_1428 : memref<1x128x256xf32, #tpu.memory_space<vmem>> -> memref<128x256xf32, #tpu.memory_space<vmem>>
        %get3A_1430 = arith.index_cast %mul3A_1246 : i32 to index
        %get3A_1431 = arith.constant 144 : index
        %get3A_1432 = tpu.vector_load %get3A_1429[%get3A_1430, %get3A_1431] {strides = array<i32>} : memref<128x256xf32, #tpu.memory_space<vmem>>, vector<1x16xf32>,
        %get3A_1433 = vector.shape_cast %get3A_1432 : vector<1x16xf32> to vector<16xf32>
        %add3A_1434 = arith.addf %scan3A_1238, %get3A_1433 : vector<16xf32>
        %add3A_1435 = arith.constant 1 : i32
        %add3A_1436 = arith.addi %mul3A_1246, %add3A_1435 : i32
        %get3A_1437 = arith.constant 0 : i32
        %get3A_1438 = arith.constant 0 : i32
        %get3A_1439 = tpu.memref_slice %arg6[%scan3A_1125, %get3A_1437, %get3A_1438] : memref<3x128x256xf32, #tpu.memory_space<vmem>> -> memref<1x128x256xf32, #tpu.memory_space<vmem>>
        %get3A_1440 = tpu.memref_squeeze %get3A_1439 : memref<1x128x256xf32, #tpu.memory_space<vmem>> -> memref<128x256xf32, #tpu.memory_space<vmem>>
        %get3A_1441 = arith.index_cast %add3A_1436 : i32 to index
        %get3A_1442 = arith.constant 144 : index
        %get3A_1443 = tpu.vector_load %get3A_1440[%get3A_1441, %get3A_1442] {strides = array<i32>} : memref<128x256xf32, #tpu.memory_space<vmem>>, vector<1x16xf32>,
        %get3A_1444 = vector.shape_cast %get3A_1443 : vector<1x16xf32> to vector<16xf32>
        %add3A_1445 = arith.addf %add3A_1434, %get3A_1444 : vector<16xf32>
        %get3A_1446 = arith.constant 0 : i32
        %get3A_1447 = arith.constant 0 : i32
        %get3A_1448 = tpu.memref_slice %arg6[%scan3A_1125, %get3A_1446, %get3A_1447] : memref<3x128x256xf32, #tpu.memory_space<vmem>> -> memref<1x128x256xf32, #tpu.memory_space<vmem>>
        %get3A_1449 = tpu.memref_squeeze %get3A_1448 : memref<1x128x256xf32, #tpu.memory_space<vmem>> -> memref<128x256xf32, #tpu.memory_space<vmem>>
        %get3A_1450 = arith.index_cast %mul3A_1246 : i32 to index
        %get3A_1451 = arith.constant 160 : index
        %get3A_1452 = tpu.vector_load %get3A_1449[%get3A_1450, %get3A_1451] {strides = array<i32>} : memref<128x256xf32, #tpu.memory_space<vmem>>, vector<1x16xf32>,
        %get3A_1453 = vector.shape_cast %get3A_1452 : vector<1x16xf32> to vector<16xf32>
        %add3A_1454 = arith.addf %scan3A_1239, %get3A_1453 : vector<16xf32>
        %add3A_1455 = arith.constant 1 : i32
        %add3A_1456 = arith.addi %mul3A_1246, %add3A_1455 : i32
        %get3A_1457 = arith.constant 0 : i32
        %get3A_1458 = arith.constant 0 : i32
        %get3A_1459 = tpu.memref_slice %arg6[%scan3A_1125, %get3A_1457, %get3A_1458] : memref<3x128x256xf32, #tpu.memory_space<vmem>> -> memref<1x128x256xf32, #tpu.memory_space<vmem>>
        %get3A_1460 = tpu.memref_squeeze %get3A_1459 : memref<1x128x256xf32, #tpu.memory_space<vmem>> -> memref<128x256xf32, #tpu.memory_space<vmem>>
        %get3A_1461 = arith.index_cast %add3A_1456 : i32 to index
        %get3A_1462 = arith.constant 160 : index
        %get3A_1463 = tpu.vector_load %get3A_1460[%get3A_1461, %get3A_1462] {strides = array<i32>} : memref<128x256xf32, #tpu.memory_space<vmem>>, vector<1x16xf32>,
        %get3A_1464 = vector.shape_cast %get3A_1463 : vector<1x16xf32> to vector<16xf32>
        %add3A_1465 = arith.addf %add3A_1454, %get3A_1464 : vector<16xf32>
        %get3A_1466 = arith.constant 0 : i32
        %get3A_1467 = arith.constant 0 : i32
        %get3A_1468 = tpu.memref_slice %arg6[%scan3A_1125, %get3A_1466, %get3A_1467] : memref<3x128x256xf32, #tpu.memory_space<vmem>> -> memref<1x128x256xf32, #tpu.memory_space<vmem>>
        %get3A_1469 = tpu.memref_squeeze %get3A_1468 : memref<1x128x256xf32, #tpu.memory_space<vmem>> -> memref<128x256xf32, #tpu.memory_space<vmem>>
        %get3A_1470 = arith.index_cast %mul3A_1246 : i32 to index
        %get3A_1471 = arith.constant 176 : index
        %get3A_1472 = tpu.vector_load %get3A_1469[%get3A_1470, %get3A_1471] {strides = array<i32>} : memref<128x256xf32, #tpu.memory_space<vmem>>, vector<1x16xf32>,
        %get3A_1473 = vector.shape_cast %get3A_1472 : vector<1x16xf32> to vector<16xf32>
        %add3A_1474 = arith.addf %scan3A_1240, %get3A_1473 : vector<16xf32>
        %add3A_1475 = arith.constant 1 : i32
        %add3A_1476 = arith.addi %mul3A_1246, %add3A_1475 : i32
        %get3A_1477 = arith.constant 0 : i32
        %get3A_1478 = arith.constant 0 : i32
        %get3A_1479 = tpu.memref_slice %arg6[%scan3A_1125, %get3A_1477, %get3A_1478] : memref<3x128x256xf32, #tpu.memory_space<vmem>> -> memref<1x128x256xf32, #tpu.memory_space<vmem>>
        %get3A_1480 = tpu.memref_squeeze %get3A_1479 : memref<1x128x256xf32, #tpu.memory_space<vmem>> -> memref<128x256xf32, #tpu.memory_space<vmem>>
        %get3A_1481 = arith.index_cast %add3A_1476 : i32 to index
        %get3A_1482 = arith.constant 176 : index
        %get3A_1483 = tpu.vector_load %get3A_1480[%get3A_1481, %get3A_1482] {strides = array<i32>} : memref<128x256xf32, #tpu.memory_space<vmem>>, vector<1x16xf32>,
        %get3A_1484 = vector.shape_cast %get3A_1483 : vector<1x16xf32> to vector<16xf32>
        %add3A_1485 = arith.addf %add3A_1474, %get3A_1484 : vector<16xf32>
        %get3A_1486 = arith.constant 0 : i32
        %get3A_1487 = arith.constant 0 : i32
        %get3A_1488 = tpu.memref_slice %arg6[%scan3A_1125, %get3A_1486, %get3A_1487] : memref<3x128x256xf32, #tpu.memory_space<vmem>> -> memref<1x128x256xf32, #tpu.memory_space<vmem>>
        %get3A_1489 = tpu.memref_squeeze %get3A_1488 : memref<1x128x256xf32, #tpu.memory_space<vmem>> -> memref<128x256xf32, #tpu.memory_space<vmem>>
        %get3A_1490 = arith.index_cast %mul3A_1246 : i32 to index
        %get3A_1491 = arith.constant 192 : index
        %get3A_1492 = tpu.vector_load %get3A_1489[%get3A_1490, %get3A_1491] {strides = array<i32>} : memref<128x256xf32, #tpu.memory_space<vmem>>, vector<1x16xf32>,
        %get3A_1493 = vector.shape_cast %get3A_1492 : vector<1x16xf32> to vector<16xf32>
        %add3A_1494 = arith.addf %scan3A_1241, %get3A_1493 : vector<16xf32>
        %add3A_1495 = arith.constant 1 : i32
        %add3A_1496 = arith.addi %mul3A_1246, %add3A_1495 : i32
        %get3A_1497 = arith.constant 0 : i32
        %get3A_1498 = arith.constant 0 : i32
        %get3A_1499 = tpu.memref_slice %arg6[%scan3A_1125, %get3A_1497, %get3A_1498] : memref<3x128x256xf32, #tpu.memory_space<vmem>> -> memref<1x128x256xf32, #tpu.memory_space<vmem>>
        %get3A_1500 = tpu.memref_squeeze %get3A_1499 : memref<1x128x256xf32, #tpu.memory_space<vmem>> -> memref<128x256xf32, #tpu.memory_space<vmem>>
        %get3A_1501 = arith.index_cast %add3A_1496 : i32 to index
        %get3A_1502 = arith.constant 192 : index
        %get3A_1503 = tpu.vector_load %get3A_1500[%get3A_1501, %get3A_1502] {strides = array<i32>} : memref<128x256xf32, #tpu.memory_space<vmem>>, vector<1x16xf32>,
        %get3A_1504 = vector.shape_cast %get3A_1503 : vector<1x16xf32> to vector<16xf32>
        %add3A_1505 = arith.addf %add3A_1494, %get3A_1504 : vector<16xf32>
        %get3A_1506 = arith.constant 0 : i32
        %get3A_1507 = arith.constant 0 : i32
        %get3A_1508 = tpu.memref_slice %arg6[%scan3A_1125, %get3A_1506, %get3A_1507] : memref<3x128x256xf32, #tpu.memory_space<vmem>> -> memref<1x128x256xf32, #tpu.memory_space<vmem>>
        %get3A_1509 = tpu.memref_squeeze %get3A_1508 : memref<1x128x256xf32, #tpu.memory_space<vmem>> -> memref<128x256xf32, #tpu.memory_space<vmem>>
        %get3A_1510 = arith.index_cast %mul3A_1246 : i32 to index
        %get3A_1511 = arith.constant 208 : index
        %get3A_1512 = tpu.vector_load %get3A_1509[%get3A_1510, %get3A_1511] {strides = array<i32>} : memref<128x256xf32, #tpu.memory_space<vmem>>, vector<1x16xf32>,
        %get3A_1513 = vector.shape_cast %get3A_1512 : vector<1x16xf32> to vector<16xf32>
        %add3A_1514 = arith.addf %scan3A_1242, %get3A_1513 : vector<16xf32>
        %add3A_1515 = arith.constant 1 : i32
        %add3A_1516 = arith.addi %mul3A_1246, %add3A_1515 : i32
        %get3A_1517 = arith.constant 0 : i32
        %get3A_1518 = arith.constant 0 : i32
        %get3A_1519 = tpu.memref_slice %arg6[%scan3A_1125, %get3A_1517, %get3A_1518] : memref<3x128x256xf32, #tpu.memory_space<vmem>> -> memref<1x128x256xf32, #tpu.memory_space<vmem>>
        %get3A_1520 = tpu.memref_squeeze %get3A_1519 : memref<1x128x256xf32, #tpu.memory_space<vmem>> -> memref<128x256xf32, #tpu.memory_space<vmem>>
        %get3A_1521 = arith.index_cast %add3A_1516 : i32 to index
        %get3A_1522 = arith.constant 208 : index
        %get3A_1523 = tpu.vector_load %get3A_1520[%get3A_1521, %get3A_1522] {strides = array<i32>} : memref<128x256xf32, #tpu.memory_space<vmem>>, vector<1x16xf32>,
        %get3A_1524 = vector.shape_cast %get3A_1523 : vector<1x16xf32> to vector<16xf32>
        %add3A_1525 = arith.addf %add3A_1514, %get3A_1524 : vector<16xf32>
        %get3A_1526 = arith.constant 0 : i32
        %get3A_1527 = arith.constant 0 : i32
        %get3A_1528 = tpu.memref_slice %arg6[%scan3A_1125, %get3A_1526, %get3A_1527] : memref<3x128x256xf32, #tpu.memory_space<vmem>> -> memref<1x128x256xf32, #tpu.memory_space<vmem>>
        %get3A_1529 = tpu.memref_squeeze %get3A_1528 : memref<1x128x256xf32, #tpu.memory_space<vmem>> -> memref<128x256xf32, #tpu.memory_space<vmem>>
        %get3A_1530 = arith.index_cast %mul3A_1246 : i32 to index
        %get3A_1531 = arith.constant 224 : index
        %get3A_1532 = tpu.vector_load %get3A_1529[%get3A_1530, %get3A_1531] {strides = array<i32>} : memref<128x256xf32, #tpu.memory_space<vmem>>, vector<1x16xf32>,
        %get3A_1533 = vector.shape_cast %get3A_1532 : vector<1x16xf32> to vector<16xf32>
        %add3A_1534 = arith.addf %scan3A_1243, %get3A_1533 : vector<16xf32>
        %add3A_1535 = arith.constant 1 : i32
        %add3A_1536 = arith.addi %mul3A_1246, %add3A_1535 : i32
        %get3A_1537 = arith.constant 0 : i32
        %get3A_1538 = arith.constant 0 : i32
        %get3A_1539 = tpu.memref_slice %arg6[%scan3A_1125, %get3A_1537, %get3A_1538] : memref<3x128x256xf32, #tpu.memory_space<vmem>> -> memref<1x128x256xf32, #tpu.memory_space<vmem>>
        %get3A_1540 = tpu.memref_squeeze %get3A_1539 : memref<1x128x256xf32, #tpu.memory_space<vmem>> -> memref<128x256xf32, #tpu.memory_space<vmem>>
        %get3A_1541 = arith.index_cast %add3A_1536 : i32 to index
        %get3A_1542 = arith.constant 224 : index
        %get3A_1543 = tpu.vector_load %get3A_1540[%get3A_1541, %get3A_1542] {strides = array<i32>} : memref<128x256xf32, #tpu.memory_space<vmem>>, vector<1x16xf32>,
        %get3A_1544 = vector.shape_cast %get3A_1543 : vector<1x16xf32> to vector<16xf32>
        %add3A_1545 = arith.addf %add3A_1534, %get3A_1544 : vector<16xf32>
        %get3A_1546 = arith.constant 0 : i32
        %get3A_1547 = arith.constant 0 : i32
        %get3A_1548 = tpu.memref_slice %arg6[%scan3A_1125, %get3A_1546, %get3A_1547] : memref<3x128x256xf32, #tpu.memory_space<vmem>> -> memref<1x128x256xf32, #tpu.memory_space<vmem>>
        %get3A_1549 = tpu.memref_squeeze %get3A_1548 : memref<1x128x256xf32, #tpu.memory_space<vmem>> -> memref<128x256xf32, #tpu.memory_space<vmem>>
        %get3A_1550 = arith.index_cast %mul3A_1246 : i32 to index
        %get3A_1551 = arith.constant 240 : index
        %get3A_1552 = tpu.vector_load %get3A_1549[%get3A_1550, %get3A_1551] {strides = array<i32>} : memref<128x256xf32, #tpu.memory_space<vmem>>, vector<1x16xf32>,
        %get3A_1553 = vector.shape_cast %get3A_1552 : vector<1x16xf32> to vector<16xf32>
        %add3A_1554 = arith.addf %scan3A_1244, %get3A_1553 : vector<16xf32>
        %add3A_1555 = arith.constant 1 : i32
        %add3A_1556 = arith.addi %mul3A_1246, %add3A_1555 : i32
        %get3A_1557 = arith.constant 0 : i32
        %get3A_1558 = arith.constant 0 : i32
        %get3A_1559 = tpu.memref_slice %arg6[%scan3A_1125, %get3A_1557, %get3A_1558] : memref<3x128x256xf32, #tpu.memory_space<vmem>> -> memref<1x128x256xf32, #tpu.memory_space<vmem>>
        %get3A_1560 = tpu.memref_squeeze %get3A_1559 : memref<1x128x256xf32, #tpu.memory_space<vmem>> -> memref<128x256xf32, #tpu.memory_space<vmem>>
        %get3A_1561 = arith.index_cast %add3A_1556 : i32 to index
        %get3A_1562 = arith.constant 240 : index
        %get3A_1563 = tpu.vector_load %get3A_1560[%get3A_1561, %get3A_1562] {strides = array<i32>} : memref<128x256xf32, #tpu.memory_space<vmem>>, vector<1x16xf32>,
        %get3A_1564 = vector.shape_cast %get3A_1563 : vector<1x16xf32> to vector<16xf32>
        %add3A_1565 = arith.addf %add3A_1554, %get3A_1564 : vector<16xf32>
        scf.yield %add3A_1265, %add3A_1285, %add3A_1305, %add3A_1325, %add3A_1345, %add3A_1365, %add3A_1385, %add3A_1405, %add3A_1425, %add3A_1445, %add3A_1465, %add3A_1485, %add3A_1505, %add3A_1525, %add3A_1545, %add3A_1565 : vector<16xf32>, vector<16xf32>, vector<16xf32>, vector<16xf32>, vector<16xf32>, vector<16xf32>, vector<16xf32>, vector<16xf32>, vector<16xf32>, vector<16xf32>, vector<16xf32>, vector<16xf32>, vector<16xf32>, vector<16xf32>, vector<16xf32>, vector<16xf32>
      }
      %scan3A_1131 = arith.constant 64 : i32
      %swap3A_1132 = arith.index_cast %add3A_1081 : i32 to index
      %swap3A_1133 = arith.constant 0 : index
      %swap3A_1134 = tpu.vector_load %arg7[%swap3A_1132, %swap3A_1133] {strides = array<i32>} : memref<32x256xf32, #tpu.memory_space<vmem>>, vector<1x16xf32>,
      %swap3A_1135 = vector.shape_cast %swap3A_1134 : vector<1x16xf32> to vector<16xf32>
      %swap3A_1136 = vector.shape_cast %scan3A_1130#0 : vector<16xf32> to vector<1x16xf32>
      tpu.vector_store %arg7[%swap3A_1132, %swap3A_1133], %swap3A_1136 {strides = array<i32>} : memref<32x256xf32, #tpu.memory_space<vmem>>, vector<1x16xf32>,
      %swap3A_1137 = arith.index_cast %add3A_1081 : i32 to index
      %swap3A_1138 = arith.constant 16 : index
      %swap3A_1139 = tpu.vector_load %arg7[%swap3A_1137, %swap3A_1138] {strides = array<i32>} : memref<32x256xf32, #tpu.memory_space<vmem>>, vector<1x16xf32>,
      %swap3A_1140 = vector.shape_cast %swap3A_1139 : vector<1x16xf32> to vector<16xf32>
      %swap3A_1141 = vector.shape_cast %scan3A_1130#1 : vector<16xf32> to vector<1x16xf32>
      tpu.vector_store %arg7[%swap3A_1137, %swap3A_1138], %swap3A_1141 {strides = array<i32>} : memref<32x256xf32, #tpu.memory_space<vmem>>, vector<1x16xf32>,
      %swap3A_1142 = arith.index_cast %add3A_1081 : i32 to index
      %swap3A_1143 = arith.constant 32 : index
      %swap3A_1144 = tpu.vector_load %arg7[%swap3A_1142, %swap3A_1143] {strides = array<i32>} : memref<32x256xf32, #tpu.memory_space<vmem>>, vector<1x16xf32>,
      %swap3A_1145 = vector.shape_cast %swap3A_1144 : vector<1x16xf32> to vector<16xf32>
      %swap3A_1146 = vector.shape_cast %scan3A_1130#2 : vector<16xf32> to vector<1x16xf32>
      tpu.vector_store %arg7[%swap3A_1142, %swap3A_1143], %swap3A_1146 {strides = array<i32>} : memref<32x256xf32, #tpu.memory_space<vmem>>, vector<1x16xf32>,
      %swap3A_1147 = arith.index_cast %add3A_1081 : i32 to index
      %swap3A_1148 = arith.constant 48 : index
      %swap3A_1149 = tpu.vector_load %arg7[%swap3A_1147, %swap3A_1148] {strides = array<i32>} : memref<32x256xf32, #tpu.memory_space<vmem>>, vector<1x16xf32>,
      %swap3A_1150 = vector.shape_cast %swap3A_1149 : vector<1x16xf32> to vector<16xf32>
      %swap3A_1151 = vector.shape_cast %scan3A_1130#3 : vector<16xf32> to vector<1x16xf32>
      tpu.vector_store %arg7[%swap3A_1147, %swap3A_1148], %swap3A_1151 {strides = array<i32>} : memref<32x256xf32, #tpu.memory_space<vmem>>, vector<1x16xf32>,
      %swap3A_1152 = arith.index_cast %add3A_1081 : i32 to index
      %swap3A_1153 = arith.constant 64 : index
      %swap3A_1154 = tpu.vector_load %arg7[%swap3A_1152, %swap3A_1153] {strides = array<i32>} : memref<32x256xf32, #tpu.memory_space<vmem>>, vector<1x16xf32>,
      %swap3A_1155 = vector.shape_cast %swap3A_1154 : vector<1x16xf32> to vector<16xf32>
      %swap3A_1156 = vector.shape_cast %scan3A_1130#4 : vector<16xf32> to vector<1x16xf32>
      tpu.vector_store %arg7[%swap3A_1152, %swap3A_1153], %swap3A_1156 {strides = array<i32>} : memref<32x256xf32, #tpu.memory_space<vmem>>, vector<1x16xf32>,
      %swap3A_1157 = arith.index_cast %add3A_1081 : i32 to index
      %swap3A_1158 = arith.constant 80 : index
      %swap3A_1159 = tpu.vector_load %arg7[%swap3A_1157, %swap3A_1158] {strides = array<i32>} : memref<32x256xf32, #tpu.memory_space<vmem>>, vector<1x16xf32>,
      %swap3A_1160 = vector.shape_cast %swap3A_1159 : vector<1x16xf32> to vector<16xf32>
      %swap3A_1161 = vector.shape_cast %scan3A_1130#5 : vector<16xf32> to vector<1x16xf32>
      tpu.vector_store %arg7[%swap3A_1157, %swap3A_1158], %swap3A_1161 {strides = array<i32>} : memref<32x256xf32, #tpu.memory_space<vmem>>, vector<1x16xf32>,
      %swap3A_1162 = arith.index_cast %add3A_1081 : i32 to index
      %swap3A_1163 = arith.constant 96 : index
      %swap3A_1164 = tpu.vector_load %arg7[%swap3A_1162, %swap3A_1163] {strides = array<i32>} : memref<32x256xf32, #tpu.memory_space<vmem>>, vector<1x16xf32>,
      %swap3A_1165 = vector.shape_cast %swap3A_1164 : vector<1x16xf32> to vector<16xf32>
      %swap3A_1166 = vector.shape_cast %scan3A_1130#6 : vector<16xf32> to vector<1x16xf32>
      tpu.vector_store %arg7[%swap3A_1162, %swap3A_1163], %swap3A_1166 {strides = array<i32>} : memref<32x256xf32, #tpu.memory_space<vmem>>, vector<1x16xf32>,
      %swap3A_1167 = arith.index_cast %add3A_1081 : i32 to index
      %swap3A_1168 = arith.constant 112 : index
      %swap3A_1169 = tpu.vector_load %arg7[%swap3A_1167, %swap3A_1168] {strides = array<i32>} : memref<32x256xf32, #tpu.memory_space<vmem>>, vector<1x16xf32>,
      %swap3A_1170 = vector.shape_cast %swap3A_1169 : vector<1x16xf32> to vector<16xf32>
      %swap3A_1171 = vector.shape_cast %scan3A_1130#7 : vector<16xf32> to vector<1x16xf32>
      tpu.vector_store %arg7[%swap3A_1167, %swap3A_1168], %swap3A_1171 {strides = array<i32>} : memref<32x256xf32, #tpu.memory_space<vmem>>, vector<1x16xf32>,
      %swap3A_1172 = arith.index_cast %add3A_1081 : i32 to index
      %swap3A_1173 = arith.constant 128 : index
      %swap3A_1174 = tpu.vector_load %arg7[%swap3A_1172, %swap3A_1173] {strides = array<i32>} : memref<32x256xf32, #tpu.memory_space<vmem>>, vector<1x16xf32>,
      %swap3A_1175 = vector.shape_cast %swap3A_1174 : vector<1x16xf32> to vector<16xf32>
      %swap3A_1176 = vector.shape_cast %scan3A_1130#8 : vector<16xf32> to vector<1x16xf32>
      tpu.vector_store %arg7[%swap3A_1172, %swap3A_1173], %swap3A_1176 {strides = array<i32>} : memref<32x256xf32, #tpu.memory_space<vmem>>, vector<1x16xf32>,
      %swap3A_1177 = arith.index_cast %add3A_1081 : i32 to index
      %swap3A_1178 = arith.constant 144 : index
      %swap3A_1179 = tpu.vector_load %arg7[%swap3A_1177, %swap3A_1178] {strides = array<i32>} : memref<32x256xf32, #tpu.memory_space<vmem>>, vector<1x16xf32>,
      %swap3A_1180 = vector.shape_cast %swap3A_1179 : vector<1x16xf32> to vector<16xf32>
      %swap3A_1181 = vector.shape_cast %scan3A_1130#9 : vector<16xf32> to vector<1x16xf32>
      tpu.vector_store %arg7[%swap3A_1177, %swap3A_1178], %swap3A_1181 {strides = array<i32>} : memref<32x256xf32, #tpu.memory_space<vmem>>, vector<1x16xf32>,
      %swap3A_1182 = arith.index_cast %add3A_1081 : i32 to index
      %swap3A_1183 = arith.constant 160 : index
      %swap3A_1184 = tpu.vector_load %arg7[%swap3A_1182, %swap3A_1183] {strides = array<i32>} : memref<32x256xf32, #tpu.memory_space<vmem>>, vector<1x16xf32>,
      %swap3A_1185 = vector.shape_cast %swap3A_1184 : vector<1x16xf32> to vector<16xf32>
      %swap3A_1186 = vector.shape_cast %scan3A_1130#10 : vector<16xf32> to vector<1x16xf32>
      tpu.vector_store %arg7[%swap3A_1182, %swap3A_1183], %swap3A_1186 {strides = array<i32>} : memref<32x256xf32, #tpu.memory_space<vmem>>, vector<1x16xf32>,
      %swap3A_1187 = arith.index_cast %add3A_1081 : i32 to index
      %swap3A_1188 = arith.constant 176 : index
      %swap3A_1189 = tpu.vector_load %arg7[%swap3A_1187, %swap3A_1188] {strides = array<i32>} : memref<32x256xf32, #tpu.memory_space<vmem>>, vector<1x16xf32>,
      %swap3A_1190 = vector.shape_cast %swap3A_1189 : vector<1x16xf32> to vector<16xf32>
      %swap3A_1191 = vector.shape_cast %scan3A_1130#11 : vector<16xf32> to vector<1x16xf32>
      tpu.vector_store %arg7[%swap3A_1187, %swap3A_1188], %swap3A_1191 {strides = array<i32>} : memref<32x256xf32, #tpu.memory_space<vmem>>, vector<1x16xf32>,
      %swap3A_1192 = arith.index_cast %add3A_1081 : i32 to index
      %swap3A_1193 = arith.constant 192 : index
      %swap3A_1194 = tpu.vector_load %arg7[%swap3A_1192, %swap3A_1193] {strides = array<i32>} : memref<32x256xf32, #tpu.memory_space<vmem>>, vector<1x16xf32>,
      %swap3A_1195 = vector.shape_cast %swap3A_1194 : vector<1x16xf32> to vector<16xf32>
      %swap3A_1196 = vector.shape_cast %scan3A_1130#12 : vector<16xf32> to vector<1x16xf32>
      tpu.vector_store %arg7[%swap3A_1192, %swap3A_1193], %swap3A_1196 {strides = array<i32>} : memref<32x256xf32, #tpu.memory_space<vmem>>, vector<1x16xf32>,
      %swap3A_1197 = arith.index_cast %add3A_1081 : i32 to index
      %swap3A_1198 = arith.constant 208 : index
      %swap3A_1199 = tpu.vector_load %arg7[%swap3A_1197, %swap3A_1198] {strides = array<i32>} : memref<32x256xf32, #tpu.memory_space<vmem>>, vector<1x16xf32>,
      %swap3A_1200 = vector.shape_cast %swap3A_1199 : vector<1x16xf32> to vector<16xf32>
      %swap3A_1201 = vector.shape_cast %scan3A_1130#13 : vector<16xf32> to vector<1x16xf32>
      tpu.vector_store %arg7[%swap3A_1197, %swap3A_1198], %swap3A_1201 {strides = array<i32>} : memref<32x256xf32, #tpu.memory_space<vmem>>, vector<1x16xf32>,
      %swap3A_1202 = arith.index_cast %add3A_1081 : i32 to index
      %swap3A_1203 = arith.constant 224 : index
      %swap3A_1204 = tpu.vector_load %arg7[%swap3A_1202, %swap3A_1203] {strides = array<i32>} : memref<32x256xf32, #tpu.memory_space<vmem>>, vector<1x16xf32>,
      %swap3A_1205 = vector.shape_cast %swap3A_1204 : vector<1x16xf32> to vector<16xf32>
      %swap3A_1206 = vector.shape_cast %scan3A_1130#14 : vector<16xf32> to vector<1x16xf32>
      tpu.vector_store %arg7[%swap3A_1202, %swap3A_1203], %swap3A_1206 {strides = array<i32>} : memref<32x256xf32, #tpu.memory_space<vmem>>, vector<1x16xf32>,
      %swap3A_1207 = arith.index_cast %add3A_1081 : i32 to index
      %swap3A_1208 = arith.constant 240 : index
      %swap3A_1209 = tpu.vector_load %arg7[%swap3A_1207, %swap3A_1208] {strides = array<i32>} : memref<32x256xf32, #tpu.memory_space<vmem>>, vector<1x16xf32>,
      %swap3A_1210 = vector.shape_cast %swap3A_1209 : vector<1x16xf32> to vector<16xf32>
      %swap3A_1211 = vector.shape_cast %scan3A_1130#15 : vector<16xf32> to vector<1x16xf32>
      tpu.vector_store %arg7[%swap3A_1207, %swap3A_1208], %swap3A_1211 {strides = array<i32>} : memref<32x256xf32, #tpu.memory_space<vmem>>, vector<1x16xf32>,
      %add3A_1212 = arith.constant 2 : i32
      %add3A_1213 = arith.addi %mul3A_785, %add3A_1212 : i32
      %add3A_1214 = arith.constant 3 : i32
      %add3A_1215 = arith.addi %add3A_1213, %add3A_1214 : i32
      %mul3A_1216 = arith.constant 128 : i32
      %mul3A_1217 = arith.muli %add3A_1215, %mul3A_1216 : i32
      %dma_start3A_1218 = arith.constant 2 : i32
      %dma_start3A_1219 = arith.constant 0 : i32
      %dma_start3A_1220 = arith.constant 0 : i32
      %dma_start3A_1221 = tpu.memref_slice %arg6[%dma_start3A_1218, %dma_start3A_1219, %dma_start3A_1220] : memref<3x128x256xf32, #tpu.memory_space<vmem>> -> memref<1x128x256xf32, #tpu.memory_space<vmem>>
      %dma_start3A_1222 = tpu.memref_squeeze %dma_start3A_1221 : memref<1x128x256xf32, #tpu.memory_space<vmem>> -> memref<128x256xf32, #tpu.memory_space<vmem>>
      %dma_start3A_1223 = tpu.memref_slice %arg5[%mul3A_1217] : memref<4096xi32, #tpu.memory_space<vmem>> -> memref<128xi32, #tpu.memory_space<vmem>>
      %dma_start3A_1224 = arith.constant 0 : i32
      %dma_start3A_1225 = arith.constant 0 : i32
      %dma_start3A_1226 = tpu.memref_slice %arg2[%dma_start3A_1224, %dma_start3A_1225] : memref<50000x256xf32, #tpu.memory_space<hbm>> -> memref<50000x256xf32, #tpu.memory_space<hbm>>
      tpu.enqueue_indirect_dma source(%dma_start3A_1226 : memref<50000x256xf32, #tpu.memory_space<hbm>>) target(%dma_start3A_1222 : memref<128x256xf32, #tpu.memory_space<vmem>>) offsets(%dma_start3A_1223 : memref<128xi32, #tpu.memory_space<vmem>>) semaphore(%arg10 : memref<!tpu.dma_semaphore, #tpu.memory_space<semaphore_mem>>)
      %scan3A_1227 = arith.constant 0 : i32
      scf.yield %scan3A_1227 : i32
    }
    %scan3A_39 = arith.constant 9 : i32
    %dma_wait3A = arith.constant 0 : i32
    %dma_wait3A_40 = arith.constant 0 : i32
    %dma_wait3A_41 = arith.constant 0 : i32
    %dma_wait3A_42 = tpu.memref_slice %arg6[%dma_wait3A, %dma_wait3A_40, %dma_wait3A_41] : memref<3x128x256xf32, #tpu.memory_space<vmem>> -> memref<1x128x256xf32, #tpu.memory_space<vmem>>
    %dma_wait3A_43 = tpu.memref_squeeze %dma_wait3A_42 : memref<1x128x256xf32, #tpu.memory_space<vmem>> -> memref<128x256xf32, #tpu.memory_space<vmem>>
    %dma_wait3A_44 = arith.constant 3456 : i32
    %dma_wait3A_45 = tpu.memref_slice %arg5[%dma_wait3A_44] : memref<4096xi32, #tpu.memory_space<vmem>> -> memref<128xi32, #tpu.memory_space<vmem>>
    %dma_wait3A_46 = arith.constant 0 : i32
    %dma_wait3A_47 = arith.constant 0 : i32
    %dma_wait3A_48 = tpu.memref_slice %arg2[%dma_wait3A_46, %dma_wait3A_47] : memref<50000x256xf32, #tpu.memory_space<hbm>> -> memref<50000x256xf32, #tpu.memory_space<hbm>>
    tpu.wait_indirect_dma semaphore(%arg8 : memref<!tpu.dma_semaphore, #tpu.memory_space<semaphore_mem>>) src(%dma_wait3A_48 : memref<50000x256xf32, #tpu.memory_space<hbm>>) dst(%dma_wait3A_43 : memref<128x256xf32, #tpu.memory_space<vmem>>)
    %broadcast_in_dim3A = arith.constant 0.000000e+00 : f32
    %broadcast_in_dim3A_49 = vector.broadcast %broadcast_in_dim3A : f32 to vector<16xf32>
    %broadcast_in_dim3A_50 = arith.constant 0.000000e+00 : f32
    %broadcast_in_dim3A_51 = vector.broadcast %broadcast_in_dim3A_50 : f32 to vector<16xf32>
    %broadcast_in_dim3A_52 = arith.constant 0.000000e+00 : f32
    %broadcast_in_dim3A_53 = vector.broadcast %broadcast_in_dim3A_52 : f32 to vector<16xf32>
    %broadcast_in_dim3A_54 = arith.constant 0.000000e+00 : f32
    %broadcast_in_dim3A_55 = vector.broadcast %broadcast_in_dim3A_54 : f32 to vector<16xf32>
    %broadcast_in_dim3A_56 = arith.constant 0.000000e+00 : f32
    %broadcast_in_dim3A_57 = vector.broadcast %broadcast_in_dim3A_56 : f32 to vector<16xf32>
    %broadcast_in_dim3A_58 = arith.constant 0.000000e+00 : f32
    %broadcast_in_dim3A_59 = vector.broadcast %broadcast_in_dim3A_58 : f32 to vector<16xf32>
    %broadcast_in_dim3A_60 = arith.constant 0.000000e+00 : f32
    %broadcast_in_dim3A_61 = vector.broadcast %broadcast_in_dim3A_60 : f32 to vector<16xf32>
    %broadcast_in_dim3A_62 = arith.constant 0.000000e+00 : f32
    %broadcast_in_dim3A_63 = vector.broadcast %broadcast_in_dim3A_62 : f32 to vector<16xf32>
    %broadcast_in_dim3A_64 = arith.constant 0.000000e+00 : f32
    %broadcast_in_dim3A_65 = vector.broadcast %broadcast_in_dim3A_64 : f32 to vector<16xf32>
    %broadcast_in_dim3A_66 = arith.constant 0.000000e+00 : f32
    %broadcast_in_dim3A_67 = vector.broadcast %broadcast_in_dim3A_66 : f32 to vector<16xf32>
    %broadcast_in_dim3A_68 = arith.constant 0.000000e+00 : f32
    %broadcast_in_dim3A_69 = vector.broadcast %broadcast_in_dim3A_68 : f32 to vector<16xf32>
    %broadcast_in_dim3A_70 = arith.constant 0.000000e+00 : f32
    %broadcast_in_dim3A_71 = vector.broadcast %broadcast_in_dim3A_70 : f32 to vector<16xf32>
    %broadcast_in_dim3A_72 = arith.constant 0.000000e+00 : f32
    %broadcast_in_dim3A_73 = vector.broadcast %broadcast_in_dim3A_72 : f32 to vector<16xf32>
    %broadcast_in_dim3A_74 = arith.constant 0.000000e+00 : f32
    %broadcast_in_dim3A_75 = vector.broadcast %broadcast_in_dim3A_74 : f32 to vector<16xf32>
    %broadcast_in_dim3A_76 = arith.constant 0.000000e+00 : f32
    %broadcast_in_dim3A_77 = vector.broadcast %broadcast_in_dim3A_76 : f32 to vector<16xf32>
    %broadcast_in_dim3A_78 = arith.constant 0.000000e+00 : f32
    %broadcast_in_dim3A_79 = vector.broadcast %broadcast_in_dim3A_78 : f32 to vector<16xf32>
    %scan3A_80 = arith.constant 0 : i32
    %scan3A_81 = arith.constant 0 : i32
    %scan3A_82 = arith.constant 64 : i32
    %scan3A_83 = arith.addi %scan3A_81, %scan3A_82 : i32
    %scan3A_84 = arith.constant 1 : i32
    %scan3A_85:16 = scf.for %scan3A_782 = %scan3A_81 to %scan3A_83 step %scan3A_84 iter_args(%scan3A_783 = %broadcast_in_dim3A_49, %scan3A_784 = %broadcast_in_dim3A_51, %scan3A_785 = %broadcast_in_dim3A_53, %scan3A_786 = %broadcast_in_dim3A_55, %scan3A_787 = %broadcast_in_dim3A_57, %scan3A_788 = %broadcast_in_dim3A_59, %scan3A_789 = %broadcast_in_dim3A_61, %scan3A_790 = %broadcast_in_dim3A_63, %scan3A_791 = %broadcast_in_dim3A_65, %scan3A_792 = %broadcast_in_dim3A_67, %scan3A_793 = %broadcast_in_dim3A_69, %scan3A_794 = %broadcast_in_dim3A_71, %scan3A_795 = %broadcast_in_dim3A_73, %scan3A_796 = %broadcast_in_dim3A_75, %scan3A_797 = %broadcast_in_dim3A_77, %scan3A_798 = %broadcast_in_dim3A_79) -> (vector<16xf32>, vector<16xf32>, vector<16xf32>, vector<16xf32>, vector<16xf32>, vector<16xf32>, vector<16xf32>, vector<16xf32>, vector<16xf32>, vector<16xf32>, vector<16xf32>, vector<16xf32>, vector<16xf32>, vector<16xf32>, vector<16xf32>, vector<16xf32>)  : i32 {
      %mul3A_799 = arith.constant 2 : i32
      %mul3A_800 = arith.muli %mul3A_799, %scan3A_782 : i32
      %get3A = arith.constant 0 : i32
      %get3A_801 = arith.constant 0 : i32
      %get3A_802 = tpu.memref_slice %arg6[%scan3A_80, %get3A, %get3A_801] : memref<3x128x256xf32, #tpu.memory_space<vmem>> -> memref<1x128x256xf32, #tpu.memory_space<vmem>>
      %get3A_803 = tpu.memref_squeeze %get3A_802 : memref<1x128x256xf32, #tpu.memory_space<vmem>> -> memref<128x256xf32, #tpu.memory_space<vmem>>
      %get3A_804 = arith.index_cast %mul3A_800 : i32 to index
      %get3A_805 = arith.constant 0 : index
      %get3A_806 = tpu.vector_load %get3A_803[%get3A_804, %get3A_805] {strides = array<i32>} : memref<128x256xf32, #tpu.memory_space<vmem>>, vector<1x16xf32>,
      %get3A_807 = vector.shape_cast %get3A_806 : vector<1x16xf32> to vector<16xf32>
      %add3A_808 = arith.addf %scan3A_783, %get3A_807 : vector<16xf32>
      %add3A_809 = arith.constant 1 : i32
      %add3A_810 = arith.addi %mul3A_800, %add3A_809 : i32
      %get3A_811 = arith.constant 0 : i32
      %get3A_812 = arith.constant 0 : i32
      %get3A_813 = tpu.memref_slice %arg6[%scan3A_80, %get3A_811, %get3A_812] : memref<3x128x256xf32, #tpu.memory_space<vmem>> -> memref<1x128x256xf32, #tpu.memory_space<vmem>>
      %get3A_814 = tpu.memref_squeeze %get3A_813 : memref<1x128x256xf32, #tpu.memory_space<vmem>> -> memref<128x256xf32, #tpu.memory_space<vmem>>
      %get3A_815 = arith.index_cast %add3A_810 : i32 to index
      %get3A_816 = arith.constant 0 : index
      %get3A_817 = tpu.vector_load %get3A_814[%get3A_815, %get3A_816] {strides = array<i32>} : memref<128x256xf32, #tpu.memory_space<vmem>>, vector<1x16xf32>,
      %get3A_818 = vector.shape_cast %get3A_817 : vector<1x16xf32> to vector<16xf32>
      %add3A_819 = arith.addf %add3A_808, %get3A_818 : vector<16xf32>
      %get3A_820 = arith.constant 0 : i32
      %get3A_821 = arith.constant 0 : i32
      %get3A_822 = tpu.memref_slice %arg6[%scan3A_80, %get3A_820, %get3A_821] : memref<3x128x256xf32, #tpu.memory_space<vmem>> -> memref<1x128x256xf32, #tpu.memory_space<vmem>>
      %get3A_823 = tpu.memref_squeeze %get3A_822 : memref<1x128x256xf32, #tpu.memory_space<vmem>> -> memref<128x256xf32, #tpu.memory_space<vmem>>
      %get3A_824 = arith.index_cast %mul3A_800 : i32 to index
      %get3A_825 = arith.constant 16 : index
      %get3A_826 = tpu.vector_load %get3A_823[%get3A_824, %get3A_825] {strides = array<i32>} : memref<128x256xf32, #tpu.memory_space<vmem>>, vector<1x16xf32>,
      %get3A_827 = vector.shape_cast %get3A_826 : vector<1x16xf32> to vector<16xf32>
      %add3A_828 = arith.addf %scan3A_784, %get3A_827 : vector<16xf32>
      %add3A_829 = arith.constant 1 : i32
      %add3A_830 = arith.addi %mul3A_800, %add3A_829 : i32
      %get3A_831 = arith.constant 0 : i32
      %get3A_832 = arith.constant 0 : i32
      %get3A_833 = tpu.memref_slice %arg6[%scan3A_80, %get3A_831, %get3A_832] : memref<3x128x256xf32, #tpu.memory_space<vmem>> -> memref<1x128x256xf32, #tpu.memory_space<vmem>>
      %get3A_834 = tpu.memref_squeeze %get3A_833 : memref<1x128x256xf32, #tpu.memory_space<vmem>> -> memref<128x256xf32, #tpu.memory_space<vmem>>
      %get3A_835 = arith.index_cast %add3A_830 : i32 to index
      %get3A_836 = arith.constant 16 : index
      %get3A_837 = tpu.vector_load %get3A_834[%get3A_835, %get3A_836] {strides = array<i32>} : memref<128x256xf32, #tpu.memory_space<vmem>>, vector<1x16xf32>,
      %get3A_838 = vector.shape_cast %get3A_837 : vector<1x16xf32> to vector<16xf32>
      %add3A_839 = arith.addf %add3A_828, %get3A_838 : vector<16xf32>
      %get3A_840 = arith.constant 0 : i32
      %get3A_841 = arith.constant 0 : i32
      %get3A_842 = tpu.memref_slice %arg6[%scan3A_80, %get3A_840, %get3A_841] : memref<3x128x256xf32, #tpu.memory_space<vmem>> -> memref<1x128x256xf32, #tpu.memory_space<vmem>>
      %get3A_843 = tpu.memref_squeeze %get3A_842 : memref<1x128x256xf32, #tpu.memory_space<vmem>> -> memref<128x256xf32, #tpu.memory_space<vmem>>
      %get3A_844 = arith.index_cast %mul3A_800 : i32 to index
      %get3A_845 = arith.constant 32 : index
      %get3A_846 = tpu.vector_load %get3A_843[%get3A_844, %get3A_845] {strides = array<i32>} : memref<128x256xf32, #tpu.memory_space<vmem>>, vector<1x16xf32>,
      %get3A_847 = vector.shape_cast %get3A_846 : vector<1x16xf32> to vector<16xf32>
      %add3A_848 = arith.addf %scan3A_785, %get3A_847 : vector<16xf32>
      %add3A_849 = arith.constant 1 : i32
      %add3A_850 = arith.addi %mul3A_800, %add3A_849 : i32
      %get3A_851 = arith.constant 0 : i32
      %get3A_852 = arith.constant 0 : i32
      %get3A_853 = tpu.memref_slice %arg6[%scan3A_80, %get3A_851, %get3A_852] : memref<3x128x256xf32, #tpu.memory_space<vmem>> -> memref<1x128x256xf32, #tpu.memory_space<vmem>>
      %get3A_854 = tpu.memref_squeeze %get3A_853 : memref<1x128x256xf32, #tpu.memory_space<vmem>> -> memref<128x256xf32, #tpu.memory_space<vmem>>
      %get3A_855 = arith.index_cast %add3A_850 : i32 to index
      %get3A_856 = arith.constant 32 : index
      %get3A_857 = tpu.vector_load %get3A_854[%get3A_855, %get3A_856] {strides = array<i32>} : memref<128x256xf32, #tpu.memory_space<vmem>>, vector<1x16xf32>,
      %get3A_858 = vector.shape_cast %get3A_857 : vector<1x16xf32> to vector<16xf32>
      %add3A_859 = arith.addf %add3A_848, %get3A_858 : vector<16xf32>
      %get3A_860 = arith.constant 0 : i32
      %get3A_861 = arith.constant 0 : i32
      %get3A_862 = tpu.memref_slice %arg6[%scan3A_80, %get3A_860, %get3A_861] : memref<3x128x256xf32, #tpu.memory_space<vmem>> -> memref<1x128x256xf32, #tpu.memory_space<vmem>>
      %get3A_863 = tpu.memref_squeeze %get3A_862 : memref<1x128x256xf32, #tpu.memory_space<vmem>> -> memref<128x256xf32, #tpu.memory_space<vmem>>
      %get3A_864 = arith.index_cast %mul3A_800 : i32 to index
      %get3A_865 = arith.constant 48 : index
      %get3A_866 = tpu.vector_load %get3A_863[%get3A_864, %get3A_865] {strides = array<i32>} : memref<128x256xf32, #tpu.memory_space<vmem>>, vector<1x16xf32>,
      %get3A_867 = vector.shape_cast %get3A_866 : vector<1x16xf32> to vector<16xf32>
      %add3A_868 = arith.addf %scan3A_786, %get3A_867 : vector<16xf32>
      %add3A_869 = arith.constant 1 : i32
      %add3A_870 = arith.addi %mul3A_800, %add3A_869 : i32
      %get3A_871 = arith.constant 0 : i32
      %get3A_872 = arith.constant 0 : i32
      %get3A_873 = tpu.memref_slice %arg6[%scan3A_80, %get3A_871, %get3A_872] : memref<3x128x256xf32, #tpu.memory_space<vmem>> -> memref<1x128x256xf32, #tpu.memory_space<vmem>>
      %get3A_874 = tpu.memref_squeeze %get3A_873 : memref<1x128x256xf32, #tpu.memory_space<vmem>> -> memref<128x256xf32, #tpu.memory_space<vmem>>
      %get3A_875 = arith.index_cast %add3A_870 : i32 to index
      %get3A_876 = arith.constant 48 : index
      %get3A_877 = tpu.vector_load %get3A_874[%get3A_875, %get3A_876] {strides = array<i32>} : memref<128x256xf32, #tpu.memory_space<vmem>>, vector<1x16xf32>,
      %get3A_878 = vector.shape_cast %get3A_877 : vector<1x16xf32> to vector<16xf32>
      %add3A_879 = arith.addf %add3A_868, %get3A_878 : vector<16xf32>
      %get3A_880 = arith.constant 0 : i32
      %get3A_881 = arith.constant 0 : i32
      %get3A_882 = tpu.memref_slice %arg6[%scan3A_80, %get3A_880, %get3A_881] : memref<3x128x256xf32, #tpu.memory_space<vmem>> -> memref<1x128x256xf32, #tpu.memory_space<vmem>>
      %get3A_883 = tpu.memref_squeeze %get3A_882 : memref<1x128x256xf32, #tpu.memory_space<vmem>> -> memref<128x256xf32, #tpu.memory_space<vmem>>
      %get3A_884 = arith.index_cast %mul3A_800 : i32 to index
      %get3A_885 = arith.constant 64 : index
      %get3A_886 = tpu.vector_load %get3A_883[%get3A_884, %get3A_885] {strides = array<i32>} : memref<128x256xf32, #tpu.memory_space<vmem>>, vector<1x16xf32>,
      %get3A_887 = vector.shape_cast %get3A_886 : vector<1x16xf32> to vector<16xf32>
      %add3A_888 = arith.addf %scan3A_787, %get3A_887 : vector<16xf32>
      %add3A_889 = arith.constant 1 : i32
      %add3A_890 = arith.addi %mul3A_800, %add3A_889 : i32
      %get3A_891 = arith.constant 0 : i32
      %get3A_892 = arith.constant 0 : i32
      %get3A_893 = tpu.memref_slice %arg6[%scan3A_80, %get3A_891, %get3A_892] : memref<3x128x256xf32, #tpu.memory_space<vmem>> -> memref<1x128x256xf32, #tpu.memory_space<vmem>>
      %get3A_894 = tpu.memref_squeeze %get3A_893 : memref<1x128x256xf32, #tpu.memory_space<vmem>> -> memref<128x256xf32, #tpu.memory_space<vmem>>
      %get3A_895 = arith.index_cast %add3A_890 : i32 to index
      %get3A_896 = arith.constant 64 : index
      %get3A_897 = tpu.vector_load %get3A_894[%get3A_895, %get3A_896] {strides = array<i32>} : memref<128x256xf32, #tpu.memory_space<vmem>>, vector<1x16xf32>,
      %get3A_898 = vector.shape_cast %get3A_897 : vector<1x16xf32> to vector<16xf32>
      %add3A_899 = arith.addf %add3A_888, %get3A_898 : vector<16xf32>
      %get3A_900 = arith.constant 0 : i32
      %get3A_901 = arith.constant 0 : i32
      %get3A_902 = tpu.memref_slice %arg6[%scan3A_80, %get3A_900, %get3A_901] : memref<3x128x256xf32, #tpu.memory_space<vmem>> -> memref<1x128x256xf32, #tpu.memory_space<vmem>>
      %get3A_903 = tpu.memref_squeeze %get3A_902 : memref<1x128x256xf32, #tpu.memory_space<vmem>> -> memref<128x256xf32, #tpu.memory_space<vmem>>
      %get3A_904 = arith.index_cast %mul3A_800 : i32 to index
      %get3A_905 = arith.constant 80 : index
      %get3A_906 = tpu.vector_load %get3A_903[%get3A_904, %get3A_905] {strides = array<i32>} : memref<128x256xf32, #tpu.memory_space<vmem>>, vector<1x16xf32>,
      %get3A_907 = vector.shape_cast %get3A_906 : vector<1x16xf32> to vector<16xf32>
      %add3A_908 = arith.addf %scan3A_788, %get3A_907 : vector<16xf32>
      %add3A_909 = arith.constant 1 : i32
      %add3A_910 = arith.addi %mul3A_800, %add3A_909 : i32
      %get3A_911 = arith.constant 0 : i32
      %get3A_912 = arith.constant 0 : i32
      %get3A_913 = tpu.memref_slice %arg6[%scan3A_80, %get3A_911, %get3A_912] : memref<3x128x256xf32, #tpu.memory_space<vmem>> -> memref<1x128x256xf32, #tpu.memory_space<vmem>>
      %get3A_914 = tpu.memref_squeeze %get3A_913 : memref<1x128x256xf32, #tpu.memory_space<vmem>> -> memref<128x256xf32, #tpu.memory_space<vmem>>
      %get3A_915 = arith.index_cast %add3A_910 : i32 to index
      %get3A_916 = arith.constant 80 : index
      %get3A_917 = tpu.vector_load %get3A_914[%get3A_915, %get3A_916] {strides = array<i32>} : memref<128x256xf32, #tpu.memory_space<vmem>>, vector<1x16xf32>,
      %get3A_918 = vector.shape_cast %get3A_917 : vector<1x16xf32> to vector<16xf32>
      %add3A_919 = arith.addf %add3A_908, %get3A_918 : vector<16xf32>
      %get3A_920 = arith.constant 0 : i32
      %get3A_921 = arith.constant 0 : i32
      %get3A_922 = tpu.memref_slice %arg6[%scan3A_80, %get3A_920, %get3A_921] : memref<3x128x256xf32, #tpu.memory_space<vmem>> -> memref<1x128x256xf32, #tpu.memory_space<vmem>>
      %get3A_923 = tpu.memref_squeeze %get3A_922 : memref<1x128x256xf32, #tpu.memory_space<vmem>> -> memref<128x256xf32, #tpu.memory_space<vmem>>
      %get3A_924 = arith.index_cast %mul3A_800 : i32 to index
      %get3A_925 = arith.constant 96 : index
      %get3A_926 = tpu.vector_load %get3A_923[%get3A_924, %get3A_925] {strides = array<i32>} : memref<128x256xf32, #tpu.memory_space<vmem>>, vector<1x16xf32>,
      %get3A_927 = vector.shape_cast %get3A_926 : vector<1x16xf32> to vector<16xf32>
      %add3A_928 = arith.addf %scan3A_789, %get3A_927 : vector<16xf32>
      %add3A_929 = arith.constant 1 : i32
      %add3A_930 = arith.addi %mul3A_800, %add3A_929 : i32
      %get3A_931 = arith.constant 0 : i32
      %get3A_932 = arith.constant 0 : i32
      %get3A_933 = tpu.memref_slice %arg6[%scan3A_80, %get3A_931, %get3A_932] : memref<3x128x256xf32, #tpu.memory_space<vmem>> -> memref<1x128x256xf32, #tpu.memory_space<vmem>>
      %get3A_934 = tpu.memref_squeeze %get3A_933 : memref<1x128x256xf32, #tpu.memory_space<vmem>> -> memref<128x256xf32, #tpu.memory_space<vmem>>
      %get3A_935 = arith.index_cast %add3A_930 : i32 to index
      %get3A_936 = arith.constant 96 : index
      %get3A_937 = tpu.vector_load %get3A_934[%get3A_935, %get3A_936] {strides = array<i32>} : memref<128x256xf32, #tpu.memory_space<vmem>>, vector<1x16xf32>,
      %get3A_938 = vector.shape_cast %get3A_937 : vector<1x16xf32> to vector<16xf32>
      %add3A_939 = arith.addf %add3A_928, %get3A_938 : vector<16xf32>
      %get3A_940 = arith.constant 0 : i32
      %get3A_941 = arith.constant 0 : i32
      %get3A_942 = tpu.memref_slice %arg6[%scan3A_80, %get3A_940, %get3A_941] : memref<3x128x256xf32, #tpu.memory_space<vmem>> -> memref<1x128x256xf32, #tpu.memory_space<vmem>>
      %get3A_943 = tpu.memref_squeeze %get3A_942 : memref<1x128x256xf32, #tpu.memory_space<vmem>> -> memref<128x256xf32, #tpu.memory_space<vmem>>
      %get3A_944 = arith.index_cast %mul3A_800 : i32 to index
      %get3A_945 = arith.constant 112 : index
      %get3A_946 = tpu.vector_load %get3A_943[%get3A_944, %get3A_945] {strides = array<i32>} : memref<128x256xf32, #tpu.memory_space<vmem>>, vector<1x16xf32>,
      %get3A_947 = vector.shape_cast %get3A_946 : vector<1x16xf32> to vector<16xf32>
      %add3A_948 = arith.addf %scan3A_790, %get3A_947 : vector<16xf32>
      %add3A_949 = arith.constant 1 : i32
      %add3A_950 = arith.addi %mul3A_800, %add3A_949 : i32
      %get3A_951 = arith.constant 0 : i32
      %get3A_952 = arith.constant 0 : i32
      %get3A_953 = tpu.memref_slice %arg6[%scan3A_80, %get3A_951, %get3A_952] : memref<3x128x256xf32, #tpu.memory_space<vmem>> -> memref<1x128x256xf32, #tpu.memory_space<vmem>>
      %get3A_954 = tpu.memref_squeeze %get3A_953 : memref<1x128x256xf32, #tpu.memory_space<vmem>> -> memref<128x256xf32, #tpu.memory_space<vmem>>
      %get3A_955 = arith.index_cast %add3A_950 : i32 to index
      %get3A_956 = arith.constant 112 : index
      %get3A_957 = tpu.vector_load %get3A_954[%get3A_955, %get3A_956] {strides = array<i32>} : memref<128x256xf32, #tpu.memory_space<vmem>>, vector<1x16xf32>,
      %get3A_958 = vector.shape_cast %get3A_957 : vector<1x16xf32> to vector<16xf32>
      %add3A_959 = arith.addf %add3A_948, %get3A_958 : vector<16xf32>
      %get3A_960 = arith.constant 0 : i32
      %get3A_961 = arith.constant 0 : i32
      %get3A_962 = tpu.memref_slice %arg6[%scan3A_80, %get3A_960, %get3A_961] : memref<3x128x256xf32, #tpu.memory_space<vmem>> -> memref<1x128x256xf32, #tpu.memory_space<vmem>>
      %get3A_963 = tpu.memref_squeeze %get3A_962 : memref<1x128x256xf32, #tpu.memory_space<vmem>> -> memref<128x256xf32, #tpu.memory_space<vmem>>
      %get3A_964 = arith.index_cast %mul3A_800 : i32 to index
      %get3A_965 = arith.constant 128 : index
      %get3A_966 = tpu.vector_load %get3A_963[%get3A_964, %get3A_965] {strides = array<i32>} : memref<128x256xf32, #tpu.memory_space<vmem>>, vector<1x16xf32>,
      %get3A_967 = vector.shape_cast %get3A_966 : vector<1x16xf32> to vector<16xf32>
      %add3A_968 = arith.addf %scan3A_791, %get3A_967 : vector<16xf32>
      %add3A_969 = arith.constant 1 : i32
      %add3A_970 = arith.addi %mul3A_800, %add3A_969 : i32
      %get3A_971 = arith.constant 0 : i32
      %get3A_972 = arith.constant 0 : i32
      %get3A_973 = tpu.memref_slice %arg6[%scan3A_80, %get3A_971, %get3A_972] : memref<3x128x256xf32, #tpu.memory_space<vmem>> -> memref<1x128x256xf32, #tpu.memory_space<vmem>>
      %get3A_974 = tpu.memref_squeeze %get3A_973 : memref<1x128x256xf32, #tpu.memory_space<vmem>> -> memref<128x256xf32, #tpu.memory_space<vmem>>
      %get3A_975 = arith.index_cast %add3A_970 : i32 to index
      %get3A_976 = arith.constant 128 : index
      %get3A_977 = tpu.vector_load %get3A_974[%get3A_975, %get3A_976] {strides = array<i32>} : memref<128x256xf32, #tpu.memory_space<vmem>>, vector<1x16xf32>,
      %get3A_978 = vector.shape_cast %get3A_977 : vector<1x16xf32> to vector<16xf32>
      %add3A_979 = arith.addf %add3A_968, %get3A_978 : vector<16xf32>
      %get3A_980 = arith.constant 0 : i32
      %get3A_981 = arith.constant 0 : i32
      %get3A_982 = tpu.memref_slice %arg6[%scan3A_80, %get3A_980, %get3A_981] : memref<3x128x256xf32, #tpu.memory_space<vmem>> -> memref<1x128x256xf32, #tpu.memory_space<vmem>>
      %get3A_983 = tpu.memref_squeeze %get3A_982 : memref<1x128x256xf32, #tpu.memory_space<vmem>> -> memref<128x256xf32, #tpu.memory_space<vmem>>
      %get3A_984 = arith.index_cast %mul3A_800 : i32 to index
      %get3A_985 = arith.constant 144 : index
      %get3A_986 = tpu.vector_load %get3A_983[%get3A_984, %get3A_985] {strides = array<i32>} : memref<128x256xf32, #tpu.memory_space<vmem>>, vector<1x16xf32>,
      %get3A_987 = vector.shape_cast %get3A_986 : vector<1x16xf32> to vector<16xf32>
      %add3A_988 = arith.addf %scan3A_792, %get3A_987 : vector<16xf32>
      %add3A_989 = arith.constant 1 : i32
      %add3A_990 = arith.addi %mul3A_800, %add3A_989 : i32
      %get3A_991 = arith.constant 0 : i32
      %get3A_992 = arith.constant 0 : i32
      %get3A_993 = tpu.memref_slice %arg6[%scan3A_80, %get3A_991, %get3A_992] : memref<3x128x256xf32, #tpu.memory_space<vmem>> -> memref<1x128x256xf32, #tpu.memory_space<vmem>>
      %get3A_994 = tpu.memref_squeeze %get3A_993 : memref<1x128x256xf32, #tpu.memory_space<vmem>> -> memref<128x256xf32, #tpu.memory_space<vmem>>
      %get3A_995 = arith.index_cast %add3A_990 : i32 to index
      %get3A_996 = arith.constant 144 : index
      %get3A_997 = tpu.vector_load %get3A_994[%get3A_995, %get3A_996] {strides = array<i32>} : memref<128x256xf32, #tpu.memory_space<vmem>>, vector<1x16xf32>,
      %get3A_998 = vector.shape_cast %get3A_997 : vector<1x16xf32> to vector<16xf32>
      %add3A_999 = arith.addf %add3A_988, %get3A_998 : vector<16xf32>
      %get3A_1000 = arith.constant 0 : i32
      %get3A_1001 = arith.constant 0 : i32
      %get3A_1002 = tpu.memref_slice %arg6[%scan3A_80, %get3A_1000, %get3A_1001] : memref<3x128x256xf32, #tpu.memory_space<vmem>> -> memref<1x128x256xf32, #tpu.memory_space<vmem>>
      %get3A_1003 = tpu.memref_squeeze %get3A_1002 : memref<1x128x256xf32, #tpu.memory_space<vmem>> -> memref<128x256xf32, #tpu.memory_space<vmem>>
      %get3A_1004 = arith.index_cast %mul3A_800 : i32 to index
      %get3A_1005 = arith.constant 160 : index
      %get3A_1006 = tpu.vector_load %get3A_1003[%get3A_1004, %get3A_1005] {strides = array<i32>} : memref<128x256xf32, #tpu.memory_space<vmem>>, vector<1x16xf32>,
      %get3A_1007 = vector.shape_cast %get3A_1006 : vector<1x16xf32> to vector<16xf32>
      %add3A_1008 = arith.addf %scan3A_793, %get3A_1007 : vector<16xf32>
      %add3A_1009 = arith.constant 1 : i32
      %add3A_1010 = arith.addi %mul3A_800, %add3A_1009 : i32
      %get3A_1011 = arith.constant 0 : i32
      %get3A_1012 = arith.constant 0 : i32
      %get3A_1013 = tpu.memref_slice %arg6[%scan3A_80, %get3A_1011, %get3A_1012] : memref<3x128x256xf32, #tpu.memory_space<vmem>> -> memref<1x128x256xf32, #tpu.memory_space<vmem>>
      %get3A_1014 = tpu.memref_squeeze %get3A_1013 : memref<1x128x256xf32, #tpu.memory_space<vmem>> -> memref<128x256xf32, #tpu.memory_space<vmem>>
      %get3A_1015 = arith.index_cast %add3A_1010 : i32 to index
      %get3A_1016 = arith.constant 160 : index
      %get3A_1017 = tpu.vector_load %get3A_1014[%get3A_1015, %get3A_1016] {strides = array<i32>} : memref<128x256xf32, #tpu.memory_space<vmem>>, vector<1x16xf32>,
      %get3A_1018 = vector.shape_cast %get3A_1017 : vector<1x16xf32> to vector<16xf32>
      %add3A_1019 = arith.addf %add3A_1008, %get3A_1018 : vector<16xf32>
      %get3A_1020 = arith.constant 0 : i32
      %get3A_1021 = arith.constant 0 : i32
      %get3A_1022 = tpu.memref_slice %arg6[%scan3A_80, %get3A_1020, %get3A_1021] : memref<3x128x256xf32, #tpu.memory_space<vmem>> -> memref<1x128x256xf32, #tpu.memory_space<vmem>>
      %get3A_1023 = tpu.memref_squeeze %get3A_1022 : memref<1x128x256xf32, #tpu.memory_space<vmem>> -> memref<128x256xf32, #tpu.memory_space<vmem>>
      %get3A_1024 = arith.index_cast %mul3A_800 : i32 to index
      %get3A_1025 = arith.constant 176 : index
      %get3A_1026 = tpu.vector_load %get3A_1023[%get3A_1024, %get3A_1025] {strides = array<i32>} : memref<128x256xf32, #tpu.memory_space<vmem>>, vector<1x16xf32>,
      %get3A_1027 = vector.shape_cast %get3A_1026 : vector<1x16xf32> to vector<16xf32>
      %add3A_1028 = arith.addf %scan3A_794, %get3A_1027 : vector<16xf32>
      %add3A_1029 = arith.constant 1 : i32
      %add3A_1030 = arith.addi %mul3A_800, %add3A_1029 : i32
      %get3A_1031 = arith.constant 0 : i32
      %get3A_1032 = arith.constant 0 : i32
      %get3A_1033 = tpu.memref_slice %arg6[%scan3A_80, %get3A_1031, %get3A_1032] : memref<3x128x256xf32, #tpu.memory_space<vmem>> -> memref<1x128x256xf32, #tpu.memory_space<vmem>>
      %get3A_1034 = tpu.memref_squeeze %get3A_1033 : memref<1x128x256xf32, #tpu.memory_space<vmem>> -> memref<128x256xf32, #tpu.memory_space<vmem>>
      %get3A_1035 = arith.index_cast %add3A_1030 : i32 to index
      %get3A_1036 = arith.constant 176 : index
      %get3A_1037 = tpu.vector_load %get3A_1034[%get3A_1035, %get3A_1036] {strides = array<i32>} : memref<128x256xf32, #tpu.memory_space<vmem>>, vector<1x16xf32>,
      %get3A_1038 = vector.shape_cast %get3A_1037 : vector<1x16xf32> to vector<16xf32>
      %add3A_1039 = arith.addf %add3A_1028, %get3A_1038 : vector<16xf32>
      %get3A_1040 = arith.constant 0 : i32
      %get3A_1041 = arith.constant 0 : i32
      %get3A_1042 = tpu.memref_slice %arg6[%scan3A_80, %get3A_1040, %get3A_1041] : memref<3x128x256xf32, #tpu.memory_space<vmem>> -> memref<1x128x256xf32, #tpu.memory_space<vmem>>
      %get3A_1043 = tpu.memref_squeeze %get3A_1042 : memref<1x128x256xf32, #tpu.memory_space<vmem>> -> memref<128x256xf32, #tpu.memory_space<vmem>>
      %get3A_1044 = arith.index_cast %mul3A_800 : i32 to index
      %get3A_1045 = arith.constant 192 : index
      %get3A_1046 = tpu.vector_load %get3A_1043[%get3A_1044, %get3A_1045] {strides = array<i32>} : memref<128x256xf32, #tpu.memory_space<vmem>>, vector<1x16xf32>,
      %get3A_1047 = vector.shape_cast %get3A_1046 : vector<1x16xf32> to vector<16xf32>
      %add3A_1048 = arith.addf %scan3A_795, %get3A_1047 : vector<16xf32>
      %add3A_1049 = arith.constant 1 : i32
      %add3A_1050 = arith.addi %mul3A_800, %add3A_1049 : i32
      %get3A_1051 = arith.constant 0 : i32
      %get3A_1052 = arith.constant 0 : i32
      %get3A_1053 = tpu.memref_slice %arg6[%scan3A_80, %get3A_1051, %get3A_1052] : memref<3x128x256xf32, #tpu.memory_space<vmem>> -> memref<1x128x256xf32, #tpu.memory_space<vmem>>
      %get3A_1054 = tpu.memref_squeeze %get3A_1053 : memref<1x128x256xf32, #tpu.memory_space<vmem>> -> memref<128x256xf32, #tpu.memory_space<vmem>>
      %get3A_1055 = arith.index_cast %add3A_1050 : i32 to index
      %get3A_1056 = arith.constant 192 : index
      %get3A_1057 = tpu.vector_load %get3A_1054[%get3A_1055, %get3A_1056] {strides = array<i32>} : memref<128x256xf32, #tpu.memory_space<vmem>>, vector<1x16xf32>,
      %get3A_1058 = vector.shape_cast %get3A_1057 : vector<1x16xf32> to vector<16xf32>
      %add3A_1059 = arith.addf %add3A_1048, %get3A_1058 : vector<16xf32>
      %get3A_1060 = arith.constant 0 : i32
      %get3A_1061 = arith.constant 0 : i32
      %get3A_1062 = tpu.memref_slice %arg6[%scan3A_80, %get3A_1060, %get3A_1061] : memref<3x128x256xf32, #tpu.memory_space<vmem>> -> memref<1x128x256xf32, #tpu.memory_space<vmem>>
      %get3A_1063 = tpu.memref_squeeze %get3A_1062 : memref<1x128x256xf32, #tpu.memory_space<vmem>> -> memref<128x256xf32, #tpu.memory_space<vmem>>
      %get3A_1064 = arith.index_cast %mul3A_800 : i32 to index
      %get3A_1065 = arith.constant 208 : index
      %get3A_1066 = tpu.vector_load %get3A_1063[%get3A_1064, %get3A_1065] {strides = array<i32>} : memref<128x256xf32, #tpu.memory_space<vmem>>, vector<1x16xf32>,
      %get3A_1067 = vector.shape_cast %get3A_1066 : vector<1x16xf32> to vector<16xf32>
      %add3A_1068 = arith.addf %scan3A_796, %get3A_1067 : vector<16xf32>
      %add3A_1069 = arith.constant 1 : i32
      %add3A_1070 = arith.addi %mul3A_800, %add3A_1069 : i32
      %get3A_1071 = arith.constant 0 : i32
      %get3A_1072 = arith.constant 0 : i32
      %get3A_1073 = tpu.memref_slice %arg6[%scan3A_80, %get3A_1071, %get3A_1072] : memref<3x128x256xf32, #tpu.memory_space<vmem>> -> memref<1x128x256xf32, #tpu.memory_space<vmem>>
      %get3A_1074 = tpu.memref_squeeze %get3A_1073 : memref<1x128x256xf32, #tpu.memory_space<vmem>> -> memref<128x256xf32, #tpu.memory_space<vmem>>
      %get3A_1075 = arith.index_cast %add3A_1070 : i32 to index
      %get3A_1076 = arith.constant 208 : index
      %get3A_1077 = tpu.vector_load %get3A_1074[%get3A_1075, %get3A_1076] {strides = array<i32>} : memref<128x256xf32, #tpu.memory_space<vmem>>, vector<1x16xf32>,
      %get3A_1078 = vector.shape_cast %get3A_1077 : vector<1x16xf32> to vector<16xf32>
      %add3A_1079 = arith.addf %add3A_1068, %get3A_1078 : vector<16xf32>
      %get3A_1080 = arith.constant 0 : i32
      %get3A_1081 = arith.constant 0 : i32
      %get3A_1082 = tpu.memref_slice %arg6[%scan3A_80, %get3A_1080, %get3A_1081] : memref<3x128x256xf32, #tpu.memory_space<vmem>> -> memref<1x128x256xf32, #tpu.memory_space<vmem>>
      %get3A_1083 = tpu.memref_squeeze %get3A_1082 : memref<1x128x256xf32, #tpu.memory_space<vmem>> -> memref<128x256xf32, #tpu.memory_space<vmem>>
      %get3A_1084 = arith.index_cast %mul3A_800 : i32 to index
      %get3A_1085 = arith.constant 224 : index
      %get3A_1086 = tpu.vector_load %get3A_1083[%get3A_1084, %get3A_1085] {strides = array<i32>} : memref<128x256xf32, #tpu.memory_space<vmem>>, vector<1x16xf32>,
      %get3A_1087 = vector.shape_cast %get3A_1086 : vector<1x16xf32> to vector<16xf32>
      %add3A_1088 = arith.addf %scan3A_797, %get3A_1087 : vector<16xf32>
      %add3A_1089 = arith.constant 1 : i32
      %add3A_1090 = arith.addi %mul3A_800, %add3A_1089 : i32
      %get3A_1091 = arith.constant 0 : i32
      %get3A_1092 = arith.constant 0 : i32
      %get3A_1093 = tpu.memref_slice %arg6[%scan3A_80, %get3A_1091, %get3A_1092] : memref<3x128x256xf32, #tpu.memory_space<vmem>> -> memref<1x128x256xf32, #tpu.memory_space<vmem>>
      %get3A_1094 = tpu.memref_squeeze %get3A_1093 : memref<1x128x256xf32, #tpu.memory_space<vmem>> -> memref<128x256xf32, #tpu.memory_space<vmem>>
      %get3A_1095 = arith.index_cast %add3A_1090 : i32 to index
      %get3A_1096 = arith.constant 224 : index
      %get3A_1097 = tpu.vector_load %get3A_1094[%get3A_1095, %get3A_1096] {strides = array<i32>} : memref<128x256xf32, #tpu.memory_space<vmem>>, vector<1x16xf32>,
      %get3A_1098 = vector.shape_cast %get3A_1097 : vector<1x16xf32> to vector<16xf32>
      %add3A_1099 = arith.addf %add3A_1088, %get3A_1098 : vector<16xf32>
      %get3A_1100 = arith.constant 0 : i32
      %get3A_1101 = arith.constant 0 : i32
      %get3A_1102 = tpu.memref_slice %arg6[%scan3A_80, %get3A_1100, %get3A_1101] : memref<3x128x256xf32, #tpu.memory_space<vmem>> -> memref<1x128x256xf32, #tpu.memory_space<vmem>>
      %get3A_1103 = tpu.memref_squeeze %get3A_1102 : memref<1x128x256xf32, #tpu.memory_space<vmem>> -> memref<128x256xf32, #tpu.memory_space<vmem>>
      %get3A_1104 = arith.index_cast %mul3A_800 : i32 to index
      %get3A_1105 = arith.constant 240 : index
      %get3A_1106 = tpu.vector_load %get3A_1103[%get3A_1104, %get3A_1105] {strides = array<i32>} : memref<128x256xf32, #tpu.memory_space<vmem>>, vector<1x16xf32>,
      %get3A_1107 = vector.shape_cast %get3A_1106 : vector<1x16xf32> to vector<16xf32>
      %add3A_1108 = arith.addf %scan3A_798, %get3A_1107 : vector<16xf32>
      %add3A_1109 = arith.constant 1 : i32
      %add3A_1110 = arith.addi %mul3A_800, %add3A_1109 : i32
      %get3A_1111 = arith.constant 0 : i32
      %get3A_1112 = arith.constant 0 : i32
      %get3A_1113 = tpu.memref_slice %arg6[%scan3A_80, %get3A_1111, %get3A_1112] : memref<3x128x256xf32, #tpu.memory_space<vmem>> -> memref<1x128x256xf32, #tpu.memory_space<vmem>>
      %get3A_1114 = tpu.memref_squeeze %get3A_1113 : memref<1x128x256xf32, #tpu.memory_space<vmem>> -> memref<128x256xf32, #tpu.memory_space<vmem>>
      %get3A_1115 = arith.index_cast %add3A_1110 : i32 to index
      %get3A_1116 = arith.constant 240 : index
      %get3A_1117 = tpu.vector_load %get3A_1114[%get3A_1115, %get3A_1116] {strides = array<i32>} : memref<128x256xf32, #tpu.memory_space<vmem>>, vector<1x16xf32>,
      %get3A_1118 = vector.shape_cast %get3A_1117 : vector<1x16xf32> to vector<16xf32>
      %add3A_1119 = arith.addf %add3A_1108, %get3A_1118 : vector<16xf32>
      scf.yield %add3A_819, %add3A_839, %add3A_859, %add3A_879, %add3A_899, %add3A_919, %add3A_939, %add3A_959, %add3A_979, %add3A_999, %add3A_1019, %add3A_1039, %add3A_1059, %add3A_1079, %add3A_1099, %add3A_1119 : vector<16xf32>, vector<16xf32>, vector<16xf32>, vector<16xf32>, vector<16xf32>, vector<16xf32>, vector<16xf32>, vector<16xf32>, vector<16xf32>, vector<16xf32>, vector<16xf32>, vector<16xf32>, vector<16xf32>, vector<16xf32>, vector<16xf32>, vector<16xf32>
    }
    %scan3A_86 = arith.constant 64 : i32
    %swap3A = arith.constant 27 : i32
    %swap3A_87 = arith.index_cast %swap3A : i32 to index
    %swap3A_88 = arith.constant 0 : index
    %swap3A_89 = tpu.vector_load %arg7[%swap3A_87, %swap3A_88] {strides = array<i32>} : memref<32x256xf32, #tpu.memory_space<vmem>>, vector<1x16xf32>,
    %swap3A_90 = vector.shape_cast %swap3A_89 : vector<1x16xf32> to vector<16xf32>
    %swap3A_91 = vector.shape_cast %scan3A_85#0 : vector<16xf32> to vector<1x16xf32>
    tpu.vector_store %arg7[%swap3A_87, %swap3A_88], %swap3A_91 {strides = array<i32>} : memref<32x256xf32, #tpu.memory_space<vmem>>, vector<1x16xf32>,
    %swap3A_92 = arith.constant 27 : i32
    %swap3A_93 = arith.index_cast %swap3A_92 : i32 to index
    %swap3A_94 = arith.constant 16 : index
    %swap3A_95 = tpu.vector_load %arg7[%swap3A_93, %swap3A_94] {strides = array<i32>} : memref<32x256xf32, #tpu.memory_space<vmem>>, vector<1x16xf32>,
    %swap3A_96 = vector.shape_cast %swap3A_95 : vector<1x16xf32> to vector<16xf32>
    %swap3A_97 = vector.shape_cast %scan3A_85#1 : vector<16xf32> to vector<1x16xf32>
    tpu.vector_store %arg7[%swap3A_93, %swap3A_94], %swap3A_97 {strides = array<i32>} : memref<32x256xf32, #tpu.memory_space<vmem>>, vector<1x16xf32>,
    %swap3A_98 = arith.constant 27 : i32
    %swap3A_99 = arith.index_cast %swap3A_98 : i32 to index
    %swap3A_100 = arith.constant 32 : index
    %swap3A_101 = tpu.vector_load %arg7[%swap3A_99, %swap3A_100] {strides = array<i32>} : memref<32x256xf32, #tpu.memory_space<vmem>>, vector<1x16xf32>,
    %swap3A_102 = vector.shape_cast %swap3A_101 : vector<1x16xf32> to vector<16xf32>
    %swap3A_103 = vector.shape_cast %scan3A_85#2 : vector<16xf32> to vector<1x16xf32>
    tpu.vector_store %arg7[%swap3A_99, %swap3A_100], %swap3A_103 {strides = array<i32>} : memref<32x256xf32, #tpu.memory_space<vmem>>, vector<1x16xf32>,
    %swap3A_104 = arith.constant 27 : i32
    %swap3A_105 = arith.index_cast %swap3A_104 : i32 to index
    %swap3A_106 = arith.constant 48 : index
    %swap3A_107 = tpu.vector_load %arg7[%swap3A_105, %swap3A_106] {strides = array<i32>} : memref<32x256xf32, #tpu.memory_space<vmem>>, vector<1x16xf32>,
    %swap3A_108 = vector.shape_cast %swap3A_107 : vector<1x16xf32> to vector<16xf32>
    %swap3A_109 = vector.shape_cast %scan3A_85#3 : vector<16xf32> to vector<1x16xf32>
    tpu.vector_store %arg7[%swap3A_105, %swap3A_106], %swap3A_109 {strides = array<i32>} : memref<32x256xf32, #tpu.memory_space<vmem>>, vector<1x16xf32>,
    %swap3A_110 = arith.constant 27 : i32
    %swap3A_111 = arith.index_cast %swap3A_110 : i32 to index
    %swap3A_112 = arith.constant 64 : index
    %swap3A_113 = tpu.vector_load %arg7[%swap3A_111, %swap3A_112] {strides = array<i32>} : memref<32x256xf32, #tpu.memory_space<vmem>>, vector<1x16xf32>,
    %swap3A_114 = vector.shape_cast %swap3A_113 : vector<1x16xf32> to vector<16xf32>
    %swap3A_115 = vector.shape_cast %scan3A_85#4 : vector<16xf32> to vector<1x16xf32>
    tpu.vector_store %arg7[%swap3A_111, %swap3A_112], %swap3A_115 {strides = array<i32>} : memref<32x256xf32, #tpu.memory_space<vmem>>, vector<1x16xf32>,
    %swap3A_116 = arith.constant 27 : i32
    %swap3A_117 = arith.index_cast %swap3A_116 : i32 to index
    %swap3A_118 = arith.constant 80 : index
    %swap3A_119 = tpu.vector_load %arg7[%swap3A_117, %swap3A_118] {strides = array<i32>} : memref<32x256xf32, #tpu.memory_space<vmem>>, vector<1x16xf32>,
    %swap3A_120 = vector.shape_cast %swap3A_119 : vector<1x16xf32> to vector<16xf32>
    %swap3A_121 = vector.shape_cast %scan3A_85#5 : vector<16xf32> to vector<1x16xf32>
    tpu.vector_store %arg7[%swap3A_117, %swap3A_118], %swap3A_121 {strides = array<i32>} : memref<32x256xf32, #tpu.memory_space<vmem>>, vector<1x16xf32>,
    %swap3A_122 = arith.constant 27 : i32
    %swap3A_123 = arith.index_cast %swap3A_122 : i32 to index
    %swap3A_124 = arith.constant 96 : index
    %swap3A_125 = tpu.vector_load %arg7[%swap3A_123, %swap3A_124] {strides = array<i32>} : memref<32x256xf32, #tpu.memory_space<vmem>>, vector<1x16xf32>,
    %swap3A_126 = vector.shape_cast %swap3A_125 : vector<1x16xf32> to vector<16xf32>
    %swap3A_127 = vector.shape_cast %scan3A_85#6 : vector<16xf32> to vector<1x16xf32>
    tpu.vector_store %arg7[%swap3A_123, %swap3A_124], %swap3A_127 {strides = array<i32>} : memref<32x256xf32, #tpu.memory_space<vmem>>, vector<1x16xf32>,
    %swap3A_128 = arith.constant 27 : i32
    %swap3A_129 = arith.index_cast %swap3A_128 : i32 to index
    %swap3A_130 = arith.constant 112 : index
    %swap3A_131 = tpu.vector_load %arg7[%swap3A_129, %swap3A_130] {strides = array<i32>} : memref<32x256xf32, #tpu.memory_space<vmem>>, vector<1x16xf32>,
    %swap3A_132 = vector.shape_cast %swap3A_131 : vector<1x16xf32> to vector<16xf32>
    %swap3A_133 = vector.shape_cast %scan3A_85#7 : vector<16xf32> to vector<1x16xf32>
    tpu.vector_store %arg7[%swap3A_129, %swap3A_130], %swap3A_133 {strides = array<i32>} : memref<32x256xf32, #tpu.memory_space<vmem>>, vector<1x16xf32>,
    %swap3A_134 = arith.constant 27 : i32
    %swap3A_135 = arith.index_cast %swap3A_134 : i32 to index
    %swap3A_136 = arith.constant 128 : index
    %swap3A_137 = tpu.vector_load %arg7[%swap3A_135, %swap3A_136] {strides = array<i32>} : memref<32x256xf32, #tpu.memory_space<vmem>>, vector<1x16xf32>,
    %swap3A_138 = vector.shape_cast %swap3A_137 : vector<1x16xf32> to vector<16xf32>
    %swap3A_139 = vector.shape_cast %scan3A_85#8 : vector<16xf32> to vector<1x16xf32>
    tpu.vector_store %arg7[%swap3A_135, %swap3A_136], %swap3A_139 {strides = array<i32>} : memref<32x256xf32, #tpu.memory_space<vmem>>, vector<1x16xf32>,
    %swap3A_140 = arith.constant 27 : i32
    %swap3A_141 = arith.index_cast %swap3A_140 : i32 to index
    %swap3A_142 = arith.constant 144 : index
    %swap3A_143 = tpu.vector_load %arg7[%swap3A_141, %swap3A_142] {strides = array<i32>} : memref<32x256xf32, #tpu.memory_space<vmem>>, vector<1x16xf32>,
    %swap3A_144 = vector.shape_cast %swap3A_143 : vector<1x16xf32> to vector<16xf32>
    %swap3A_145 = vector.shape_cast %scan3A_85#9 : vector<16xf32> to vector<1x16xf32>
    tpu.vector_store %arg7[%swap3A_141, %swap3A_142], %swap3A_145 {strides = array<i32>} : memref<32x256xf32, #tpu.memory_space<vmem>>, vector<1x16xf32>,
    %swap3A_146 = arith.constant 27 : i32
    %swap3A_147 = arith.index_cast %swap3A_146 : i32 to index
    %swap3A_148 = arith.constant 160 : index
    %swap3A_149 = tpu.vector_load %arg7[%swap3A_147, %swap3A_148] {strides = array<i32>} : memref<32x256xf32, #tpu.memory_space<vmem>>, vector<1x16xf32>,
    %swap3A_150 = vector.shape_cast %swap3A_149 : vector<1x16xf32> to vector<16xf32>
    %swap3A_151 = vector.shape_cast %scan3A_85#10 : vector<16xf32> to vector<1x16xf32>
    tpu.vector_store %arg7[%swap3A_147, %swap3A_148], %swap3A_151 {strides = array<i32>} : memref<32x256xf32, #tpu.memory_space<vmem>>, vector<1x16xf32>,
    %swap3A_152 = arith.constant 27 : i32
    %swap3A_153 = arith.index_cast %swap3A_152 : i32 to index
    %swap3A_154 = arith.constant 176 : index
    %swap3A_155 = tpu.vector_load %arg7[%swap3A_153, %swap3A_154] {strides = array<i32>} : memref<32x256xf32, #tpu.memory_space<vmem>>, vector<1x16xf32>,
    %swap3A_156 = vector.shape_cast %swap3A_155 : vector<1x16xf32> to vector<16xf32>
    %swap3A_157 = vector.shape_cast %scan3A_85#11 : vector<16xf32> to vector<1x16xf32>
    tpu.vector_store %arg7[%swap3A_153, %swap3A_154], %swap3A_157 {strides = array<i32>} : memref<32x256xf32, #tpu.memory_space<vmem>>, vector<1x16xf32>,
    %swap3A_158 = arith.constant 27 : i32
    %swap3A_159 = arith.index_cast %swap3A_158 : i32 to index
    %swap3A_160 = arith.constant 192 : index
    %swap3A_161 = tpu.vector_load %arg7[%swap3A_159, %swap3A_160] {strides = array<i32>} : memref<32x256xf32, #tpu.memory_space<vmem>>, vector<1x16xf32>,
    %swap3A_162 = vector.shape_cast %swap3A_161 : vector<1x16xf32> to vector<16xf32>
    %swap3A_163 = vector.shape_cast %scan3A_85#12 : vector<16xf32> to vector<1x16xf32>
    tpu.vector_store %arg7[%swap3A_159, %swap3A_160], %swap3A_163 {strides = array<i32>} : memref<32x256xf32, #tpu.memory_space<vmem>>, vector<1x16xf32>,
    %swap3A_164 = arith.constant 27 : i32
    %swap3A_165 = arith.index_cast %swap3A_164 : i32 to index
    %swap3A_166 = arith.constant 208 : index
    %swap3A_167 = tpu.vector_load %arg7[%swap3A_165, %swap3A_166] {strides = array<i32>} : memref<32x256xf32, #tpu.memory_space<vmem>>, vector<1x16xf32>,
    %swap3A_168 = vector.shape_cast %swap3A_167 : vector<1x16xf32> to vector<16xf32>
    %swap3A_169 = vector.shape_cast %scan3A_85#13 : vector<16xf32> to vector<1x16xf32>
    tpu.vector_store %arg7[%swap3A_165, %swap3A_166], %swap3A_169 {strides = array<i32>} : memref<32x256xf32, #tpu.memory_space<vmem>>, vector<1x16xf32>,
    %swap3A_170 = arith.constant 27 : i32
    %swap3A_171 = arith.index_cast %swap3A_170 : i32 to index
    %swap3A_172 = arith.constant 224 : index
    %swap3A_173 = tpu.vector_load %arg7[%swap3A_171, %swap3A_172] {strides = array<i32>} : memref<32x256xf32, #tpu.memory_space<vmem>>, vector<1x16xf32>,
    %swap3A_174 = vector.shape_cast %swap3A_173 : vector<1x16xf32> to vector<16xf32>
    %swap3A_175 = vector.shape_cast %scan3A_85#14 : vector<16xf32> to vector<1x16xf32>
    tpu.vector_store %arg7[%swap3A_171, %swap3A_172], %swap3A_175 {strides = array<i32>} : memref<32x256xf32, #tpu.memory_space<vmem>>, vector<1x16xf32>,
    %swap3A_176 = arith.constant 27 : i32
    %swap3A_177 = arith.index_cast %swap3A_176 : i32 to index
    %swap3A_178 = arith.constant 240 : index
    %swap3A_179 = tpu.vector_load %arg7[%swap3A_177, %swap3A_178] {strides = array<i32>} : memref<32x256xf32, #tpu.memory_space<vmem>>, vector<1x16xf32>,
    %swap3A_180 = vector.shape_cast %swap3A_179 : vector<1x16xf32> to vector<16xf32>
    %swap3A_181 = vector.shape_cast %scan3A_85#15 : vector<16xf32> to vector<1x16xf32>
    tpu.vector_store %arg7[%swap3A_177, %swap3A_178], %swap3A_181 {strides = array<i32>} : memref<32x256xf32, #tpu.memory_space<vmem>>, vector<1x16xf32>,
    %dma_start3A_182 = arith.constant 0 : i32
    %dma_start3A_183 = arith.constant 0 : i32
    %dma_start3A_184 = arith.constant 0 : i32
    %dma_start3A_185 = tpu.memref_slice %arg6[%dma_start3A_182, %dma_start3A_183, %dma_start3A_184] : memref<3x128x256xf32, #tpu.memory_space<vmem>> -> memref<1x128x256xf32, #tpu.memory_space<vmem>>
    %dma_start3A_186 = tpu.memref_squeeze %dma_start3A_185 : memref<1x128x256xf32, #tpu.memory_space<vmem>> -> memref<128x256xf32, #tpu.memory_space<vmem>>
    %dma_start3A_187 = arith.constant 3840 : i32
    %dma_start3A_188 = tpu.memref_slice %arg5[%dma_start3A_187] : memref<4096xi32, #tpu.memory_space<vmem>> -> memref<128xi32, #tpu.memory_space<vmem>>
    %dma_start3A_189 = arith.constant 0 : i32
    %dma_start3A_190 = arith.constant 0 : i32
    %dma_start3A_191 = tpu.memref_slice %arg2[%dma_start3A_189, %dma_start3A_190] : memref<50000x256xf32, #tpu.memory_space<hbm>> -> memref<50000x256xf32, #tpu.memory_space<hbm>>
    tpu.enqueue_indirect_dma source(%dma_start3A_191 : memref<50000x256xf32, #tpu.memory_space<hbm>>) target(%dma_start3A_186 : memref<128x256xf32, #tpu.memory_space<vmem>>) offsets(%dma_start3A_188 : memref<128xi32, #tpu.memory_space<vmem>>) semaphore(%arg8 : memref<!tpu.dma_semaphore, #tpu.memory_space<semaphore_mem>>)
    %dma_wait3A_192 = arith.constant 1 : i32
    %dma_wait3A_193 = arith.constant 0 : i32
    %dma_wait3A_194 = arith.constant 0 : i32
    %dma_wait3A_195 = tpu.memref_slice %arg6[%dma_wait3A_192, %dma_wait3A_193, %dma_wait3A_194] : memref<3x128x256xf32, #tpu.memory_space<vmem>> -> memref<1x128x256xf32, #tpu.memory_space<vmem>>
    %dma_wait3A_196 = tpu.memref_squeeze %dma_wait3A_195 : memref<1x128x256xf32, #tpu.memory_space<vmem>> -> memref<128x256xf32, #tpu.memory_space<vmem>>
    %dma_wait3A_197 = arith.constant 3584 : i32
    %dma_wait3A_198 = tpu.memref_slice %arg5[%dma_wait3A_197] : memref<4096xi32, #tpu.memory_space<vmem>> -> memref<128xi32, #tpu.memory_space<vmem>>
    %dma_wait3A_199 = arith.constant 0 : i32
    %dma_wait3A_200 = arith.constant 0 : i32
    %dma_wait3A_201 = tpu.memref_slice %arg2[%dma_wait3A_199, %dma_wait3A_200] : memref<50000x256xf32, #tpu.memory_space<hbm>> -> memref<50000x256xf32, #tpu.memory_space<hbm>>
    tpu.wait_indirect_dma semaphore(%arg9 : memref<!tpu.dma_semaphore, #tpu.memory_space<semaphore_mem>>) src(%dma_wait3A_201 : memref<50000x256xf32, #tpu.memory_space<hbm>>) dst(%dma_wait3A_196 : memref<128x256xf32, #tpu.memory_space<vmem>>)
    %broadcast_in_dim3A_202 = arith.constant 0.000000e+00 : f32
    %broadcast_in_dim3A_203 = vector.broadcast %broadcast_in_dim3A_202 : f32 to vector<16xf32>
    %broadcast_in_dim3A_204 = arith.constant 0.000000e+00 : f32
    %broadcast_in_dim3A_205 = vector.broadcast %broadcast_in_dim3A_204 : f32 to vector<16xf32>
    %broadcast_in_dim3A_206 = arith.constant 0.000000e+00 : f32
    %broadcast_in_dim3A_207 = vector.broadcast %broadcast_in_dim3A_206 : f32 to vector<16xf32>
    %broadcast_in_dim3A_208 = arith.constant 0.000000e+00 : f32
    %broadcast_in_dim3A_209 = vector.broadcast %broadcast_in_dim3A_208 : f32 to vector<16xf32>
    %broadcast_in_dim3A_210 = arith.constant 0.000000e+00 : f32
    %broadcast_in_dim3A_211 = vector.broadcast %broadcast_in_dim3A_210 : f32 to vector<16xf32>
    %broadcast_in_dim3A_212 = arith.constant 0.000000e+00 : f32
    %broadcast_in_dim3A_213 = vector.broadcast %broadcast_in_dim3A_212 : f32 to vector<16xf32>
    %broadcast_in_dim3A_214 = arith.constant 0.000000e+00 : f32
    %broadcast_in_dim3A_215 = vector.broadcast %broadcast_in_dim3A_214 : f32 to vector<16xf32>
    %broadcast_in_dim3A_216 = arith.constant 0.000000e+00 : f32
    %broadcast_in_dim3A_217 = vector.broadcast %broadcast_in_dim3A_216 : f32 to vector<16xf32>
    %broadcast_in_dim3A_218 = arith.constant 0.000000e+00 : f32
    %broadcast_in_dim3A_219 = vector.broadcast %broadcast_in_dim3A_218 : f32 to vector<16xf32>
    %broadcast_in_dim3A_220 = arith.constant 0.000000e+00 : f32
    %broadcast_in_dim3A_221 = vector.broadcast %broadcast_in_dim3A_220 : f32 to vector<16xf32>
    %broadcast_in_dim3A_222 = arith.constant 0.000000e+00 : f32
    %broadcast_in_dim3A_223 = vector.broadcast %broadcast_in_dim3A_222 : f32 to vector<16xf32>
    %broadcast_in_dim3A_224 = arith.constant 0.000000e+00 : f32
    %broadcast_in_dim3A_225 = vector.broadcast %broadcast_in_dim3A_224 : f32 to vector<16xf32>
    %broadcast_in_dim3A_226 = arith.constant 0.000000e+00 : f32
    %broadcast_in_dim3A_227 = vector.broadcast %broadcast_in_dim3A_226 : f32 to vector<16xf32>
    %broadcast_in_dim3A_228 = arith.constant 0.000000e+00 : f32
    %broadcast_in_dim3A_229 = vector.broadcast %broadcast_in_dim3A_228 : f32 to vector<16xf32>
    %broadcast_in_dim3A_230 = arith.constant 0.000000e+00 : f32
    %broadcast_in_dim3A_231 = vector.broadcast %broadcast_in_dim3A_230 : f32 to vector<16xf32>
    %broadcast_in_dim3A_232 = arith.constant 0.000000e+00 : f32
    %broadcast_in_dim3A_233 = vector.broadcast %broadcast_in_dim3A_232 : f32 to vector<16xf32>
    %scan3A_234 = arith.constant 1 : i32
    %scan3A_235 = arith.constant 0 : i32
    %scan3A_236 = arith.constant 64 : i32
    %scan3A_237 = arith.addi %scan3A_235, %scan3A_236 : i32
    %scan3A_238 = arith.constant 1 : i32
    %scan3A_239:16 = scf.for %scan3A_782 = %scan3A_235 to %scan3A_237 step %scan3A_238 iter_args(%scan3A_783 = %broadcast_in_dim3A_203, %scan3A_784 = %broadcast_in_dim3A_205, %scan3A_785 = %broadcast_in_dim3A_207, %scan3A_786 = %broadcast_in_dim3A_209, %scan3A_787 = %broadcast_in_dim3A_211, %scan3A_788 = %broadcast_in_dim3A_213, %scan3A_789 = %broadcast_in_dim3A_215, %scan3A_790 = %broadcast_in_dim3A_217, %scan3A_791 = %broadcast_in_dim3A_219, %scan3A_792 = %broadcast_in_dim3A_221, %scan3A_793 = %broadcast_in_dim3A_223, %scan3A_794 = %broadcast_in_dim3A_225, %scan3A_795 = %broadcast_in_dim3A_227, %scan3A_796 = %broadcast_in_dim3A_229, %scan3A_797 = %broadcast_in_dim3A_231, %scan3A_798 = %broadcast_in_dim3A_233) -> (vector<16xf32>, vector<16xf32>, vector<16xf32>, vector<16xf32>, vector<16xf32>, vector<16xf32>, vector<16xf32>, vector<16xf32>, vector<16xf32>, vector<16xf32>, vector<16xf32>, vector<16xf32>, vector<16xf32>, vector<16xf32>, vector<16xf32>, vector<16xf32>)  : i32 {
      %mul3A_799 = arith.constant 2 : i32
      %mul3A_800 = arith.muli %mul3A_799, %scan3A_782 : i32
      %get3A = arith.constant 0 : i32
      %get3A_801 = arith.constant 0 : i32
      %get3A_802 = tpu.memref_slice %arg6[%scan3A_234, %get3A, %get3A_801] : memref<3x128x256xf32, #tpu.memory_space<vmem>> -> memref<1x128x256xf32, #tpu.memory_space<vmem>>
      %get3A_803 = tpu.memref_squeeze %get3A_802 : memref<1x128x256xf32, #tpu.memory_space<vmem>> -> memref<128x256xf32, #tpu.memory_space<vmem>>
      %get3A_804 = arith.index_cast %mul3A_800 : i32 to index
      %get3A_805 = arith.constant 0 : index
      %get3A_806 = tpu.vector_load %get3A_803[%get3A_804, %get3A_805] {strides = array<i32>} : memref<128x256xf32, #tpu.memory_space<vmem>>, vector<1x16xf32>,
      %get3A_807 = vector.shape_cast %get3A_806 : vector<1x16xf32> to vector<16xf32>
      %add3A_808 = arith.addf %scan3A_783, %get3A_807 : vector<16xf32>
      %add3A_809 = arith.constant 1 : i32
      %add3A_810 = arith.addi %mul3A_800, %add3A_809 : i32
      %get3A_811 = arith.constant 0 : i32
      %get3A_812 = arith.constant 0 : i32
      %get3A_813 = tpu.memref_slice %arg6[%scan3A_234, %get3A_811, %get3A_812] : memref<3x128x256xf32, #tpu.memory_space<vmem>> -> memref<1x128x256xf32, #tpu.memory_space<vmem>>
      %get3A_814 = tpu.memref_squeeze %get3A_813 : memref<1x128x256xf32, #tpu.memory_space<vmem>> -> memref<128x256xf32, #tpu.memory_space<vmem>>
      %get3A_815 = arith.index_cast %add3A_810 : i32 to index
      %get3A_816 = arith.constant 0 : index
      %get3A_817 = tpu.vector_load %get3A_814[%get3A_815, %get3A_816] {strides = array<i32>} : memref<128x256xf32, #tpu.memory_space<vmem>>, vector<1x16xf32>,
      %get3A_818 = vector.shape_cast %get3A_817 : vector<1x16xf32> to vector<16xf32>
      %add3A_819 = arith.addf %add3A_808, %get3A_818 : vector<16xf32>
      %get3A_820 = arith.constant 0 : i32
      %get3A_821 = arith.constant 0 : i32
      %get3A_822 = tpu.memref_slice %arg6[%scan3A_234, %get3A_820, %get3A_821] : memref<3x128x256xf32, #tpu.memory_space<vmem>> -> memref<1x128x256xf32, #tpu.memory_space<vmem>>
      %get3A_823 = tpu.memref_squeeze %get3A_822 : memref<1x128x256xf32, #tpu.memory_space<vmem>> -> memref<128x256xf32, #tpu.memory_space<vmem>>
      %get3A_824 = arith.index_cast %mul3A_800 : i32 to index
      %get3A_825 = arith.constant 16 : index
      %get3A_826 = tpu.vector_load %get3A_823[%get3A_824, %get3A_825] {strides = array<i32>} : memref<128x256xf32, #tpu.memory_space<vmem>>, vector<1x16xf32>,
      %get3A_827 = vector.shape_cast %get3A_826 : vector<1x16xf32> to vector<16xf32>
      %add3A_828 = arith.addf %scan3A_784, %get3A_827 : vector<16xf32>
      %add3A_829 = arith.constant 1 : i32
      %add3A_830 = arith.addi %mul3A_800, %add3A_829 : i32
      %get3A_831 = arith.constant 0 : i32
      %get3A_832 = arith.constant 0 : i32
      %get3A_833 = tpu.memref_slice %arg6[%scan3A_234, %get3A_831, %get3A_832] : memref<3x128x256xf32, #tpu.memory_space<vmem>> -> memref<1x128x256xf32, #tpu.memory_space<vmem>>
      %get3A_834 = tpu.memref_squeeze %get3A_833 : memref<1x128x256xf32, #tpu.memory_space<vmem>> -> memref<128x256xf32, #tpu.memory_space<vmem>>
      %get3A_835 = arith.index_cast %add3A_830 : i32 to index
      %get3A_836 = arith.constant 16 : index
      %get3A_837 = tpu.vector_load %get3A_834[%get3A_835, %get3A_836] {strides = array<i32>} : memref<128x256xf32, #tpu.memory_space<vmem>>, vector<1x16xf32>,
      %get3A_838 = vector.shape_cast %get3A_837 : vector<1x16xf32> to vector<16xf32>
      %add3A_839 = arith.addf %add3A_828, %get3A_838 : vector<16xf32>
      %get3A_840 = arith.constant 0 : i32
      %get3A_841 = arith.constant 0 : i32
      %get3A_842 = tpu.memref_slice %arg6[%scan3A_234, %get3A_840, %get3A_841] : memref<3x128x256xf32, #tpu.memory_space<vmem>> -> memref<1x128x256xf32, #tpu.memory_space<vmem>>
      %get3A_843 = tpu.memref_squeeze %get3A_842 : memref<1x128x256xf32, #tpu.memory_space<vmem>> -> memref<128x256xf32, #tpu.memory_space<vmem>>
      %get3A_844 = arith.index_cast %mul3A_800 : i32 to index
      %get3A_845 = arith.constant 32 : index
      %get3A_846 = tpu.vector_load %get3A_843[%get3A_844, %get3A_845] {strides = array<i32>} : memref<128x256xf32, #tpu.memory_space<vmem>>, vector<1x16xf32>,
      %get3A_847 = vector.shape_cast %get3A_846 : vector<1x16xf32> to vector<16xf32>
      %add3A_848 = arith.addf %scan3A_785, %get3A_847 : vector<16xf32>
      %add3A_849 = arith.constant 1 : i32
      %add3A_850 = arith.addi %mul3A_800, %add3A_849 : i32
      %get3A_851 = arith.constant 0 : i32
      %get3A_852 = arith.constant 0 : i32
      %get3A_853 = tpu.memref_slice %arg6[%scan3A_234, %get3A_851, %get3A_852] : memref<3x128x256xf32, #tpu.memory_space<vmem>> -> memref<1x128x256xf32, #tpu.memory_space<vmem>>
      %get3A_854 = tpu.memref_squeeze %get3A_853 : memref<1x128x256xf32, #tpu.memory_space<vmem>> -> memref<128x256xf32, #tpu.memory_space<vmem>>
      %get3A_855 = arith.index_cast %add3A_850 : i32 to index
      %get3A_856 = arith.constant 32 : index
      %get3A_857 = tpu.vector_load %get3A_854[%get3A_855, %get3A_856] {strides = array<i32>} : memref<128x256xf32, #tpu.memory_space<vmem>>, vector<1x16xf32>,
      %get3A_858 = vector.shape_cast %get3A_857 : vector<1x16xf32> to vector<16xf32>
      %add3A_859 = arith.addf %add3A_848, %get3A_858 : vector<16xf32>
      %get3A_860 = arith.constant 0 : i32
      %get3A_861 = arith.constant 0 : i32
      %get3A_862 = tpu.memref_slice %arg6[%scan3A_234, %get3A_860, %get3A_861] : memref<3x128x256xf32, #tpu.memory_space<vmem>> -> memref<1x128x256xf32, #tpu.memory_space<vmem>>
      %get3A_863 = tpu.memref_squeeze %get3A_862 : memref<1x128x256xf32, #tpu.memory_space<vmem>> -> memref<128x256xf32, #tpu.memory_space<vmem>>
      %get3A_864 = arith.index_cast %mul3A_800 : i32 to index
      %get3A_865 = arith.constant 48 : index
      %get3A_866 = tpu.vector_load %get3A_863[%get3A_864, %get3A_865] {strides = array<i32>} : memref<128x256xf32, #tpu.memory_space<vmem>>, vector<1x16xf32>,
      %get3A_867 = vector.shape_cast %get3A_866 : vector<1x16xf32> to vector<16xf32>
      %add3A_868 = arith.addf %scan3A_786, %get3A_867 : vector<16xf32>
      %add3A_869 = arith.constant 1 : i32
      %add3A_870 = arith.addi %mul3A_800, %add3A_869 : i32
      %get3A_871 = arith.constant 0 : i32
      %get3A_872 = arith.constant 0 : i32
      %get3A_873 = tpu.memref_slice %arg6[%scan3A_234, %get3A_871, %get3A_872] : memref<3x128x256xf32, #tpu.memory_space<vmem>> -> memref<1x128x256xf32, #tpu.memory_space<vmem>>
      %get3A_874 = tpu.memref_squeeze %get3A_873 : memref<1x128x256xf32, #tpu.memory_space<vmem>> -> memref<128x256xf32, #tpu.memory_space<vmem>>
      %get3A_875 = arith.index_cast %add3A_870 : i32 to index
      %get3A_876 = arith.constant 48 : index
      %get3A_877 = tpu.vector_load %get3A_874[%get3A_875, %get3A_876] {strides = array<i32>} : memref<128x256xf32, #tpu.memory_space<vmem>>, vector<1x16xf32>,
      %get3A_878 = vector.shape_cast %get3A_877 : vector<1x16xf32> to vector<16xf32>
      %add3A_879 = arith.addf %add3A_868, %get3A_878 : vector<16xf32>
      %get3A_880 = arith.constant 0 : i32
      %get3A_881 = arith.constant 0 : i32
      %get3A_882 = tpu.memref_slice %arg6[%scan3A_234, %get3A_880, %get3A_881] : memref<3x128x256xf32, #tpu.memory_space<vmem>> -> memref<1x128x256xf32, #tpu.memory_space<vmem>>
      %get3A_883 = tpu.memref_squeeze %get3A_882 : memref<1x128x256xf32, #tpu.memory_space<vmem>> -> memref<128x256xf32, #tpu.memory_space<vmem>>
      %get3A_884 = arith.index_cast %mul3A_800 : i32 to index
      %get3A_885 = arith.constant 64 : index
      %get3A_886 = tpu.vector_load %get3A_883[%get3A_884, %get3A_885] {strides = array<i32>} : memref<128x256xf32, #tpu.memory_space<vmem>>, vector<1x16xf32>,
      %get3A_887 = vector.shape_cast %get3A_886 : vector<1x16xf32> to vector<16xf32>
      %add3A_888 = arith.addf %scan3A_787, %get3A_887 : vector<16xf32>
      %add3A_889 = arith.constant 1 : i32
      %add3A_890 = arith.addi %mul3A_800, %add3A_889 : i32
      %get3A_891 = arith.constant 0 : i32
      %get3A_892 = arith.constant 0 : i32
      %get3A_893 = tpu.memref_slice %arg6[%scan3A_234, %get3A_891, %get3A_892] : memref<3x128x256xf32, #tpu.memory_space<vmem>> -> memref<1x128x256xf32, #tpu.memory_space<vmem>>
      %get3A_894 = tpu.memref_squeeze %get3A_893 : memref<1x128x256xf32, #tpu.memory_space<vmem>> -> memref<128x256xf32, #tpu.memory_space<vmem>>
      %get3A_895 = arith.index_cast %add3A_890 : i32 to index
      %get3A_896 = arith.constant 64 : index
      %get3A_897 = tpu.vector_load %get3A_894[%get3A_895, %get3A_896] {strides = array<i32>} : memref<128x256xf32, #tpu.memory_space<vmem>>, vector<1x16xf32>,
      %get3A_898 = vector.shape_cast %get3A_897 : vector<1x16xf32> to vector<16xf32>
      %add3A_899 = arith.addf %add3A_888, %get3A_898 : vector<16xf32>
      %get3A_900 = arith.constant 0 : i32
      %get3A_901 = arith.constant 0 : i32
      %get3A_902 = tpu.memref_slice %arg6[%scan3A_234, %get3A_900, %get3A_901] : memref<3x128x256xf32, #tpu.memory_space<vmem>> -> memref<1x128x256xf32, #tpu.memory_space<vmem>>
      %get3A_903 = tpu.memref_squeeze %get3A_902 : memref<1x128x256xf32, #tpu.memory_space<vmem>> -> memref<128x256xf32, #tpu.memory_space<vmem>>
      %get3A_904 = arith.index_cast %mul3A_800 : i32 to index
      %get3A_905 = arith.constant 80 : index
      %get3A_906 = tpu.vector_load %get3A_903[%get3A_904, %get3A_905] {strides = array<i32>} : memref<128x256xf32, #tpu.memory_space<vmem>>, vector<1x16xf32>,
      %get3A_907 = vector.shape_cast %get3A_906 : vector<1x16xf32> to vector<16xf32>
      %add3A_908 = arith.addf %scan3A_788, %get3A_907 : vector<16xf32>
      %add3A_909 = arith.constant 1 : i32
      %add3A_910 = arith.addi %mul3A_800, %add3A_909 : i32
      %get3A_911 = arith.constant 0 : i32
      %get3A_912 = arith.constant 0 : i32
      %get3A_913 = tpu.memref_slice %arg6[%scan3A_234, %get3A_911, %get3A_912] : memref<3x128x256xf32, #tpu.memory_space<vmem>> -> memref<1x128x256xf32, #tpu.memory_space<vmem>>
      %get3A_914 = tpu.memref_squeeze %get3A_913 : memref<1x128x256xf32, #tpu.memory_space<vmem>> -> memref<128x256xf32, #tpu.memory_space<vmem>>
      %get3A_915 = arith.index_cast %add3A_910 : i32 to index
      %get3A_916 = arith.constant 80 : index
      %get3A_917 = tpu.vector_load %get3A_914[%get3A_915, %get3A_916] {strides = array<i32>} : memref<128x256xf32, #tpu.memory_space<vmem>>, vector<1x16xf32>,
      %get3A_918 = vector.shape_cast %get3A_917 : vector<1x16xf32> to vector<16xf32>
      %add3A_919 = arith.addf %add3A_908, %get3A_918 : vector<16xf32>
      %get3A_920 = arith.constant 0 : i32
      %get3A_921 = arith.constant 0 : i32
      %get3A_922 = tpu.memref_slice %arg6[%scan3A_234, %get3A_920, %get3A_921] : memref<3x128x256xf32, #tpu.memory_space<vmem>> -> memref<1x128x256xf32, #tpu.memory_space<vmem>>
      %get3A_923 = tpu.memref_squeeze %get3A_922 : memref<1x128x256xf32, #tpu.memory_space<vmem>> -> memref<128x256xf32, #tpu.memory_space<vmem>>
      %get3A_924 = arith.index_cast %mul3A_800 : i32 to index
      %get3A_925 = arith.constant 96 : index
      %get3A_926 = tpu.vector_load %get3A_923[%get3A_924, %get3A_925] {strides = array<i32>} : memref<128x256xf32, #tpu.memory_space<vmem>>, vector<1x16xf32>,
      %get3A_927 = vector.shape_cast %get3A_926 : vector<1x16xf32> to vector<16xf32>
      %add3A_928 = arith.addf %scan3A_789, %get3A_927 : vector<16xf32>
      %add3A_929 = arith.constant 1 : i32
      %add3A_930 = arith.addi %mul3A_800, %add3A_929 : i32
      %get3A_931 = arith.constant 0 : i32
      %get3A_932 = arith.constant 0 : i32
      %get3A_933 = tpu.memref_slice %arg6[%scan3A_234, %get3A_931, %get3A_932] : memref<3x128x256xf32, #tpu.memory_space<vmem>> -> memref<1x128x256xf32, #tpu.memory_space<vmem>>
      %get3A_934 = tpu.memref_squeeze %get3A_933 : memref<1x128x256xf32, #tpu.memory_space<vmem>> -> memref<128x256xf32, #tpu.memory_space<vmem>>
      %get3A_935 = arith.index_cast %add3A_930 : i32 to index
      %get3A_936 = arith.constant 96 : index
      %get3A_937 = tpu.vector_load %get3A_934[%get3A_935, %get3A_936] {strides = array<i32>} : memref<128x256xf32, #tpu.memory_space<vmem>>, vector<1x16xf32>,
      %get3A_938 = vector.shape_cast %get3A_937 : vector<1x16xf32> to vector<16xf32>
      %add3A_939 = arith.addf %add3A_928, %get3A_938 : vector<16xf32>
      %get3A_940 = arith.constant 0 : i32
      %get3A_941 = arith.constant 0 : i32
      %get3A_942 = tpu.memref_slice %arg6[%scan3A_234, %get3A_940, %get3A_941] : memref<3x128x256xf32, #tpu.memory_space<vmem>> -> memref<1x128x256xf32, #tpu.memory_space<vmem>>
      %get3A_943 = tpu.memref_squeeze %get3A_942 : memref<1x128x256xf32, #tpu.memory_space<vmem>> -> memref<128x256xf32, #tpu.memory_space<vmem>>
      %get3A_944 = arith.index_cast %mul3A_800 : i32 to index
      %get3A_945 = arith.constant 112 : index
      %get3A_946 = tpu.vector_load %get3A_943[%get3A_944, %get3A_945] {strides = array<i32>} : memref<128x256xf32, #tpu.memory_space<vmem>>, vector<1x16xf32>,
      %get3A_947 = vector.shape_cast %get3A_946 : vector<1x16xf32> to vector<16xf32>
      %add3A_948 = arith.addf %scan3A_790, %get3A_947 : vector<16xf32>
      %add3A_949 = arith.constant 1 : i32
      %add3A_950 = arith.addi %mul3A_800, %add3A_949 : i32
      %get3A_951 = arith.constant 0 : i32
      %get3A_952 = arith.constant 0 : i32
      %get3A_953 = tpu.memref_slice %arg6[%scan3A_234, %get3A_951, %get3A_952] : memref<3x128x256xf32, #tpu.memory_space<vmem>> -> memref<1x128x256xf32, #tpu.memory_space<vmem>>
      %get3A_954 = tpu.memref_squeeze %get3A_953 : memref<1x128x256xf32, #tpu.memory_space<vmem>> -> memref<128x256xf32, #tpu.memory_space<vmem>>
      %get3A_955 = arith.index_cast %add3A_950 : i32 to index
      %get3A_956 = arith.constant 112 : index
      %get3A_957 = tpu.vector_load %get3A_954[%get3A_955, %get3A_956] {strides = array<i32>} : memref<128x256xf32, #tpu.memory_space<vmem>>, vector<1x16xf32>,
      %get3A_958 = vector.shape_cast %get3A_957 : vector<1x16xf32> to vector<16xf32>
      %add3A_959 = arith.addf %add3A_948, %get3A_958 : vector<16xf32>
      %get3A_960 = arith.constant 0 : i32
      %get3A_961 = arith.constant 0 : i32
      %get3A_962 = tpu.memref_slice %arg6[%scan3A_234, %get3A_960, %get3A_961] : memref<3x128x256xf32, #tpu.memory_space<vmem>> -> memref<1x128x256xf32, #tpu.memory_space<vmem>>
      %get3A_963 = tpu.memref_squeeze %get3A_962 : memref<1x128x256xf32, #tpu.memory_space<vmem>> -> memref<128x256xf32, #tpu.memory_space<vmem>>
      %get3A_964 = arith.index_cast %mul3A_800 : i32 to index
      %get3A_965 = arith.constant 128 : index
      %get3A_966 = tpu.vector_load %get3A_963[%get3A_964, %get3A_965] {strides = array<i32>} : memref<128x256xf32, #tpu.memory_space<vmem>>, vector<1x16xf32>,
      %get3A_967 = vector.shape_cast %get3A_966 : vector<1x16xf32> to vector<16xf32>
      %add3A_968 = arith.addf %scan3A_791, %get3A_967 : vector<16xf32>
      %add3A_969 = arith.constant 1 : i32
      %add3A_970 = arith.addi %mul3A_800, %add3A_969 : i32
      %get3A_971 = arith.constant 0 : i32
      %get3A_972 = arith.constant 0 : i32
      %get3A_973 = tpu.memref_slice %arg6[%scan3A_234, %get3A_971, %get3A_972] : memref<3x128x256xf32, #tpu.memory_space<vmem>> -> memref<1x128x256xf32, #tpu.memory_space<vmem>>
      %get3A_974 = tpu.memref_squeeze %get3A_973 : memref<1x128x256xf32, #tpu.memory_space<vmem>> -> memref<128x256xf32, #tpu.memory_space<vmem>>
      %get3A_975 = arith.index_cast %add3A_970 : i32 to index
      %get3A_976 = arith.constant 128 : index
      %get3A_977 = tpu.vector_load %get3A_974[%get3A_975, %get3A_976] {strides = array<i32>} : memref<128x256xf32, #tpu.memory_space<vmem>>, vector<1x16xf32>,
      %get3A_978 = vector.shape_cast %get3A_977 : vector<1x16xf32> to vector<16xf32>
      %add3A_979 = arith.addf %add3A_968, %get3A_978 : vector<16xf32>
      %get3A_980 = arith.constant 0 : i32
      %get3A_981 = arith.constant 0 : i32
      %get3A_982 = tpu.memref_slice %arg6[%scan3A_234, %get3A_980, %get3A_981] : memref<3x128x256xf32, #tpu.memory_space<vmem>> -> memref<1x128x256xf32, #tpu.memory_space<vmem>>
      %get3A_983 = tpu.memref_squeeze %get3A_982 : memref<1x128x256xf32, #tpu.memory_space<vmem>> -> memref<128x256xf32, #tpu.memory_space<vmem>>
      %get3A_984 = arith.index_cast %mul3A_800 : i32 to index
      %get3A_985 = arith.constant 144 : index
      %get3A_986 = tpu.vector_load %get3A_983[%get3A_984, %get3A_985] {strides = array<i32>} : memref<128x256xf32, #tpu.memory_space<vmem>>, vector<1x16xf32>,
      %get3A_987 = vector.shape_cast %get3A_986 : vector<1x16xf32> to vector<16xf32>
      %add3A_988 = arith.addf %scan3A_792, %get3A_987 : vector<16xf32>
      %add3A_989 = arith.constant 1 : i32
      %add3A_990 = arith.addi %mul3A_800, %add3A_989 : i32
      %get3A_991 = arith.constant 0 : i32
      %get3A_992 = arith.constant 0 : i32
      %get3A_993 = tpu.memref_slice %arg6[%scan3A_234, %get3A_991, %get3A_992] : memref<3x128x256xf32, #tpu.memory_space<vmem>> -> memref<1x128x256xf32, #tpu.memory_space<vmem>>
      %get3A_994 = tpu.memref_squeeze %get3A_993 : memref<1x128x256xf32, #tpu.memory_space<vmem>> -> memref<128x256xf32, #tpu.memory_space<vmem>>
      %get3A_995 = arith.index_cast %add3A_990 : i32 to index
      %get3A_996 = arith.constant 144 : index
      %get3A_997 = tpu.vector_load %get3A_994[%get3A_995, %get3A_996] {strides = array<i32>} : memref<128x256xf32, #tpu.memory_space<vmem>>, vector<1x16xf32>,
      %get3A_998 = vector.shape_cast %get3A_997 : vector<1x16xf32> to vector<16xf32>
      %add3A_999 = arith.addf %add3A_988, %get3A_998 : vector<16xf32>
      %get3A_1000 = arith.constant 0 : i32
      %get3A_1001 = arith.constant 0 : i32
      %get3A_1002 = tpu.memref_slice %arg6[%scan3A_234, %get3A_1000, %get3A_1001] : memref<3x128x256xf32, #tpu.memory_space<vmem>> -> memref<1x128x256xf32, #tpu.memory_space<vmem>>
      %get3A_1003 = tpu.memref_squeeze %get3A_1002 : memref<1x128x256xf32, #tpu.memory_space<vmem>> -> memref<128x256xf32, #tpu.memory_space<vmem>>
      %get3A_1004 = arith.index_cast %mul3A_800 : i32 to index
      %get3A_1005 = arith.constant 160 : index
      %get3A_1006 = tpu.vector_load %get3A_1003[%get3A_1004, %get3A_1005] {strides = array<i32>} : memref<128x256xf32, #tpu.memory_space<vmem>>, vector<1x16xf32>,
      %get3A_1007 = vector.shape_cast %get3A_1006 : vector<1x16xf32> to vector<16xf32>
      %add3A_1008 = arith.addf %scan3A_793, %get3A_1007 : vector<16xf32>
      %add3A_1009 = arith.constant 1 : i32
      %add3A_1010 = arith.addi %mul3A_800, %add3A_1009 : i32
      %get3A_1011 = arith.constant 0 : i32
      %get3A_1012 = arith.constant 0 : i32
      %get3A_1013 = tpu.memref_slice %arg6[%scan3A_234, %get3A_1011, %get3A_1012] : memref<3x128x256xf32, #tpu.memory_space<vmem>> -> memref<1x128x256xf32, #tpu.memory_space<vmem>>
      %get3A_1014 = tpu.memref_squeeze %get3A_1013 : memref<1x128x256xf32, #tpu.memory_space<vmem>> -> memref<128x256xf32, #tpu.memory_space<vmem>>
      %get3A_1015 = arith.index_cast %add3A_1010 : i32 to index
      %get3A_1016 = arith.constant 160 : index
      %get3A_1017 = tpu.vector_load %get3A_1014[%get3A_1015, %get3A_1016] {strides = array<i32>} : memref<128x256xf32, #tpu.memory_space<vmem>>, vector<1x16xf32>,
      %get3A_1018 = vector.shape_cast %get3A_1017 : vector<1x16xf32> to vector<16xf32>
      %add3A_1019 = arith.addf %add3A_1008, %get3A_1018 : vector<16xf32>
      %get3A_1020 = arith.constant 0 : i32
      %get3A_1021 = arith.constant 0 : i32
      %get3A_1022 = tpu.memref_slice %arg6[%scan3A_234, %get3A_1020, %get3A_1021] : memref<3x128x256xf32, #tpu.memory_space<vmem>> -> memref<1x128x256xf32, #tpu.memory_space<vmem>>
      %get3A_1023 = tpu.memref_squeeze %get3A_1022 : memref<1x128x256xf32, #tpu.memory_space<vmem>> -> memref<128x256xf32, #tpu.memory_space<vmem>>
      %get3A_1024 = arith.index_cast %mul3A_800 : i32 to index
      %get3A_1025 = arith.constant 176 : index
      %get3A_1026 = tpu.vector_load %get3A_1023[%get3A_1024, %get3A_1025] {strides = array<i32>} : memref<128x256xf32, #tpu.memory_space<vmem>>, vector<1x16xf32>,
      %get3A_1027 = vector.shape_cast %get3A_1026 : vector<1x16xf32> to vector<16xf32>
      %add3A_1028 = arith.addf %scan3A_794, %get3A_1027 : vector<16xf32>
      %add3A_1029 = arith.constant 1 : i32
      %add3A_1030 = arith.addi %mul3A_800, %add3A_1029 : i32
      %get3A_1031 = arith.constant 0 : i32
      %get3A_1032 = arith.constant 0 : i32
      %get3A_1033 = tpu.memref_slice %arg6[%scan3A_234, %get3A_1031, %get3A_1032] : memref<3x128x256xf32, #tpu.memory_space<vmem>> -> memref<1x128x256xf32, #tpu.memory_space<vmem>>
      %get3A_1034 = tpu.memref_squeeze %get3A_1033 : memref<1x128x256xf32, #tpu.memory_space<vmem>> -> memref<128x256xf32, #tpu.memory_space<vmem>>
      %get3A_1035 = arith.index_cast %add3A_1030 : i32 to index
      %get3A_1036 = arith.constant 176 : index
      %get3A_1037 = tpu.vector_load %get3A_1034[%get3A_1035, %get3A_1036] {strides = array<i32>} : memref<128x256xf32, #tpu.memory_space<vmem>>, vector<1x16xf32>,
      %get3A_1038 = vector.shape_cast %get3A_1037 : vector<1x16xf32> to vector<16xf32>
      %add3A_1039 = arith.addf %add3A_1028, %get3A_1038 : vector<16xf32>
      %get3A_1040 = arith.constant 0 : i32
      %get3A_1041 = arith.constant 0 : i32
      %get3A_1042 = tpu.memref_slice %arg6[%scan3A_234, %get3A_1040, %get3A_1041] : memref<3x128x256xf32, #tpu.memory_space<vmem>> -> memref<1x128x256xf32, #tpu.memory_space<vmem>>
      %get3A_1043 = tpu.memref_squeeze %get3A_1042 : memref<1x128x256xf32, #tpu.memory_space<vmem>> -> memref<128x256xf32, #tpu.memory_space<vmem>>
      %get3A_1044 = arith.index_cast %mul3A_800 : i32 to index
      %get3A_1045 = arith.constant 192 : index
      %get3A_1046 = tpu.vector_load %get3A_1043[%get3A_1044, %get3A_1045] {strides = array<i32>} : memref<128x256xf32, #tpu.memory_space<vmem>>, vector<1x16xf32>,
      %get3A_1047 = vector.shape_cast %get3A_1046 : vector<1x16xf32> to vector<16xf32>
      %add3A_1048 = arith.addf %scan3A_795, %get3A_1047 : vector<16xf32>
      %add3A_1049 = arith.constant 1 : i32
      %add3A_1050 = arith.addi %mul3A_800, %add3A_1049 : i32
      %get3A_1051 = arith.constant 0 : i32
      %get3A_1052 = arith.constant 0 : i32
      %get3A_1053 = tpu.memref_slice %arg6[%scan3A_234, %get3A_1051, %get3A_1052] : memref<3x128x256xf32, #tpu.memory_space<vmem>> -> memref<1x128x256xf32, #tpu.memory_space<vmem>>
      %get3A_1054 = tpu.memref_squeeze %get3A_1053 : memref<1x128x256xf32, #tpu.memory_space<vmem>> -> memref<128x256xf32, #tpu.memory_space<vmem>>
      %get3A_1055 = arith.index_cast %add3A_1050 : i32 to index
      %get3A_1056 = arith.constant 192 : index
      %get3A_1057 = tpu.vector_load %get3A_1054[%get3A_1055, %get3A_1056] {strides = array<i32>} : memref<128x256xf32, #tpu.memory_space<vmem>>, vector<1x16xf32>,
      %get3A_1058 = vector.shape_cast %get3A_1057 : vector<1x16xf32> to vector<16xf32>
      %add3A_1059 = arith.addf %add3A_1048, %get3A_1058 : vector<16xf32>
      %get3A_1060 = arith.constant 0 : i32
      %get3A_1061 = arith.constant 0 : i32
      %get3A_1062 = tpu.memref_slice %arg6[%scan3A_234, %get3A_1060, %get3A_1061] : memref<3x128x256xf32, #tpu.memory_space<vmem>> -> memref<1x128x256xf32, #tpu.memory_space<vmem>>
      %get3A_1063 = tpu.memref_squeeze %get3A_1062 : memref<1x128x256xf32, #tpu.memory_space<vmem>> -> memref<128x256xf32, #tpu.memory_space<vmem>>
      %get3A_1064 = arith.index_cast %mul3A_800 : i32 to index
      %get3A_1065 = arith.constant 208 : index
      %get3A_1066 = tpu.vector_load %get3A_1063[%get3A_1064, %get3A_1065] {strides = array<i32>} : memref<128x256xf32, #tpu.memory_space<vmem>>, vector<1x16xf32>,
      %get3A_1067 = vector.shape_cast %get3A_1066 : vector<1x16xf32> to vector<16xf32>
      %add3A_1068 = arith.addf %scan3A_796, %get3A_1067 : vector<16xf32>
      %add3A_1069 = arith.constant 1 : i32
      %add3A_1070 = arith.addi %mul3A_800, %add3A_1069 : i32
      %get3A_1071 = arith.constant 0 : i32
      %get3A_1072 = arith.constant 0 : i32
      %get3A_1073 = tpu.memref_slice %arg6[%scan3A_234, %get3A_1071, %get3A_1072] : memref<3x128x256xf32, #tpu.memory_space<vmem>> -> memref<1x128x256xf32, #tpu.memory_space<vmem>>
      %get3A_1074 = tpu.memref_squeeze %get3A_1073 : memref<1x128x256xf32, #tpu.memory_space<vmem>> -> memref<128x256xf32, #tpu.memory_space<vmem>>
      %get3A_1075 = arith.index_cast %add3A_1070 : i32 to index
      %get3A_1076 = arith.constant 208 : index
      %get3A_1077 = tpu.vector_load %get3A_1074[%get3A_1075, %get3A_1076] {strides = array<i32>} : memref<128x256xf32, #tpu.memory_space<vmem>>, vector<1x16xf32>,
      %get3A_1078 = vector.shape_cast %get3A_1077 : vector<1x16xf32> to vector<16xf32>
      %add3A_1079 = arith.addf %add3A_1068, %get3A_1078 : vector<16xf32>
      %get3A_1080 = arith.constant 0 : i32
      %get3A_1081 = arith.constant 0 : i32
      %get3A_1082 = tpu.memref_slice %arg6[%scan3A_234, %get3A_1080, %get3A_1081] : memref<3x128x256xf32, #tpu.memory_space<vmem>> -> memref<1x128x256xf32, #tpu.memory_space<vmem>>
      %get3A_1083 = tpu.memref_squeeze %get3A_1082 : memref<1x128x256xf32, #tpu.memory_space<vmem>> -> memref<128x256xf32, #tpu.memory_space<vmem>>
      %get3A_1084 = arith.index_cast %mul3A_800 : i32 to index
      %get3A_1085 = arith.constant 224 : index
      %get3A_1086 = tpu.vector_load %get3A_1083[%get3A_1084, %get3A_1085] {strides = array<i32>} : memref<128x256xf32, #tpu.memory_space<vmem>>, vector<1x16xf32>,
      %get3A_1087 = vector.shape_cast %get3A_1086 : vector<1x16xf32> to vector<16xf32>
      %add3A_1088 = arith.addf %scan3A_797, %get3A_1087 : vector<16xf32>
      %add3A_1089 = arith.constant 1 : i32
      %add3A_1090 = arith.addi %mul3A_800, %add3A_1089 : i32
      %get3A_1091 = arith.constant 0 : i32
      %get3A_1092 = arith.constant 0 : i32
      %get3A_1093 = tpu.memref_slice %arg6[%scan3A_234, %get3A_1091, %get3A_1092] : memref<3x128x256xf32, #tpu.memory_space<vmem>> -> memref<1x128x256xf32, #tpu.memory_space<vmem>>
      %get3A_1094 = tpu.memref_squeeze %get3A_1093 : memref<1x128x256xf32, #tpu.memory_space<vmem>> -> memref<128x256xf32, #tpu.memory_space<vmem>>
      %get3A_1095 = arith.index_cast %add3A_1090 : i32 to index
      %get3A_1096 = arith.constant 224 : index
      %get3A_1097 = tpu.vector_load %get3A_1094[%get3A_1095, %get3A_1096] {strides = array<i32>} : memref<128x256xf32, #tpu.memory_space<vmem>>, vector<1x16xf32>,
      %get3A_1098 = vector.shape_cast %get3A_1097 : vector<1x16xf32> to vector<16xf32>
      %add3A_1099 = arith.addf %add3A_1088, %get3A_1098 : vector<16xf32>
      %get3A_1100 = arith.constant 0 : i32
      %get3A_1101 = arith.constant 0 : i32
      %get3A_1102 = tpu.memref_slice %arg6[%scan3A_234, %get3A_1100, %get3A_1101] : memref<3x128x256xf32, #tpu.memory_space<vmem>> -> memref<1x128x256xf32, #tpu.memory_space<vmem>>
      %get3A_1103 = tpu.memref_squeeze %get3A_1102 : memref<1x128x256xf32, #tpu.memory_space<vmem>> -> memref<128x256xf32, #tpu.memory_space<vmem>>
      %get3A_1104 = arith.index_cast %mul3A_800 : i32 to index
      %get3A_1105 = arith.constant 240 : index
      %get3A_1106 = tpu.vector_load %get3A_1103[%get3A_1104, %get3A_1105] {strides = array<i32>} : memref<128x256xf32, #tpu.memory_space<vmem>>, vector<1x16xf32>,
      %get3A_1107 = vector.shape_cast %get3A_1106 : vector<1x16xf32> to vector<16xf32>
      %add3A_1108 = arith.addf %scan3A_798, %get3A_1107 : vector<16xf32>
      %add3A_1109 = arith.constant 1 : i32
      %add3A_1110 = arith.addi %mul3A_800, %add3A_1109 : i32
      %get3A_1111 = arith.constant 0 : i32
      %get3A_1112 = arith.constant 0 : i32
      %get3A_1113 = tpu.memref_slice %arg6[%scan3A_234, %get3A_1111, %get3A_1112] : memref<3x128x256xf32, #tpu.memory_space<vmem>> -> memref<1x128x256xf32, #tpu.memory_space<vmem>>
      %get3A_1114 = tpu.memref_squeeze %get3A_1113 : memref<1x128x256xf32, #tpu.memory_space<vmem>> -> memref<128x256xf32, #tpu.memory_space<vmem>>
      %get3A_1115 = arith.index_cast %add3A_1110 : i32 to index
      %get3A_1116 = arith.constant 240 : index
      %get3A_1117 = tpu.vector_load %get3A_1114[%get3A_1115, %get3A_1116] {strides = array<i32>} : memref<128x256xf32, #tpu.memory_space<vmem>>, vector<1x16xf32>,
      %get3A_1118 = vector.shape_cast %get3A_1117 : vector<1x16xf32> to vector<16xf32>
      %add3A_1119 = arith.addf %add3A_1108, %get3A_1118 : vector<16xf32>
      scf.yield %add3A_819, %add3A_839, %add3A_859, %add3A_879, %add3A_899, %add3A_919, %add3A_939, %add3A_959, %add3A_979, %add3A_999, %add3A_1019, %add3A_1039, %add3A_1059, %add3A_1079, %add3A_1099, %add3A_1119 : vector<16xf32>, vector<16xf32>, vector<16xf32>, vector<16xf32>, vector<16xf32>, vector<16xf32>, vector<16xf32>, vector<16xf32>, vector<16xf32>, vector<16xf32>, vector<16xf32>, vector<16xf32>, vector<16xf32>, vector<16xf32>, vector<16xf32>, vector<16xf32>
    }
    %scan3A_240 = arith.constant 64 : i32
    %swap3A_241 = arith.constant 28 : i32
    %swap3A_242 = arith.index_cast %swap3A_241 : i32 to index
    %swap3A_243 = arith.constant 0 : index
    %swap3A_244 = tpu.vector_load %arg7[%swap3A_242, %swap3A_243] {strides = array<i32>} : memref<32x256xf32, #tpu.memory_space<vmem>>, vector<1x16xf32>,
    %swap3A_245 = vector.shape_cast %swap3A_244 : vector<1x16xf32> to vector<16xf32>
    %swap3A_246 = vector.shape_cast %scan3A_239#0 : vector<16xf32> to vector<1x16xf32>
    tpu.vector_store %arg7[%swap3A_242, %swap3A_243], %swap3A_246 {strides = array<i32>} : memref<32x256xf32, #tpu.memory_space<vmem>>, vector<1x16xf32>,
    %swap3A_247 = arith.constant 28 : i32
    %swap3A_248 = arith.index_cast %swap3A_247 : i32 to index
    %swap3A_249 = arith.constant 16 : index
    %swap3A_250 = tpu.vector_load %arg7[%swap3A_248, %swap3A_249] {strides = array<i32>} : memref<32x256xf32, #tpu.memory_space<vmem>>, vector<1x16xf32>,
    %swap3A_251 = vector.shape_cast %swap3A_250 : vector<1x16xf32> to vector<16xf32>
    %swap3A_252 = vector.shape_cast %scan3A_239#1 : vector<16xf32> to vector<1x16xf32>
    tpu.vector_store %arg7[%swap3A_248, %swap3A_249], %swap3A_252 {strides = array<i32>} : memref<32x256xf32, #tpu.memory_space<vmem>>, vector<1x16xf32>,
    %swap3A_253 = arith.constant 28 : i32
    %swap3A_254 = arith.index_cast %swap3A_253 : i32 to index
    %swap3A_255 = arith.constant 32 : index
    %swap3A_256 = tpu.vector_load %arg7[%swap3A_254, %swap3A_255] {strides = array<i32>} : memref<32x256xf32, #tpu.memory_space<vmem>>, vector<1x16xf32>,
    %swap3A_257 = vector.shape_cast %swap3A_256 : vector<1x16xf32> to vector<16xf32>
    %swap3A_258 = vector.shape_cast %scan3A_239#2 : vector<16xf32> to vector<1x16xf32>
    tpu.vector_store %arg7[%swap3A_254, %swap3A_255], %swap3A_258 {strides = array<i32>} : memref<32x256xf32, #tpu.memory_space<vmem>>, vector<1x16xf32>,
    %swap3A_259 = arith.constant 28 : i32
    %swap3A_260 = arith.index_cast %swap3A_259 : i32 to index
    %swap3A_261 = arith.constant 48 : index
    %swap3A_262 = tpu.vector_load %arg7[%swap3A_260, %swap3A_261] {strides = array<i32>} : memref<32x256xf32, #tpu.memory_space<vmem>>, vector<1x16xf32>,
    %swap3A_263 = vector.shape_cast %swap3A_262 : vector<1x16xf32> to vector<16xf32>
    %swap3A_264 = vector.shape_cast %scan3A_239#3 : vector<16xf32> to vector<1x16xf32>
    tpu.vector_store %arg7[%swap3A_260, %swap3A_261], %swap3A_264 {strides = array<i32>} : memref<32x256xf32, #tpu.memory_space<vmem>>, vector<1x16xf32>,
    %swap3A_265 = arith.constant 28 : i32
    %swap3A_266 = arith.index_cast %swap3A_265 : i32 to index
    %swap3A_267 = arith.constant 64 : index
    %swap3A_268 = tpu.vector_load %arg7[%swap3A_266, %swap3A_267] {strides = array<i32>} : memref<32x256xf32, #tpu.memory_space<vmem>>, vector<1x16xf32>,
    %swap3A_269 = vector.shape_cast %swap3A_268 : vector<1x16xf32> to vector<16xf32>
    %swap3A_270 = vector.shape_cast %scan3A_239#4 : vector<16xf32> to vector<1x16xf32>
    tpu.vector_store %arg7[%swap3A_266, %swap3A_267], %swap3A_270 {strides = array<i32>} : memref<32x256xf32, #tpu.memory_space<vmem>>, vector<1x16xf32>,
    %swap3A_271 = arith.constant 28 : i32
    %swap3A_272 = arith.index_cast %swap3A_271 : i32 to index
    %swap3A_273 = arith.constant 80 : index
    %swap3A_274 = tpu.vector_load %arg7[%swap3A_272, %swap3A_273] {strides = array<i32>} : memref<32x256xf32, #tpu.memory_space<vmem>>, vector<1x16xf32>,
    %swap3A_275 = vector.shape_cast %swap3A_274 : vector<1x16xf32> to vector<16xf32>
    %swap3A_276 = vector.shape_cast %scan3A_239#5 : vector<16xf32> to vector<1x16xf32>
    tpu.vector_store %arg7[%swap3A_272, %swap3A_273], %swap3A_276 {strides = array<i32>} : memref<32x256xf32, #tpu.memory_space<vmem>>, vector<1x16xf32>,
    %swap3A_277 = arith.constant 28 : i32
    %swap3A_278 = arith.index_cast %swap3A_277 : i32 to index
    %swap3A_279 = arith.constant 96 : index
    %swap3A_280 = tpu.vector_load %arg7[%swap3A_278, %swap3A_279] {strides = array<i32>} : memref<32x256xf32, #tpu.memory_space<vmem>>, vector<1x16xf32>,
    %swap3A_281 = vector.shape_cast %swap3A_280 : vector<1x16xf32> to vector<16xf32>
    %swap3A_282 = vector.shape_cast %scan3A_239#6 : vector<16xf32> to vector<1x16xf32>
    tpu.vector_store %arg7[%swap3A_278, %swap3A_279], %swap3A_282 {strides = array<i32>} : memref<32x256xf32, #tpu.memory_space<vmem>>, vector<1x16xf32>,
    %swap3A_283 = arith.constant 28 : i32
    %swap3A_284 = arith.index_cast %swap3A_283 : i32 to index
    %swap3A_285 = arith.constant 112 : index
    %swap3A_286 = tpu.vector_load %arg7[%swap3A_284, %swap3A_285] {strides = array<i32>} : memref<32x256xf32, #tpu.memory_space<vmem>>, vector<1x16xf32>,
    %swap3A_287 = vector.shape_cast %swap3A_286 : vector<1x16xf32> to vector<16xf32>
    %swap3A_288 = vector.shape_cast %scan3A_239#7 : vector<16xf32> to vector<1x16xf32>
    tpu.vector_store %arg7[%swap3A_284, %swap3A_285], %swap3A_288 {strides = array<i32>} : memref<32x256xf32, #tpu.memory_space<vmem>>, vector<1x16xf32>,
    %swap3A_289 = arith.constant 28 : i32
    %swap3A_290 = arith.index_cast %swap3A_289 : i32 to index
    %swap3A_291 = arith.constant 128 : index
    %swap3A_292 = tpu.vector_load %arg7[%swap3A_290, %swap3A_291] {strides = array<i32>} : memref<32x256xf32, #tpu.memory_space<vmem>>, vector<1x16xf32>,
    %swap3A_293 = vector.shape_cast %swap3A_292 : vector<1x16xf32> to vector<16xf32>
    %swap3A_294 = vector.shape_cast %scan3A_239#8 : vector<16xf32> to vector<1x16xf32>
    tpu.vector_store %arg7[%swap3A_290, %swap3A_291], %swap3A_294 {strides = array<i32>} : memref<32x256xf32, #tpu.memory_space<vmem>>, vector<1x16xf32>,
    %swap3A_295 = arith.constant 28 : i32
    %swap3A_296 = arith.index_cast %swap3A_295 : i32 to index
    %swap3A_297 = arith.constant 144 : index
    %swap3A_298 = tpu.vector_load %arg7[%swap3A_296, %swap3A_297] {strides = array<i32>} : memref<32x256xf32, #tpu.memory_space<vmem>>, vector<1x16xf32>,
    %swap3A_299 = vector.shape_cast %swap3A_298 : vector<1x16xf32> to vector<16xf32>
    %swap3A_300 = vector.shape_cast %scan3A_239#9 : vector<16xf32> to vector<1x16xf32>
    tpu.vector_store %arg7[%swap3A_296, %swap3A_297], %swap3A_300 {strides = array<i32>} : memref<32x256xf32, #tpu.memory_space<vmem>>, vector<1x16xf32>,
    %swap3A_301 = arith.constant 28 : i32
    %swap3A_302 = arith.index_cast %swap3A_301 : i32 to index
    %swap3A_303 = arith.constant 160 : index
    %swap3A_304 = tpu.vector_load %arg7[%swap3A_302, %swap3A_303] {strides = array<i32>} : memref<32x256xf32, #tpu.memory_space<vmem>>, vector<1x16xf32>,
    %swap3A_305 = vector.shape_cast %swap3A_304 : vector<1x16xf32> to vector<16xf32>
    %swap3A_306 = vector.shape_cast %scan3A_239#10 : vector<16xf32> to vector<1x16xf32>
    tpu.vector_store %arg7[%swap3A_302, %swap3A_303], %swap3A_306 {strides = array<i32>} : memref<32x256xf32, #tpu.memory_space<vmem>>, vector<1x16xf32>,
    %swap3A_307 = arith.constant 28 : i32
    %swap3A_308 = arith.index_cast %swap3A_307 : i32 to index
    %swap3A_309 = arith.constant 176 : index
    %swap3A_310 = tpu.vector_load %arg7[%swap3A_308, %swap3A_309] {strides = array<i32>} : memref<32x256xf32, #tpu.memory_space<vmem>>, vector<1x16xf32>,
    %swap3A_311 = vector.shape_cast %swap3A_310 : vector<1x16xf32> to vector<16xf32>
    %swap3A_312 = vector.shape_cast %scan3A_239#11 : vector<16xf32> to vector<1x16xf32>
    tpu.vector_store %arg7[%swap3A_308, %swap3A_309], %swap3A_312 {strides = array<i32>} : memref<32x256xf32, #tpu.memory_space<vmem>>, vector<1x16xf32>,
    %swap3A_313 = arith.constant 28 : i32
    %swap3A_314 = arith.index_cast %swap3A_313 : i32 to index
    %swap3A_315 = arith.constant 192 : index
    %swap3A_316 = tpu.vector_load %arg7[%swap3A_314, %swap3A_315] {strides = array<i32>} : memref<32x256xf32, #tpu.memory_space<vmem>>, vector<1x16xf32>,
    %swap3A_317 = vector.shape_cast %swap3A_316 : vector<1x16xf32> to vector<16xf32>
    %swap3A_318 = vector.shape_cast %scan3A_239#12 : vector<16xf32> to vector<1x16xf32>
    tpu.vector_store %arg7[%swap3A_314, %swap3A_315], %swap3A_318 {strides = array<i32>} : memref<32x256xf32, #tpu.memory_space<vmem>>, vector<1x16xf32>,
    %swap3A_319 = arith.constant 28 : i32
    %swap3A_320 = arith.index_cast %swap3A_319 : i32 to index
    %swap3A_321 = arith.constant 208 : index
    %swap3A_322 = tpu.vector_load %arg7[%swap3A_320, %swap3A_321] {strides = array<i32>} : memref<32x256xf32, #tpu.memory_space<vmem>>, vector<1x16xf32>,
    %swap3A_323 = vector.shape_cast %swap3A_322 : vector<1x16xf32> to vector<16xf32>
    %swap3A_324 = vector.shape_cast %scan3A_239#13 : vector<16xf32> to vector<1x16xf32>
    tpu.vector_store %arg7[%swap3A_320, %swap3A_321], %swap3A_324 {strides = array<i32>} : memref<32x256xf32, #tpu.memory_space<vmem>>, vector<1x16xf32>,
    %swap3A_325 = arith.constant 28 : i32
    %swap3A_326 = arith.index_cast %swap3A_325 : i32 to index
    %swap3A_327 = arith.constant 224 : index
    %swap3A_328 = tpu.vector_load %arg7[%swap3A_326, %swap3A_327] {strides = array<i32>} : memref<32x256xf32, #tpu.memory_space<vmem>>, vector<1x16xf32>,
    %swap3A_329 = vector.shape_cast %swap3A_328 : vector<1x16xf32> to vector<16xf32>
    %swap3A_330 = vector.shape_cast %scan3A_239#14 : vector<16xf32> to vector<1x16xf32>
    tpu.vector_store %arg7[%swap3A_326, %swap3A_327], %swap3A_330 {strides = array<i32>} : memref<32x256xf32, #tpu.memory_space<vmem>>, vector<1x16xf32>,
    %swap3A_331 = arith.constant 28 : i32
    %swap3A_332 = arith.index_cast %swap3A_331 : i32 to index
    %swap3A_333 = arith.constant 240 : index
    %swap3A_334 = tpu.vector_load %arg7[%swap3A_332, %swap3A_333] {strides = array<i32>} : memref<32x256xf32, #tpu.memory_space<vmem>>, vector<1x16xf32>,
    %swap3A_335 = vector.shape_cast %swap3A_334 : vector<1x16xf32> to vector<16xf32>
    %swap3A_336 = vector.shape_cast %scan3A_239#15 : vector<16xf32> to vector<1x16xf32>
    tpu.vector_store %arg7[%swap3A_332, %swap3A_333], %swap3A_336 {strides = array<i32>} : memref<32x256xf32, #tpu.memory_space<vmem>>, vector<1x16xf32>,
    %dma_start3A_337 = arith.constant 1 : i32
    %dma_start3A_338 = arith.constant 0 : i32
    %dma_start3A_339 = arith.constant 0 : i32
    %dma_start3A_340 = tpu.memref_slice %arg6[%dma_start3A_337, %dma_start3A_338, %dma_start3A_339] : memref<3x128x256xf32, #tpu.memory_space<vmem>> -> memref<1x128x256xf32, #tpu.memory_space<vmem>>
    %dma_start3A_341 = tpu.memref_squeeze %dma_start3A_340 : memref<1x128x256xf32, #tpu.memory_space<vmem>> -> memref<128x256xf32, #tpu.memory_space<vmem>>
    %dma_start3A_342 = arith.constant 3968 : i32
    %dma_start3A_343 = tpu.memref_slice %arg5[%dma_start3A_342] : memref<4096xi32, #tpu.memory_space<vmem>> -> memref<128xi32, #tpu.memory_space<vmem>>
    %dma_start3A_344 = arith.constant 0 : i32
    %dma_start3A_345 = arith.constant 0 : i32
    %dma_start3A_346 = tpu.memref_slice %arg2[%dma_start3A_344, %dma_start3A_345] : memref<50000x256xf32, #tpu.memory_space<hbm>> -> memref<50000x256xf32, #tpu.memory_space<hbm>>
    tpu.enqueue_indirect_dma source(%dma_start3A_346 : memref<50000x256xf32, #tpu.memory_space<hbm>>) target(%dma_start3A_341 : memref<128x256xf32, #tpu.memory_space<vmem>>) offsets(%dma_start3A_343 : memref<128xi32, #tpu.memory_space<vmem>>) semaphore(%arg9 : memref<!tpu.dma_semaphore, #tpu.memory_space<semaphore_mem>>)
    %dma_wait3A_347 = arith.constant 2 : i32
    %dma_wait3A_348 = arith.constant 0 : i32
    %dma_wait3A_349 = arith.constant 0 : i32
    %dma_wait3A_350 = tpu.memref_slice %arg6[%dma_wait3A_347, %dma_wait3A_348, %dma_wait3A_349] : memref<3x128x256xf32, #tpu.memory_space<vmem>> -> memref<1x128x256xf32, #tpu.memory_space<vmem>>
    %dma_wait3A_351 = tpu.memref_squeeze %dma_wait3A_350 : memref<1x128x256xf32, #tpu.memory_space<vmem>> -> memref<128x256xf32, #tpu.memory_space<vmem>>
    %dma_wait3A_352 = arith.constant 3712 : i32
    %dma_wait3A_353 = tpu.memref_slice %arg5[%dma_wait3A_352] : memref<4096xi32, #tpu.memory_space<vmem>> -> memref<128xi32, #tpu.memory_space<vmem>>
    %dma_wait3A_354 = arith.constant 0 : i32
    %dma_wait3A_355 = arith.constant 0 : i32
    %dma_wait3A_356 = tpu.memref_slice %arg2[%dma_wait3A_354, %dma_wait3A_355] : memref<50000x256xf32, #tpu.memory_space<hbm>> -> memref<50000x256xf32, #tpu.memory_space<hbm>>
    tpu.wait_indirect_dma semaphore(%arg10 : memref<!tpu.dma_semaphore, #tpu.memory_space<semaphore_mem>>) src(%dma_wait3A_356 : memref<50000x256xf32, #tpu.memory_space<hbm>>) dst(%dma_wait3A_351 : memref<128x256xf32, #tpu.memory_space<vmem>>)
    %broadcast_in_dim3A_357 = arith.constant 0.000000e+00 : f32
    %broadcast_in_dim3A_358 = vector.broadcast %broadcast_in_dim3A_357 : f32 to vector<16xf32>
    %broadcast_in_dim3A_359 = arith.constant 0.000000e+00 : f32
    %broadcast_in_dim3A_360 = vector.broadcast %broadcast_in_dim3A_359 : f32 to vector<16xf32>
    %broadcast_in_dim3A_361 = arith.constant 0.000000e+00 : f32
    %broadcast_in_dim3A_362 = vector.broadcast %broadcast_in_dim3A_361 : f32 to vector<16xf32>
    %broadcast_in_dim3A_363 = arith.constant 0.000000e+00 : f32
    %broadcast_in_dim3A_364 = vector.broadcast %broadcast_in_dim3A_363 : f32 to vector<16xf32>
    %broadcast_in_dim3A_365 = arith.constant 0.000000e+00 : f32
    %broadcast_in_dim3A_366 = vector.broadcast %broadcast_in_dim3A_365 : f32 to vector<16xf32>
    %broadcast_in_dim3A_367 = arith.constant 0.000000e+00 : f32
    %broadcast_in_dim3A_368 = vector.broadcast %broadcast_in_dim3A_367 : f32 to vector<16xf32>
    %broadcast_in_dim3A_369 = arith.constant 0.000000e+00 : f32
    %broadcast_in_dim3A_370 = vector.broadcast %broadcast_in_dim3A_369 : f32 to vector<16xf32>
    %broadcast_in_dim3A_371 = arith.constant 0.000000e+00 : f32
    %broadcast_in_dim3A_372 = vector.broadcast %broadcast_in_dim3A_371 : f32 to vector<16xf32>
    %broadcast_in_dim3A_373 = arith.constant 0.000000e+00 : f32
    %broadcast_in_dim3A_374 = vector.broadcast %broadcast_in_dim3A_373 : f32 to vector<16xf32>
    %broadcast_in_dim3A_375 = arith.constant 0.000000e+00 : f32
    %broadcast_in_dim3A_376 = vector.broadcast %broadcast_in_dim3A_375 : f32 to vector<16xf32>
    %broadcast_in_dim3A_377 = arith.constant 0.000000e+00 : f32
    %broadcast_in_dim3A_378 = vector.broadcast %broadcast_in_dim3A_377 : f32 to vector<16xf32>
    %broadcast_in_dim3A_379 = arith.constant 0.000000e+00 : f32
    %broadcast_in_dim3A_380 = vector.broadcast %broadcast_in_dim3A_379 : f32 to vector<16xf32>
    %broadcast_in_dim3A_381 = arith.constant 0.000000e+00 : f32
    %broadcast_in_dim3A_382 = vector.broadcast %broadcast_in_dim3A_381 : f32 to vector<16xf32>
    %broadcast_in_dim3A_383 = arith.constant 0.000000e+00 : f32
    %broadcast_in_dim3A_384 = vector.broadcast %broadcast_in_dim3A_383 : f32 to vector<16xf32>
    %broadcast_in_dim3A_385 = arith.constant 0.000000e+00 : f32
    %broadcast_in_dim3A_386 = vector.broadcast %broadcast_in_dim3A_385 : f32 to vector<16xf32>
    %broadcast_in_dim3A_387 = arith.constant 0.000000e+00 : f32
    %broadcast_in_dim3A_388 = vector.broadcast %broadcast_in_dim3A_387 : f32 to vector<16xf32>
    %scan3A_389 = arith.constant 2 : i32
    %scan3A_390 = arith.constant 0 : i32
    %scan3A_391 = arith.constant 64 : i32
    %scan3A_392 = arith.addi %scan3A_390, %scan3A_391 : i32
    %scan3A_393 = arith.constant 1 : i32
    %scan3A_394:16 = scf.for %scan3A_782 = %scan3A_390 to %scan3A_392 step %scan3A_393 iter_args(%scan3A_783 = %broadcast_in_dim3A_358, %scan3A_784 = %broadcast_in_dim3A_360, %scan3A_785 = %broadcast_in_dim3A_362, %scan3A_786 = %broadcast_in_dim3A_364, %scan3A_787 = %broadcast_in_dim3A_366, %scan3A_788 = %broadcast_in_dim3A_368, %scan3A_789 = %broadcast_in_dim3A_370, %scan3A_790 = %broadcast_in_dim3A_372, %scan3A_791 = %broadcast_in_dim3A_374, %scan3A_792 = %broadcast_in_dim3A_376, %scan3A_793 = %broadcast_in_dim3A_378, %scan3A_794 = %broadcast_in_dim3A_380, %scan3A_795 = %broadcast_in_dim3A_382, %scan3A_796 = %broadcast_in_dim3A_384, %scan3A_797 = %broadcast_in_dim3A_386, %scan3A_798 = %broadcast_in_dim3A_388) -> (vector<16xf32>, vector<16xf32>, vector<16xf32>, vector<16xf32>, vector<16xf32>, vector<16xf32>, vector<16xf32>, vector<16xf32>, vector<16xf32>, vector<16xf32>, vector<16xf32>, vector<16xf32>, vector<16xf32>, vector<16xf32>, vector<16xf32>, vector<16xf32>)  : i32 {
      %mul3A_799 = arith.constant 2 : i32
      %mul3A_800 = arith.muli %mul3A_799, %scan3A_782 : i32
      %get3A = arith.constant 0 : i32
      %get3A_801 = arith.constant 0 : i32
      %get3A_802 = tpu.memref_slice %arg6[%scan3A_389, %get3A, %get3A_801] : memref<3x128x256xf32, #tpu.memory_space<vmem>> -> memref<1x128x256xf32, #tpu.memory_space<vmem>>
      %get3A_803 = tpu.memref_squeeze %get3A_802 : memref<1x128x256xf32, #tpu.memory_space<vmem>> -> memref<128x256xf32, #tpu.memory_space<vmem>>
      %get3A_804 = arith.index_cast %mul3A_800 : i32 to index
      %get3A_805 = arith.constant 0 : index
      %get3A_806 = tpu.vector_load %get3A_803[%get3A_804, %get3A_805] {strides = array<i32>} : memref<128x256xf32, #tpu.memory_space<vmem>>, vector<1x16xf32>,
      %get3A_807 = vector.shape_cast %get3A_806 : vector<1x16xf32> to vector<16xf32>
      %add3A_808 = arith.addf %scan3A_783, %get3A_807 : vector<16xf32>
      %add3A_809 = arith.constant 1 : i32
      %add3A_810 = arith.addi %mul3A_800, %add3A_809 : i32
      %get3A_811 = arith.constant 0 : i32
      %get3A_812 = arith.constant 0 : i32
      %get3A_813 = tpu.memref_slice %arg6[%scan3A_389, %get3A_811, %get3A_812] : memref<3x128x256xf32, #tpu.memory_space<vmem>> -> memref<1x128x256xf32, #tpu.memory_space<vmem>>
      %get3A_814 = tpu.memref_squeeze %get3A_813 : memref<1x128x256xf32, #tpu.memory_space<vmem>> -> memref<128x256xf32, #tpu.memory_space<vmem>>
      %get3A_815 = arith.index_cast %add3A_810 : i32 to index
      %get3A_816 = arith.constant 0 : index
      %get3A_817 = tpu.vector_load %get3A_814[%get3A_815, %get3A_816] {strides = array<i32>} : memref<128x256xf32, #tpu.memory_space<vmem>>, vector<1x16xf32>,
      %get3A_818 = vector.shape_cast %get3A_817 : vector<1x16xf32> to vector<16xf32>
      %add3A_819 = arith.addf %add3A_808, %get3A_818 : vector<16xf32>
      %get3A_820 = arith.constant 0 : i32
      %get3A_821 = arith.constant 0 : i32
      %get3A_822 = tpu.memref_slice %arg6[%scan3A_389, %get3A_820, %get3A_821] : memref<3x128x256xf32, #tpu.memory_space<vmem>> -> memref<1x128x256xf32, #tpu.memory_space<vmem>>
      %get3A_823 = tpu.memref_squeeze %get3A_822 : memref<1x128x256xf32, #tpu.memory_space<vmem>> -> memref<128x256xf32, #tpu.memory_space<vmem>>
      %get3A_824 = arith.index_cast %mul3A_800 : i32 to index
      %get3A_825 = arith.constant 16 : index
      %get3A_826 = tpu.vector_load %get3A_823[%get3A_824, %get3A_825] {strides = array<i32>} : memref<128x256xf32, #tpu.memory_space<vmem>>, vector<1x16xf32>,
      %get3A_827 = vector.shape_cast %get3A_826 : vector<1x16xf32> to vector<16xf32>
      %add3A_828 = arith.addf %scan3A_784, %get3A_827 : vector<16xf32>
      %add3A_829 = arith.constant 1 : i32
      %add3A_830 = arith.addi %mul3A_800, %add3A_829 : i32
      %get3A_831 = arith.constant 0 : i32
      %get3A_832 = arith.constant 0 : i32
      %get3A_833 = tpu.memref_slice %arg6[%scan3A_389, %get3A_831, %get3A_832] : memref<3x128x256xf32, #tpu.memory_space<vmem>> -> memref<1x128x256xf32, #tpu.memory_space<vmem>>
      %get3A_834 = tpu.memref_squeeze %get3A_833 : memref<1x128x256xf32, #tpu.memory_space<vmem>> -> memref<128x256xf32, #tpu.memory_space<vmem>>
      %get3A_835 = arith.index_cast %add3A_830 : i32 to index
      %get3A_836 = arith.constant 16 : index
      %get3A_837 = tpu.vector_load %get3A_834[%get3A_835, %get3A_836] {strides = array<i32>} : memref<128x256xf32, #tpu.memory_space<vmem>>, vector<1x16xf32>,
      %get3A_838 = vector.shape_cast %get3A_837 : vector<1x16xf32> to vector<16xf32>
      %add3A_839 = arith.addf %add3A_828, %get3A_838 : vector<16xf32>
      %get3A_840 = arith.constant 0 : i32
      %get3A_841 = arith.constant 0 : i32
      %get3A_842 = tpu.memref_slice %arg6[%scan3A_389, %get3A_840, %get3A_841] : memref<3x128x256xf32, #tpu.memory_space<vmem>> -> memref<1x128x256xf32, #tpu.memory_space<vmem>>
      %get3A_843 = tpu.memref_squeeze %get3A_842 : memref<1x128x256xf32, #tpu.memory_space<vmem>> -> memref<128x256xf32, #tpu.memory_space<vmem>>
      %get3A_844 = arith.index_cast %mul3A_800 : i32 to index
      %get3A_845 = arith.constant 32 : index
      %get3A_846 = tpu.vector_load %get3A_843[%get3A_844, %get3A_845] {strides = array<i32>} : memref<128x256xf32, #tpu.memory_space<vmem>>, vector<1x16xf32>,
      %get3A_847 = vector.shape_cast %get3A_846 : vector<1x16xf32> to vector<16xf32>
      %add3A_848 = arith.addf %scan3A_785, %get3A_847 : vector<16xf32>
      %add3A_849 = arith.constant 1 : i32
      %add3A_850 = arith.addi %mul3A_800, %add3A_849 : i32
      %get3A_851 = arith.constant 0 : i32
      %get3A_852 = arith.constant 0 : i32
      %get3A_853 = tpu.memref_slice %arg6[%scan3A_389, %get3A_851, %get3A_852] : memref<3x128x256xf32, #tpu.memory_space<vmem>> -> memref<1x128x256xf32, #tpu.memory_space<vmem>>
      %get3A_854 = tpu.memref_squeeze %get3A_853 : memref<1x128x256xf32, #tpu.memory_space<vmem>> -> memref<128x256xf32, #tpu.memory_space<vmem>>
      %get3A_855 = arith.index_cast %add3A_850 : i32 to index
      %get3A_856 = arith.constant 32 : index
      %get3A_857 = tpu.vector_load %get3A_854[%get3A_855, %get3A_856] {strides = array<i32>} : memref<128x256xf32, #tpu.memory_space<vmem>>, vector<1x16xf32>,
      %get3A_858 = vector.shape_cast %get3A_857 : vector<1x16xf32> to vector<16xf32>
      %add3A_859 = arith.addf %add3A_848, %get3A_858 : vector<16xf32>
      %get3A_860 = arith.constant 0 : i32
      %get3A_861 = arith.constant 0 : i32
      %get3A_862 = tpu.memref_slice %arg6[%scan3A_389, %get3A_860, %get3A_861] : memref<3x128x256xf32, #tpu.memory_space<vmem>> -> memref<1x128x256xf32, #tpu.memory_space<vmem>>
      %get3A_863 = tpu.memref_squeeze %get3A_862 : memref<1x128x256xf32, #tpu.memory_space<vmem>> -> memref<128x256xf32, #tpu.memory_space<vmem>>
      %get3A_864 = arith.index_cast %mul3A_800 : i32 to index
      %get3A_865 = arith.constant 48 : index
      %get3A_866 = tpu.vector_load %get3A_863[%get3A_864, %get3A_865] {strides = array<i32>} : memref<128x256xf32, #tpu.memory_space<vmem>>, vector<1x16xf32>,
      %get3A_867 = vector.shape_cast %get3A_866 : vector<1x16xf32> to vector<16xf32>
      %add3A_868 = arith.addf %scan3A_786, %get3A_867 : vector<16xf32>
      %add3A_869 = arith.constant 1 : i32
      %add3A_870 = arith.addi %mul3A_800, %add3A_869 : i32
      %get3A_871 = arith.constant 0 : i32
      %get3A_872 = arith.constant 0 : i32
      %get3A_873 = tpu.memref_slice %arg6[%scan3A_389, %get3A_871, %get3A_872] : memref<3x128x256xf32, #tpu.memory_space<vmem>> -> memref<1x128x256xf32, #tpu.memory_space<vmem>>
      %get3A_874 = tpu.memref_squeeze %get3A_873 : memref<1x128x256xf32, #tpu.memory_space<vmem>> -> memref<128x256xf32, #tpu.memory_space<vmem>>
      %get3A_875 = arith.index_cast %add3A_870 : i32 to index
      %get3A_876 = arith.constant 48 : index
      %get3A_877 = tpu.vector_load %get3A_874[%get3A_875, %get3A_876] {strides = array<i32>} : memref<128x256xf32, #tpu.memory_space<vmem>>, vector<1x16xf32>,
      %get3A_878 = vector.shape_cast %get3A_877 : vector<1x16xf32> to vector<16xf32>
      %add3A_879 = arith.addf %add3A_868, %get3A_878 : vector<16xf32>
      %get3A_880 = arith.constant 0 : i32
      %get3A_881 = arith.constant 0 : i32
      %get3A_882 = tpu.memref_slice %arg6[%scan3A_389, %get3A_880, %get3A_881] : memref<3x128x256xf32, #tpu.memory_space<vmem>> -> memref<1x128x256xf32, #tpu.memory_space<vmem>>
      %get3A_883 = tpu.memref_squeeze %get3A_882 : memref<1x128x256xf32, #tpu.memory_space<vmem>> -> memref<128x256xf32, #tpu.memory_space<vmem>>
      %get3A_884 = arith.index_cast %mul3A_800 : i32 to index
      %get3A_885 = arith.constant 64 : index
      %get3A_886 = tpu.vector_load %get3A_883[%get3A_884, %get3A_885] {strides = array<i32>} : memref<128x256xf32, #tpu.memory_space<vmem>>, vector<1x16xf32>,
      %get3A_887 = vector.shape_cast %get3A_886 : vector<1x16xf32> to vector<16xf32>
      %add3A_888 = arith.addf %scan3A_787, %get3A_887 : vector<16xf32>
      %add3A_889 = arith.constant 1 : i32
      %add3A_890 = arith.addi %mul3A_800, %add3A_889 : i32
      %get3A_891 = arith.constant 0 : i32
      %get3A_892 = arith.constant 0 : i32
      %get3A_893 = tpu.memref_slice %arg6[%scan3A_389, %get3A_891, %get3A_892] : memref<3x128x256xf32, #tpu.memory_space<vmem>> -> memref<1x128x256xf32, #tpu.memory_space<vmem>>
      %get3A_894 = tpu.memref_squeeze %get3A_893 : memref<1x128x256xf32, #tpu.memory_space<vmem>> -> memref<128x256xf32, #tpu.memory_space<vmem>>
      %get3A_895 = arith.index_cast %add3A_890 : i32 to index
      %get3A_896 = arith.constant 64 : index
      %get3A_897 = tpu.vector_load %get3A_894[%get3A_895, %get3A_896] {strides = array<i32>} : memref<128x256xf32, #tpu.memory_space<vmem>>, vector<1x16xf32>,
      %get3A_898 = vector.shape_cast %get3A_897 : vector<1x16xf32> to vector<16xf32>
      %add3A_899 = arith.addf %add3A_888, %get3A_898 : vector<16xf32>
      %get3A_900 = arith.constant 0 : i32
      %get3A_901 = arith.constant 0 : i32
      %get3A_902 = tpu.memref_slice %arg6[%scan3A_389, %get3A_900, %get3A_901] : memref<3x128x256xf32, #tpu.memory_space<vmem>> -> memref<1x128x256xf32, #tpu.memory_space<vmem>>
      %get3A_903 = tpu.memref_squeeze %get3A_902 : memref<1x128x256xf32, #tpu.memory_space<vmem>> -> memref<128x256xf32, #tpu.memory_space<vmem>>
      %get3A_904 = arith.index_cast %mul3A_800 : i32 to index
      %get3A_905 = arith.constant 80 : index
      %get3A_906 = tpu.vector_load %get3A_903[%get3A_904, %get3A_905] {strides = array<i32>} : memref<128x256xf32, #tpu.memory_space<vmem>>, vector<1x16xf32>,
      %get3A_907 = vector.shape_cast %get3A_906 : vector<1x16xf32> to vector<16xf32>
      %add3A_908 = arith.addf %scan3A_788, %get3A_907 : vector<16xf32>
      %add3A_909 = arith.constant 1 : i32
      %add3A_910 = arith.addi %mul3A_800, %add3A_909 : i32
      %get3A_911 = arith.constant 0 : i32
      %get3A_912 = arith.constant 0 : i32
      %get3A_913 = tpu.memref_slice %arg6[%scan3A_389, %get3A_911, %get3A_912] : memref<3x128x256xf32, #tpu.memory_space<vmem>> -> memref<1x128x256xf32, #tpu.memory_space<vmem>>
      %get3A_914 = tpu.memref_squeeze %get3A_913 : memref<1x128x256xf32, #tpu.memory_space<vmem>> -> memref<128x256xf32, #tpu.memory_space<vmem>>
      %get3A_915 = arith.index_cast %add3A_910 : i32 to index
      %get3A_916 = arith.constant 80 : index
      %get3A_917 = tpu.vector_load %get3A_914[%get3A_915, %get3A_916] {strides = array<i32>} : memref<128x256xf32, #tpu.memory_space<vmem>>, vector<1x16xf32>,
      %get3A_918 = vector.shape_cast %get3A_917 : vector<1x16xf32> to vector<16xf32>
      %add3A_919 = arith.addf %add3A_908, %get3A_918 : vector<16xf32>
      %get3A_920 = arith.constant 0 : i32
      %get3A_921 = arith.constant 0 : i32
      %get3A_922 = tpu.memref_slice %arg6[%scan3A_389, %get3A_920, %get3A_921] : memref<3x128x256xf32, #tpu.memory_space<vmem>> -> memref<1x128x256xf32, #tpu.memory_space<vmem>>
      %get3A_923 = tpu.memref_squeeze %get3A_922 : memref<1x128x256xf32, #tpu.memory_space<vmem>> -> memref<128x256xf32, #tpu.memory_space<vmem>>
      %get3A_924 = arith.index_cast %mul3A_800 : i32 to index
      %get3A_925 = arith.constant 96 : index
      %get3A_926 = tpu.vector_load %get3A_923[%get3A_924, %get3A_925] {strides = array<i32>} : memref<128x256xf32, #tpu.memory_space<vmem>>, vector<1x16xf32>,
      %get3A_927 = vector.shape_cast %get3A_926 : vector<1x16xf32> to vector<16xf32>
      %add3A_928 = arith.addf %scan3A_789, %get3A_927 : vector<16xf32>
      %add3A_929 = arith.constant 1 : i32
      %add3A_930 = arith.addi %mul3A_800, %add3A_929 : i32
      %get3A_931 = arith.constant 0 : i32
      %get3A_932 = arith.constant 0 : i32
      %get3A_933 = tpu.memref_slice %arg6[%scan3A_389, %get3A_931, %get3A_932] : memref<3x128x256xf32, #tpu.memory_space<vmem>> -> memref<1x128x256xf32, #tpu.memory_space<vmem>>
      %get3A_934 = tpu.memref_squeeze %get3A_933 : memref<1x128x256xf32, #tpu.memory_space<vmem>> -> memref<128x256xf32, #tpu.memory_space<vmem>>
      %get3A_935 = arith.index_cast %add3A_930 : i32 to index
      %get3A_936 = arith.constant 96 : index
      %get3A_937 = tpu.vector_load %get3A_934[%get3A_935, %get3A_936] {strides = array<i32>} : memref<128x256xf32, #tpu.memory_space<vmem>>, vector<1x16xf32>,
      %get3A_938 = vector.shape_cast %get3A_937 : vector<1x16xf32> to vector<16xf32>
      %add3A_939 = arith.addf %add3A_928, %get3A_938 : vector<16xf32>
      %get3A_940 = arith.constant 0 : i32
      %get3A_941 = arith.constant 0 : i32
      %get3A_942 = tpu.memref_slice %arg6[%scan3A_389, %get3A_940, %get3A_941] : memref<3x128x256xf32, #tpu.memory_space<vmem>> -> memref<1x128x256xf32, #tpu.memory_space<vmem>>
      %get3A_943 = tpu.memref_squeeze %get3A_942 : memref<1x128x256xf32, #tpu.memory_space<vmem>> -> memref<128x256xf32, #tpu.memory_space<vmem>>
      %get3A_944 = arith.index_cast %mul3A_800 : i32 to index
      %get3A_945 = arith.constant 112 : index
      %get3A_946 = tpu.vector_load %get3A_943[%get3A_944, %get3A_945] {strides = array<i32>} : memref<128x256xf32, #tpu.memory_space<vmem>>, vector<1x16xf32>,
      %get3A_947 = vector.shape_cast %get3A_946 : vector<1x16xf32> to vector<16xf32>
      %add3A_948 = arith.addf %scan3A_790, %get3A_947 : vector<16xf32>
      %add3A_949 = arith.constant 1 : i32
      %add3A_950 = arith.addi %mul3A_800, %add3A_949 : i32
      %get3A_951 = arith.constant 0 : i32
      %get3A_952 = arith.constant 0 : i32
      %get3A_953 = tpu.memref_slice %arg6[%scan3A_389, %get3A_951, %get3A_952] : memref<3x128x256xf32, #tpu.memory_space<vmem>> -> memref<1x128x256xf32, #tpu.memory_space<vmem>>
      %get3A_954 = tpu.memref_squeeze %get3A_953 : memref<1x128x256xf32, #tpu.memory_space<vmem>> -> memref<128x256xf32, #tpu.memory_space<vmem>>
      %get3A_955 = arith.index_cast %add3A_950 : i32 to index
      %get3A_956 = arith.constant 112 : index
      %get3A_957 = tpu.vector_load %get3A_954[%get3A_955, %get3A_956] {strides = array<i32>} : memref<128x256xf32, #tpu.memory_space<vmem>>, vector<1x16xf32>,
      %get3A_958 = vector.shape_cast %get3A_957 : vector<1x16xf32> to vector<16xf32>
      %add3A_959 = arith.addf %add3A_948, %get3A_958 : vector<16xf32>
      %get3A_960 = arith.constant 0 : i32
      %get3A_961 = arith.constant 0 : i32
      %get3A_962 = tpu.memref_slice %arg6[%scan3A_389, %get3A_960, %get3A_961] : memref<3x128x256xf32, #tpu.memory_space<vmem>> -> memref<1x128x256xf32, #tpu.memory_space<vmem>>
      %get3A_963 = tpu.memref_squeeze %get3A_962 : memref<1x128x256xf32, #tpu.memory_space<vmem>> -> memref<128x256xf32, #tpu.memory_space<vmem>>
      %get3A_964 = arith.index_cast %mul3A_800 : i32 to index
      %get3A_965 = arith.constant 128 : index
      %get3A_966 = tpu.vector_load %get3A_963[%get3A_964, %get3A_965] {strides = array<i32>} : memref<128x256xf32, #tpu.memory_space<vmem>>, vector<1x16xf32>,
      %get3A_967 = vector.shape_cast %get3A_966 : vector<1x16xf32> to vector<16xf32>
      %add3A_968 = arith.addf %scan3A_791, %get3A_967 : vector<16xf32>
      %add3A_969 = arith.constant 1 : i32
      %add3A_970 = arith.addi %mul3A_800, %add3A_969 : i32
      %get3A_971 = arith.constant 0 : i32
      %get3A_972 = arith.constant 0 : i32
      %get3A_973 = tpu.memref_slice %arg6[%scan3A_389, %get3A_971, %get3A_972] : memref<3x128x256xf32, #tpu.memory_space<vmem>> -> memref<1x128x256xf32, #tpu.memory_space<vmem>>
      %get3A_974 = tpu.memref_squeeze %get3A_973 : memref<1x128x256xf32, #tpu.memory_space<vmem>> -> memref<128x256xf32, #tpu.memory_space<vmem>>
      %get3A_975 = arith.index_cast %add3A_970 : i32 to index
      %get3A_976 = arith.constant 128 : index
      %get3A_977 = tpu.vector_load %get3A_974[%get3A_975, %get3A_976] {strides = array<i32>} : memref<128x256xf32, #tpu.memory_space<vmem>>, vector<1x16xf32>,
      %get3A_978 = vector.shape_cast %get3A_977 : vector<1x16xf32> to vector<16xf32>
      %add3A_979 = arith.addf %add3A_968, %get3A_978 : vector<16xf32>
      %get3A_980 = arith.constant 0 : i32
      %get3A_981 = arith.constant 0 : i32
      %get3A_982 = tpu.memref_slice %arg6[%scan3A_389, %get3A_980, %get3A_981] : memref<3x128x256xf32, #tpu.memory_space<vmem>> -> memref<1x128x256xf32, #tpu.memory_space<vmem>>
      %get3A_983 = tpu.memref_squeeze %get3A_982 : memref<1x128x256xf32, #tpu.memory_space<vmem>> -> memref<128x256xf32, #tpu.memory_space<vmem>>
      %get3A_984 = arith.index_cast %mul3A_800 : i32 to index
      %get3A_985 = arith.constant 144 : index
      %get3A_986 = tpu.vector_load %get3A_983[%get3A_984, %get3A_985] {strides = array<i32>} : memref<128x256xf32, #tpu.memory_space<vmem>>, vector<1x16xf32>,
      %get3A_987 = vector.shape_cast %get3A_986 : vector<1x16xf32> to vector<16xf32>
      %add3A_988 = arith.addf %scan3A_792, %get3A_987 : vector<16xf32>
      %add3A_989 = arith.constant 1 : i32
      %add3A_990 = arith.addi %mul3A_800, %add3A_989 : i32
      %get3A_991 = arith.constant 0 : i32
      %get3A_992 = arith.constant 0 : i32
      %get3A_993 = tpu.memref_slice %arg6[%scan3A_389, %get3A_991, %get3A_992] : memref<3x128x256xf32, #tpu.memory_space<vmem>> -> memref<1x128x256xf32, #tpu.memory_space<vmem>>
      %get3A_994 = tpu.memref_squeeze %get3A_993 : memref<1x128x256xf32, #tpu.memory_space<vmem>> -> memref<128x256xf32, #tpu.memory_space<vmem>>
      %get3A_995 = arith.index_cast %add3A_990 : i32 to index
      %get3A_996 = arith.constant 144 : index
      %get3A_997 = tpu.vector_load %get3A_994[%get3A_995, %get3A_996] {strides = array<i32>} : memref<128x256xf32, #tpu.memory_space<vmem>>, vector<1x16xf32>,
      %get3A_998 = vector.shape_cast %get3A_997 : vector<1x16xf32> to vector<16xf32>
      %add3A_999 = arith.addf %add3A_988, %get3A_998 : vector<16xf32>
      %get3A_1000 = arith.constant 0 : i32
      %get3A_1001 = arith.constant 0 : i32
      %get3A_1002 = tpu.memref_slice %arg6[%scan3A_389, %get3A_1000, %get3A_1001] : memref<3x128x256xf32, #tpu.memory_space<vmem>> -> memref<1x128x256xf32, #tpu.memory_space<vmem>>
      %get3A_1003 = tpu.memref_squeeze %get3A_1002 : memref<1x128x256xf32, #tpu.memory_space<vmem>> -> memref<128x256xf32, #tpu.memory_space<vmem>>
      %get3A_1004 = arith.index_cast %mul3A_800 : i32 to index
      %get3A_1005 = arith.constant 160 : index
      %get3A_1006 = tpu.vector_load %get3A_1003[%get3A_1004, %get3A_1005] {strides = array<i32>} : memref<128x256xf32, #tpu.memory_space<vmem>>, vector<1x16xf32>,
      %get3A_1007 = vector.shape_cast %get3A_1006 : vector<1x16xf32> to vector<16xf32>
      %add3A_1008 = arith.addf %scan3A_793, %get3A_1007 : vector<16xf32>
      %add3A_1009 = arith.constant 1 : i32
      %add3A_1010 = arith.addi %mul3A_800, %add3A_1009 : i32
      %get3A_1011 = arith.constant 0 : i32
      %get3A_1012 = arith.constant 0 : i32
      %get3A_1013 = tpu.memref_slice %arg6[%scan3A_389, %get3A_1011, %get3A_1012] : memref<3x128x256xf32, #tpu.memory_space<vmem>> -> memref<1x128x256xf32, #tpu.memory_space<vmem>>
      %get3A_1014 = tpu.memref_squeeze %get3A_1013 : memref<1x128x256xf32, #tpu.memory_space<vmem>> -> memref<128x256xf32, #tpu.memory_space<vmem>>
      %get3A_1015 = arith.index_cast %add3A_1010 : i32 to index
      %get3A_1016 = arith.constant 160 : index
      %get3A_1017 = tpu.vector_load %get3A_1014[%get3A_1015, %get3A_1016] {strides = array<i32>} : memref<128x256xf32, #tpu.memory_space<vmem>>, vector<1x16xf32>,
      %get3A_1018 = vector.shape_cast %get3A_1017 : vector<1x16xf32> to vector<16xf32>
      %add3A_1019 = arith.addf %add3A_1008, %get3A_1018 : vector<16xf32>
      %get3A_1020 = arith.constant 0 : i32
      %get3A_1021 = arith.constant 0 : i32
      %get3A_1022 = tpu.memref_slice %arg6[%scan3A_389, %get3A_1020, %get3A_1021] : memref<3x128x256xf32, #tpu.memory_space<vmem>> -> memref<1x128x256xf32, #tpu.memory_space<vmem>>
      %get3A_1023 = tpu.memref_squeeze %get3A_1022 : memref<1x128x256xf32, #tpu.memory_space<vmem>> -> memref<128x256xf32, #tpu.memory_space<vmem>>
      %get3A_1024 = arith.index_cast %mul3A_800 : i32 to index
      %get3A_1025 = arith.constant 176 : index
      %get3A_1026 = tpu.vector_load %get3A_1023[%get3A_1024, %get3A_1025] {strides = array<i32>} : memref<128x256xf32, #tpu.memory_space<vmem>>, vector<1x16xf32>,
      %get3A_1027 = vector.shape_cast %get3A_1026 : vector<1x16xf32> to vector<16xf32>
      %add3A_1028 = arith.addf %scan3A_794, %get3A_1027 : vector<16xf32>
      %add3A_1029 = arith.constant 1 : i32
      %add3A_1030 = arith.addi %mul3A_800, %add3A_1029 : i32
      %get3A_1031 = arith.constant 0 : i32
      %get3A_1032 = arith.constant 0 : i32
      %get3A_1033 = tpu.memref_slice %arg6[%scan3A_389, %get3A_1031, %get3A_1032] : memref<3x128x256xf32, #tpu.memory_space<vmem>> -> memref<1x128x256xf32, #tpu.memory_space<vmem>>
      %get3A_1034 = tpu.memref_squeeze %get3A_1033 : memref<1x128x256xf32, #tpu.memory_space<vmem>> -> memref<128x256xf32, #tpu.memory_space<vmem>>
      %get3A_1035 = arith.index_cast %add3A_1030 : i32 to index
      %get3A_1036 = arith.constant 176 : index
      %get3A_1037 = tpu.vector_load %get3A_1034[%get3A_1035, %get3A_1036] {strides = array<i32>} : memref<128x256xf32, #tpu.memory_space<vmem>>, vector<1x16xf32>,
      %get3A_1038 = vector.shape_cast %get3A_1037 : vector<1x16xf32> to vector<16xf32>
      %add3A_1039 = arith.addf %add3A_1028, %get3A_1038 : vector<16xf32>
      %get3A_1040 = arith.constant 0 : i32
      %get3A_1041 = arith.constant 0 : i32
      %get3A_1042 = tpu.memref_slice %arg6[%scan3A_389, %get3A_1040, %get3A_1041] : memref<3x128x256xf32, #tpu.memory_space<vmem>> -> memref<1x128x256xf32, #tpu.memory_space<vmem>>
      %get3A_1043 = tpu.memref_squeeze %get3A_1042 : memref<1x128x256xf32, #tpu.memory_space<vmem>> -> memref<128x256xf32, #tpu.memory_space<vmem>>
      %get3A_1044 = arith.index_cast %mul3A_800 : i32 to index
      %get3A_1045 = arith.constant 192 : index
      %get3A_1046 = tpu.vector_load %get3A_1043[%get3A_1044, %get3A_1045] {strides = array<i32>} : memref<128x256xf32, #tpu.memory_space<vmem>>, vector<1x16xf32>,
      %get3A_1047 = vector.shape_cast %get3A_1046 : vector<1x16xf32> to vector<16xf32>
      %add3A_1048 = arith.addf %scan3A_795, %get3A_1047 : vector<16xf32>
      %add3A_1049 = arith.constant 1 : i32
      %add3A_1050 = arith.addi %mul3A_800, %add3A_1049 : i32
      %get3A_1051 = arith.constant 0 : i32
      %get3A_1052 = arith.constant 0 : i32
      %get3A_1053 = tpu.memref_slice %arg6[%scan3A_389, %get3A_1051, %get3A_1052] : memref<3x128x256xf32, #tpu.memory_space<vmem>> -> memref<1x128x256xf32, #tpu.memory_space<vmem>>
      %get3A_1054 = tpu.memref_squeeze %get3A_1053 : memref<1x128x256xf32, #tpu.memory_space<vmem>> -> memref<128x256xf32, #tpu.memory_space<vmem>>
      %get3A_1055 = arith.index_cast %add3A_1050 : i32 to index
      %get3A_1056 = arith.constant 192 : index
      %get3A_1057 = tpu.vector_load %get3A_1054[%get3A_1055, %get3A_1056] {strides = array<i32>} : memref<128x256xf32, #tpu.memory_space<vmem>>, vector<1x16xf32>,
      %get3A_1058 = vector.shape_cast %get3A_1057 : vector<1x16xf32> to vector<16xf32>
      %add3A_1059 = arith.addf %add3A_1048, %get3A_1058 : vector<16xf32>
      %get3A_1060 = arith.constant 0 : i32
      %get3A_1061 = arith.constant 0 : i32
      %get3A_1062 = tpu.memref_slice %arg6[%scan3A_389, %get3A_1060, %get3A_1061] : memref<3x128x256xf32, #tpu.memory_space<vmem>> -> memref<1x128x256xf32, #tpu.memory_space<vmem>>
      %get3A_1063 = tpu.memref_squeeze %get3A_1062 : memref<1x128x256xf32, #tpu.memory_space<vmem>> -> memref<128x256xf32, #tpu.memory_space<vmem>>
      %get3A_1064 = arith.index_cast %mul3A_800 : i32 to index
      %get3A_1065 = arith.constant 208 : index
      %get3A_1066 = tpu.vector_load %get3A_1063[%get3A_1064, %get3A_1065] {strides = array<i32>} : memref<128x256xf32, #tpu.memory_space<vmem>>, vector<1x16xf32>,
      %get3A_1067 = vector.shape_cast %get3A_1066 : vector<1x16xf32> to vector<16xf32>
      %add3A_1068 = arith.addf %scan3A_796, %get3A_1067 : vector<16xf32>
      %add3A_1069 = arith.constant 1 : i32
      %add3A_1070 = arith.addi %mul3A_800, %add3A_1069 : i32
      %get3A_1071 = arith.constant 0 : i32
      %get3A_1072 = arith.constant 0 : i32
      %get3A_1073 = tpu.memref_slice %arg6[%scan3A_389, %get3A_1071, %get3A_1072] : memref<3x128x256xf32, #tpu.memory_space<vmem>> -> memref<1x128x256xf32, #tpu.memory_space<vmem>>
      %get3A_1074 = tpu.memref_squeeze %get3A_1073 : memref<1x128x256xf32, #tpu.memory_space<vmem>> -> memref<128x256xf32, #tpu.memory_space<vmem>>
      %get3A_1075 = arith.index_cast %add3A_1070 : i32 to index
      %get3A_1076 = arith.constant 208 : index
      %get3A_1077 = tpu.vector_load %get3A_1074[%get3A_1075, %get3A_1076] {strides = array<i32>} : memref<128x256xf32, #tpu.memory_space<vmem>>, vector<1x16xf32>,
      %get3A_1078 = vector.shape_cast %get3A_1077 : vector<1x16xf32> to vector<16xf32>
      %add3A_1079 = arith.addf %add3A_1068, %get3A_1078 : vector<16xf32>
      %get3A_1080 = arith.constant 0 : i32
      %get3A_1081 = arith.constant 0 : i32
      %get3A_1082 = tpu.memref_slice %arg6[%scan3A_389, %get3A_1080, %get3A_1081] : memref<3x128x256xf32, #tpu.memory_space<vmem>> -> memref<1x128x256xf32, #tpu.memory_space<vmem>>
      %get3A_1083 = tpu.memref_squeeze %get3A_1082 : memref<1x128x256xf32, #tpu.memory_space<vmem>> -> memref<128x256xf32, #tpu.memory_space<vmem>>
      %get3A_1084 = arith.index_cast %mul3A_800 : i32 to index
      %get3A_1085 = arith.constant 224 : index
      %get3A_1086 = tpu.vector_load %get3A_1083[%get3A_1084, %get3A_1085] {strides = array<i32>} : memref<128x256xf32, #tpu.memory_space<vmem>>, vector<1x16xf32>,
      %get3A_1087 = vector.shape_cast %get3A_1086 : vector<1x16xf32> to vector<16xf32>
      %add3A_1088 = arith.addf %scan3A_797, %get3A_1087 : vector<16xf32>
      %add3A_1089 = arith.constant 1 : i32
      %add3A_1090 = arith.addi %mul3A_800, %add3A_1089 : i32
      %get3A_1091 = arith.constant 0 : i32
      %get3A_1092 = arith.constant 0 : i32
      %get3A_1093 = tpu.memref_slice %arg6[%scan3A_389, %get3A_1091, %get3A_1092] : memref<3x128x256xf32, #tpu.memory_space<vmem>> -> memref<1x128x256xf32, #tpu.memory_space<vmem>>
      %get3A_1094 = tpu.memref_squeeze %get3A_1093 : memref<1x128x256xf32, #tpu.memory_space<vmem>> -> memref<128x256xf32, #tpu.memory_space<vmem>>
      %get3A_1095 = arith.index_cast %add3A_1090 : i32 to index
      %get3A_1096 = arith.constant 224 : index
      %get3A_1097 = tpu.vector_load %get3A_1094[%get3A_1095, %get3A_1096] {strides = array<i32>} : memref<128x256xf32, #tpu.memory_space<vmem>>, vector<1x16xf32>,
      %get3A_1098 = vector.shape_cast %get3A_1097 : vector<1x16xf32> to vector<16xf32>
      %add3A_1099 = arith.addf %add3A_1088, %get3A_1098 : vector<16xf32>
      %get3A_1100 = arith.constant 0 : i32
      %get3A_1101 = arith.constant 0 : i32
      %get3A_1102 = tpu.memref_slice %arg6[%scan3A_389, %get3A_1100, %get3A_1101] : memref<3x128x256xf32, #tpu.memory_space<vmem>> -> memref<1x128x256xf32, #tpu.memory_space<vmem>>
      %get3A_1103 = tpu.memref_squeeze %get3A_1102 : memref<1x128x256xf32, #tpu.memory_space<vmem>> -> memref<128x256xf32, #tpu.memory_space<vmem>>
      %get3A_1104 = arith.index_cast %mul3A_800 : i32 to index
      %get3A_1105 = arith.constant 240 : index
      %get3A_1106 = tpu.vector_load %get3A_1103[%get3A_1104, %get3A_1105] {strides = array<i32>} : memref<128x256xf32, #tpu.memory_space<vmem>>, vector<1x16xf32>,
      %get3A_1107 = vector.shape_cast %get3A_1106 : vector<1x16xf32> to vector<16xf32>
      %add3A_1108 = arith.addf %scan3A_798, %get3A_1107 : vector<16xf32>
      %add3A_1109 = arith.constant 1 : i32
      %add3A_1110 = arith.addi %mul3A_800, %add3A_1109 : i32
      %get3A_1111 = arith.constant 0 : i32
      %get3A_1112 = arith.constant 0 : i32
      %get3A_1113 = tpu.memref_slice %arg6[%scan3A_389, %get3A_1111, %get3A_1112] : memref<3x128x256xf32, #tpu.memory_space<vmem>> -> memref<1x128x256xf32, #tpu.memory_space<vmem>>
      %get3A_1114 = tpu.memref_squeeze %get3A_1113 : memref<1x128x256xf32, #tpu.memory_space<vmem>> -> memref<128x256xf32, #tpu.memory_space<vmem>>
      %get3A_1115 = arith.index_cast %add3A_1110 : i32 to index
      %get3A_1116 = arith.constant 240 : index
      %get3A_1117 = tpu.vector_load %get3A_1114[%get3A_1115, %get3A_1116] {strides = array<i32>} : memref<128x256xf32, #tpu.memory_space<vmem>>, vector<1x16xf32>,
      %get3A_1118 = vector.shape_cast %get3A_1117 : vector<1x16xf32> to vector<16xf32>
      %add3A_1119 = arith.addf %add3A_1108, %get3A_1118 : vector<16xf32>
      scf.yield %add3A_819, %add3A_839, %add3A_859, %add3A_879, %add3A_899, %add3A_919, %add3A_939, %add3A_959, %add3A_979, %add3A_999, %add3A_1019, %add3A_1039, %add3A_1059, %add3A_1079, %add3A_1099, %add3A_1119 : vector<16xf32>, vector<16xf32>, vector<16xf32>, vector<16xf32>, vector<16xf32>, vector<16xf32>, vector<16xf32>, vector<16xf32>, vector<16xf32>, vector<16xf32>, vector<16xf32>, vector<16xf32>, vector<16xf32>, vector<16xf32>, vector<16xf32>, vector<16xf32>
    }
    %scan3A_395 = arith.constant 64 : i32
    %swap3A_396 = arith.constant 29 : i32
    %swap3A_397 = arith.index_cast %swap3A_396 : i32 to index
    %swap3A_398 = arith.constant 0 : index
    %swap3A_399 = tpu.vector_load %arg7[%swap3A_397, %swap3A_398] {strides = array<i32>} : memref<32x256xf32, #tpu.memory_space<vmem>>, vector<1x16xf32>,
    %swap3A_400 = vector.shape_cast %swap3A_399 : vector<1x16xf32> to vector<16xf32>
    %swap3A_401 = vector.shape_cast %scan3A_394#0 : vector<16xf32> to vector<1x16xf32>
    tpu.vector_store %arg7[%swap3A_397, %swap3A_398], %swap3A_401 {strides = array<i32>} : memref<32x256xf32, #tpu.memory_space<vmem>>, vector<1x16xf32>,
    %swap3A_402 = arith.constant 29 : i32
    %swap3A_403 = arith.index_cast %swap3A_402 : i32 to index
    %swap3A_404 = arith.constant 16 : index
    %swap3A_405 = tpu.vector_load %arg7[%swap3A_403, %swap3A_404] {strides = array<i32>} : memref<32x256xf32, #tpu.memory_space<vmem>>, vector<1x16xf32>,
    %swap3A_406 = vector.shape_cast %swap3A_405 : vector<1x16xf32> to vector<16xf32>
    %swap3A_407 = vector.shape_cast %scan3A_394#1 : vector<16xf32> to vector<1x16xf32>
    tpu.vector_store %arg7[%swap3A_403, %swap3A_404], %swap3A_407 {strides = array<i32>} : memref<32x256xf32, #tpu.memory_space<vmem>>, vector<1x16xf32>,
    %swap3A_408 = arith.constant 29 : i32
    %swap3A_409 = arith.index_cast %swap3A_408 : i32 to index
    %swap3A_410 = arith.constant 32 : index
    %swap3A_411 = tpu.vector_load %arg7[%swap3A_409, %swap3A_410] {strides = array<i32>} : memref<32x256xf32, #tpu.memory_space<vmem>>, vector<1x16xf32>,
    %swap3A_412 = vector.shape_cast %swap3A_411 : vector<1x16xf32> to vector<16xf32>
    %swap3A_413 = vector.shape_cast %scan3A_394#2 : vector<16xf32> to vector<1x16xf32>
    tpu.vector_store %arg7[%swap3A_409, %swap3A_410], %swap3A_413 {strides = array<i32>} : memref<32x256xf32, #tpu.memory_space<vmem>>, vector<1x16xf32>,
    %swap3A_414 = arith.constant 29 : i32
    %swap3A_415 = arith.index_cast %swap3A_414 : i32 to index
    %swap3A_416 = arith.constant 48 : index
    %swap3A_417 = tpu.vector_load %arg7[%swap3A_415, %swap3A_416] {strides = array<i32>} : memref<32x256xf32, #tpu.memory_space<vmem>>, vector<1x16xf32>,
    %swap3A_418 = vector.shape_cast %swap3A_417 : vector<1x16xf32> to vector<16xf32>
    %swap3A_419 = vector.shape_cast %scan3A_394#3 : vector<16xf32> to vector<1x16xf32>
    tpu.vector_store %arg7[%swap3A_415, %swap3A_416], %swap3A_419 {strides = array<i32>} : memref<32x256xf32, #tpu.memory_space<vmem>>, vector<1x16xf32>,
    %swap3A_420 = arith.constant 29 : i32
    %swap3A_421 = arith.index_cast %swap3A_420 : i32 to index
    %swap3A_422 = arith.constant 64 : index
    %swap3A_423 = tpu.vector_load %arg7[%swap3A_421, %swap3A_422] {strides = array<i32>} : memref<32x256xf32, #tpu.memory_space<vmem>>, vector<1x16xf32>,
    %swap3A_424 = vector.shape_cast %swap3A_423 : vector<1x16xf32> to vector<16xf32>
    %swap3A_425 = vector.shape_cast %scan3A_394#4 : vector<16xf32> to vector<1x16xf32>
    tpu.vector_store %arg7[%swap3A_421, %swap3A_422], %swap3A_425 {strides = array<i32>} : memref<32x256xf32, #tpu.memory_space<vmem>>, vector<1x16xf32>,
    %swap3A_426 = arith.constant 29 : i32
    %swap3A_427 = arith.index_cast %swap3A_426 : i32 to index
    %swap3A_428 = arith.constant 80 : index
    %swap3A_429 = tpu.vector_load %arg7[%swap3A_427, %swap3A_428] {strides = array<i32>} : memref<32x256xf32, #tpu.memory_space<vmem>>, vector<1x16xf32>,
    %swap3A_430 = vector.shape_cast %swap3A_429 : vector<1x16xf32> to vector<16xf32>
    %swap3A_431 = vector.shape_cast %scan3A_394#5 : vector<16xf32> to vector<1x16xf32>
    tpu.vector_store %arg7[%swap3A_427, %swap3A_428], %swap3A_431 {strides = array<i32>} : memref<32x256xf32, #tpu.memory_space<vmem>>, vector<1x16xf32>,
    %swap3A_432 = arith.constant 29 : i32
    %swap3A_433 = arith.index_cast %swap3A_432 : i32 to index
    %swap3A_434 = arith.constant 96 : index
    %swap3A_435 = tpu.vector_load %arg7[%swap3A_433, %swap3A_434] {strides = array<i32>} : memref<32x256xf32, #tpu.memory_space<vmem>>, vector<1x16xf32>,
    %swap3A_436 = vector.shape_cast %swap3A_435 : vector<1x16xf32> to vector<16xf32>
    %swap3A_437 = vector.shape_cast %scan3A_394#6 : vector<16xf32> to vector<1x16xf32>
    tpu.vector_store %arg7[%swap3A_433, %swap3A_434], %swap3A_437 {strides = array<i32>} : memref<32x256xf32, #tpu.memory_space<vmem>>, vector<1x16xf32>,
    %swap3A_438 = arith.constant 29 : i32
    %swap3A_439 = arith.index_cast %swap3A_438 : i32 to index
    %swap3A_440 = arith.constant 112 : index
    %swap3A_441 = tpu.vector_load %arg7[%swap3A_439, %swap3A_440] {strides = array<i32>} : memref<32x256xf32, #tpu.memory_space<vmem>>, vector<1x16xf32>,
    %swap3A_442 = vector.shape_cast %swap3A_441 : vector<1x16xf32> to vector<16xf32>
    %swap3A_443 = vector.shape_cast %scan3A_394#7 : vector<16xf32> to vector<1x16xf32>
    tpu.vector_store %arg7[%swap3A_439, %swap3A_440], %swap3A_443 {strides = array<i32>} : memref<32x256xf32, #tpu.memory_space<vmem>>, vector<1x16xf32>,
    %swap3A_444 = arith.constant 29 : i32
    %swap3A_445 = arith.index_cast %swap3A_444 : i32 to index
    %swap3A_446 = arith.constant 128 : index
    %swap3A_447 = tpu.vector_load %arg7[%swap3A_445, %swap3A_446] {strides = array<i32>} : memref<32x256xf32, #tpu.memory_space<vmem>>, vector<1x16xf32>,
    %swap3A_448 = vector.shape_cast %swap3A_447 : vector<1x16xf32> to vector<16xf32>
    %swap3A_449 = vector.shape_cast %scan3A_394#8 : vector<16xf32> to vector<1x16xf32>
    tpu.vector_store %arg7[%swap3A_445, %swap3A_446], %swap3A_449 {strides = array<i32>} : memref<32x256xf32, #tpu.memory_space<vmem>>, vector<1x16xf32>,
    %swap3A_450 = arith.constant 29 : i32
    %swap3A_451 = arith.index_cast %swap3A_450 : i32 to index
    %swap3A_452 = arith.constant 144 : index
    %swap3A_453 = tpu.vector_load %arg7[%swap3A_451, %swap3A_452] {strides = array<i32>} : memref<32x256xf32, #tpu.memory_space<vmem>>, vector<1x16xf32>,
    %swap3A_454 = vector.shape_cast %swap3A_453 : vector<1x16xf32> to vector<16xf32>
    %swap3A_455 = vector.shape_cast %scan3A_394#9 : vector<16xf32> to vector<1x16xf32>
    tpu.vector_store %arg7[%swap3A_451, %swap3A_452], %swap3A_455 {strides = array<i32>} : memref<32x256xf32, #tpu.memory_space<vmem>>, vector<1x16xf32>,
    %swap3A_456 = arith.constant 29 : i32
    %swap3A_457 = arith.index_cast %swap3A_456 : i32 to index
    %swap3A_458 = arith.constant 160 : index
    %swap3A_459 = tpu.vector_load %arg7[%swap3A_457, %swap3A_458] {strides = array<i32>} : memref<32x256xf32, #tpu.memory_space<vmem>>, vector<1x16xf32>,
    %swap3A_460 = vector.shape_cast %swap3A_459 : vector<1x16xf32> to vector<16xf32>
    %swap3A_461 = vector.shape_cast %scan3A_394#10 : vector<16xf32> to vector<1x16xf32>
    tpu.vector_store %arg7[%swap3A_457, %swap3A_458], %swap3A_461 {strides = array<i32>} : memref<32x256xf32, #tpu.memory_space<vmem>>, vector<1x16xf32>,
    %swap3A_462 = arith.constant 29 : i32
    %swap3A_463 = arith.index_cast %swap3A_462 : i32 to index
    %swap3A_464 = arith.constant 176 : index
    %swap3A_465 = tpu.vector_load %arg7[%swap3A_463, %swap3A_464] {strides = array<i32>} : memref<32x256xf32, #tpu.memory_space<vmem>>, vector<1x16xf32>,
    %swap3A_466 = vector.shape_cast %swap3A_465 : vector<1x16xf32> to vector<16xf32>
    %swap3A_467 = vector.shape_cast %scan3A_394#11 : vector<16xf32> to vector<1x16xf32>
    tpu.vector_store %arg7[%swap3A_463, %swap3A_464], %swap3A_467 {strides = array<i32>} : memref<32x256xf32, #tpu.memory_space<vmem>>, vector<1x16xf32>,
    %swap3A_468 = arith.constant 29 : i32
    %swap3A_469 = arith.index_cast %swap3A_468 : i32 to index
    %swap3A_470 = arith.constant 192 : index
    %swap3A_471 = tpu.vector_load %arg7[%swap3A_469, %swap3A_470] {strides = array<i32>} : memref<32x256xf32, #tpu.memory_space<vmem>>, vector<1x16xf32>,
    %swap3A_472 = vector.shape_cast %swap3A_471 : vector<1x16xf32> to vector<16xf32>
    %swap3A_473 = vector.shape_cast %scan3A_394#12 : vector<16xf32> to vector<1x16xf32>
    tpu.vector_store %arg7[%swap3A_469, %swap3A_470], %swap3A_473 {strides = array<i32>} : memref<32x256xf32, #tpu.memory_space<vmem>>, vector<1x16xf32>,
    %swap3A_474 = arith.constant 29 : i32
    %swap3A_475 = arith.index_cast %swap3A_474 : i32 to index
    %swap3A_476 = arith.constant 208 : index
    %swap3A_477 = tpu.vector_load %arg7[%swap3A_475, %swap3A_476] {strides = array<i32>} : memref<32x256xf32, #tpu.memory_space<vmem>>, vector<1x16xf32>,
    %swap3A_478 = vector.shape_cast %swap3A_477 : vector<1x16xf32> to vector<16xf32>
    %swap3A_479 = vector.shape_cast %scan3A_394#13 : vector<16xf32> to vector<1x16xf32>
    tpu.vector_store %arg7[%swap3A_475, %swap3A_476], %swap3A_479 {strides = array<i32>} : memref<32x256xf32, #tpu.memory_space<vmem>>, vector<1x16xf32>,
    %swap3A_480 = arith.constant 29 : i32
    %swap3A_481 = arith.index_cast %swap3A_480 : i32 to index
    %swap3A_482 = arith.constant 224 : index
    %swap3A_483 = tpu.vector_load %arg7[%swap3A_481, %swap3A_482] {strides = array<i32>} : memref<32x256xf32, #tpu.memory_space<vmem>>, vector<1x16xf32>,
    %swap3A_484 = vector.shape_cast %swap3A_483 : vector<1x16xf32> to vector<16xf32>
    %swap3A_485 = vector.shape_cast %scan3A_394#14 : vector<16xf32> to vector<1x16xf32>
    tpu.vector_store %arg7[%swap3A_481, %swap3A_482], %swap3A_485 {strides = array<i32>} : memref<32x256xf32, #tpu.memory_space<vmem>>, vector<1x16xf32>,
    %swap3A_486 = arith.constant 29 : i32
    %swap3A_487 = arith.index_cast %swap3A_486 : i32 to index
    %swap3A_488 = arith.constant 240 : index
    %swap3A_489 = tpu.vector_load %arg7[%swap3A_487, %swap3A_488] {strides = array<i32>} : memref<32x256xf32, #tpu.memory_space<vmem>>, vector<1x16xf32>,
    %swap3A_490 = vector.shape_cast %swap3A_489 : vector<1x16xf32> to vector<16xf32>
    %swap3A_491 = vector.shape_cast %scan3A_394#15 : vector<16xf32> to vector<1x16xf32>
    tpu.vector_store %arg7[%swap3A_487, %swap3A_488], %swap3A_491 {strides = array<i32>} : memref<32x256xf32, #tpu.memory_space<vmem>>, vector<1x16xf32>,
    %dma_wait3A_492 = arith.constant 0 : i32
    %dma_wait3A_493 = arith.constant 0 : i32
    %dma_wait3A_494 = arith.constant 0 : i32
    %dma_wait3A_495 = tpu.memref_slice %arg6[%dma_wait3A_492, %dma_wait3A_493, %dma_wait3A_494] : memref<3x128x256xf32, #tpu.memory_space<vmem>> -> memref<1x128x256xf32, #tpu.memory_space<vmem>>
    %dma_wait3A_496 = tpu.memref_squeeze %dma_wait3A_495 : memref<1x128x256xf32, #tpu.memory_space<vmem>> -> memref<128x256xf32, #tpu.memory_space<vmem>>
    %dma_wait3A_497 = arith.constant 3840 : i32
    %dma_wait3A_498 = tpu.memref_slice %arg5[%dma_wait3A_497] : memref<4096xi32, #tpu.memory_space<vmem>> -> memref<128xi32, #tpu.memory_space<vmem>>
    %dma_wait3A_499 = arith.constant 0 : i32
    %dma_wait3A_500 = arith.constant 0 : i32
    %dma_wait3A_501 = tpu.memref_slice %arg2[%dma_wait3A_499, %dma_wait3A_500] : memref<50000x256xf32, #tpu.memory_space<hbm>> -> memref<50000x256xf32, #tpu.memory_space<hbm>>
    tpu.wait_indirect_dma semaphore(%arg8 : memref<!tpu.dma_semaphore, #tpu.memory_space<semaphore_mem>>) src(%dma_wait3A_501 : memref<50000x256xf32, #tpu.memory_space<hbm>>) dst(%dma_wait3A_496 : memref<128x256xf32, #tpu.memory_space<vmem>>)
    %broadcast_in_dim3A_502 = arith.constant 0.000000e+00 : f32
    %broadcast_in_dim3A_503 = vector.broadcast %broadcast_in_dim3A_502 : f32 to vector<16xf32>
    %broadcast_in_dim3A_504 = arith.constant 0.000000e+00 : f32
    %broadcast_in_dim3A_505 = vector.broadcast %broadcast_in_dim3A_504 : f32 to vector<16xf32>
    %broadcast_in_dim3A_506 = arith.constant 0.000000e+00 : f32
    %broadcast_in_dim3A_507 = vector.broadcast %broadcast_in_dim3A_506 : f32 to vector<16xf32>
    %broadcast_in_dim3A_508 = arith.constant 0.000000e+00 : f32
    %broadcast_in_dim3A_509 = vector.broadcast %broadcast_in_dim3A_508 : f32 to vector<16xf32>
    %broadcast_in_dim3A_510 = arith.constant 0.000000e+00 : f32
    %broadcast_in_dim3A_511 = vector.broadcast %broadcast_in_dim3A_510 : f32 to vector<16xf32>
    %broadcast_in_dim3A_512 = arith.constant 0.000000e+00 : f32
    %broadcast_in_dim3A_513 = vector.broadcast %broadcast_in_dim3A_512 : f32 to vector<16xf32>
    %broadcast_in_dim3A_514 = arith.constant 0.000000e+00 : f32
    %broadcast_in_dim3A_515 = vector.broadcast %broadcast_in_dim3A_514 : f32 to vector<16xf32>
    %broadcast_in_dim3A_516 = arith.constant 0.000000e+00 : f32
    %broadcast_in_dim3A_517 = vector.broadcast %broadcast_in_dim3A_516 : f32 to vector<16xf32>
    %broadcast_in_dim3A_518 = arith.constant 0.000000e+00 : f32
    %broadcast_in_dim3A_519 = vector.broadcast %broadcast_in_dim3A_518 : f32 to vector<16xf32>
    %broadcast_in_dim3A_520 = arith.constant 0.000000e+00 : f32
    %broadcast_in_dim3A_521 = vector.broadcast %broadcast_in_dim3A_520 : f32 to vector<16xf32>
    %broadcast_in_dim3A_522 = arith.constant 0.000000e+00 : f32
    %broadcast_in_dim3A_523 = vector.broadcast %broadcast_in_dim3A_522 : f32 to vector<16xf32>
    %broadcast_in_dim3A_524 = arith.constant 0.000000e+00 : f32
    %broadcast_in_dim3A_525 = vector.broadcast %broadcast_in_dim3A_524 : f32 to vector<16xf32>
    %broadcast_in_dim3A_526 = arith.constant 0.000000e+00 : f32
    %broadcast_in_dim3A_527 = vector.broadcast %broadcast_in_dim3A_526 : f32 to vector<16xf32>
    %broadcast_in_dim3A_528 = arith.constant 0.000000e+00 : f32
    %broadcast_in_dim3A_529 = vector.broadcast %broadcast_in_dim3A_528 : f32 to vector<16xf32>
    %broadcast_in_dim3A_530 = arith.constant 0.000000e+00 : f32
    %broadcast_in_dim3A_531 = vector.broadcast %broadcast_in_dim3A_530 : f32 to vector<16xf32>
    %broadcast_in_dim3A_532 = arith.constant 0.000000e+00 : f32
    %broadcast_in_dim3A_533 = vector.broadcast %broadcast_in_dim3A_532 : f32 to vector<16xf32>
    %scan3A_534 = arith.constant 0 : i32
    %scan3A_535 = arith.constant 0 : i32
    %scan3A_536 = arith.constant 64 : i32
    %scan3A_537 = arith.addi %scan3A_535, %scan3A_536 : i32
    %scan3A_538 = arith.constant 1 : i32
    %scan3A_539:16 = scf.for %scan3A_782 = %scan3A_535 to %scan3A_537 step %scan3A_538 iter_args(%scan3A_783 = %broadcast_in_dim3A_503, %scan3A_784 = %broadcast_in_dim3A_505, %scan3A_785 = %broadcast_in_dim3A_507, %scan3A_786 = %broadcast_in_dim3A_509, %scan3A_787 = %broadcast_in_dim3A_511, %scan3A_788 = %broadcast_in_dim3A_513, %scan3A_789 = %broadcast_in_dim3A_515, %scan3A_790 = %broadcast_in_dim3A_517, %scan3A_791 = %broadcast_in_dim3A_519, %scan3A_792 = %broadcast_in_dim3A_521, %scan3A_793 = %broadcast_in_dim3A_523, %scan3A_794 = %broadcast_in_dim3A_525, %scan3A_795 = %broadcast_in_dim3A_527, %scan3A_796 = %broadcast_in_dim3A_529, %scan3A_797 = %broadcast_in_dim3A_531, %scan3A_798 = %broadcast_in_dim3A_533) -> (vector<16xf32>, vector<16xf32>, vector<16xf32>, vector<16xf32>, vector<16xf32>, vector<16xf32>, vector<16xf32>, vector<16xf32>, vector<16xf32>, vector<16xf32>, vector<16xf32>, vector<16xf32>, vector<16xf32>, vector<16xf32>, vector<16xf32>, vector<16xf32>)  : i32 {
      %mul3A_799 = arith.constant 2 : i32
      %mul3A_800 = arith.muli %mul3A_799, %scan3A_782 : i32
      %get3A = arith.constant 0 : i32
      %get3A_801 = arith.constant 0 : i32
      %get3A_802 = tpu.memref_slice %arg6[%scan3A_534, %get3A, %get3A_801] : memref<3x128x256xf32, #tpu.memory_space<vmem>> -> memref<1x128x256xf32, #tpu.memory_space<vmem>>
      %get3A_803 = tpu.memref_squeeze %get3A_802 : memref<1x128x256xf32, #tpu.memory_space<vmem>> -> memref<128x256xf32, #tpu.memory_space<vmem>>
      %get3A_804 = arith.index_cast %mul3A_800 : i32 to index
      %get3A_805 = arith.constant 0 : index
      %get3A_806 = tpu.vector_load %get3A_803[%get3A_804, %get3A_805] {strides = array<i32>} : memref<128x256xf32, #tpu.memory_space<vmem>>, vector<1x16xf32>,
      %get3A_807 = vector.shape_cast %get3A_806 : vector<1x16xf32> to vector<16xf32>
      %add3A_808 = arith.addf %scan3A_783, %get3A_807 : vector<16xf32>
      %add3A_809 = arith.constant 1 : i32
      %add3A_810 = arith.addi %mul3A_800, %add3A_809 : i32
      %get3A_811 = arith.constant 0 : i32
      %get3A_812 = arith.constant 0 : i32
      %get3A_813 = tpu.memref_slice %arg6[%scan3A_534, %get3A_811, %get3A_812] : memref<3x128x256xf32, #tpu.memory_space<vmem>> -> memref<1x128x256xf32, #tpu.memory_space<vmem>>
      %get3A_814 = tpu.memref_squeeze %get3A_813 : memref<1x128x256xf32, #tpu.memory_space<vmem>> -> memref<128x256xf32, #tpu.memory_space<vmem>>
      %get3A_815 = arith.index_cast %add3A_810 : i32 to index
      %get3A_816 = arith.constant 0 : index
      %get3A_817 = tpu.vector_load %get3A_814[%get3A_815, %get3A_816] {strides = array<i32>} : memref<128x256xf32, #tpu.memory_space<vmem>>, vector<1x16xf32>,
      %get3A_818 = vector.shape_cast %get3A_817 : vector<1x16xf32> to vector<16xf32>
      %add3A_819 = arith.addf %add3A_808, %get3A_818 : vector<16xf32>
      %get3A_820 = arith.constant 0 : i32
      %get3A_821 = arith.constant 0 : i32
      %get3A_822 = tpu.memref_slice %arg6[%scan3A_534, %get3A_820, %get3A_821] : memref<3x128x256xf32, #tpu.memory_space<vmem>> -> memref<1x128x256xf32, #tpu.memory_space<vmem>>
      %get3A_823 = tpu.memref_squeeze %get3A_822 : memref<1x128x256xf32, #tpu.memory_space<vmem>> -> memref<128x256xf32, #tpu.memory_space<vmem>>
      %get3A_824 = arith.index_cast %mul3A_800 : i32 to index
      %get3A_825 = arith.constant 16 : index
      %get3A_826 = tpu.vector_load %get3A_823[%get3A_824, %get3A_825] {strides = array<i32>} : memref<128x256xf32, #tpu.memory_space<vmem>>, vector<1x16xf32>,
      %get3A_827 = vector.shape_cast %get3A_826 : vector<1x16xf32> to vector<16xf32>
      %add3A_828 = arith.addf %scan3A_784, %get3A_827 : vector<16xf32>
      %add3A_829 = arith.constant 1 : i32
      %add3A_830 = arith.addi %mul3A_800, %add3A_829 : i32
      %get3A_831 = arith.constant 0 : i32
      %get3A_832 = arith.constant 0 : i32
      %get3A_833 = tpu.memref_slice %arg6[%scan3A_534, %get3A_831, %get3A_832] : memref<3x128x256xf32, #tpu.memory_space<vmem>> -> memref<1x128x256xf32, #tpu.memory_space<vmem>>
      %get3A_834 = tpu.memref_squeeze %get3A_833 : memref<1x128x256xf32, #tpu.memory_space<vmem>> -> memref<128x256xf32, #tpu.memory_space<vmem>>
      %get3A_835 = arith.index_cast %add3A_830 : i32 to index
      %get3A_836 = arith.constant 16 : index
      %get3A_837 = tpu.vector_load %get3A_834[%get3A_835, %get3A_836] {strides = array<i32>} : memref<128x256xf32, #tpu.memory_space<vmem>>, vector<1x16xf32>,
      %get3A_838 = vector.shape_cast %get3A_837 : vector<1x16xf32> to vector<16xf32>
      %add3A_839 = arith.addf %add3A_828, %get3A_838 : vector<16xf32>
      %get3A_840 = arith.constant 0 : i32
      %get3A_841 = arith.constant 0 : i32
      %get3A_842 = tpu.memref_slice %arg6[%scan3A_534, %get3A_840, %get3A_841] : memref<3x128x256xf32, #tpu.memory_space<vmem>> -> memref<1x128x256xf32, #tpu.memory_space<vmem>>
      %get3A_843 = tpu.memref_squeeze %get3A_842 : memref<1x128x256xf32, #tpu.memory_space<vmem>> -> memref<128x256xf32, #tpu.memory_space<vmem>>
      %get3A_844 = arith.index_cast %mul3A_800 : i32 to index
      %get3A_845 = arith.constant 32 : index
      %get3A_846 = tpu.vector_load %get3A_843[%get3A_844, %get3A_845] {strides = array<i32>} : memref<128x256xf32, #tpu.memory_space<vmem>>, vector<1x16xf32>,
      %get3A_847 = vector.shape_cast %get3A_846 : vector<1x16xf32> to vector<16xf32>
      %add3A_848 = arith.addf %scan3A_785, %get3A_847 : vector<16xf32>
      %add3A_849 = arith.constant 1 : i32
      %add3A_850 = arith.addi %mul3A_800, %add3A_849 : i32
      %get3A_851 = arith.constant 0 : i32
      %get3A_852 = arith.constant 0 : i32
      %get3A_853 = tpu.memref_slice %arg6[%scan3A_534, %get3A_851, %get3A_852] : memref<3x128x256xf32, #tpu.memory_space<vmem>> -> memref<1x128x256xf32, #tpu.memory_space<vmem>>
      %get3A_854 = tpu.memref_squeeze %get3A_853 : memref<1x128x256xf32, #tpu.memory_space<vmem>> -> memref<128x256xf32, #tpu.memory_space<vmem>>
      %get3A_855 = arith.index_cast %add3A_850 : i32 to index
      %get3A_856 = arith.constant 32 : index
      %get3A_857 = tpu.vector_load %get3A_854[%get3A_855, %get3A_856] {strides = array<i32>} : memref<128x256xf32, #tpu.memory_space<vmem>>, vector<1x16xf32>,
      %get3A_858 = vector.shape_cast %get3A_857 : vector<1x16xf32> to vector<16xf32>
      %add3A_859 = arith.addf %add3A_848, %get3A_858 : vector<16xf32>
      %get3A_860 = arith.constant 0 : i32
      %get3A_861 = arith.constant 0 : i32
      %get3A_862 = tpu.memref_slice %arg6[%scan3A_534, %get3A_860, %get3A_861] : memref<3x128x256xf32, #tpu.memory_space<vmem>> -> memref<1x128x256xf32, #tpu.memory_space<vmem>>
      %get3A_863 = tpu.memref_squeeze %get3A_862 : memref<1x128x256xf32, #tpu.memory_space<vmem>> -> memref<128x256xf32, #tpu.memory_space<vmem>>
      %get3A_864 = arith.index_cast %mul3A_800 : i32 to index
      %get3A_865 = arith.constant 48 : index
      %get3A_866 = tpu.vector_load %get3A_863[%get3A_864, %get3A_865] {strides = array<i32>} : memref<128x256xf32, #tpu.memory_space<vmem>>, vector<1x16xf32>,
      %get3A_867 = vector.shape_cast %get3A_866 : vector<1x16xf32> to vector<16xf32>
      %add3A_868 = arith.addf %scan3A_786, %get3A_867 : vector<16xf32>
      %add3A_869 = arith.constant 1 : i32
      %add3A_870 = arith.addi %mul3A_800, %add3A_869 : i32
      %get3A_871 = arith.constant 0 : i32
      %get3A_872 = arith.constant 0 : i32
      %get3A_873 = tpu.memref_slice %arg6[%scan3A_534, %get3A_871, %get3A_872] : memref<3x128x256xf32, #tpu.memory_space<vmem>> -> memref<1x128x256xf32, #tpu.memory_space<vmem>>
      %get3A_874 = tpu.memref_squeeze %get3A_873 : memref<1x128x256xf32, #tpu.memory_space<vmem>> -> memref<128x256xf32, #tpu.memory_space<vmem>>
      %get3A_875 = arith.index_cast %add3A_870 : i32 to index
      %get3A_876 = arith.constant 48 : index
      %get3A_877 = tpu.vector_load %get3A_874[%get3A_875, %get3A_876] {strides = array<i32>} : memref<128x256xf32, #tpu.memory_space<vmem>>, vector<1x16xf32>,
      %get3A_878 = vector.shape_cast %get3A_877 : vector<1x16xf32> to vector<16xf32>
      %add3A_879 = arith.addf %add3A_868, %get3A_878 : vector<16xf32>
      %get3A_880 = arith.constant 0 : i32
      %get3A_881 = arith.constant 0 : i32
      %get3A_882 = tpu.memref_slice %arg6[%scan3A_534, %get3A_880, %get3A_881] : memref<3x128x256xf32, #tpu.memory_space<vmem>> -> memref<1x128x256xf32, #tpu.memory_space<vmem>>
      %get3A_883 = tpu.memref_squeeze %get3A_882 : memref<1x128x256xf32, #tpu.memory_space<vmem>> -> memref<128x256xf32, #tpu.memory_space<vmem>>
      %get3A_884 = arith.index_cast %mul3A_800 : i32 to index
      %get3A_885 = arith.constant 64 : index
      %get3A_886 = tpu.vector_load %get3A_883[%get3A_884, %get3A_885] {strides = array<i32>} : memref<128x256xf32, #tpu.memory_space<vmem>>, vector<1x16xf32>,
      %get3A_887 = vector.shape_cast %get3A_886 : vector<1x16xf32> to vector<16xf32>
      %add3A_888 = arith.addf %scan3A_787, %get3A_887 : vector<16xf32>
      %add3A_889 = arith.constant 1 : i32
      %add3A_890 = arith.addi %mul3A_800, %add3A_889 : i32
      %get3A_891 = arith.constant 0 : i32
      %get3A_892 = arith.constant 0 : i32
      %get3A_893 = tpu.memref_slice %arg6[%scan3A_534, %get3A_891, %get3A_892] : memref<3x128x256xf32, #tpu.memory_space<vmem>> -> memref<1x128x256xf32, #tpu.memory_space<vmem>>
      %get3A_894 = tpu.memref_squeeze %get3A_893 : memref<1x128x256xf32, #tpu.memory_space<vmem>> -> memref<128x256xf32, #tpu.memory_space<vmem>>
      %get3A_895 = arith.index_cast %add3A_890 : i32 to index
      %get3A_896 = arith.constant 64 : index
      %get3A_897 = tpu.vector_load %get3A_894[%get3A_895, %get3A_896] {strides = array<i32>} : memref<128x256xf32, #tpu.memory_space<vmem>>, vector<1x16xf32>,
      %get3A_898 = vector.shape_cast %get3A_897 : vector<1x16xf32> to vector<16xf32>
      %add3A_899 = arith.addf %add3A_888, %get3A_898 : vector<16xf32>
      %get3A_900 = arith.constant 0 : i32
      %get3A_901 = arith.constant 0 : i32
      %get3A_902 = tpu.memref_slice %arg6[%scan3A_534, %get3A_900, %get3A_901] : memref<3x128x256xf32, #tpu.memory_space<vmem>> -> memref<1x128x256xf32, #tpu.memory_space<vmem>>
      %get3A_903 = tpu.memref_squeeze %get3A_902 : memref<1x128x256xf32, #tpu.memory_space<vmem>> -> memref<128x256xf32, #tpu.memory_space<vmem>>
      %get3A_904 = arith.index_cast %mul3A_800 : i32 to index
      %get3A_905 = arith.constant 80 : index
      %get3A_906 = tpu.vector_load %get3A_903[%get3A_904, %get3A_905] {strides = array<i32>} : memref<128x256xf32, #tpu.memory_space<vmem>>, vector<1x16xf32>,
      %get3A_907 = vector.shape_cast %get3A_906 : vector<1x16xf32> to vector<16xf32>
      %add3A_908 = arith.addf %scan3A_788, %get3A_907 : vector<16xf32>
      %add3A_909 = arith.constant 1 : i32
      %add3A_910 = arith.addi %mul3A_800, %add3A_909 : i32
      %get3A_911 = arith.constant 0 : i32
      %get3A_912 = arith.constant 0 : i32
      %get3A_913 = tpu.memref_slice %arg6[%scan3A_534, %get3A_911, %get3A_912] : memref<3x128x256xf32, #tpu.memory_space<vmem>> -> memref<1x128x256xf32, #tpu.memory_space<vmem>>
      %get3A_914 = tpu.memref_squeeze %get3A_913 : memref<1x128x256xf32, #tpu.memory_space<vmem>> -> memref<128x256xf32, #tpu.memory_space<vmem>>
      %get3A_915 = arith.index_cast %add3A_910 : i32 to index
      %get3A_916 = arith.constant 80 : index
      %get3A_917 = tpu.vector_load %get3A_914[%get3A_915, %get3A_916] {strides = array<i32>} : memref<128x256xf32, #tpu.memory_space<vmem>>, vector<1x16xf32>,
      %get3A_918 = vector.shape_cast %get3A_917 : vector<1x16xf32> to vector<16xf32>
      %add3A_919 = arith.addf %add3A_908, %get3A_918 : vector<16xf32>
      %get3A_920 = arith.constant 0 : i32
      %get3A_921 = arith.constant 0 : i32
      %get3A_922 = tpu.memref_slice %arg6[%scan3A_534, %get3A_920, %get3A_921] : memref<3x128x256xf32, #tpu.memory_space<vmem>> -> memref<1x128x256xf32, #tpu.memory_space<vmem>>
      %get3A_923 = tpu.memref_squeeze %get3A_922 : memref<1x128x256xf32, #tpu.memory_space<vmem>> -> memref<128x256xf32, #tpu.memory_space<vmem>>
      %get3A_924 = arith.index_cast %mul3A_800 : i32 to index
      %get3A_925 = arith.constant 96 : index
      %get3A_926 = tpu.vector_load %get3A_923[%get3A_924, %get3A_925] {strides = array<i32>} : memref<128x256xf32, #tpu.memory_space<vmem>>, vector<1x16xf32>,
      %get3A_927 = vector.shape_cast %get3A_926 : vector<1x16xf32> to vector<16xf32>
      %add3A_928 = arith.addf %scan3A_789, %get3A_927 : vector<16xf32>
      %add3A_929 = arith.constant 1 : i32
      %add3A_930 = arith.addi %mul3A_800, %add3A_929 : i32
      %get3A_931 = arith.constant 0 : i32
      %get3A_932 = arith.constant 0 : i32
      %get3A_933 = tpu.memref_slice %arg6[%scan3A_534, %get3A_931, %get3A_932] : memref<3x128x256xf32, #tpu.memory_space<vmem>> -> memref<1x128x256xf32, #tpu.memory_space<vmem>>
      %get3A_934 = tpu.memref_squeeze %get3A_933 : memref<1x128x256xf32, #tpu.memory_space<vmem>> -> memref<128x256xf32, #tpu.memory_space<vmem>>
      %get3A_935 = arith.index_cast %add3A_930 : i32 to index
      %get3A_936 = arith.constant 96 : index
      %get3A_937 = tpu.vector_load %get3A_934[%get3A_935, %get3A_936] {strides = array<i32>} : memref<128x256xf32, #tpu.memory_space<vmem>>, vector<1x16xf32>,
      %get3A_938 = vector.shape_cast %get3A_937 : vector<1x16xf32> to vector<16xf32>
      %add3A_939 = arith.addf %add3A_928, %get3A_938 : vector<16xf32>
      %get3A_940 = arith.constant 0 : i32
      %get3A_941 = arith.constant 0 : i32
      %get3A_942 = tpu.memref_slice %arg6[%scan3A_534, %get3A_940, %get3A_941] : memref<3x128x256xf32, #tpu.memory_space<vmem>> -> memref<1x128x256xf32, #tpu.memory_space<vmem>>
      %get3A_943 = tpu.memref_squeeze %get3A_942 : memref<1x128x256xf32, #tpu.memory_space<vmem>> -> memref<128x256xf32, #tpu.memory_space<vmem>>
      %get3A_944 = arith.index_cast %mul3A_800 : i32 to index
      %get3A_945 = arith.constant 112 : index
      %get3A_946 = tpu.vector_load %get3A_943[%get3A_944, %get3A_945] {strides = array<i32>} : memref<128x256xf32, #tpu.memory_space<vmem>>, vector<1x16xf32>,
      %get3A_947 = vector.shape_cast %get3A_946 : vector<1x16xf32> to vector<16xf32>
      %add3A_948 = arith.addf %scan3A_790, %get3A_947 : vector<16xf32>
      %add3A_949 = arith.constant 1 : i32
      %add3A_950 = arith.addi %mul3A_800, %add3A_949 : i32
      %get3A_951 = arith.constant 0 : i32
      %get3A_952 = arith.constant 0 : i32
      %get3A_953 = tpu.memref_slice %arg6[%scan3A_534, %get3A_951, %get3A_952] : memref<3x128x256xf32, #tpu.memory_space<vmem>> -> memref<1x128x256xf32, #tpu.memory_space<vmem>>
      %get3A_954 = tpu.memref_squeeze %get3A_953 : memref<1x128x256xf32, #tpu.memory_space<vmem>> -> memref<128x256xf32, #tpu.memory_space<vmem>>
      %get3A_955 = arith.index_cast %add3A_950 : i32 to index
      %get3A_956 = arith.constant 112 : index
      %get3A_957 = tpu.vector_load %get3A_954[%get3A_955, %get3A_956] {strides = array<i32>} : memref<128x256xf32, #tpu.memory_space<vmem>>, vector<1x16xf32>,
      %get3A_958 = vector.shape_cast %get3A_957 : vector<1x16xf32> to vector<16xf32>
      %add3A_959 = arith.addf %add3A_948, %get3A_958 : vector<16xf32>
      %get3A_960 = arith.constant 0 : i32
      %get3A_961 = arith.constant 0 : i32
      %get3A_962 = tpu.memref_slice %arg6[%scan3A_534, %get3A_960, %get3A_961] : memref<3x128x256xf32, #tpu.memory_space<vmem>> -> memref<1x128x256xf32, #tpu.memory_space<vmem>>
      %get3A_963 = tpu.memref_squeeze %get3A_962 : memref<1x128x256xf32, #tpu.memory_space<vmem>> -> memref<128x256xf32, #tpu.memory_space<vmem>>
      %get3A_964 = arith.index_cast %mul3A_800 : i32 to index
      %get3A_965 = arith.constant 128 : index
      %get3A_966 = tpu.vector_load %get3A_963[%get3A_964, %get3A_965] {strides = array<i32>} : memref<128x256xf32, #tpu.memory_space<vmem>>, vector<1x16xf32>,
      %get3A_967 = vector.shape_cast %get3A_966 : vector<1x16xf32> to vector<16xf32>
      %add3A_968 = arith.addf %scan3A_791, %get3A_967 : vector<16xf32>
      %add3A_969 = arith.constant 1 : i32
      %add3A_970 = arith.addi %mul3A_800, %add3A_969 : i32
      %get3A_971 = arith.constant 0 : i32
      %get3A_972 = arith.constant 0 : i32
      %get3A_973 = tpu.memref_slice %arg6[%scan3A_534, %get3A_971, %get3A_972] : memref<3x128x256xf32, #tpu.memory_space<vmem>> -> memref<1x128x256xf32, #tpu.memory_space<vmem>>
      %get3A_974 = tpu.memref_squeeze %get3A_973 : memref<1x128x256xf32, #tpu.memory_space<vmem>> -> memref<128x256xf32, #tpu.memory_space<vmem>>
      %get3A_975 = arith.index_cast %add3A_970 : i32 to index
      %get3A_976 = arith.constant 128 : index
      %get3A_977 = tpu.vector_load %get3A_974[%get3A_975, %get3A_976] {strides = array<i32>} : memref<128x256xf32, #tpu.memory_space<vmem>>, vector<1x16xf32>,
      %get3A_978 = vector.shape_cast %get3A_977 : vector<1x16xf32> to vector<16xf32>
      %add3A_979 = arith.addf %add3A_968, %get3A_978 : vector<16xf32>
      %get3A_980 = arith.constant 0 : i32
      %get3A_981 = arith.constant 0 : i32
      %get3A_982 = tpu.memref_slice %arg6[%scan3A_534, %get3A_980, %get3A_981] : memref<3x128x256xf32, #tpu.memory_space<vmem>> -> memref<1x128x256xf32, #tpu.memory_space<vmem>>
      %get3A_983 = tpu.memref_squeeze %get3A_982 : memref<1x128x256xf32, #tpu.memory_space<vmem>> -> memref<128x256xf32, #tpu.memory_space<vmem>>
      %get3A_984 = arith.index_cast %mul3A_800 : i32 to index
      %get3A_985 = arith.constant 144 : index
      %get3A_986 = tpu.vector_load %get3A_983[%get3A_984, %get3A_985] {strides = array<i32>} : memref<128x256xf32, #tpu.memory_space<vmem>>, vector<1x16xf32>,
      %get3A_987 = vector.shape_cast %get3A_986 : vector<1x16xf32> to vector<16xf32>
      %add3A_988 = arith.addf %scan3A_792, %get3A_987 : vector<16xf32>
      %add3A_989 = arith.constant 1 : i32
      %add3A_990 = arith.addi %mul3A_800, %add3A_989 : i32
      %get3A_991 = arith.constant 0 : i32
      %get3A_992 = arith.constant 0 : i32
      %get3A_993 = tpu.memref_slice %arg6[%scan3A_534, %get3A_991, %get3A_992] : memref<3x128x256xf32, #tpu.memory_space<vmem>> -> memref<1x128x256xf32, #tpu.memory_space<vmem>>
      %get3A_994 = tpu.memref_squeeze %get3A_993 : memref<1x128x256xf32, #tpu.memory_space<vmem>> -> memref<128x256xf32, #tpu.memory_space<vmem>>
      %get3A_995 = arith.index_cast %add3A_990 : i32 to index
      %get3A_996 = arith.constant 144 : index
      %get3A_997 = tpu.vector_load %get3A_994[%get3A_995, %get3A_996] {strides = array<i32>} : memref<128x256xf32, #tpu.memory_space<vmem>>, vector<1x16xf32>,
      %get3A_998 = vector.shape_cast %get3A_997 : vector<1x16xf32> to vector<16xf32>
      %add3A_999 = arith.addf %add3A_988, %get3A_998 : vector<16xf32>
      %get3A_1000 = arith.constant 0 : i32
      %get3A_1001 = arith.constant 0 : i32
      %get3A_1002 = tpu.memref_slice %arg6[%scan3A_534, %get3A_1000, %get3A_1001] : memref<3x128x256xf32, #tpu.memory_space<vmem>> -> memref<1x128x256xf32, #tpu.memory_space<vmem>>
      %get3A_1003 = tpu.memref_squeeze %get3A_1002 : memref<1x128x256xf32, #tpu.memory_space<vmem>> -> memref<128x256xf32, #tpu.memory_space<vmem>>
      %get3A_1004 = arith.index_cast %mul3A_800 : i32 to index
      %get3A_1005 = arith.constant 160 : index
      %get3A_1006 = tpu.vector_load %get3A_1003[%get3A_1004, %get3A_1005] {strides = array<i32>} : memref<128x256xf32, #tpu.memory_space<vmem>>, vector<1x16xf32>,
      %get3A_1007 = vector.shape_cast %get3A_1006 : vector<1x16xf32> to vector<16xf32>
      %add3A_1008 = arith.addf %scan3A_793, %get3A_1007 : vector<16xf32>
      %add3A_1009 = arith.constant 1 : i32
      %add3A_1010 = arith.addi %mul3A_800, %add3A_1009 : i32
      %get3A_1011 = arith.constant 0 : i32
      %get3A_1012 = arith.constant 0 : i32
      %get3A_1013 = tpu.memref_slice %arg6[%scan3A_534, %get3A_1011, %get3A_1012] : memref<3x128x256xf32, #tpu.memory_space<vmem>> -> memref<1x128x256xf32, #tpu.memory_space<vmem>>
      %get3A_1014 = tpu.memref_squeeze %get3A_1013 : memref<1x128x256xf32, #tpu.memory_space<vmem>> -> memref<128x256xf32, #tpu.memory_space<vmem>>
      %get3A_1015 = arith.index_cast %add3A_1010 : i32 to index
      %get3A_1016 = arith.constant 160 : index
      %get3A_1017 = tpu.vector_load %get3A_1014[%get3A_1015, %get3A_1016] {strides = array<i32>} : memref<128x256xf32, #tpu.memory_space<vmem>>, vector<1x16xf32>,
      %get3A_1018 = vector.shape_cast %get3A_1017 : vector<1x16xf32> to vector<16xf32>
      %add3A_1019 = arith.addf %add3A_1008, %get3A_1018 : vector<16xf32>
      %get3A_1020 = arith.constant 0 : i32
      %get3A_1021 = arith.constant 0 : i32
      %get3A_1022 = tpu.memref_slice %arg6[%scan3A_534, %get3A_1020, %get3A_1021] : memref<3x128x256xf32, #tpu.memory_space<vmem>> -> memref<1x128x256xf32, #tpu.memory_space<vmem>>
      %get3A_1023 = tpu.memref_squeeze %get3A_1022 : memref<1x128x256xf32, #tpu.memory_space<vmem>> -> memref<128x256xf32, #tpu.memory_space<vmem>>
      %get3A_1024 = arith.index_cast %mul3A_800 : i32 to index
      %get3A_1025 = arith.constant 176 : index
      %get3A_1026 = tpu.vector_load %get3A_1023[%get3A_1024, %get3A_1025] {strides = array<i32>} : memref<128x256xf32, #tpu.memory_space<vmem>>, vector<1x16xf32>,
      %get3A_1027 = vector.shape_cast %get3A_1026 : vector<1x16xf32> to vector<16xf32>
      %add3A_1028 = arith.addf %scan3A_794, %get3A_1027 : vector<16xf32>
      %add3A_1029 = arith.constant 1 : i32
      %add3A_1030 = arith.addi %mul3A_800, %add3A_1029 : i32
      %get3A_1031 = arith.constant 0 : i32
      %get3A_1032 = arith.constant 0 : i32
      %get3A_1033 = tpu.memref_slice %arg6[%scan3A_534, %get3A_1031, %get3A_1032] : memref<3x128x256xf32, #tpu.memory_space<vmem>> -> memref<1x128x256xf32, #tpu.memory_space<vmem>>
      %get3A_1034 = tpu.memref_squeeze %get3A_1033 : memref<1x128x256xf32, #tpu.memory_space<vmem>> -> memref<128x256xf32, #tpu.memory_space<vmem>>
      %get3A_1035 = arith.index_cast %add3A_1030 : i32 to index
      %get3A_1036 = arith.constant 176 : index
      %get3A_1037 = tpu.vector_load %get3A_1034[%get3A_1035, %get3A_1036] {strides = array<i32>} : memref<128x256xf32, #tpu.memory_space<vmem>>, vector<1x16xf32>,
      %get3A_1038 = vector.shape_cast %get3A_1037 : vector<1x16xf32> to vector<16xf32>
      %add3A_1039 = arith.addf %add3A_1028, %get3A_1038 : vector<16xf32>
      %get3A_1040 = arith.constant 0 : i32
      %get3A_1041 = arith.constant 0 : i32
      %get3A_1042 = tpu.memref_slice %arg6[%scan3A_534, %get3A_1040, %get3A_1041] : memref<3x128x256xf32, #tpu.memory_space<vmem>> -> memref<1x128x256xf32, #tpu.memory_space<vmem>>
      %get3A_1043 = tpu.memref_squeeze %get3A_1042 : memref<1x128x256xf32, #tpu.memory_space<vmem>> -> memref<128x256xf32, #tpu.memory_space<vmem>>
      %get3A_1044 = arith.index_cast %mul3A_800 : i32 to index
      %get3A_1045 = arith.constant 192 : index
      %get3A_1046 = tpu.vector_load %get3A_1043[%get3A_1044, %get3A_1045] {strides = array<i32>} : memref<128x256xf32, #tpu.memory_space<vmem>>, vector<1x16xf32>,
      %get3A_1047 = vector.shape_cast %get3A_1046 : vector<1x16xf32> to vector<16xf32>
      %add3A_1048 = arith.addf %scan3A_795, %get3A_1047 : vector<16xf32>
      %add3A_1049 = arith.constant 1 : i32
      %add3A_1050 = arith.addi %mul3A_800, %add3A_1049 : i32
      %get3A_1051 = arith.constant 0 : i32
      %get3A_1052 = arith.constant 0 : i32
      %get3A_1053 = tpu.memref_slice %arg6[%scan3A_534, %get3A_1051, %get3A_1052] : memref<3x128x256xf32, #tpu.memory_space<vmem>> -> memref<1x128x256xf32, #tpu.memory_space<vmem>>
      %get3A_1054 = tpu.memref_squeeze %get3A_1053 : memref<1x128x256xf32, #tpu.memory_space<vmem>> -> memref<128x256xf32, #tpu.memory_space<vmem>>
      %get3A_1055 = arith.index_cast %add3A_1050 : i32 to index
      %get3A_1056 = arith.constant 192 : index
      %get3A_1057 = tpu.vector_load %get3A_1054[%get3A_1055, %get3A_1056] {strides = array<i32>} : memref<128x256xf32, #tpu.memory_space<vmem>>, vector<1x16xf32>,
      %get3A_1058 = vector.shape_cast %get3A_1057 : vector<1x16xf32> to vector<16xf32>
      %add3A_1059 = arith.addf %add3A_1048, %get3A_1058 : vector<16xf32>
      %get3A_1060 = arith.constant 0 : i32
      %get3A_1061 = arith.constant 0 : i32
      %get3A_1062 = tpu.memref_slice %arg6[%scan3A_534, %get3A_1060, %get3A_1061] : memref<3x128x256xf32, #tpu.memory_space<vmem>> -> memref<1x128x256xf32, #tpu.memory_space<vmem>>
      %get3A_1063 = tpu.memref_squeeze %get3A_1062 : memref<1x128x256xf32, #tpu.memory_space<vmem>> -> memref<128x256xf32, #tpu.memory_space<vmem>>
      %get3A_1064 = arith.index_cast %mul3A_800 : i32 to index
      %get3A_1065 = arith.constant 208 : index
      %get3A_1066 = tpu.vector_load %get3A_1063[%get3A_1064, %get3A_1065] {strides = array<i32>} : memref<128x256xf32, #tpu.memory_space<vmem>>, vector<1x16xf32>,
      %get3A_1067 = vector.shape_cast %get3A_1066 : vector<1x16xf32> to vector<16xf32>
      %add3A_1068 = arith.addf %scan3A_796, %get3A_1067 : vector<16xf32>
      %add3A_1069 = arith.constant 1 : i32
      %add3A_1070 = arith.addi %mul3A_800, %add3A_1069 : i32
      %get3A_1071 = arith.constant 0 : i32
      %get3A_1072 = arith.constant 0 : i32
      %get3A_1073 = tpu.memref_slice %arg6[%scan3A_534, %get3A_1071, %get3A_1072] : memref<3x128x256xf32, #tpu.memory_space<vmem>> -> memref<1x128x256xf32, #tpu.memory_space<vmem>>
      %get3A_1074 = tpu.memref_squeeze %get3A_1073 : memref<1x128x256xf32, #tpu.memory_space<vmem>> -> memref<128x256xf32, #tpu.memory_space<vmem>>
      %get3A_1075 = arith.index_cast %add3A_1070 : i32 to index
      %get3A_1076 = arith.constant 208 : index
      %get3A_1077 = tpu.vector_load %get3A_1074[%get3A_1075, %get3A_1076] {strides = array<i32>} : memref<128x256xf32, #tpu.memory_space<vmem>>, vector<1x16xf32>,
      %get3A_1078 = vector.shape_cast %get3A_1077 : vector<1x16xf32> to vector<16xf32>
      %add3A_1079 = arith.addf %add3A_1068, %get3A_1078 : vector<16xf32>
      %get3A_1080 = arith.constant 0 : i32
      %get3A_1081 = arith.constant 0 : i32
      %get3A_1082 = tpu.memref_slice %arg6[%scan3A_534, %get3A_1080, %get3A_1081] : memref<3x128x256xf32, #tpu.memory_space<vmem>> -> memref<1x128x256xf32, #tpu.memory_space<vmem>>
      %get3A_1083 = tpu.memref_squeeze %get3A_1082 : memref<1x128x256xf32, #tpu.memory_space<vmem>> -> memref<128x256xf32, #tpu.memory_space<vmem>>
      %get3A_1084 = arith.index_cast %mul3A_800 : i32 to index
      %get3A_1085 = arith.constant 224 : index
      %get3A_1086 = tpu.vector_load %get3A_1083[%get3A_1084, %get3A_1085] {strides = array<i32>} : memref<128x256xf32, #tpu.memory_space<vmem>>, vector<1x16xf32>,
      %get3A_1087 = vector.shape_cast %get3A_1086 : vector<1x16xf32> to vector<16xf32>
      %add3A_1088 = arith.addf %scan3A_797, %get3A_1087 : vector<16xf32>
      %add3A_1089 = arith.constant 1 : i32
      %add3A_1090 = arith.addi %mul3A_800, %add3A_1089 : i32
      %get3A_1091 = arith.constant 0 : i32
      %get3A_1092 = arith.constant 0 : i32
      %get3A_1093 = tpu.memref_slice %arg6[%scan3A_534, %get3A_1091, %get3A_1092] : memref<3x128x256xf32, #tpu.memory_space<vmem>> -> memref<1x128x256xf32, #tpu.memory_space<vmem>>
      %get3A_1094 = tpu.memref_squeeze %get3A_1093 : memref<1x128x256xf32, #tpu.memory_space<vmem>> -> memref<128x256xf32, #tpu.memory_space<vmem>>
      %get3A_1095 = arith.index_cast %add3A_1090 : i32 to index
      %get3A_1096 = arith.constant 224 : index
      %get3A_1097 = tpu.vector_load %get3A_1094[%get3A_1095, %get3A_1096] {strides = array<i32>} : memref<128x256xf32, #tpu.memory_space<vmem>>, vector<1x16xf32>,
      %get3A_1098 = vector.shape_cast %get3A_1097 : vector<1x16xf32> to vector<16xf32>
      %add3A_1099 = arith.addf %add3A_1088, %get3A_1098 : vector<16xf32>
      %get3A_1100 = arith.constant 0 : i32
      %get3A_1101 = arith.constant 0 : i32
      %get3A_1102 = tpu.memref_slice %arg6[%scan3A_534, %get3A_1100, %get3A_1101] : memref<3x128x256xf32, #tpu.memory_space<vmem>> -> memref<1x128x256xf32, #tpu.memory_space<vmem>>
      %get3A_1103 = tpu.memref_squeeze %get3A_1102 : memref<1x128x256xf32, #tpu.memory_space<vmem>> -> memref<128x256xf32, #tpu.memory_space<vmem>>
      %get3A_1104 = arith.index_cast %mul3A_800 : i32 to index
      %get3A_1105 = arith.constant 240 : index
      %get3A_1106 = tpu.vector_load %get3A_1103[%get3A_1104, %get3A_1105] {strides = array<i32>} : memref<128x256xf32, #tpu.memory_space<vmem>>, vector<1x16xf32>,
      %get3A_1107 = vector.shape_cast %get3A_1106 : vector<1x16xf32> to vector<16xf32>
      %add3A_1108 = arith.addf %scan3A_798, %get3A_1107 : vector<16xf32>
      %add3A_1109 = arith.constant 1 : i32
      %add3A_1110 = arith.addi %mul3A_800, %add3A_1109 : i32
      %get3A_1111 = arith.constant 0 : i32
      %get3A_1112 = arith.constant 0 : i32
      %get3A_1113 = tpu.memref_slice %arg6[%scan3A_534, %get3A_1111, %get3A_1112] : memref<3x128x256xf32, #tpu.memory_space<vmem>> -> memref<1x128x256xf32, #tpu.memory_space<vmem>>
      %get3A_1114 = tpu.memref_squeeze %get3A_1113 : memref<1x128x256xf32, #tpu.memory_space<vmem>> -> memref<128x256xf32, #tpu.memory_space<vmem>>
      %get3A_1115 = arith.index_cast %add3A_1110 : i32 to index
      %get3A_1116 = arith.constant 240 : index
      %get3A_1117 = tpu.vector_load %get3A_1114[%get3A_1115, %get3A_1116] {strides = array<i32>} : memref<128x256xf32, #tpu.memory_space<vmem>>, vector<1x16xf32>,
      %get3A_1118 = vector.shape_cast %get3A_1117 : vector<1x16xf32> to vector<16xf32>
      %add3A_1119 = arith.addf %add3A_1108, %get3A_1118 : vector<16xf32>
      scf.yield %add3A_819, %add3A_839, %add3A_859, %add3A_879, %add3A_899, %add3A_919, %add3A_939, %add3A_959, %add3A_979, %add3A_999, %add3A_1019, %add3A_1039, %add3A_1059, %add3A_1079, %add3A_1099, %add3A_1119 : vector<16xf32>, vector<16xf32>, vector<16xf32>, vector<16xf32>, vector<16xf32>, vector<16xf32>, vector<16xf32>, vector<16xf32>, vector<16xf32>, vector<16xf32>, vector<16xf32>, vector<16xf32>, vector<16xf32>, vector<16xf32>, vector<16xf32>, vector<16xf32>
    }
    %scan3A_540 = arith.constant 64 : i32
    %swap3A_541 = arith.constant 30 : i32
    %swap3A_542 = arith.index_cast %swap3A_541 : i32 to index
    %swap3A_543 = arith.constant 0 : index
    %swap3A_544 = tpu.vector_load %arg7[%swap3A_542, %swap3A_543] {strides = array<i32>} : memref<32x256xf32, #tpu.memory_space<vmem>>, vector<1x16xf32>,
    %swap3A_545 = vector.shape_cast %swap3A_544 : vector<1x16xf32> to vector<16xf32>
    %swap3A_546 = vector.shape_cast %scan3A_539#0 : vector<16xf32> to vector<1x16xf32>
    tpu.vector_store %arg7[%swap3A_542, %swap3A_543], %swap3A_546 {strides = array<i32>} : memref<32x256xf32, #tpu.memory_space<vmem>>, vector<1x16xf32>,
    %swap3A_547 = arith.constant 30 : i32
    %swap3A_548 = arith.index_cast %swap3A_547 : i32 to index
    %swap3A_549 = arith.constant 16 : index
    %swap3A_550 = tpu.vector_load %arg7[%swap3A_548, %swap3A_549] {strides = array<i32>} : memref<32x256xf32, #tpu.memory_space<vmem>>, vector<1x16xf32>,
    %swap3A_551 = vector.shape_cast %swap3A_550 : vector<1x16xf32> to vector<16xf32>
    %swap3A_552 = vector.shape_cast %scan3A_539#1 : vector<16xf32> to vector<1x16xf32>
    tpu.vector_store %arg7[%swap3A_548, %swap3A_549], %swap3A_552 {strides = array<i32>} : memref<32x256xf32, #tpu.memory_space<vmem>>, vector<1x16xf32>,
    %swap3A_553 = arith.constant 30 : i32
    %swap3A_554 = arith.index_cast %swap3A_553 : i32 to index
    %swap3A_555 = arith.constant 32 : index
    %swap3A_556 = tpu.vector_load %arg7[%swap3A_554, %swap3A_555] {strides = array<i32>} : memref<32x256xf32, #tpu.memory_space<vmem>>, vector<1x16xf32>,
    %swap3A_557 = vector.shape_cast %swap3A_556 : vector<1x16xf32> to vector<16xf32>
    %swap3A_558 = vector.shape_cast %scan3A_539#2 : vector<16xf32> to vector<1x16xf32>
    tpu.vector_store %arg7[%swap3A_554, %swap3A_555], %swap3A_558 {strides = array<i32>} : memref<32x256xf32, #tpu.memory_space<vmem>>, vector<1x16xf32>,
    %swap3A_559 = arith.constant 30 : i32
    %swap3A_560 = arith.index_cast %swap3A_559 : i32 to index
    %swap3A_561 = arith.constant 48 : index
    %swap3A_562 = tpu.vector_load %arg7[%swap3A_560, %swap3A_561] {strides = array<i32>} : memref<32x256xf32, #tpu.memory_space<vmem>>, vector<1x16xf32>,
    %swap3A_563 = vector.shape_cast %swap3A_562 : vector<1x16xf32> to vector<16xf32>
    %swap3A_564 = vector.shape_cast %scan3A_539#3 : vector<16xf32> to vector<1x16xf32>
    tpu.vector_store %arg7[%swap3A_560, %swap3A_561], %swap3A_564 {strides = array<i32>} : memref<32x256xf32, #tpu.memory_space<vmem>>, vector<1x16xf32>,
    %swap3A_565 = arith.constant 30 : i32
    %swap3A_566 = arith.index_cast %swap3A_565 : i32 to index
    %swap3A_567 = arith.constant 64 : index
    %swap3A_568 = tpu.vector_load %arg7[%swap3A_566, %swap3A_567] {strides = array<i32>} : memref<32x256xf32, #tpu.memory_space<vmem>>, vector<1x16xf32>,
    %swap3A_569 = vector.shape_cast %swap3A_568 : vector<1x16xf32> to vector<16xf32>
    %swap3A_570 = vector.shape_cast %scan3A_539#4 : vector<16xf32> to vector<1x16xf32>
    tpu.vector_store %arg7[%swap3A_566, %swap3A_567], %swap3A_570 {strides = array<i32>} : memref<32x256xf32, #tpu.memory_space<vmem>>, vector<1x16xf32>,
    %swap3A_571 = arith.constant 30 : i32
    %swap3A_572 = arith.index_cast %swap3A_571 : i32 to index
    %swap3A_573 = arith.constant 80 : index
    %swap3A_574 = tpu.vector_load %arg7[%swap3A_572, %swap3A_573] {strides = array<i32>} : memref<32x256xf32, #tpu.memory_space<vmem>>, vector<1x16xf32>,
    %swap3A_575 = vector.shape_cast %swap3A_574 : vector<1x16xf32> to vector<16xf32>
    %swap3A_576 = vector.shape_cast %scan3A_539#5 : vector<16xf32> to vector<1x16xf32>
    tpu.vector_store %arg7[%swap3A_572, %swap3A_573], %swap3A_576 {strides = array<i32>} : memref<32x256xf32, #tpu.memory_space<vmem>>, vector<1x16xf32>,
    %swap3A_577 = arith.constant 30 : i32
    %swap3A_578 = arith.index_cast %swap3A_577 : i32 to index
    %swap3A_579 = arith.constant 96 : index
    %swap3A_580 = tpu.vector_load %arg7[%swap3A_578, %swap3A_579] {strides = array<i32>} : memref<32x256xf32, #tpu.memory_space<vmem>>, vector<1x16xf32>,
    %swap3A_581 = vector.shape_cast %swap3A_580 : vector<1x16xf32> to vector<16xf32>
    %swap3A_582 = vector.shape_cast %scan3A_539#6 : vector<16xf32> to vector<1x16xf32>
    tpu.vector_store %arg7[%swap3A_578, %swap3A_579], %swap3A_582 {strides = array<i32>} : memref<32x256xf32, #tpu.memory_space<vmem>>, vector<1x16xf32>,
    %swap3A_583 = arith.constant 30 : i32
    %swap3A_584 = arith.index_cast %swap3A_583 : i32 to index
    %swap3A_585 = arith.constant 112 : index
    %swap3A_586 = tpu.vector_load %arg7[%swap3A_584, %swap3A_585] {strides = array<i32>} : memref<32x256xf32, #tpu.memory_space<vmem>>, vector<1x16xf32>,
    %swap3A_587 = vector.shape_cast %swap3A_586 : vector<1x16xf32> to vector<16xf32>
    %swap3A_588 = vector.shape_cast %scan3A_539#7 : vector<16xf32> to vector<1x16xf32>
    tpu.vector_store %arg7[%swap3A_584, %swap3A_585], %swap3A_588 {strides = array<i32>} : memref<32x256xf32, #tpu.memory_space<vmem>>, vector<1x16xf32>,
    %swap3A_589 = arith.constant 30 : i32
    %swap3A_590 = arith.index_cast %swap3A_589 : i32 to index
    %swap3A_591 = arith.constant 128 : index
    %swap3A_592 = tpu.vector_load %arg7[%swap3A_590, %swap3A_591] {strides = array<i32>} : memref<32x256xf32, #tpu.memory_space<vmem>>, vector<1x16xf32>,
    %swap3A_593 = vector.shape_cast %swap3A_592 : vector<1x16xf32> to vector<16xf32>
    %swap3A_594 = vector.shape_cast %scan3A_539#8 : vector<16xf32> to vector<1x16xf32>
    tpu.vector_store %arg7[%swap3A_590, %swap3A_591], %swap3A_594 {strides = array<i32>} : memref<32x256xf32, #tpu.memory_space<vmem>>, vector<1x16xf32>,
    %swap3A_595 = arith.constant 30 : i32
    %swap3A_596 = arith.index_cast %swap3A_595 : i32 to index
    %swap3A_597 = arith.constant 144 : index
    %swap3A_598 = tpu.vector_load %arg7[%swap3A_596, %swap3A_597] {strides = array<i32>} : memref<32x256xf32, #tpu.memory_space<vmem>>, vector<1x16xf32>,
    %swap3A_599 = vector.shape_cast %swap3A_598 : vector<1x16xf32> to vector<16xf32>
    %swap3A_600 = vector.shape_cast %scan3A_539#9 : vector<16xf32> to vector<1x16xf32>
    tpu.vector_store %arg7[%swap3A_596, %swap3A_597], %swap3A_600 {strides = array<i32>} : memref<32x256xf32, #tpu.memory_space<vmem>>, vector<1x16xf32>,
    %swap3A_601 = arith.constant 30 : i32
    %swap3A_602 = arith.index_cast %swap3A_601 : i32 to index
    %swap3A_603 = arith.constant 160 : index
    %swap3A_604 = tpu.vector_load %arg7[%swap3A_602, %swap3A_603] {strides = array<i32>} : memref<32x256xf32, #tpu.memory_space<vmem>>, vector<1x16xf32>,
    %swap3A_605 = vector.shape_cast %swap3A_604 : vector<1x16xf32> to vector<16xf32>
    %swap3A_606 = vector.shape_cast %scan3A_539#10 : vector<16xf32> to vector<1x16xf32>
    tpu.vector_store %arg7[%swap3A_602, %swap3A_603], %swap3A_606 {strides = array<i32>} : memref<32x256xf32, #tpu.memory_space<vmem>>, vector<1x16xf32>,
    %swap3A_607 = arith.constant 30 : i32
    %swap3A_608 = arith.index_cast %swap3A_607 : i32 to index
    %swap3A_609 = arith.constant 176 : index
    %swap3A_610 = tpu.vector_load %arg7[%swap3A_608, %swap3A_609] {strides = array<i32>} : memref<32x256xf32, #tpu.memory_space<vmem>>, vector<1x16xf32>,
    %swap3A_611 = vector.shape_cast %swap3A_610 : vector<1x16xf32> to vector<16xf32>
    %swap3A_612 = vector.shape_cast %scan3A_539#11 : vector<16xf32> to vector<1x16xf32>
    tpu.vector_store %arg7[%swap3A_608, %swap3A_609], %swap3A_612 {strides = array<i32>} : memref<32x256xf32, #tpu.memory_space<vmem>>, vector<1x16xf32>,
    %swap3A_613 = arith.constant 30 : i32
    %swap3A_614 = arith.index_cast %swap3A_613 : i32 to index
    %swap3A_615 = arith.constant 192 : index
    %swap3A_616 = tpu.vector_load %arg7[%swap3A_614, %swap3A_615] {strides = array<i32>} : memref<32x256xf32, #tpu.memory_space<vmem>>, vector<1x16xf32>,
    %swap3A_617 = vector.shape_cast %swap3A_616 : vector<1x16xf32> to vector<16xf32>
    %swap3A_618 = vector.shape_cast %scan3A_539#12 : vector<16xf32> to vector<1x16xf32>
    tpu.vector_store %arg7[%swap3A_614, %swap3A_615], %swap3A_618 {strides = array<i32>} : memref<32x256xf32, #tpu.memory_space<vmem>>, vector<1x16xf32>,
    %swap3A_619 = arith.constant 30 : i32
    %swap3A_620 = arith.index_cast %swap3A_619 : i32 to index
    %swap3A_621 = arith.constant 208 : index
    %swap3A_622 = tpu.vector_load %arg7[%swap3A_620, %swap3A_621] {strides = array<i32>} : memref<32x256xf32, #tpu.memory_space<vmem>>, vector<1x16xf32>,
    %swap3A_623 = vector.shape_cast %swap3A_622 : vector<1x16xf32> to vector<16xf32>
    %swap3A_624 = vector.shape_cast %scan3A_539#13 : vector<16xf32> to vector<1x16xf32>
    tpu.vector_store %arg7[%swap3A_620, %swap3A_621], %swap3A_624 {strides = array<i32>} : memref<32x256xf32, #tpu.memory_space<vmem>>, vector<1x16xf32>,
    %swap3A_625 = arith.constant 30 : i32
    %swap3A_626 = arith.index_cast %swap3A_625 : i32 to index
    %swap3A_627 = arith.constant 224 : index
    %swap3A_628 = tpu.vector_load %arg7[%swap3A_626, %swap3A_627] {strides = array<i32>} : memref<32x256xf32, #tpu.memory_space<vmem>>, vector<1x16xf32>,
    %swap3A_629 = vector.shape_cast %swap3A_628 : vector<1x16xf32> to vector<16xf32>
    %swap3A_630 = vector.shape_cast %scan3A_539#14 : vector<16xf32> to vector<1x16xf32>
    tpu.vector_store %arg7[%swap3A_626, %swap3A_627], %swap3A_630 {strides = array<i32>} : memref<32x256xf32, #tpu.memory_space<vmem>>, vector<1x16xf32>,
    %swap3A_631 = arith.constant 30 : i32
    %swap3A_632 = arith.index_cast %swap3A_631 : i32 to index
    %swap3A_633 = arith.constant 240 : index
    %swap3A_634 = tpu.vector_load %arg7[%swap3A_632, %swap3A_633] {strides = array<i32>} : memref<32x256xf32, #tpu.memory_space<vmem>>, vector<1x16xf32>,
    %swap3A_635 = vector.shape_cast %swap3A_634 : vector<1x16xf32> to vector<16xf32>
    %swap3A_636 = vector.shape_cast %scan3A_539#15 : vector<16xf32> to vector<1x16xf32>
    tpu.vector_store %arg7[%swap3A_632, %swap3A_633], %swap3A_636 {strides = array<i32>} : memref<32x256xf32, #tpu.memory_space<vmem>>, vector<1x16xf32>,
    %dma_wait3A_637 = arith.constant 1 : i32
    %dma_wait3A_638 = arith.constant 0 : i32
    %dma_wait3A_639 = arith.constant 0 : i32
    %dma_wait3A_640 = tpu.memref_slice %arg6[%dma_wait3A_637, %dma_wait3A_638, %dma_wait3A_639] : memref<3x128x256xf32, #tpu.memory_space<vmem>> -> memref<1x128x256xf32, #tpu.memory_space<vmem>>
    %dma_wait3A_641 = tpu.memref_squeeze %dma_wait3A_640 : memref<1x128x256xf32, #tpu.memory_space<vmem>> -> memref<128x256xf32, #tpu.memory_space<vmem>>
    %dma_wait3A_642 = arith.constant 3968 : i32
    %dma_wait3A_643 = tpu.memref_slice %arg5[%dma_wait3A_642] : memref<4096xi32, #tpu.memory_space<vmem>> -> memref<128xi32, #tpu.memory_space<vmem>>
    %dma_wait3A_644 = arith.constant 0 : i32
    %dma_wait3A_645 = arith.constant 0 : i32
    %dma_wait3A_646 = tpu.memref_slice %arg2[%dma_wait3A_644, %dma_wait3A_645] : memref<50000x256xf32, #tpu.memory_space<hbm>> -> memref<50000x256xf32, #tpu.memory_space<hbm>>
    tpu.wait_indirect_dma semaphore(%arg9 : memref<!tpu.dma_semaphore, #tpu.memory_space<semaphore_mem>>) src(%dma_wait3A_646 : memref<50000x256xf32, #tpu.memory_space<hbm>>) dst(%dma_wait3A_641 : memref<128x256xf32, #tpu.memory_space<vmem>>)
    %broadcast_in_dim3A_647 = arith.constant 0.000000e+00 : f32
    %broadcast_in_dim3A_648 = vector.broadcast %broadcast_in_dim3A_647 : f32 to vector<16xf32>
    %broadcast_in_dim3A_649 = arith.constant 0.000000e+00 : f32
    %broadcast_in_dim3A_650 = vector.broadcast %broadcast_in_dim3A_649 : f32 to vector<16xf32>
    %broadcast_in_dim3A_651 = arith.constant 0.000000e+00 : f32
    %broadcast_in_dim3A_652 = vector.broadcast %broadcast_in_dim3A_651 : f32 to vector<16xf32>
    %broadcast_in_dim3A_653 = arith.constant 0.000000e+00 : f32
    %broadcast_in_dim3A_654 = vector.broadcast %broadcast_in_dim3A_653 : f32 to vector<16xf32>
    %broadcast_in_dim3A_655 = arith.constant 0.000000e+00 : f32
    %broadcast_in_dim3A_656 = vector.broadcast %broadcast_in_dim3A_655 : f32 to vector<16xf32>
    %broadcast_in_dim3A_657 = arith.constant 0.000000e+00 : f32
    %broadcast_in_dim3A_658 = vector.broadcast %broadcast_in_dim3A_657 : f32 to vector<16xf32>
    %broadcast_in_dim3A_659 = arith.constant 0.000000e+00 : f32
    %broadcast_in_dim3A_660 = vector.broadcast %broadcast_in_dim3A_659 : f32 to vector<16xf32>
    %broadcast_in_dim3A_661 = arith.constant 0.000000e+00 : f32
    %broadcast_in_dim3A_662 = vector.broadcast %broadcast_in_dim3A_661 : f32 to vector<16xf32>
    %broadcast_in_dim3A_663 = arith.constant 0.000000e+00 : f32
    %broadcast_in_dim3A_664 = vector.broadcast %broadcast_in_dim3A_663 : f32 to vector<16xf32>
    %broadcast_in_dim3A_665 = arith.constant 0.000000e+00 : f32
    %broadcast_in_dim3A_666 = vector.broadcast %broadcast_in_dim3A_665 : f32 to vector<16xf32>
    %broadcast_in_dim3A_667 = arith.constant 0.000000e+00 : f32
    %broadcast_in_dim3A_668 = vector.broadcast %broadcast_in_dim3A_667 : f32 to vector<16xf32>
    %broadcast_in_dim3A_669 = arith.constant 0.000000e+00 : f32
    %broadcast_in_dim3A_670 = vector.broadcast %broadcast_in_dim3A_669 : f32 to vector<16xf32>
    %broadcast_in_dim3A_671 = arith.constant 0.000000e+00 : f32
    %broadcast_in_dim3A_672 = vector.broadcast %broadcast_in_dim3A_671 : f32 to vector<16xf32>
    %broadcast_in_dim3A_673 = arith.constant 0.000000e+00 : f32
    %broadcast_in_dim3A_674 = vector.broadcast %broadcast_in_dim3A_673 : f32 to vector<16xf32>
    %broadcast_in_dim3A_675 = arith.constant 0.000000e+00 : f32
    %broadcast_in_dim3A_676 = vector.broadcast %broadcast_in_dim3A_675 : f32 to vector<16xf32>
    %broadcast_in_dim3A_677 = arith.constant 0.000000e+00 : f32
    %broadcast_in_dim3A_678 = vector.broadcast %broadcast_in_dim3A_677 : f32 to vector<16xf32>
    %scan3A_679 = arith.constant 1 : i32
    %scan3A_680 = arith.constant 0 : i32
    %scan3A_681 = arith.constant 64 : i32
    %scan3A_682 = arith.addi %scan3A_680, %scan3A_681 : i32
    %scan3A_683 = arith.constant 1 : i32
    %scan3A_684:16 = scf.for %scan3A_782 = %scan3A_680 to %scan3A_682 step %scan3A_683 iter_args(%scan3A_783 = %broadcast_in_dim3A_648, %scan3A_784 = %broadcast_in_dim3A_650, %scan3A_785 = %broadcast_in_dim3A_652, %scan3A_786 = %broadcast_in_dim3A_654, %scan3A_787 = %broadcast_in_dim3A_656, %scan3A_788 = %broadcast_in_dim3A_658, %scan3A_789 = %broadcast_in_dim3A_660, %scan3A_790 = %broadcast_in_dim3A_662, %scan3A_791 = %broadcast_in_dim3A_664, %scan3A_792 = %broadcast_in_dim3A_666, %scan3A_793 = %broadcast_in_dim3A_668, %scan3A_794 = %broadcast_in_dim3A_670, %scan3A_795 = %broadcast_in_dim3A_672, %scan3A_796 = %broadcast_in_dim3A_674, %scan3A_797 = %broadcast_in_dim3A_676, %scan3A_798 = %broadcast_in_dim3A_678) -> (vector<16xf32>, vector<16xf32>, vector<16xf32>, vector<16xf32>, vector<16xf32>, vector<16xf32>, vector<16xf32>, vector<16xf32>, vector<16xf32>, vector<16xf32>, vector<16xf32>, vector<16xf32>, vector<16xf32>, vector<16xf32>, vector<16xf32>, vector<16xf32>)  : i32 {
      %mul3A_799 = arith.constant 2 : i32
      %mul3A_800 = arith.muli %mul3A_799, %scan3A_782 : i32
      %get3A = arith.constant 0 : i32
      %get3A_801 = arith.constant 0 : i32
      %get3A_802 = tpu.memref_slice %arg6[%scan3A_679, %get3A, %get3A_801] : memref<3x128x256xf32, #tpu.memory_space<vmem>> -> memref<1x128x256xf32, #tpu.memory_space<vmem>>
      %get3A_803 = tpu.memref_squeeze %get3A_802 : memref<1x128x256xf32, #tpu.memory_space<vmem>> -> memref<128x256xf32, #tpu.memory_space<vmem>>
      %get3A_804 = arith.index_cast %mul3A_800 : i32 to index
      %get3A_805 = arith.constant 0 : index
      %get3A_806 = tpu.vector_load %get3A_803[%get3A_804, %get3A_805] {strides = array<i32>} : memref<128x256xf32, #tpu.memory_space<vmem>>, vector<1x16xf32>,
      %get3A_807 = vector.shape_cast %get3A_806 : vector<1x16xf32> to vector<16xf32>
      %add3A_808 = arith.addf %scan3A_783, %get3A_807 : vector<16xf32>
      %add3A_809 = arith.constant 1 : i32
      %add3A_810 = arith.addi %mul3A_800, %add3A_809 : i32
      %get3A_811 = arith.constant 0 : i32
      %get3A_812 = arith.constant 0 : i32
      %get3A_813 = tpu.memref_slice %arg6[%scan3A_679, %get3A_811, %get3A_812] : memref<3x128x256xf32, #tpu.memory_space<vmem>> -> memref<1x128x256xf32, #tpu.memory_space<vmem>>
      %get3A_814 = tpu.memref_squeeze %get3A_813 : memref<1x128x256xf32, #tpu.memory_space<vmem>> -> memref<128x256xf32, #tpu.memory_space<vmem>>
      %get3A_815 = arith.index_cast %add3A_810 : i32 to index
      %get3A_816 = arith.constant 0 : index
      %get3A_817 = tpu.vector_load %get3A_814[%get3A_815, %get3A_816] {strides = array<i32>} : memref<128x256xf32, #tpu.memory_space<vmem>>, vector<1x16xf32>,
      %get3A_818 = vector.shape_cast %get3A_817 : vector<1x16xf32> to vector<16xf32>
      %add3A_819 = arith.addf %add3A_808, %get3A_818 : vector<16xf32>
      %get3A_820 = arith.constant 0 : i32
      %get3A_821 = arith.constant 0 : i32
      %get3A_822 = tpu.memref_slice %arg6[%scan3A_679, %get3A_820, %get3A_821] : memref<3x128x256xf32, #tpu.memory_space<vmem>> -> memref<1x128x256xf32, #tpu.memory_space<vmem>>
      %get3A_823 = tpu.memref_squeeze %get3A_822 : memref<1x128x256xf32, #tpu.memory_space<vmem>> -> memref<128x256xf32, #tpu.memory_space<vmem>>
      %get3A_824 = arith.index_cast %mul3A_800 : i32 to index
      %get3A_825 = arith.constant 16 : index
      %get3A_826 = tpu.vector_load %get3A_823[%get3A_824, %get3A_825] {strides = array<i32>} : memref<128x256xf32, #tpu.memory_space<vmem>>, vector<1x16xf32>,
      %get3A_827 = vector.shape_cast %get3A_826 : vector<1x16xf32> to vector<16xf32>
      %add3A_828 = arith.addf %scan3A_784, %get3A_827 : vector<16xf32>
      %add3A_829 = arith.constant 1 : i32
      %add3A_830 = arith.addi %mul3A_800, %add3A_829 : i32
      %get3A_831 = arith.constant 0 : i32
      %get3A_832 = arith.constant 0 : i32
      %get3A_833 = tpu.memref_slice %arg6[%scan3A_679, %get3A_831, %get3A_832] : memref<3x128x256xf32, #tpu.memory_space<vmem>> -> memref<1x128x256xf32, #tpu.memory_space<vmem>>
      %get3A_834 = tpu.memref_squeeze %get3A_833 : memref<1x128x256xf32, #tpu.memory_space<vmem>> -> memref<128x256xf32, #tpu.memory_space<vmem>>
      %get3A_835 = arith.index_cast %add3A_830 : i32 to index
      %get3A_836 = arith.constant 16 : index
      %get3A_837 = tpu.vector_load %get3A_834[%get3A_835, %get3A_836] {strides = array<i32>} : memref<128x256xf32, #tpu.memory_space<vmem>>, vector<1x16xf32>,
      %get3A_838 = vector.shape_cast %get3A_837 : vector<1x16xf32> to vector<16xf32>
      %add3A_839 = arith.addf %add3A_828, %get3A_838 : vector<16xf32>
      %get3A_840 = arith.constant 0 : i32
      %get3A_841 = arith.constant 0 : i32
      %get3A_842 = tpu.memref_slice %arg6[%scan3A_679, %get3A_840, %get3A_841] : memref<3x128x256xf32, #tpu.memory_space<vmem>> -> memref<1x128x256xf32, #tpu.memory_space<vmem>>
      %get3A_843 = tpu.memref_squeeze %get3A_842 : memref<1x128x256xf32, #tpu.memory_space<vmem>> -> memref<128x256xf32, #tpu.memory_space<vmem>>
      %get3A_844 = arith.index_cast %mul3A_800 : i32 to index
      %get3A_845 = arith.constant 32 : index
      %get3A_846 = tpu.vector_load %get3A_843[%get3A_844, %get3A_845] {strides = array<i32>} : memref<128x256xf32, #tpu.memory_space<vmem>>, vector<1x16xf32>,
      %get3A_847 = vector.shape_cast %get3A_846 : vector<1x16xf32> to vector<16xf32>
      %add3A_848 = arith.addf %scan3A_785, %get3A_847 : vector<16xf32>
      %add3A_849 = arith.constant 1 : i32
      %add3A_850 = arith.addi %mul3A_800, %add3A_849 : i32
      %get3A_851 = arith.constant 0 : i32
      %get3A_852 = arith.constant 0 : i32
      %get3A_853 = tpu.memref_slice %arg6[%scan3A_679, %get3A_851, %get3A_852] : memref<3x128x256xf32, #tpu.memory_space<vmem>> -> memref<1x128x256xf32, #tpu.memory_space<vmem>>
      %get3A_854 = tpu.memref_squeeze %get3A_853 : memref<1x128x256xf32, #tpu.memory_space<vmem>> -> memref<128x256xf32, #tpu.memory_space<vmem>>
      %get3A_855 = arith.index_cast %add3A_850 : i32 to index
      %get3A_856 = arith.constant 32 : index
      %get3A_857 = tpu.vector_load %get3A_854[%get3A_855, %get3A_856] {strides = array<i32>} : memref<128x256xf32, #tpu.memory_space<vmem>>, vector<1x16xf32>,
      %get3A_858 = vector.shape_cast %get3A_857 : vector<1x16xf32> to vector<16xf32>
      %add3A_859 = arith.addf %add3A_848, %get3A_858 : vector<16xf32>
      %get3A_860 = arith.constant 0 : i32
      %get3A_861 = arith.constant 0 : i32
      %get3A_862 = tpu.memref_slice %arg6[%scan3A_679, %get3A_860, %get3A_861] : memref<3x128x256xf32, #tpu.memory_space<vmem>> -> memref<1x128x256xf32, #tpu.memory_space<vmem>>
      %get3A_863 = tpu.memref_squeeze %get3A_862 : memref<1x128x256xf32, #tpu.memory_space<vmem>> -> memref<128x256xf32, #tpu.memory_space<vmem>>
      %get3A_864 = arith.index_cast %mul3A_800 : i32 to index
      %get3A_865 = arith.constant 48 : index
      %get3A_866 = tpu.vector_load %get3A_863[%get3A_864, %get3A_865] {strides = array<i32>} : memref<128x256xf32, #tpu.memory_space<vmem>>, vector<1x16xf32>,
      %get3A_867 = vector.shape_cast %get3A_866 : vector<1x16xf32> to vector<16xf32>
      %add3A_868 = arith.addf %scan3A_786, %get3A_867 : vector<16xf32>
      %add3A_869 = arith.constant 1 : i32
      %add3A_870 = arith.addi %mul3A_800, %add3A_869 : i32
      %get3A_871 = arith.constant 0 : i32
      %get3A_872 = arith.constant 0 : i32
      %get3A_873 = tpu.memref_slice %arg6[%scan3A_679, %get3A_871, %get3A_872] : memref<3x128x256xf32, #tpu.memory_space<vmem>> -> memref<1x128x256xf32, #tpu.memory_space<vmem>>
      %get3A_874 = tpu.memref_squeeze %get3A_873 : memref<1x128x256xf32, #tpu.memory_space<vmem>> -> memref<128x256xf32, #tpu.memory_space<vmem>>
      %get3A_875 = arith.index_cast %add3A_870 : i32 to index
      %get3A_876 = arith.constant 48 : index
      %get3A_877 = tpu.vector_load %get3A_874[%get3A_875, %get3A_876] {strides = array<i32>} : memref<128x256xf32, #tpu.memory_space<vmem>>, vector<1x16xf32>,
      %get3A_878 = vector.shape_cast %get3A_877 : vector<1x16xf32> to vector<16xf32>
      %add3A_879 = arith.addf %add3A_868, %get3A_878 : vector<16xf32>
      %get3A_880 = arith.constant 0 : i32
      %get3A_881 = arith.constant 0 : i32
      %get3A_882 = tpu.memref_slice %arg6[%scan3A_679, %get3A_880, %get3A_881] : memref<3x128x256xf32, #tpu.memory_space<vmem>> -> memref<1x128x256xf32, #tpu.memory_space<vmem>>
      %get3A_883 = tpu.memref_squeeze %get3A_882 : memref<1x128x256xf32, #tpu.memory_space<vmem>> -> memref<128x256xf32, #tpu.memory_space<vmem>>
      %get3A_884 = arith.index_cast %mul3A_800 : i32 to index
      %get3A_885 = arith.constant 64 : index
      %get3A_886 = tpu.vector_load %get3A_883[%get3A_884, %get3A_885] {strides = array<i32>} : memref<128x256xf32, #tpu.memory_space<vmem>>, vector<1x16xf32>,
      %get3A_887 = vector.shape_cast %get3A_886 : vector<1x16xf32> to vector<16xf32>
      %add3A_888 = arith.addf %scan3A_787, %get3A_887 : vector<16xf32>
      %add3A_889 = arith.constant 1 : i32
      %add3A_890 = arith.addi %mul3A_800, %add3A_889 : i32
      %get3A_891 = arith.constant 0 : i32
      %get3A_892 = arith.constant 0 : i32
      %get3A_893 = tpu.memref_slice %arg6[%scan3A_679, %get3A_891, %get3A_892] : memref<3x128x256xf32, #tpu.memory_space<vmem>> -> memref<1x128x256xf32, #tpu.memory_space<vmem>>
      %get3A_894 = tpu.memref_squeeze %get3A_893 : memref<1x128x256xf32, #tpu.memory_space<vmem>> -> memref<128x256xf32, #tpu.memory_space<vmem>>
      %get3A_895 = arith.index_cast %add3A_890 : i32 to index
      %get3A_896 = arith.constant 64 : index
      %get3A_897 = tpu.vector_load %get3A_894[%get3A_895, %get3A_896] {strides = array<i32>} : memref<128x256xf32, #tpu.memory_space<vmem>>, vector<1x16xf32>,
      %get3A_898 = vector.shape_cast %get3A_897 : vector<1x16xf32> to vector<16xf32>
      %add3A_899 = arith.addf %add3A_888, %get3A_898 : vector<16xf32>
      %get3A_900 = arith.constant 0 : i32
      %get3A_901 = arith.constant 0 : i32
      %get3A_902 = tpu.memref_slice %arg6[%scan3A_679, %get3A_900, %get3A_901] : memref<3x128x256xf32, #tpu.memory_space<vmem>> -> memref<1x128x256xf32, #tpu.memory_space<vmem>>
      %get3A_903 = tpu.memref_squeeze %get3A_902 : memref<1x128x256xf32, #tpu.memory_space<vmem>> -> memref<128x256xf32, #tpu.memory_space<vmem>>
      %get3A_904 = arith.index_cast %mul3A_800 : i32 to index
      %get3A_905 = arith.constant 80 : index
      %get3A_906 = tpu.vector_load %get3A_903[%get3A_904, %get3A_905] {strides = array<i32>} : memref<128x256xf32, #tpu.memory_space<vmem>>, vector<1x16xf32>,
      %get3A_907 = vector.shape_cast %get3A_906 : vector<1x16xf32> to vector<16xf32>
      %add3A_908 = arith.addf %scan3A_788, %get3A_907 : vector<16xf32>
      %add3A_909 = arith.constant 1 : i32
      %add3A_910 = arith.addi %mul3A_800, %add3A_909 : i32
      %get3A_911 = arith.constant 0 : i32
      %get3A_912 = arith.constant 0 : i32
      %get3A_913 = tpu.memref_slice %arg6[%scan3A_679, %get3A_911, %get3A_912] : memref<3x128x256xf32, #tpu.memory_space<vmem>> -> memref<1x128x256xf32, #tpu.memory_space<vmem>>
      %get3A_914 = tpu.memref_squeeze %get3A_913 : memref<1x128x256xf32, #tpu.memory_space<vmem>> -> memref<128x256xf32, #tpu.memory_space<vmem>>
      %get3A_915 = arith.index_cast %add3A_910 : i32 to index
      %get3A_916 = arith.constant 80 : index
      %get3A_917 = tpu.vector_load %get3A_914[%get3A_915, %get3A_916] {strides = array<i32>} : memref<128x256xf32, #tpu.memory_space<vmem>>, vector<1x16xf32>,
      %get3A_918 = vector.shape_cast %get3A_917 : vector<1x16xf32> to vector<16xf32>
      %add3A_919 = arith.addf %add3A_908, %get3A_918 : vector<16xf32>
      %get3A_920 = arith.constant 0 : i32
      %get3A_921 = arith.constant 0 : i32
      %get3A_922 = tpu.memref_slice %arg6[%scan3A_679, %get3A_920, %get3A_921] : memref<3x128x256xf32, #tpu.memory_space<vmem>> -> memref<1x128x256xf32, #tpu.memory_space<vmem>>
      %get3A_923 = tpu.memref_squeeze %get3A_922 : memref<1x128x256xf32, #tpu.memory_space<vmem>> -> memref<128x256xf32, #tpu.memory_space<vmem>>
      %get3A_924 = arith.index_cast %mul3A_800 : i32 to index
      %get3A_925 = arith.constant 96 : index
      %get3A_926 = tpu.vector_load %get3A_923[%get3A_924, %get3A_925] {strides = array<i32>} : memref<128x256xf32, #tpu.memory_space<vmem>>, vector<1x16xf32>,
      %get3A_927 = vector.shape_cast %get3A_926 : vector<1x16xf32> to vector<16xf32>
      %add3A_928 = arith.addf %scan3A_789, %get3A_927 : vector<16xf32>
      %add3A_929 = arith.constant 1 : i32
      %add3A_930 = arith.addi %mul3A_800, %add3A_929 : i32
      %get3A_931 = arith.constant 0 : i32
      %get3A_932 = arith.constant 0 : i32
      %get3A_933 = tpu.memref_slice %arg6[%scan3A_679, %get3A_931, %get3A_932] : memref<3x128x256xf32, #tpu.memory_space<vmem>> -> memref<1x128x256xf32, #tpu.memory_space<vmem>>
      %get3A_934 = tpu.memref_squeeze %get3A_933 : memref<1x128x256xf32, #tpu.memory_space<vmem>> -> memref<128x256xf32, #tpu.memory_space<vmem>>
      %get3A_935 = arith.index_cast %add3A_930 : i32 to index
      %get3A_936 = arith.constant 96 : index
      %get3A_937 = tpu.vector_load %get3A_934[%get3A_935, %get3A_936] {strides = array<i32>} : memref<128x256xf32, #tpu.memory_space<vmem>>, vector<1x16xf32>,
      %get3A_938 = vector.shape_cast %get3A_937 : vector<1x16xf32> to vector<16xf32>
      %add3A_939 = arith.addf %add3A_928, %get3A_938 : vector<16xf32>
      %get3A_940 = arith.constant 0 : i32
      %get3A_941 = arith.constant 0 : i32
      %get3A_942 = tpu.memref_slice %arg6[%scan3A_679, %get3A_940, %get3A_941] : memref<3x128x256xf32, #tpu.memory_space<vmem>> -> memref<1x128x256xf32, #tpu.memory_space<vmem>>
      %get3A_943 = tpu.memref_squeeze %get3A_942 : memref<1x128x256xf32, #tpu.memory_space<vmem>> -> memref<128x256xf32, #tpu.memory_space<vmem>>
      %get3A_944 = arith.index_cast %mul3A_800 : i32 to index
      %get3A_945 = arith.constant 112 : index
      %get3A_946 = tpu.vector_load %get3A_943[%get3A_944, %get3A_945] {strides = array<i32>} : memref<128x256xf32, #tpu.memory_space<vmem>>, vector<1x16xf32>,
      %get3A_947 = vector.shape_cast %get3A_946 : vector<1x16xf32> to vector<16xf32>
      %add3A_948 = arith.addf %scan3A_790, %get3A_947 : vector<16xf32>
      %add3A_949 = arith.constant 1 : i32
      %add3A_950 = arith.addi %mul3A_800, %add3A_949 : i32
      %get3A_951 = arith.constant 0 : i32
      %get3A_952 = arith.constant 0 : i32
      %get3A_953 = tpu.memref_slice %arg6[%scan3A_679, %get3A_951, %get3A_952] : memref<3x128x256xf32, #tpu.memory_space<vmem>> -> memref<1x128x256xf32, #tpu.memory_space<vmem>>
      %get3A_954 = tpu.memref_squeeze %get3A_953 : memref<1x128x256xf32, #tpu.memory_space<vmem>> -> memref<128x256xf32, #tpu.memory_space<vmem>>
      %get3A_955 = arith.index_cast %add3A_950 : i32 to index
      %get3A_956 = arith.constant 112 : index
      %get3A_957 = tpu.vector_load %get3A_954[%get3A_955, %get3A_956] {strides = array<i32>} : memref<128x256xf32, #tpu.memory_space<vmem>>, vector<1x16xf32>,
      %get3A_958 = vector.shape_cast %get3A_957 : vector<1x16xf32> to vector<16xf32>
      %add3A_959 = arith.addf %add3A_948, %get3A_958 : vector<16xf32>
      %get3A_960 = arith.constant 0 : i32
      %get3A_961 = arith.constant 0 : i32
      %get3A_962 = tpu.memref_slice %arg6[%scan3A_679, %get3A_960, %get3A_961] : memref<3x128x256xf32, #tpu.memory_space<vmem>> -> memref<1x128x256xf32, #tpu.memory_space<vmem>>
      %get3A_963 = tpu.memref_squeeze %get3A_962 : memref<1x128x256xf32, #tpu.memory_space<vmem>> -> memref<128x256xf32, #tpu.memory_space<vmem>>
      %get3A_964 = arith.index_cast %mul3A_800 : i32 to index
      %get3A_965 = arith.constant 128 : index
      %get3A_966 = tpu.vector_load %get3A_963[%get3A_964, %get3A_965] {strides = array<i32>} : memref<128x256xf32, #tpu.memory_space<vmem>>, vector<1x16xf32>,
      %get3A_967 = vector.shape_cast %get3A_966 : vector<1x16xf32> to vector<16xf32>
      %add3A_968 = arith.addf %scan3A_791, %get3A_967 : vector<16xf32>
      %add3A_969 = arith.constant 1 : i32
      %add3A_970 = arith.addi %mul3A_800, %add3A_969 : i32
      %get3A_971 = arith.constant 0 : i32
      %get3A_972 = arith.constant 0 : i32
      %get3A_973 = tpu.memref_slice %arg6[%scan3A_679, %get3A_971, %get3A_972] : memref<3x128x256xf32, #tpu.memory_space<vmem>> -> memref<1x128x256xf32, #tpu.memory_space<vmem>>
      %get3A_974 = tpu.memref_squeeze %get3A_973 : memref<1x128x256xf32, #tpu.memory_space<vmem>> -> memref<128x256xf32, #tpu.memory_space<vmem>>
      %get3A_975 = arith.index_cast %add3A_970 : i32 to index
      %get3A_976 = arith.constant 128 : index
      %get3A_977 = tpu.vector_load %get3A_974[%get3A_975, %get3A_976] {strides = array<i32>} : memref<128x256xf32, #tpu.memory_space<vmem>>, vector<1x16xf32>,
      %get3A_978 = vector.shape_cast %get3A_977 : vector<1x16xf32> to vector<16xf32>
      %add3A_979 = arith.addf %add3A_968, %get3A_978 : vector<16xf32>
      %get3A_980 = arith.constant 0 : i32
      %get3A_981 = arith.constant 0 : i32
      %get3A_982 = tpu.memref_slice %arg6[%scan3A_679, %get3A_980, %get3A_981] : memref<3x128x256xf32, #tpu.memory_space<vmem>> -> memref<1x128x256xf32, #tpu.memory_space<vmem>>
      %get3A_983 = tpu.memref_squeeze %get3A_982 : memref<1x128x256xf32, #tpu.memory_space<vmem>> -> memref<128x256xf32, #tpu.memory_space<vmem>>
      %get3A_984 = arith.index_cast %mul3A_800 : i32 to index
      %get3A_985 = arith.constant 144 : index
      %get3A_986 = tpu.vector_load %get3A_983[%get3A_984, %get3A_985] {strides = array<i32>} : memref<128x256xf32, #tpu.memory_space<vmem>>, vector<1x16xf32>,
      %get3A_987 = vector.shape_cast %get3A_986 : vector<1x16xf32> to vector<16xf32>
      %add3A_988 = arith.addf %scan3A_792, %get3A_987 : vector<16xf32>
      %add3A_989 = arith.constant 1 : i32
      %add3A_990 = arith.addi %mul3A_800, %add3A_989 : i32
      %get3A_991 = arith.constant 0 : i32
      %get3A_992 = arith.constant 0 : i32
      %get3A_993 = tpu.memref_slice %arg6[%scan3A_679, %get3A_991, %get3A_992] : memref<3x128x256xf32, #tpu.memory_space<vmem>> -> memref<1x128x256xf32, #tpu.memory_space<vmem>>
      %get3A_994 = tpu.memref_squeeze %get3A_993 : memref<1x128x256xf32, #tpu.memory_space<vmem>> -> memref<128x256xf32, #tpu.memory_space<vmem>>
      %get3A_995 = arith.index_cast %add3A_990 : i32 to index
      %get3A_996 = arith.constant 144 : index
      %get3A_997 = tpu.vector_load %get3A_994[%get3A_995, %get3A_996] {strides = array<i32>} : memref<128x256xf32, #tpu.memory_space<vmem>>, vector<1x16xf32>,
      %get3A_998 = vector.shape_cast %get3A_997 : vector<1x16xf32> to vector<16xf32>
      %add3A_999 = arith.addf %add3A_988, %get3A_998 : vector<16xf32>
      %get3A_1000 = arith.constant 0 : i32
      %get3A_1001 = arith.constant 0 : i32
      %get3A_1002 = tpu.memref_slice %arg6[%scan3A_679, %get3A_1000, %get3A_1001] : memref<3x128x256xf32, #tpu.memory_space<vmem>> -> memref<1x128x256xf32, #tpu.memory_space<vmem>>
      %get3A_1003 = tpu.memref_squeeze %get3A_1002 : memref<1x128x256xf32, #tpu.memory_space<vmem>> -> memref<128x256xf32, #tpu.memory_space<vmem>>
      %get3A_1004 = arith.index_cast %mul3A_800 : i32 to index
      %get3A_1005 = arith.constant 160 : index
      %get3A_1006 = tpu.vector_load %get3A_1003[%get3A_1004, %get3A_1005] {strides = array<i32>} : memref<128x256xf32, #tpu.memory_space<vmem>>, vector<1x16xf32>,
      %get3A_1007 = vector.shape_cast %get3A_1006 : vector<1x16xf32> to vector<16xf32>
      %add3A_1008 = arith.addf %scan3A_793, %get3A_1007 : vector<16xf32>
      %add3A_1009 = arith.constant 1 : i32
      %add3A_1010 = arith.addi %mul3A_800, %add3A_1009 : i32
      %get3A_1011 = arith.constant 0 : i32
      %get3A_1012 = arith.constant 0 : i32
      %get3A_1013 = tpu.memref_slice %arg6[%scan3A_679, %get3A_1011, %get3A_1012] : memref<3x128x256xf32, #tpu.memory_space<vmem>> -> memref<1x128x256xf32, #tpu.memory_space<vmem>>
      %get3A_1014 = tpu.memref_squeeze %get3A_1013 : memref<1x128x256xf32, #tpu.memory_space<vmem>> -> memref<128x256xf32, #tpu.memory_space<vmem>>
      %get3A_1015 = arith.index_cast %add3A_1010 : i32 to index
      %get3A_1016 = arith.constant 160 : index
      %get3A_1017 = tpu.vector_load %get3A_1014[%get3A_1015, %get3A_1016] {strides = array<i32>} : memref<128x256xf32, #tpu.memory_space<vmem>>, vector<1x16xf32>,
      %get3A_1018 = vector.shape_cast %get3A_1017 : vector<1x16xf32> to vector<16xf32>
      %add3A_1019 = arith.addf %add3A_1008, %get3A_1018 : vector<16xf32>
      %get3A_1020 = arith.constant 0 : i32
      %get3A_1021 = arith.constant 0 : i32
      %get3A_1022 = tpu.memref_slice %arg6[%scan3A_679, %get3A_1020, %get3A_1021] : memref<3x128x256xf32, #tpu.memory_space<vmem>> -> memref<1x128x256xf32, #tpu.memory_space<vmem>>
      %get3A_1023 = tpu.memref_squeeze %get3A_1022 : memref<1x128x256xf32, #tpu.memory_space<vmem>> -> memref<128x256xf32, #tpu.memory_space<vmem>>
      %get3A_1024 = arith.index_cast %mul3A_800 : i32 to index
      %get3A_1025 = arith.constant 176 : index
      %get3A_1026 = tpu.vector_load %get3A_1023[%get3A_1024, %get3A_1025] {strides = array<i32>} : memref<128x256xf32, #tpu.memory_space<vmem>>, vector<1x16xf32>,
      %get3A_1027 = vector.shape_cast %get3A_1026 : vector<1x16xf32> to vector<16xf32>
      %add3A_1028 = arith.addf %scan3A_794, %get3A_1027 : vector<16xf32>
      %add3A_1029 = arith.constant 1 : i32
      %add3A_1030 = arith.addi %mul3A_800, %add3A_1029 : i32
      %get3A_1031 = arith.constant 0 : i32
      %get3A_1032 = arith.constant 0 : i32
      %get3A_1033 = tpu.memref_slice %arg6[%scan3A_679, %get3A_1031, %get3A_1032] : memref<3x128x256xf32, #tpu.memory_space<vmem>> -> memref<1x128x256xf32, #tpu.memory_space<vmem>>
      %get3A_1034 = tpu.memref_squeeze %get3A_1033 : memref<1x128x256xf32, #tpu.memory_space<vmem>> -> memref<128x256xf32, #tpu.memory_space<vmem>>
      %get3A_1035 = arith.index_cast %add3A_1030 : i32 to index
      %get3A_1036 = arith.constant 176 : index
      %get3A_1037 = tpu.vector_load %get3A_1034[%get3A_1035, %get3A_1036] {strides = array<i32>} : memref<128x256xf32, #tpu.memory_space<vmem>>, vector<1x16xf32>,
      %get3A_1038 = vector.shape_cast %get3A_1037 : vector<1x16xf32> to vector<16xf32>
      %add3A_1039 = arith.addf %add3A_1028, %get3A_1038 : vector<16xf32>
      %get3A_1040 = arith.constant 0 : i32
      %get3A_1041 = arith.constant 0 : i32
      %get3A_1042 = tpu.memref_slice %arg6[%scan3A_679, %get3A_1040, %get3A_1041] : memref<3x128x256xf32, #tpu.memory_space<vmem>> -> memref<1x128x256xf32, #tpu.memory_space<vmem>>
      %get3A_1043 = tpu.memref_squeeze %get3A_1042 : memref<1x128x256xf32, #tpu.memory_space<vmem>> -> memref<128x256xf32, #tpu.memory_space<vmem>>
      %get3A_1044 = arith.index_cast %mul3A_800 : i32 to index
      %get3A_1045 = arith.constant 192 : index
      %get3A_1046 = tpu.vector_load %get3A_1043[%get3A_1044, %get3A_1045] {strides = array<i32>} : memref<128x256xf32, #tpu.memory_space<vmem>>, vector<1x16xf32>,
      %get3A_1047 = vector.shape_cast %get3A_1046 : vector<1x16xf32> to vector<16xf32>
      %add3A_1048 = arith.addf %scan3A_795, %get3A_1047 : vector<16xf32>
      %add3A_1049 = arith.constant 1 : i32
      %add3A_1050 = arith.addi %mul3A_800, %add3A_1049 : i32
      %get3A_1051 = arith.constant 0 : i32
      %get3A_1052 = arith.constant 0 : i32
      %get3A_1053 = tpu.memref_slice %arg6[%scan3A_679, %get3A_1051, %get3A_1052] : memref<3x128x256xf32, #tpu.memory_space<vmem>> -> memref<1x128x256xf32, #tpu.memory_space<vmem>>
      %get3A_1054 = tpu.memref_squeeze %get3A_1053 : memref<1x128x256xf32, #tpu.memory_space<vmem>> -> memref<128x256xf32, #tpu.memory_space<vmem>>
      %get3A_1055 = arith.index_cast %add3A_1050 : i32 to index
      %get3A_1056 = arith.constant 192 : index
      %get3A_1057 = tpu.vector_load %get3A_1054[%get3A_1055, %get3A_1056] {strides = array<i32>} : memref<128x256xf32, #tpu.memory_space<vmem>>, vector<1x16xf32>,
      %get3A_1058 = vector.shape_cast %get3A_1057 : vector<1x16xf32> to vector<16xf32>
      %add3A_1059 = arith.addf %add3A_1048, %get3A_1058 : vector<16xf32>
      %get3A_1060 = arith.constant 0 : i32
      %get3A_1061 = arith.constant 0 : i32
      %get3A_1062 = tpu.memref_slice %arg6[%scan3A_679, %get3A_1060, %get3A_1061] : memref<3x128x256xf32, #tpu.memory_space<vmem>> -> memref<1x128x256xf32, #tpu.memory_space<vmem>>
      %get3A_1063 = tpu.memref_squeeze %get3A_1062 : memref<1x128x256xf32, #tpu.memory_space<vmem>> -> memref<128x256xf32, #tpu.memory_space<vmem>>
      %get3A_1064 = arith.index_cast %mul3A_800 : i32 to index
      %get3A_1065 = arith.constant 208 : index
      %get3A_1066 = tpu.vector_load %get3A_1063[%get3A_1064, %get3A_1065] {strides = array<i32>} : memref<128x256xf32, #tpu.memory_space<vmem>>, vector<1x16xf32>,
      %get3A_1067 = vector.shape_cast %get3A_1066 : vector<1x16xf32> to vector<16xf32>
      %add3A_1068 = arith.addf %scan3A_796, %get3A_1067 : vector<16xf32>
      %add3A_1069 = arith.constant 1 : i32
      %add3A_1070 = arith.addi %mul3A_800, %add3A_1069 : i32
      %get3A_1071 = arith.constant 0 : i32
      %get3A_1072 = arith.constant 0 : i32
      %get3A_1073 = tpu.memref_slice %arg6[%scan3A_679, %get3A_1071, %get3A_1072] : memref<3x128x256xf32, #tpu.memory_space<vmem>> -> memref<1x128x256xf32, #tpu.memory_space<vmem>>
      %get3A_1074 = tpu.memref_squeeze %get3A_1073 : memref<1x128x256xf32, #tpu.memory_space<vmem>> -> memref<128x256xf32, #tpu.memory_space<vmem>>
      %get3A_1075 = arith.index_cast %add3A_1070 : i32 to index
      %get3A_1076 = arith.constant 208 : index
      %get3A_1077 = tpu.vector_load %get3A_1074[%get3A_1075, %get3A_1076] {strides = array<i32>} : memref<128x256xf32, #tpu.memory_space<vmem>>, vector<1x16xf32>,
      %get3A_1078 = vector.shape_cast %get3A_1077 : vector<1x16xf32> to vector<16xf32>
      %add3A_1079 = arith.addf %add3A_1068, %get3A_1078 : vector<16xf32>
      %get3A_1080 = arith.constant 0 : i32
      %get3A_1081 = arith.constant 0 : i32
      %get3A_1082 = tpu.memref_slice %arg6[%scan3A_679, %get3A_1080, %get3A_1081] : memref<3x128x256xf32, #tpu.memory_space<vmem>> -> memref<1x128x256xf32, #tpu.memory_space<vmem>>
      %get3A_1083 = tpu.memref_squeeze %get3A_1082 : memref<1x128x256xf32, #tpu.memory_space<vmem>> -> memref<128x256xf32, #tpu.memory_space<vmem>>
      %get3A_1084 = arith.index_cast %mul3A_800 : i32 to index
      %get3A_1085 = arith.constant 224 : index
      %get3A_1086 = tpu.vector_load %get3A_1083[%get3A_1084, %get3A_1085] {strides = array<i32>} : memref<128x256xf32, #tpu.memory_space<vmem>>, vector<1x16xf32>,
      %get3A_1087 = vector.shape_cast %get3A_1086 : vector<1x16xf32> to vector<16xf32>
      %add3A_1088 = arith.addf %scan3A_797, %get3A_1087 : vector<16xf32>
      %add3A_1089 = arith.constant 1 : i32
      %add3A_1090 = arith.addi %mul3A_800, %add3A_1089 : i32
      %get3A_1091 = arith.constant 0 : i32
      %get3A_1092 = arith.constant 0 : i32
      %get3A_1093 = tpu.memref_slice %arg6[%scan3A_679, %get3A_1091, %get3A_1092] : memref<3x128x256xf32, #tpu.memory_space<vmem>> -> memref<1x128x256xf32, #tpu.memory_space<vmem>>
      %get3A_1094 = tpu.memref_squeeze %get3A_1093 : memref<1x128x256xf32, #tpu.memory_space<vmem>> -> memref<128x256xf32, #tpu.memory_space<vmem>>
      %get3A_1095 = arith.index_cast %add3A_1090 : i32 to index
      %get3A_1096 = arith.constant 224 : index
      %get3A_1097 = tpu.vector_load %get3A_1094[%get3A_1095, %get3A_1096] {strides = array<i32>} : memref<128x256xf32, #tpu.memory_space<vmem>>, vector<1x16xf32>,
      %get3A_1098 = vector.shape_cast %get3A_1097 : vector<1x16xf32> to vector<16xf32>
      %add3A_1099 = arith.addf %add3A_1088, %get3A_1098 : vector<16xf32>
      %get3A_1100 = arith.constant 0 : i32
      %get3A_1101 = arith.constant 0 : i32
      %get3A_1102 = tpu.memref_slice %arg6[%scan3A_679, %get3A_1100, %get3A_1101] : memref<3x128x256xf32, #tpu.memory_space<vmem>> -> memref<1x128x256xf32, #tpu.memory_space<vmem>>
      %get3A_1103 = tpu.memref_squeeze %get3A_1102 : memref<1x128x256xf32, #tpu.memory_space<vmem>> -> memref<128x256xf32, #tpu.memory_space<vmem>>
      %get3A_1104 = arith.index_cast %mul3A_800 : i32 to index
      %get3A_1105 = arith.constant 240 : index
      %get3A_1106 = tpu.vector_load %get3A_1103[%get3A_1104, %get3A_1105] {strides = array<i32>} : memref<128x256xf32, #tpu.memory_space<vmem>>, vector<1x16xf32>,
      %get3A_1107 = vector.shape_cast %get3A_1106 : vector<1x16xf32> to vector<16xf32>
      %add3A_1108 = arith.addf %scan3A_798, %get3A_1107 : vector<16xf32>
      %add3A_1109 = arith.constant 1 : i32
      %add3A_1110 = arith.addi %mul3A_800, %add3A_1109 : i32
      %get3A_1111 = arith.constant 0 : i32
      %get3A_1112 = arith.constant 0 : i32
      %get3A_1113 = tpu.memref_slice %arg6[%scan3A_679, %get3A_1111, %get3A_1112] : memref<3x128x256xf32, #tpu.memory_space<vmem>> -> memref<1x128x256xf32, #tpu.memory_space<vmem>>
      %get3A_1114 = tpu.memref_squeeze %get3A_1113 : memref<1x128x256xf32, #tpu.memory_space<vmem>> -> memref<128x256xf32, #tpu.memory_space<vmem>>
      %get3A_1115 = arith.index_cast %add3A_1110 : i32 to index
      %get3A_1116 = arith.constant 240 : index
      %get3A_1117 = tpu.vector_load %get3A_1114[%get3A_1115, %get3A_1116] {strides = array<i32>} : memref<128x256xf32, #tpu.memory_space<vmem>>, vector<1x16xf32>,
      %get3A_1118 = vector.shape_cast %get3A_1117 : vector<1x16xf32> to vector<16xf32>
      %add3A_1119 = arith.addf %add3A_1108, %get3A_1118 : vector<16xf32>
      scf.yield %add3A_819, %add3A_839, %add3A_859, %add3A_879, %add3A_899, %add3A_919, %add3A_939, %add3A_959, %add3A_979, %add3A_999, %add3A_1019, %add3A_1039, %add3A_1059, %add3A_1079, %add3A_1099, %add3A_1119 : vector<16xf32>, vector<16xf32>, vector<16xf32>, vector<16xf32>, vector<16xf32>, vector<16xf32>, vector<16xf32>, vector<16xf32>, vector<16xf32>, vector<16xf32>, vector<16xf32>, vector<16xf32>, vector<16xf32>, vector<16xf32>, vector<16xf32>, vector<16xf32>
    }
    %scan3A_685 = arith.constant 64 : i32
    %swap3A_686 = arith.constant 31 : i32
    %swap3A_687 = arith.index_cast %swap3A_686 : i32 to index
    %swap3A_688 = arith.constant 0 : index
    %swap3A_689 = tpu.vector_load %arg7[%swap3A_687, %swap3A_688] {strides = array<i32>} : memref<32x256xf32, #tpu.memory_space<vmem>>, vector<1x16xf32>,
    %swap3A_690 = vector.shape_cast %swap3A_689 : vector<1x16xf32> to vector<16xf32>
    %swap3A_691 = vector.shape_cast %scan3A_684#0 : vector<16xf32> to vector<1x16xf32>
    tpu.vector_store %arg7[%swap3A_687, %swap3A_688], %swap3A_691 {strides = array<i32>} : memref<32x256xf32, #tpu.memory_space<vmem>>, vector<1x16xf32>,
    %swap3A_692 = arith.constant 31 : i32
    %swap3A_693 = arith.index_cast %swap3A_692 : i32 to index
    %swap3A_694 = arith.constant 16 : index
    %swap3A_695 = tpu.vector_load %arg7[%swap3A_693, %swap3A_694] {strides = array<i32>} : memref<32x256xf32, #tpu.memory_space<vmem>>, vector<1x16xf32>,
    %swap3A_696 = vector.shape_cast %swap3A_695 : vector<1x16xf32> to vector<16xf32>
    %swap3A_697 = vector.shape_cast %scan3A_684#1 : vector<16xf32> to vector<1x16xf32>
    tpu.vector_store %arg7[%swap3A_693, %swap3A_694], %swap3A_697 {strides = array<i32>} : memref<32x256xf32, #tpu.memory_space<vmem>>, vector<1x16xf32>,
    %swap3A_698 = arith.constant 31 : i32
    %swap3A_699 = arith.index_cast %swap3A_698 : i32 to index
    %swap3A_700 = arith.constant 32 : index
    %swap3A_701 = tpu.vector_load %arg7[%swap3A_699, %swap3A_700] {strides = array<i32>} : memref<32x256xf32, #tpu.memory_space<vmem>>, vector<1x16xf32>,
    %swap3A_702 = vector.shape_cast %swap3A_701 : vector<1x16xf32> to vector<16xf32>
    %swap3A_703 = vector.shape_cast %scan3A_684#2 : vector<16xf32> to vector<1x16xf32>
    tpu.vector_store %arg7[%swap3A_699, %swap3A_700], %swap3A_703 {strides = array<i32>} : memref<32x256xf32, #tpu.memory_space<vmem>>, vector<1x16xf32>,
    %swap3A_704 = arith.constant 31 : i32
    %swap3A_705 = arith.index_cast %swap3A_704 : i32 to index
    %swap3A_706 = arith.constant 48 : index
    %swap3A_707 = tpu.vector_load %arg7[%swap3A_705, %swap3A_706] {strides = array<i32>} : memref<32x256xf32, #tpu.memory_space<vmem>>, vector<1x16xf32>,
    %swap3A_708 = vector.shape_cast %swap3A_707 : vector<1x16xf32> to vector<16xf32>
    %swap3A_709 = vector.shape_cast %scan3A_684#3 : vector<16xf32> to vector<1x16xf32>
    tpu.vector_store %arg7[%swap3A_705, %swap3A_706], %swap3A_709 {strides = array<i32>} : memref<32x256xf32, #tpu.memory_space<vmem>>, vector<1x16xf32>,
    %swap3A_710 = arith.constant 31 : i32
    %swap3A_711 = arith.index_cast %swap3A_710 : i32 to index
    %swap3A_712 = arith.constant 64 : index
    %swap3A_713 = tpu.vector_load %arg7[%swap3A_711, %swap3A_712] {strides = array<i32>} : memref<32x256xf32, #tpu.memory_space<vmem>>, vector<1x16xf32>,
    %swap3A_714 = vector.shape_cast %swap3A_713 : vector<1x16xf32> to vector<16xf32>
    %swap3A_715 = vector.shape_cast %scan3A_684#4 : vector<16xf32> to vector<1x16xf32>
    tpu.vector_store %arg7[%swap3A_711, %swap3A_712], %swap3A_715 {strides = array<i32>} : memref<32x256xf32, #tpu.memory_space<vmem>>, vector<1x16xf32>,
    %swap3A_716 = arith.constant 31 : i32
    %swap3A_717 = arith.index_cast %swap3A_716 : i32 to index
    %swap3A_718 = arith.constant 80 : index
    %swap3A_719 = tpu.vector_load %arg7[%swap3A_717, %swap3A_718] {strides = array<i32>} : memref<32x256xf32, #tpu.memory_space<vmem>>, vector<1x16xf32>,
    %swap3A_720 = vector.shape_cast %swap3A_719 : vector<1x16xf32> to vector<16xf32>
    %swap3A_721 = vector.shape_cast %scan3A_684#5 : vector<16xf32> to vector<1x16xf32>
    tpu.vector_store %arg7[%swap3A_717, %swap3A_718], %swap3A_721 {strides = array<i32>} : memref<32x256xf32, #tpu.memory_space<vmem>>, vector<1x16xf32>,
    %swap3A_722 = arith.constant 31 : i32
    %swap3A_723 = arith.index_cast %swap3A_722 : i32 to index
    %swap3A_724 = arith.constant 96 : index
    %swap3A_725 = tpu.vector_load %arg7[%swap3A_723, %swap3A_724] {strides = array<i32>} : memref<32x256xf32, #tpu.memory_space<vmem>>, vector<1x16xf32>,
    %swap3A_726 = vector.shape_cast %swap3A_725 : vector<1x16xf32> to vector<16xf32>
    %swap3A_727 = vector.shape_cast %scan3A_684#6 : vector<16xf32> to vector<1x16xf32>
    tpu.vector_store %arg7[%swap3A_723, %swap3A_724], %swap3A_727 {strides = array<i32>} : memref<32x256xf32, #tpu.memory_space<vmem>>, vector<1x16xf32>,
    %swap3A_728 = arith.constant 31 : i32
    %swap3A_729 = arith.index_cast %swap3A_728 : i32 to index
    %swap3A_730 = arith.constant 112 : index
    %swap3A_731 = tpu.vector_load %arg7[%swap3A_729, %swap3A_730] {strides = array<i32>} : memref<32x256xf32, #tpu.memory_space<vmem>>, vector<1x16xf32>,
    %swap3A_732 = vector.shape_cast %swap3A_731 : vector<1x16xf32> to vector<16xf32>
    %swap3A_733 = vector.shape_cast %scan3A_684#7 : vector<16xf32> to vector<1x16xf32>
    tpu.vector_store %arg7[%swap3A_729, %swap3A_730], %swap3A_733 {strides = array<i32>} : memref<32x256xf32, #tpu.memory_space<vmem>>, vector<1x16xf32>,
    %swap3A_734 = arith.constant 31 : i32
    %swap3A_735 = arith.index_cast %swap3A_734 : i32 to index
    %swap3A_736 = arith.constant 128 : index
    %swap3A_737 = tpu.vector_load %arg7[%swap3A_735, %swap3A_736] {strides = array<i32>} : memref<32x256xf32, #tpu.memory_space<vmem>>, vector<1x16xf32>,
    %swap3A_738 = vector.shape_cast %swap3A_737 : vector<1x16xf32> to vector<16xf32>
    %swap3A_739 = vector.shape_cast %scan3A_684#8 : vector<16xf32> to vector<1x16xf32>
    tpu.vector_store %arg7[%swap3A_735, %swap3A_736], %swap3A_739 {strides = array<i32>} : memref<32x256xf32, #tpu.memory_space<vmem>>, vector<1x16xf32>,
    %swap3A_740 = arith.constant 31 : i32
    %swap3A_741 = arith.index_cast %swap3A_740 : i32 to index
    %swap3A_742 = arith.constant 144 : index
    %swap3A_743 = tpu.vector_load %arg7[%swap3A_741, %swap3A_742] {strides = array<i32>} : memref<32x256xf32, #tpu.memory_space<vmem>>, vector<1x16xf32>,
    %swap3A_744 = vector.shape_cast %swap3A_743 : vector<1x16xf32> to vector<16xf32>
    %swap3A_745 = vector.shape_cast %scan3A_684#9 : vector<16xf32> to vector<1x16xf32>
    tpu.vector_store %arg7[%swap3A_741, %swap3A_742], %swap3A_745 {strides = array<i32>} : memref<32x256xf32, #tpu.memory_space<vmem>>, vector<1x16xf32>,
    %swap3A_746 = arith.constant 31 : i32
    %swap3A_747 = arith.index_cast %swap3A_746 : i32 to index
    %swap3A_748 = arith.constant 160 : index
    %swap3A_749 = tpu.vector_load %arg7[%swap3A_747, %swap3A_748] {strides = array<i32>} : memref<32x256xf32, #tpu.memory_space<vmem>>, vector<1x16xf32>,
    %swap3A_750 = vector.shape_cast %swap3A_749 : vector<1x16xf32> to vector<16xf32>
    %swap3A_751 = vector.shape_cast %scan3A_684#10 : vector<16xf32> to vector<1x16xf32>
    tpu.vector_store %arg7[%swap3A_747, %swap3A_748], %swap3A_751 {strides = array<i32>} : memref<32x256xf32, #tpu.memory_space<vmem>>, vector<1x16xf32>,
    %swap3A_752 = arith.constant 31 : i32
    %swap3A_753 = arith.index_cast %swap3A_752 : i32 to index
    %swap3A_754 = arith.constant 176 : index
    %swap3A_755 = tpu.vector_load %arg7[%swap3A_753, %swap3A_754] {strides = array<i32>} : memref<32x256xf32, #tpu.memory_space<vmem>>, vector<1x16xf32>,
    %swap3A_756 = vector.shape_cast %swap3A_755 : vector<1x16xf32> to vector<16xf32>
    %swap3A_757 = vector.shape_cast %scan3A_684#11 : vector<16xf32> to vector<1x16xf32>
    tpu.vector_store %arg7[%swap3A_753, %swap3A_754], %swap3A_757 {strides = array<i32>} : memref<32x256xf32, #tpu.memory_space<vmem>>, vector<1x16xf32>,
    %swap3A_758 = arith.constant 31 : i32
    %swap3A_759 = arith.index_cast %swap3A_758 : i32 to index
    %swap3A_760 = arith.constant 192 : index
    %swap3A_761 = tpu.vector_load %arg7[%swap3A_759, %swap3A_760] {strides = array<i32>} : memref<32x256xf32, #tpu.memory_space<vmem>>, vector<1x16xf32>,
    %swap3A_762 = vector.shape_cast %swap3A_761 : vector<1x16xf32> to vector<16xf32>
    %swap3A_763 = vector.shape_cast %scan3A_684#12 : vector<16xf32> to vector<1x16xf32>
    tpu.vector_store %arg7[%swap3A_759, %swap3A_760], %swap3A_763 {strides = array<i32>} : memref<32x256xf32, #tpu.memory_space<vmem>>, vector<1x16xf32>,
    %swap3A_764 = arith.constant 31 : i32
    %swap3A_765 = arith.index_cast %swap3A_764 : i32 to index
    %swap3A_766 = arith.constant 208 : index
    %swap3A_767 = tpu.vector_load %arg7[%swap3A_765, %swap3A_766] {strides = array<i32>} : memref<32x256xf32, #tpu.memory_space<vmem>>, vector<1x16xf32>,
    %swap3A_768 = vector.shape_cast %swap3A_767 : vector<1x16xf32> to vector<16xf32>
    %swap3A_769 = vector.shape_cast %scan3A_684#13 : vector<16xf32> to vector<1x16xf32>
    tpu.vector_store %arg7[%swap3A_765, %swap3A_766], %swap3A_769 {strides = array<i32>} : memref<32x256xf32, #tpu.memory_space<vmem>>, vector<1x16xf32>,
    %swap3A_770 = arith.constant 31 : i32
    %swap3A_771 = arith.index_cast %swap3A_770 : i32 to index
    %swap3A_772 = arith.constant 224 : index
    %swap3A_773 = tpu.vector_load %arg7[%swap3A_771, %swap3A_772] {strides = array<i32>} : memref<32x256xf32, #tpu.memory_space<vmem>>, vector<1x16xf32>,
    %swap3A_774 = vector.shape_cast %swap3A_773 : vector<1x16xf32> to vector<16xf32>
    %swap3A_775 = vector.shape_cast %scan3A_684#14 : vector<16xf32> to vector<1x16xf32>
    tpu.vector_store %arg7[%swap3A_771, %swap3A_772], %swap3A_775 {strides = array<i32>} : memref<32x256xf32, #tpu.memory_space<vmem>>, vector<1x16xf32>,
    %swap3A_776 = arith.constant 31 : i32
    %swap3A_777 = arith.index_cast %swap3A_776 : i32 to index
    %swap3A_778 = arith.constant 240 : index
    %swap3A_779 = tpu.vector_load %arg7[%swap3A_777, %swap3A_778] {strides = array<i32>} : memref<32x256xf32, #tpu.memory_space<vmem>>, vector<1x16xf32>,
    %swap3A_780 = vector.shape_cast %swap3A_779 : vector<1x16xf32> to vector<16xf32>
    %swap3A_781 = vector.shape_cast %scan3A_684#15 : vector<16xf32> to vector<1x16xf32>
    tpu.vector_store %arg7[%swap3A_777, %swap3A_778], %swap3A_781 {strides = array<i32>} : memref<32x256xf32, #tpu.memory_space<vmem>>, vector<1x16xf32>,
    "tpu.region"() ({
      %run_scoped3A = tpu.sem_alloc : memref<!tpu.dma_semaphore, #tpu.memory_space<semaphore_mem>>
      %dma_start3A_782 = arith.constant 0 : i32
      %dma_start3A_783 = tpu.memref_slice %arg4[%mul3A_2, %dma_start3A_782] : memref<1024x256xf32, #tpu.memory_space<hbm>> -> memref<32x256xf32, #tpu.memory_space<hbm>>
      %dma_start3A_784 = arith.constant 0 : i32
      %dma_start3A_785 = tpu.memref_slice %arg4[%mul3A_2, %dma_start3A_784] : memref<1024x256xf32, #tpu.memory_space<hbm>> -> memref<32x256xf32, #tpu.memory_space<hbm>>
      tpu.enqueue_dma source(%arg7 : memref<32x256xf32, #tpu.memory_space<vmem>>) target(%dma_start3A_785 : memref<32x256xf32, #tpu.memory_space<hbm>>) target_semaphore(%run_scoped3A : memref<!tpu.dma_semaphore, #tpu.memory_space<semaphore_mem>>)
      %dma_wait3A_786 = arith.constant 0 : i32
      %dma_wait3A_787 = tpu.memref_slice %arg4[%mul3A_2, %dma_wait3A_786] : memref<1024x256xf32, #tpu.memory_space<hbm>> -> memref<32x256xf32, #tpu.memory_space<hbm>>
      %dma_wait3A_788 = arith.constant 0 : i32
      %dma_wait3A_789 = tpu.memref_slice %arg4[%mul3A_2, %dma_wait3A_788] : memref<1024x256xf32, #tpu.memory_space<hbm>> -> memref<32x256xf32, #tpu.memory_space<hbm>>
      tpu.wait_dma2 semaphore(%run_scoped3A : memref<!tpu.dma_semaphore, #tpu.memory_space<semaphore_mem>>) src(%arg7 : memref<32x256xf32, #tpu.memory_space<vmem>>) dst(%dma_wait3A_789 : memref<32x256xf32, #tpu.memory_space<hbm>>)
      tpu.yield
    }) : () -> ()
    return
  }
}

module attributes {stable_mosaic.version = 14 : i64} {
  func.func @_head_kernel(%arg0: memref<1024x256xf32, #tpu.memory_space<vmem>>, %arg1: memref<256x32xf32, #tpu.memory_space<vmem>>, %arg2: memref<32xf32, #tpu.memory_space<vmem>>, %arg3: memref<1024x32xf32, #tpu.memory_space<vmem>>) attributes {dimension_semantics = [], scalar_prefetch = 0 : i64, scratch_operands = 0 : i64, tpu.core_type = #tpu.core_type<tc>} {
    %get3A = arith.constant 0 : index
    %get3A_0 = arith.constant 0 : index
    %get3A_1 = vector.load %arg0[%get3A, %get3A_0] : memref<1024x256xf32, #tpu.memory_space<vmem>>, vector<1024x256xf32>
    %get3A_2 = arith.constant 0 : index
    %get3A_3 = arith.constant 0 : index
    %get3A_4 = vector.load %arg1[%get3A_2, %get3A_3] : memref<256x32xf32, #tpu.memory_space<vmem>>, vector<256x32xf32>
    %dot_general3A = arith.constant dense<0.000000e+00> : vector<1024x32xf32>
    %dot_general3A_5 = tpu.matmul %get3A_1, %get3A_4, %dot_general3A {dimension_numbers = #tpu.dot_dimension_numbers<[1], [0], [0], [1], [0, 0, 1, 1], [], []>, transpose_lhs_hint = false} : vector<1024x256xf32>, vector<256x32xf32>, vector<1024x32xf32> -> vector<1024x32xf32>
    %get3A_6 = arith.constant 0 : index
    %get3A_7 = vector.load %arg2[%get3A_6] : memref<32xf32, #tpu.memory_space<vmem>>, vector<32xf32>
    %broadcast_in_dim3A = vector.shape_cast %get3A_7 : vector<32xf32> to vector<1x32xf32>
    %add3A = vector.broadcast %broadcast_in_dim3A : vector<1x32xf32> to vector<1024x32xf32>
    %add3A_8 = arith.addf %dot_general3A_5, %add3A : vector<1024x32xf32>
    %reduce_max3A = arith.constant dense<0xFF800000> : vector<1024xf32>
    %reduce_max3A_9 = vector.multi_reduction <maximumf>, %add3A_8, %reduce_max3A [1] : vector<1024x32xf32> to vector<1024xf32>
    %broadcast_in_dim3A_10 = vector.shape_cast %reduce_max3A_9 : vector<1024xf32> to vector<1024x1xf32>
    %sub3A = vector.broadcast %broadcast_in_dim3A_10 : vector<1024x1xf32> to vector<1024x32xf32>
    %sub3A_11 = arith.subf %add3A_8, %sub3A : vector<1024x32xf32>
    %exp3A = math.exp %sub3A_11 : vector<1024x32xf32>
    %reduce_sum3A = arith.constant dense<0.000000e+00> : vector<1024xf32>
    %reduce_sum3A_12 = vector.multi_reduction <add>, %exp3A, %reduce_sum3A [1] : vector<1024x32xf32> to vector<1024xf32>
    %broadcast_in_dim3A_13 = vector.shape_cast %reduce_sum3A_12 : vector<1024xf32> to vector<1024x1xf32>
    %log3A = math.log %broadcast_in_dim3A_13 : vector<1024x1xf32>
    %sub3A_14 = vector.broadcast %log3A : vector<1024x1xf32> to vector<1024x32xf32>
    %sub3A_15 = arith.subf %sub3A_11, %sub3A_14 : vector<1024x32xf32>
    %swap3A = arith.constant 0 : index
    %swap3A_16 = arith.constant 0 : index
    %swap3A_17 = vector.load %arg3[%swap3A, %swap3A_16] : memref<1024x32xf32, #tpu.memory_space<vmem>>, vector<1024x32xf32>
    tpu.vector_store %arg3[%swap3A, %swap3A_16], %sub3A_15 {strides = array<i32>} : memref<1024x32xf32, #tpu.memory_space<vmem>>, vector<1024x32xf32>,
    return
  }
}

</mosaic_0001>

<sc_bundles>
// kernel: kernel.4.cloned.1.call-start
scs
__scs_entry_jumppad:
0x0: {  	(pc) =	sbr.rel $0x88, $3  }
0x1: {  	(tag) =	ssettag $0x0;
	lr =	simm.s32 $0x1  }
0x2: {  	[smem:$0x3F9D] =	sst lr;
	_ =	strace $0xD0000000  }
0x3: {  	_ = 	snop  }
0x4: {  	_ = 	snop  }
0x5: {  	_ = 	snop  }
0x6: {  	_ = 	snop  }
0x7: {  	_ = 	snop  }
__scs_overlays_trampoline_lowered:
0x8: {  	[smem:$0x3FAC] =	sst s0  }
0x9: {  	[smem:$0x3FAD] =	sst s1  }
0xa: {  	[smem:$0x3FAE] =	sst s2  }
0xb: {  	[smem:$0x3FAF] =	sst s3  }
0xc: {  	[smem:$0x3FB0] =	sst s4  }
0xd: {  	[smem:$0x3FB1] =	sst s5  }
0xe: {  	[smem:$0x3FB2] =	sst s6  }
0xf: {  	[smem:$0x3FB3] =	sst s7  }
0x10: {  	[smem:$0x3FB4] =	sst s8  }
0x11: {  	[smem:$0x3FB5] =	sst s9;
	s0 =	simm.s32 @!p0 $0x0  }
0x12: {  	s1 =	sld [smem:$0x3F9B];
	s0 =	simm.s32 @p0 $0x1  }
0x13: {  	[smem:$0x3FB6] =	sst s0;
	s0 =	simm.s32 @!p1 $0x0  }
0x14: {  	s2 =	sld [smem:$0x3F9A];
	s0 =	simm.s32 @p1 $0x1  }
0x15: {  	[smem:$0x3FB7] =	sst s0;
	s0 =	simm.s32 @!p2 $0x0  }
0x16: {  	s3 =	sld [smem:$0x3FDB];
	s0 =	simm.s32 @p2 $0x1  }
0x17: {  	s4 =	simm.s32 $0x1BF5;
	[smem:$0x3FB9] =	sst s0  }
0x18: {  	s0 =	sld [smem:$0x3F9C];
	_ =	swait.ge [sflag:s4], $0x0  }
0x19: {  	s7 =	sld [smem:$0x3F9D]  }
0x1a: {  	s8 =	sadd.s32 $0xFFFFE003, lr  }
0x1b: {  	s9 =	sadd.s32 $0xFFFFFEF7, lr;
	s5 =	simm.s32 $0xFFFFFFFF;
	p2 =	slt.u32 s8, $0xFFFFF086  }
0x1c: {  	p1 =	slt.u32 s9, $0xF7A;
	s5 =	simm.s32 @!p2 $0x0  }
0x1d: {  	s5 =	simm.s32 @p1 $0x1;
	p0 =	seq.s32 s7, s2  }
0x1e: {  	s7 =	smul.u32 @!p0 $0xF7A, s2;
	p2 =	seq.s32 @!p0 s5, $0x0  }
0x1f: {  	s9 =	smul.u32 $0xF7A, s1;
	s8 =	simm.s32 @!p0 $0x1BF5;
	p2 =	por !p2, p0  }
0x20: {  	[sflag:s8] =	ssyncset.s32 @!p0 $0xFFFFF086;
	s6 =	sadd.s32 @!p0 s3, s7;
	s7 =	simm.s32 @!p0 $0x108  }
0x21: {  	s3 =	sadd.s32 s3, s9;
	s6 =	sadd.s32 @!p0 $0x88, s6;
	s7 =	simm.s32 @p2 $0x1082  }
0x22: {  	[simem:s7], [sflag:s8] =	dma.local @!p0 [hbm:s6], $0xF7A  }
0x23: {  	s9 =	sor.u32 $0xD0000000, s2;
	s6 =	simm.s32 $0x108;
	_ =	swait.ge @!p0 [sflag:s8], $0x0  }
0x24: {  	s3 =	sadd.s32 $0x88, s3;
	s6 =	simm.s32 @!p1 $0x1082;
	[sflag:s4] =	ssyncset.s32 $0xFFFFF086  }
0x25: {  	[simem:s6], [sflag:s4] =	dma.local [hbm:s3], $0xF7A  }
0x26: {  	[smem:$0x3F9D] =	sst s1;
	(tag) =	ssettag s2;
	_ =	strace s9  }
0x27: {  	s1 =	sld [smem:$0x3FAD]  }
0x28: {  	s2 =	sld [smem:$0x3FAE]  }
0x29: {  	s4 =	sld [smem:$0x3FB0]  }
0x2a: {  	p0 =	seq.s32 s5, $0x0;
	s5 =	sld [smem:$0x3FB1]  }
0x2b: {  	s6 =	sld [smem:$0x3FB2]  }
0x2c: {  	s7 =	sld [smem:$0x3FB3]  }
0x2d: {  	s3 =	simm.s32 $0x108;
	s8 =	sld [smem:$0x3FB4]  }
0x2e: {  	s3 =	simm.s32 @!p0 $0x1082;
	s9 =	sld [smem:$0x3FB5]  }
0x2f: {  	lr =	sadd.s32 s0, s3;
	s0 =	sld [smem:$0x3FAC]  }
0x30: {  	s3 =	sld [smem:$0x3FAF]  }
0x31: {  	[smem:$0x3FB8] =	sst s10  }
0x32: {  	s10 =	sld [smem:$0x3FB6];
	_ =	sdelay $0x3  }
0x33: {  	p0 =	seq.s32 s10, $0x1;
	s10 =	sld [smem:$0x3FB8];
	_ =	sdelay $0x3  }
0x34: {  	[smem:$0x3FB8] =	sst s10  }
0x35: {  	s10 =	sld [smem:$0x3FB7];
	_ =	sdelay $0x3  }
0x36: {  	p1 =	seq.s32 s10, $0x1;
	s10 =	sld [smem:$0x3FB8];
	_ =	sdelay $0x3  }
0x37: {  	[smem:$0x3FB8] =	sst s10  }
0x38: {  	s10 =	sld [smem:$0x3FB9]  }
0x39: {  	_ = 	snop;
	(pc) =	sbr.ind lr, $3  }
0x3a: {  	_ = 	snop  }
0x3b: {  	_ = 	snop  }
0x3c: {  	p2 =	seq.s32 s10, $0x1;
	s10 =	sld [smem:$0x3FB8]  }
0x3d: {  	_ =	shalt  }
0x3e: {  	_ =	shalt  }
0x3f: {  	_ =	shalt  }
0x40: {  	_ =	shalt  }
0x41: {  	_ =	shalt  }
0x42: {  	_ =	shalt  }
0x43: {  	_ =	shalt  }
0x44: {  	_ =	shalt  }
0x45: {  	_ =	shalt  }
0x46: {  	_ =	shalt  }
0x47: {  	_ =	shalt  }
0x48: {  	_ =	shalt  }
0x49: {  	_ =	shalt  }
0x4a: {  	_ =	shalt  }
0x4b: {  	_ =	shalt  }
0x4c: {  	_ =	shalt  }
0x4d: {  	_ =	shalt  }
0x4e: {  	_ =	shalt  }
0x4f: {  	_ =	shalt  }
0x50: {  	_ =	shalt  }
0x51: {  	_ =	shalt  }
0x52: {  	_ =	shalt  }
0x53: {  	_ =	shalt  }
0x54: {  	_ =	shalt  }
0x55: {  	_ =	shalt  }
0x56: {  	_ =	shalt  }
0x57: {  	_ =	shalt  }
0x58: {  	_ =	shalt  }
0x59: {  	_ =	shalt  }
0x5a: {  	_ =	shalt  }
0x5b: {  	_ =	shalt  }
0x5c: {  	_ =	shalt  }
0x5d: {  	_ =	shalt  }
0x5e: {  	_ =	shalt  }
0x5f: {  	_ =	shalt  }
0x60: {  	_ =	shalt  }
0x61: {  	_ =	shalt  }
0x62: {  	_ =	shalt  }
0x63: {  	_ =	shalt  }
0x64: {  	_ =	shalt  }
0x65: {  	_ =	shalt  }
0x66: {  	_ =	shalt  }
0x67: {  	_ =	shalt  }
0x68: {  	_ =	shalt  }
0x69: {  	_ =	shalt  }
0x6a: {  	_ =	shalt  }
0x6b: {  	_ =	shalt  }
0x6c: {  	_ =	shalt  }
0x6d: {  	_ =	shalt  }
0x6e: {  	_ =	shalt  }
0x6f: {  	_ =	shalt  }
0x70: {  	_ =	shalt  }
0x71: {  	_ =	shalt  }
0x72: {  	_ =	shalt  }
0x73: {  	_ =	shalt  }
0x74: {  	_ =	shalt  }
0x75: {  	_ =	shalt  }
0x76: {  	_ =	shalt  }
0x77: {  	_ =	shalt  }
0x78: {  	_ =	shalt  }
0x79: {  	_ =	shalt  }
0x7a: {  	_ =	shalt  }
0x7b: {  	_ =	shalt  }
0x7c: {  	_ =	shalt  }
0x7d: {  	_ =	shalt  }
0x7e: {  	_ =	shalt  }
0x7f: {  	_ =	shalt  }
0x80: {  	_ =	shalt  }
0x81: {  	_ =	shalt  }
0x82: {  	_ =	shalt  }
0x83: {  	_ =	shalt  }
0x84: {  	_ =	shalt  }
0x85: {  	_ =	shalt  }
0x86: {  	_ =	shalt  }
0x87: {  	_ =	shalt  }
.Lfunc_end0:
.L_simem_size_0:
called_computation_lowered:
.L_overlay_start_0:
0x88: {  	s2 =	sld [smem:$0x3FD9]  }
0x89: {  	s3 =	sld [smem:$0x3FFE];
	_ =	sdelay $0x1  }
0x8a: {  	s1 =	srdreg.scid  }
0x8b: {  	s0 =	sand.u32 $0x1, s1  }
0x8c: {  	s17 =	sshll.u32 s0, $0xA;
	s2 =	sadd.s32 s3, s2  }
0x8d: {  	s2 =	sadd.s32 s2, s17  }
0x8e: {  	[smem:$0x3FC4] =	sst s2  }
0x8f: {  	_ = 	snop  }
0x90: {  	s2 =	sld [smem:$0x3FC9]  }
0x91: {  	s18 =	sld [smem:$0x3FC8];
	(tm) =	ssettm $0x1  }
0x92: {  	s4 =	sld [smem:$0x3FFB];
	_ =	sdelay $0x3  }
0x93: {  	_ =	strace s4  }
0x94: {  	s4 =	sld [smem:$0x3FFC];
	_ =	sdelay $0x3  }
0x95: {  	_ =	strace s4  }
0x96: {  	s4 =	sld [smem:$0x3FFD];
	_ =	sdelay $0x3  }
0x97: {  	_ =	strace s4  }
0x98: {  	_ =	strace $0x8FFFFFFF  }
0x99: {  	s19 =	sld [smem:$0x3FDB];
	_ =	sdelay $0x1  }
0x9a: {  	s5 =	simm.s32 $_scs_section_size  }
0x9b: {  	s6 =	simm.s32 $_size__tile_overlayer_lowered;
	s7 =	simm.s32 $_tile_overlayer_lowered  }
0x9c: {  	s22 =	simm.s32 $0x1BFF;
	s21 =	sshll.u32 s7, $0x1;
	s4 =	sadd.s32 s5, s19  }
0x9d: {  	s8 =	simm.s32 $0x0;
	s20 =	sshll.u32 s6, $0x1;
	s6 =	sadd.s32 s21, s4  }
0x9e: {  	[timem:s8], [sflag:s22] =	dma.local [hbm:s6], s20  }
0x9f: {  	_ =	swait.ge [sflag:s22], s20  }
0xa0: {  	s5 =	ssub.s32 $0x0, s20;
	[sflag:s22] =	ssyncset.done $0x0  }
0xa1: {  	[sflag:s22] =	ssyncadd.s32 s5;
	_ =	sdelay $0x1  }
0xa2: {  	s23 =	simm.s32 $0x1B8B  }
0xa3: {  	_ =	swait.ge [sflag:s23], $0x1  }
0xa4: {  	[sflag:s23] =	ssyncset.done $0x0  }
0xa5: {  	s25 =	simm.s32 $0x1B8E;
	s24 =	sld [smem:$0x3FFE];
	[sflag:s23] =	ssyncadd.s32 $0xFFFFFFFF  }
0xa6: {  	s26 =	simm.s32 $execute0_lowered;
	[smem:$0x3FD2] =	sst s25  }
0xa7: {  	s6 =	sshll.u32 s26, $0x1;
	_ =	strace $0x80000046;
	[dreg:$0x1] =	wrdreg $0xFFFFFFFF  }
0xa8: {  	s28 =	simm.s32 $_size_execute0_lowered;
	s4 =	sadd.s32 s4, s6;
	[dreg:$0x0] =	wrdreg $0x0  }
0xa9: {  	s6 =	sshll.u32 s28, $0x1;
	[dreg:$0x2] =	wrdreg s4  }
0xaa: {  	[dreg:$0x3] =	wrdreg s6  }
0xab: {  	[dreg:$0x4] =	wrdreg $0xC0  }
0xac: {  	_ =	task [dreg:s8], $0x5FFFF  }
0xad: {  	[dreg:$0x1] =	wrdreg $0xFFFFFFFF  }
0xae: {  	[dreg:$0x0] =	wrdreg $0x60  }
0xaf: {  	[dreg:$0x2] =	wrdreg s2  }
0xb0: {  	[dreg:$0x3] =	wrdreg s18  }
0xb1: {  	[dreg:$0x4] =	wrdreg s24  }
0xb2: {  	[dreg:$0x5] =	wrdreg $0x9  }
0xb3: {  	_ =	task.clear_ibuf [dreg:s8], $0x6FFFF;
	_ =	strace $0x90000046  }
0xb4: {  	s29 =	simm.s32 $0x9;
	_ =	strace $0x80000048  }
0xb5: {  	_ =	swait.ge [sflag:s29], $0x1  }
0xb6: {  	[sflag:s29] =	ssyncadd.s32 $0xFFFFFFFF  }
0xb7: {  	_ =	strace $0x90000048  }
0xb8: {  	_ =	sfence  }
0xb9: {  	s30 =	sld [smem:$0x0];
	_ =	sdelay $0x2  }
0xba: {  	s31 =	sshll.u32 s1, $0xD;
	s1 =	sshrl.u32 s1, $0x2  }
0xbb: {  	s3 =	sand.u32 $0x4000, s31;
	s1 =	sadd.s32 s1, s30  }
0xbc: {  	s0 =	sor.u32 s3, s0;
	s1 =	sshll.u32 s1, $0x11  }
0xbd: {  	s0 =	sor.u32 s1, s0  }
0xbe: {  	s0 =	sadd.s32 $0x8F2B, s0  }
0xbf: {  	[sflag:s0] =	ssyncadd.remote.s32 $0x1  }
0xc0: {  	_ =	sfence.sel $0xFFFF  }
0xc1: {  	[dreg:$0x0] =	wrdreg $0xFFFFFFFF;
	(pc) =	sbr.abs _section_cstart, $3  }
0xc2: {  	[dreg:$0x1] =	wrdreg $0xFFFFFFFF  }
0xc3: {  	_ =	task.clear_ibuf [dreg:s8], $0x2FFFF;
	_ =	strace $0x9FFFFFFF  }
0xc4: {  	(tm) =	ssettm $0x7FFFFFFF  }
0xc5: {  	_ =	shalt  }
tec
execute0_lowered:
.L_overlay_start_1:
0x0: {  	(tag) =	ssettag $0x1  }
0x1: {  	s1 =	rddreg [dreg:$0x0]  }
0x2: {  	s0 =	rddreg [dreg:$0x1]  }
0x3: {  	s2 =	rddreg [dreg:$0x2];
	s4 =	srdreg.scid  }
0x4: {  	s5 =	stileid.u32;
	s3 =	simm.s32 $0x0;
	s15 =	simm.s32 $0x4  }
0x5: {  	s22 =	simm.s32 $0x8000;
	s23 =	simm.s32 $0x8800;
	s24 =	simm.s32 $0x9000  }
0x6: {  	s28 =	simm.s32 $0xA800;
	s29 =	simm.s32 $0xB000;
	s30 =	simm.s32 $0xB800  }
0x7: {  	s31 =	simm.s32 $0xC000;
	s8 =	simm.s32 $0xF800;
	s9 =	simm.s32 $0x10000  }
0x8: {  	s10 =	simm.s32 $0x10800;
	s11 =	simm.s32 $0x1;
	s12 =	simm.s32 $0x2  }
0x9: {  	s13 =	simm.s32 $0x3;
	s4 =	sand.u32 $0x1, s4;
	s5 =	sshll.u32 s5, $0x1  }
0xa: {  	s16 =	simm.s32 $0x0;
	[smem:$0x7FF] =	sst s3;
	s5 =	sor.u32 s4, s5  }
0xb: {  	s4 =	ssub.s32 $0x2, s4;
	_ =	strace $0x80000047;
	s6 =	sshll.u32 s5, $0xA  }
0xc: {  	s7 =	sshrl.u32 s4, $0x1;
	s5 =	sshll.u32 s5, $0x9;
	s2 =	sadd.s32 s6, s2  }
0xd: {  	s4 =	ssub.s32 s4, s7;
	s0 =	sadd.s32 s0, s5;
	s5 =	simm.s32 $0xE000  }
0xe: {  	s6 =	simm.s32 $0xE800;
	s7 =	simm.s32 $0xF000;
	[dreg:$0x4] =	wrdreg s0  }
0xf: {  	v2 =	vlaneseq.u32;
	s25 =	sadd.s32 $0xA00, s2;
	s26 =	smax.u32 s4, $0x1;
	s0 =	simm.s32 $0xC800  }
0x10: {  	vm0 =	vmmov $0xffff;
	v1 =	vshrl.u32 v2, $0x3;
	s2 =	simm.s32 $0xD000;
	s4 =	simm.s32 $0xD800;
	[dreg:$0x5] =	wrdreg s25  }
0x11: {  	v0 =	vand.u32 $0x7, v2;
	v2 =	vor.u32 $0x8, v2;
	v1 =	vmul.u32 $0x8, v1;
	[dreg:$0x6] =	wrdreg s26;
	s25 =	simm.s32 $0x9800;
	s26 =	simm.s32 $0xA000  }
.LBB2_1:
0x12: {  	[dreg:$0x7] =	wrdreg s16  }
0x13: {  	s14 =	rddreg [dreg:$0x4]  }
0x14: {  	[tilespmem:s3], [sflag:$0x4] =	stream.linear.gather [hbm4b:s14+s3], $0x1000, $0x38;
	[tilespmem:$0x1B000] =	vst v63  }
0x15: {  	_ =	swait.ge [sflag:s15], $0x1000  }
0x16: {  	[sflag:s15] =	ssyncset.done $0x0  }
0x17: {  	[sflag:s15] =	ssyncadd.s32 $0xFFFFF000  }
0x18: {  	v3 =	vld [tilespmem:$0x0];
	_ =	sdelay $0x4  }
0x19: {  	v4 =	vshll.u32 v3, $0x1  }
0x1a: {  	v3 =	vand.u32 $0x7, v3;
	v4 =	vand.u32 $0xFFFFFFF0, v4  }
0x1b: {  	v3 =	vor.u32 v3, v4  }
0x1c: {  	v4 =	vperm.xlane v3, v0;
	_ =	sdelay $0x1  }
0x1d: {  	v3 =	vperm.xlane v3, v2;
	v4 =	vadd.s32 v1, v4;
	_ =	sdelay $0x1  }
0x1e: {  	v3 =	vadd.s32 v1, v3;
	_ =	sdelay $0x1  }
0x1f: {  	s20 =	simm.s32 $0x1000  }
0x20: {  	[tilespmem:s20], [sflag:$0x1] =	stream.indirect_vreg.gather [hbm4b:s1+s3], $0x80, v4, vm0, $0xb8;
	[tilespmem:$0x1B000] =	vst v63  }
0x21: {  	s21 =	simm.s32 $0x1800  }
0x22: {  	[tilespmem:s21], [sflag:$0x1] =	stream.indirect_vreg.gather [hbm4b:s1+s3], $0x80, v3, vm0, $0xb8;
	[tilespmem:$0x1B000] =	vst v63  }
0x23: {  	v3 =	vld [tilespmem:$0x10];
	_ =	sdelay $0x4  }
0x24: {  	v41 =	vshll.u32 v3, $0x1  }
0x25: {  	v3 =	vand.u32 $0x7, v3;
	v4 =	vand.u32 $0xFFFFFFF0, v41  }
0x26: {  	v3 =	vor.u32 v3, v4  }
0x27: {  	v4 =	vperm.xlane v3, v0;
	_ =	sdelay $0x1  }
0x28: {  	v3 =	vperm.xlane v3, v2;
	v4 =	vadd.s32 v1, v4;
	_ =	sdelay $0x1  }
0x29: {  	v3 =	vadd.s32 v1, v3;
	_ =	sdelay $0x1  }
0x2a: {  	s15 =	simm.s32 $0x2000  }
0x2b: {  	[tilespmem:s15], [sflag:$0x1] =	stream.indirect_vreg.gather [hbm4b:s1+s3], $0x80, v4, vm0, $0xb8;
	[tilespmem:$0x1B000] =	vst v63  }
0x2c: {  	s16 =	simm.s32 $0x2800  }
0x2d: {  	[tilespmem:s16], [sflag:$0x1] =	stream.indirect_vreg.gather [hbm4b:s1+s3], $0x80, v3, vm0, $0xb8;
	[tilespmem:$0x1B000] =	vst v63  }
0x2e: {  	v3 =	vld [tilespmem:$0x20];
	_ =	sdelay $0x4  }
0x2f: {  	v42 =	vshll.u32 v3, $0x1  }
0x30: {  	v3 =	vand.u32 $0x7, v3;
	v4 =	vand.u32 $0xFFFFFFF0, v42  }
0x31: {  	v3 =	vor.u32 v3, v4  }
0x32: {  	v4 =	vperm.xlane v3, v0;
	_ =	sdelay $0x1  }
0x33: {  	v3 =	vperm.xlane v3, v2;
	v4 =	vadd.s32 v1, v4;
	_ =	sdelay $0x1  }
0x34: {  	v3 =	vadd.s32 v1, v3;
	_ =	sdelay $0x1  }
0x35: {  	s17 =	simm.s32 $0x3000  }
0x36: {  	[tilespmem:s17], [sflag:$0x1] =	stream.indirect_vreg.gather [hbm4b:s1+s3], $0x80, v4, vm0, $0xb8;
	[tilespmem:$0x1B000] =	vst v63  }
0x37: {  	s18 =	simm.s32 $0x3800  }
0x38: {  	[tilespmem:s18], [sflag:$0x1] =	stream.indirect_vreg.gather [hbm4b:s1+s3], $0x80, v3, vm0, $0xb8;
	[tilespmem:$0x1B000] =	vst v63  }
0x39: {  	v3 =	vld [tilespmem:$0x30];
	_ =	sdelay $0x4  }
0x3a: {  	v43 =	vshll.u32 v3, $0x1  }
0x3b: {  	v3 =	vand.u32 $0x7, v3;
	v4 =	vand.u32 $0xFFFFFFF0, v43  }
0x3c: {  	v3 =	vor.u32 v3, v4  }
0x3d: {  	v4 =	vperm.xlane v3, v0;
	_ =	sdelay $0x1  }
0x3e: {  	v3 =	vperm.xlane v3, v2;
	v4 =	vadd.s32 v1, v4;
	_ =	sdelay $0x1  }
0x3f: {  	v3 =	vadd.s32 v1, v3;
	_ =	sdelay $0x1  }
0x40: {  	s19 =	simm.s32 $0x4000  }
0x41: {  	[tilespmem:s19], [sflag:$0x1] =	stream.indirect_vreg.gather [hbm4b:s1+s3], $0x80, v4, vm0, $0xb8;
	[tilespmem:$0x1B000] =	vst v63  }
0x42: {  	s20 =	simm.s32 $0x4800  }
0x43: {  	[tilespmem:s20], [sflag:$0x1] =	stream.indirect_vreg.gather [hbm4b:s1+s3], $0x80, v3, vm0, $0xb8;
	[tilespmem:$0x1B000] =	vst v63  }
0x44: {  	v3 =	vld [tilespmem:$0x40];
	_ =	sdelay $0x4  }
0x45: {  	v44 =	vshll.u32 v3, $0x1  }
0x46: {  	v3 =	vand.u32 $0x7, v3;
	v4 =	vand.u32 $0xFFFFFFF0, v44  }
0x47: {  	v3 =	vor.u32 v3, v4  }
0x48: {  	v4 =	vperm.xlane v3, v0;
	_ =	sdelay $0x1  }
0x49: {  	v3 =	vperm.xlane v3, v2;
	v4 =	vadd.s32 v1, v4;
	_ =	sdelay $0x1  }
0x4a: {  	v3 =	vadd.s32 v1, v3;
	_ =	sdelay $0x1  }
0x4b: {  	s21 =	simm.s32 $0x5000  }
0x4c: {  	[tilespmem:s21], [sflag:$0x1] =	stream.indirect_vreg.gather [hbm4b:s1+s3], $0x80, v4, vm0, $0xb8;
	[tilespmem:$0x1B000] =	vst v63  }
0x4d: {  	s15 =	simm.s32 $0x5800  }
0x4e: {  	[tilespmem:s15], [sflag:$0x1] =	stream.indirect_vreg.gather [hbm4b:s1+s3], $0x80, v3, vm0, $0xb8;
	[tilespmem:$0x1B000] =	vst v63  }
0x4f: {  	v3 =	vld [tilespmem:$0x50];
	_ =	sdelay $0x4  }
0x50: {  	v45 =	vshll.u32 v3, $0x1  }
0x51: {  	v3 =	vand.u32 $0x7, v3;
	v4 =	vand.u32 $0xFFFFFFF0, v45  }
0x52: {  	v3 =	vor.u32 v3, v4  }
0x53: {  	v4 =	vperm.xlane v3, v0;
	_ =	sdelay $0x1  }
0x54: {  	v3 =	vperm.xlane v3, v2;
	v4 =	vadd.s32 v1, v4;
	_ =	sdelay $0x1  }
0x55: {  	v3 =	vadd.s32 v1, v3;
	_ =	sdelay $0x1  }
0x56: {  	s16 =	simm.s32 $0x6000  }
0x57: {  	[tilespmem:s16], [sflag:$0x1] =	stream.indirect_vreg.gather [hbm4b:s1+s3], $0x80, v4, vm0, $0xb8;
	[tilespmem:$0x1B000] =	vst v63  }
0x58: {  	s17 =	simm.s32 $0x6800  }
0x59: {  	[tilespmem:s17], [sflag:$0x1] =	stream.indirect_vreg.gather [hbm4b:s1+s3], $0x80, v3, vm0, $0xb8;
	[tilespmem:$0x1B000] =	vst v63  }
0x5a: {  	v3 =	vld [tilespmem:$0x60];
	_ =	sdelay $0x4  }
0x5b: {  	v46 =	vshll.u32 v3, $0x1  }
0x5c: {  	v3 =	vand.u32 $0x7, v3;
	v4 =	vand.u32 $0xFFFFFFF0, v46  }
0x5d: {  	v3 =	vor.u32 v3, v4  }
0x5e: {  	v4 =	vperm.xlane v3, v0;
	_ =	sdelay $0x1  }
0x5f: {  	v3 =	vperm.xlane v3, v2;
	v4 =	vadd.s32 v1, v4;
	_ =	sdelay $0x1  }
0x60: {  	v3 =	vadd.s32 v1, v3;
	_ =	sdelay $0x1  }
0x61: {  	s18 =	simm.s32 $0x7000  }
0x62: {  	[tilespmem:s18], [sflag:$0x1] =	stream.indirect_vreg.gather [hbm4b:s1+s3], $0x80, v4, vm0, $0xb8;
	[tilespmem:$0x1B000] =	vst v63  }
0x63: {  	s19 =	simm.s32 $0x7800  }
0x64: {  	[tilespmem:s19], [sflag:$0x1] =	stream.indirect_vreg.gather [hbm4b:s1+s3], $0x80, v3, vm0, $0xb8;
	[tilespmem:$0x1B000] =	vst v63  }
0x65: {  	v3 =	vld [tilespmem:$0x70];
	_ =	sdelay $0x4  }
0x66: {  	v47 =	vshll.u32 v3, $0x1  }
0x67: {  	v3 =	vand.u32 $0x7, v3;
	v4 =	vand.u32 $0xFFFFFFF0, v47  }
0x68: {  	v3 =	vor.u32 v3, v4  }
0x69: {  	v4 =	vperm.xlane v3, v0;
	_ =	sdelay $0x1  }
0x6a: {  	v3 =	vperm.xlane v3, v2;
	v4 =	vadd.s32 v1, v4;
	_ =	sdelay $0x1  }
0x6b: {  	v3 =	vadd.s32 v1, v3;
	_ =	sdelay $0x2  }
0x6c: {  	[tilespmem:s22], [sflag:$0x1] =	stream.indirect_vreg.gather [hbm4b:s1+s3], $0x80, v4, vm0, $0xb8;
	[tilespmem:$0x1B000] =	vst v63  }
0x6d: {  	_ = 	snop  }
0x6e: {  	[tilespmem:s23], [sflag:$0x1] =	stream.indirect_vreg.gather [hbm4b:s1+s3], $0x80, v3, vm0, $0xb8;
	[tilespmem:$0x1B000] =	vst v63  }
0x6f: {  	v3 =	vld [tilespmem:$0x80];
	_ =	sdelay $0x4  }
0x70: {  	v48 =	vshll.u32 v3, $0x1  }
0x71: {  	v3 =	vand.u32 $0x7, v3;
	v4 =	vand.u32 $0xFFFFFFF0, v48  }
0x72: {  	v3 =	vor.u32 v3, v4  }
0x73: {  	v4 =	vperm.xlane v3, v0;
	_ =	sdelay $0x1  }
0x74: {  	v3 =	vperm.xlane v3, v2;
	v4 =	vadd.s32 v1, v4;
	_ =	sdelay $0x1  }
0x75: {  	v3 =	vadd.s32 v1, v3;
	_ =	sdelay $0x2  }
0x76: {  	[tilespmem:s24], [sflag:$0x2] =	stream.indirect_vreg.gather [hbm4b:s1+s3], $0x80, v4, vm0, $0xb8;
	[tilespmem:$0x1B000] =	vst v63  }
0x77: {  	_ = 	snop  }
0x78: {  	[tilespmem:s25], [sflag:$0x2] =	stream.indirect_vreg.gather [hbm4b:s1+s3], $0x80, v3, vm0, $0xb8;
	[tilespmem:$0x1B000] =	vst v63  }
0x79: {  	v3 =	vld [tilespmem:$0x90];
	_ =	sdelay $0x4  }
0x7a: {  	v49 =	vshll.u32 v3, $0x1  }
0x7b: {  	v3 =	vand.u32 $0x7, v3;
	v4 =	vand.u32 $0xFFFFFFF0, v49  }
0x7c: {  	v3 =	vor.u32 v3, v4  }
0x7d: {  	v4 =	vperm.xlane v3, v0;
	_ =	sdelay $0x1  }
0x7e: {  	v3 =	vperm.xlane v3, v2;
	v4 =	vadd.s32 v1, v4;
	_ =	sdelay $0x1  }
0x7f: {  	v3 =	vadd.s32 v1, v3;
	_ =	sdelay $0x2  }
0x80: {  	[tilespmem:s26], [sflag:$0x2] =	stream.indirect_vreg.gather [hbm4b:s1+s3], $0x80, v4, vm0, $0xb8;
	[tilespmem:$0x1B000] =	vst v63  }
0x81: {  	_ = 	snop  }
0x82: {  	[tilespmem:s28], [sflag:$0x2] =	stream.indirect_vreg.gather [hbm4b:s1+s3], $0x80, v3, vm0, $0xb8;
	[tilespmem:$0x1B000] =	vst v63  }
0x83: {  	v3 =	vld [tilespmem:$0xA0];
	_ =	sdelay $0x4  }
0x84: {  	v50 =	vshll.u32 v3, $0x1  }
0x85: {  	v3 =	vand.u32 $0x7, v3;
	v4 =	vand.u32 $0xFFFFFFF0, v50  }
0x86: {  	v3 =	vor.u32 v3, v4  }
0x87: {  	v4 =	vperm.xlane v3, v0;
	_ =	sdelay $0x1  }
0x88: {  	v3 =	vperm.xlane v3, v2;
	v4 =	vadd.s32 v1, v4;
	_ =	sdelay $0x1  }
0x89: {  	v3 =	vadd.s32 v1, v3;
	_ =	sdelay $0x2  }
0x8a: {  	[tilespmem:s29], [sflag:$0x2] =	stream.indirect_vreg.gather [hbm4b:s1+s3], $0x80, v4, vm0, $0xb8;
	[tilespmem:$0x1B000] =	vst v63  }
0x8b: {  	_ = 	snop  }
0x8c: {  	[tilespmem:s30], [sflag:$0x2] =	stream.indirect_vreg.gather [hbm4b:s1+s3], $0x80, v3, vm0, $0xb8;
	[tilespmem:$0x1B000] =	vst v63  }
0x8d: {  	v3 =	vld [tilespmem:$0xB0];
	_ =	sdelay $0x4  }
0x8e: {  	v51 =	vshll.u32 v3, $0x1  }
0x8f: {  	v3 =	vand.u32 $0x7, v3;
	v4 =	vand.u32 $0xFFFFFFF0, v51  }
0x90: {  	v3 =	vor.u32 v3, v4  }
0x91: {  	v4 =	vperm.xlane v3, v0;
	_ =	sdelay $0x1  }
0x92: {  	v3 =	vperm.xlane v3, v2;
	v4 =	vadd.s32 v1, v4;
	_ =	sdelay $0x1  }
0x93: {  	v3 =	vadd.s32 v1, v3;
	_ =	sdelay $0x2  }
0x94: {  	[tilespmem:s31], [sflag:$0x2] =	stream.indirect_vreg.gather [hbm4b:s1+s3], $0x80, v4, vm0, $0xb8;
	[tilespmem:$0x1B000] =	vst v63  }
0x95: {  	_ = 	snop  }
0x96: {  	[tilespmem:s0], [sflag:$0x2] =	stream.indirect_vreg.gather [hbm4b:s1+s3], $0x80, v3, vm0, $0xb8;
	[tilespmem:$0x1B000] =	vst v63  }
0x97: {  	v3 =	vld [tilespmem:$0xC0];
	_ =	sdelay $0x4  }
0x98: {  	v52 =	vshll.u32 v3, $0x1  }
0x99: {  	v3 =	vand.u32 $0x7, v3;
	v4 =	vand.u32 $0xFFFFFFF0, v52  }
0x9a: {  	v3 =	vor.u32 v3, v4  }
0x9b: {  	v4 =	vperm.xlane v3, v0;
	_ =	sdelay $0x1  }
0x9c: {  	v3 =	vperm.xlane v3, v2;
	v4 =	vadd.s32 v1, v4;
	_ =	sdelay $0x1  }
0x9d: {  	v3 =	vadd.s32 v1, v3;
	_ =	sdelay $0x2  }
0x9e: {  	[tilespmem:s2], [sflag:$0x2] =	stream.indirect_vreg.gather [hbm4b:s1+s3], $0x80, v4, vm0, $0xb8;
	[tilespmem:$0x1B000] =	vst v63  }
0x9f: {  	_ = 	snop  }
0xa0: {  	[tilespmem:s4], [sflag:$0x2] =	stream.indirect_vreg.gather [hbm4b:s1+s3], $0x80, v3, vm0, $0xb8;
	[tilespmem:$0x1B000] =	vst v63  }
0xa1: {  	v3 =	vld [tilespmem:$0xD0];
	_ =	sdelay $0x4  }
0xa2: {  	v53 =	vshll.u32 v3, $0x1  }
0xa3: {  	v3 =	vand.u32 $0x7, v3;
	v4 =	vand.u32 $0xFFFFFFF0, v53  }
0xa4: {  	v3 =	vor.u32 v3, v4  }
0xa5: {  	v4 =	vperm.xlane v3, v0;
	_ =	sdelay $0x1  }
0xa6: {  	v3 =	vperm.xlane v3, v2;
	v4 =	vadd.s32 v1, v4;
	_ =	sdelay $0x1  }
0xa7: {  	v3 =	vadd.s32 v1, v3;
	_ =	sdelay $0x2  }
0xa8: {  	[tilespmem:s5], [sflag:$0x2] =	stream.indirect_vreg.gather [hbm4b:s1+s3], $0x80, v4, vm0, $0xb8;
	[tilespmem:$0x1B000] =	vst v63  }
0xa9: {  	_ = 	snop  }
0xaa: {  	[tilespmem:s6], [sflag:$0x2] =	stream.indirect_vreg.gather [hbm4b:s1+s3], $0x80, v3, vm0, $0xb8;
	[tilespmem:$0x1B000] =	vst v63  }
0xab: {  	v3 =	vld [tilespmem:$0xE0];
	_ =	sdelay $0x4  }
0xac: {  	v54 =	vshll.u32 v3, $0x1  }
0xad: {  	v3 =	vand.u32 $0x7, v3;
	v4 =	vand.u32 $0xFFFFFFF0, v54  }
0xae: {  	v3 =	vor.u32 v3, v4  }
0xaf: {  	v4 =	vperm.xlane v3, v0;
	_ =	sdelay $0x1  }
0xb0: {  	v3 =	vperm.xlane v3, v2;
	v4 =	vadd.s32 v1, v4;
	_ =	sdelay $0x1  }
0xb1: {  	v3 =	vadd.s32 v1, v3;
	_ =	sdelay $0x2  }
0xb2: {  	[tilespmem:s7], [sflag:$0x2] =	stream.indirect_vreg.gather [hbm4b:s1+s3], $0x80, v4, vm0, $0xb8;
	[tilespmem:$0x1B000] =	vst v63  }
0xb3: {  	_ = 	snop  }
0xb4: {  	[tilespmem:s8], [sflag:$0x2] =	stream.indirect_vreg.gather [hbm4b:s1+s3], $0x80, v3, vm0, $0xb8;
	[tilespmem:$0x1B000] =	vst v63  }
0xb5: {  	v3 =	vld [tilespmem:$0xF0];
	_ =	sdelay $0x4  }
0xb6: {  	v55 =	vshll.u32 v3, $0x1  }
0xb7: {  	v3 =	vand.u32 $0x7, v3;
	v4 =	vand.u32 $0xFFFFFFF0, v55  }
0xb8: {  	v3 =	vor.u32 v3, v4  }
0xb9: {  	v4 =	vperm.xlane v3, v0;
	_ =	sdelay $0x1  }
0xba: {  	v3 =	vperm.xlane v3, v2;
	v4 =	vadd.s32 v1, v4;
	_ =	sdelay $0x1  }
0xbb: {  	v3 =	vadd.s32 v1, v3;
	_ =	sdelay $0x2  }
0xbc: {  	[tilespmem:s9], [sflag:$0x2] =	stream.indirect_vreg.gather [hbm4b:s1+s3], $0x80, v4, vm0, $0xb8;
	[tilespmem:$0x1B000] =	vst v63  }
0xbd: {  	_ = 	snop  }
0xbe: {  	[tilespmem:s10], [sflag:$0x2] =	stream.indirect_vreg.gather [hbm4b:s1+s3], $0x80, v3, vm0, $0xb8;
	[tilespmem:$0x1B000] =	vst v63  }
0xbf: {  	v3 =	vld [tilespmem:$0x100];
	_ =	sdelay $0x4  }
0xc0: {  	v56 =	vshll.u32 v3, $0x1  }
0xc1: {  	v3 =	vand.u32 $0x7, v3;
	v4 =	vand.u32 $0xFFFFFFF0, v56  }
0xc2: {  	v3 =	vor.u32 v3, v4  }
0xc3: {  	v4 =	vperm.xlane v3, v0;
	_ =	sdelay $0x1  }
0xc4: {  	v3 =	vperm.xlane v3, v2;
	v4 =	vadd.s32 v1, v4;
	_ =	sdelay $0x1  }
0xc5: {  	v3 =	vadd.s32 v1, v3;
	_ =	sdelay $0x1  }
0xc6: {  	s20 =	simm.s32 $0x11000  }
0xc7: {  	[tilespmem:s20], [sflag:$0x3] =	stream.indirect_vreg.gather [hbm4b:s1+s3], $0x80, v4, vm0, $0xb8;
	[tilespmem:$0x1B000] =	vst v63  }
0xc8: {  	s21 =	simm.s32 $0x11800  }
0xc9: {  	[tilespmem:s21], [sflag:$0x3] =	stream.indirect_vreg.gather [hbm4b:s1+s3], $0x80, v3, vm0, $0xb8;
	[tilespmem:$0x1B000] =	vst v63  }
0xca: {  	v3 =	vld [tilespmem:$0x110];
	_ =	sdelay $0x4  }
0xcb: {  	v57 =	vshll.u32 v3, $0x1  }
0xcc: {  	v3 =	vand.u32 $0x7, v3;
	v4 =	vand.u32 $0xFFFFFFF0, v57  }
0xcd: {  	v3 =	vor.u32 v3, v4  }
0xce: {  	v4 =	vperm.xlane v3, v0;
	_ =	sdelay $0x1  }
0xcf: {  	v3 =	vperm.xlane v3, v2;
	v4 =	vadd.s32 v1, v4;
	_ =	sdelay $0x1  }
0xd0: {  	v3 =	vadd.s32 v1, v3;
	_ =	sdelay $0x1  }
0xd1: {  	s15 =	simm.s32 $0x12000  }
0xd2: {  	[tilespmem:s15], [sflag:$0x3] =	stream.indirect_vreg.gather [hbm4b:s1+s3], $0x80, v4, vm0, $0xb8;
	[tilespmem:$0x1B000] =	vst v63  }
0xd3: {  	s16 =	simm.s32 $0x12800  }
0xd4: {  	[tilespmem:s16], [sflag:$0x3] =	stream.indirect_vreg.gather [hbm4b:s1+s3], $0x80, v3, vm0, $0xb8;
	[tilespmem:$0x1B000] =	vst v63  }
0xd5: {  	v3 =	vld [tilespmem:$0x120];
	_ =	sdelay $0x4  }
0xd6: {  	v58 =	vshll.u32 v3, $0x1  }
0xd7: {  	v3 =	vand.u32 $0x7, v3;
	v4 =	vand.u32 $0xFFFFFFF0, v58  }
0xd8: {  	v3 =	vor.u32 v3, v4  }
0xd9: {  	v4 =	vperm.xlane v3, v0;
	_ =	sdelay $0x1  }
0xda: {  	v3 =	vperm.xlane v3, v2;
	v4 =	vadd.s32 v1, v4;
	_ =	sdelay $0x1  }
0xdb: {  	v3 =	vadd.s32 v1, v3;
	_ =	sdelay $0x1  }
0xdc: {  	s17 =	simm.s32 $0x13000  }
0xdd: {  	[tilespmem:s17], [sflag:$0x3] =	stream.indirect_vreg.gather [hbm4b:s1+s3], $0x80, v4, vm0, $0xb8;
	[tilespmem:$0x1B000] =	vst v63  }
0xde: {  	s18 =	simm.s32 $0x13800  }
0xdf: {  	[tilespmem:s18], [sflag:$0x3] =	stream.indirect_vreg.gather [hbm4b:s1+s3], $0x80, v3, vm0, $0xb8;
	[tilespmem:$0x1B000] =	vst v63  }
0xe0: {  	v3 =	vld [tilespmem:$0x130];
	_ =	sdelay $0x4  }
0xe1: {  	v59 =	vshll.u32 v3, $0x1  }
0xe2: {  	v3 =	vand.u32 $0x7, v3;
	v4 =	vand.u32 $0xFFFFFFF0, v59  }
0xe3: {  	v3 =	vor.u32 v3, v4  }
0xe4: {  	v4 =	vperm.xlane v3, v0;
	_ =	sdelay $0x1  }
0xe5: {  	v3 =	vperm.xlane v3, v2;
	v4 =	vadd.s32 v1, v4;
	_ =	sdelay $0x1  }
0xe6: {  	v3 =	vadd.s32 v1, v3;
	_ =	sdelay $0x1  }
0xe7: {  	s19 =	simm.s32 $0x14000  }
0xe8: {  	[tilespmem:s19], [sflag:$0x3] =	stream.indirect_vreg.gather [hbm4b:s1+s3], $0x80, v4, vm0, $0xb8;
	[tilespmem:$0x1B000] =	vst v63  }
0xe9: {  	s20 =	simm.s32 $0x14800  }
0xea: {  	[tilespmem:s20], [sflag:$0x3] =	stream.indirect_vreg.gather [hbm4b:s1+s3], $0x80, v3, vm0, $0xb8;
	[tilespmem:$0x1B000] =	vst v63  }
0xeb: {  	v3 =	vld [tilespmem:$0x140];
	_ =	sdelay $0x4  }
0xec: {  	v60 =	vshll.u32 v3, $0x1  }
0xed: {  	v3 =	vand.u32 $0x7, v3;
	v4 =	vand.u32 $0xFFFFFFF0, v60  }
0xee: {  	v3 =	vor.u32 v3, v4  }
0xef: {  	v4 =	vperm.xlane v3, v0;
	_ =	sdelay $0x1  }
0xf0: {  	v3 =	vperm.xlane v3, v2;
	v4 =	vadd.s32 v1, v4;
	_ =	sdelay $0x1  }
0xf1: {  	v3 =	vadd.s32 v1, v3;
	_ =	sdelay $0x1  }
0xf2: {  	s21 =	simm.s32 $0x15000  }
0xf3: {  	[tilespmem:s21], [sflag:$0x3] =	stream.indirect_vreg.gather [hbm4b:s1+s3], $0x80, v4, vm0, $0xb8;
	[tilespmem:$0x1B000] =	vst v63  }
0xf4: {  	s15 =	simm.s32 $0x15800  }
0xf5: {  	[tilespmem:s15], [sflag:$0x3] =	stream.indirect_vreg.gather [hbm4b:s1+s3], $0x80, v3, vm0, $0xb8;
	[tilespmem:$0x1B000] =	vst v63  }
0xf6: {  	v3 =	vld [tilespmem:$0x150];
	_ =	sdelay $0x4  }
0xf7: {  	v61 =	vshll.u32 v3, $0x1  }
0xf8: {  	v3 =	vand.u32 $0x7, v3;
	v4 =	vand.u32 $0xFFFFFFF0, v61  }
0xf9: {  	v3 =	vor.u32 v3, v4  }
0xfa: {  	v4 =	vperm.xlane v3, v0;
	_ =	sdelay $0x1  }
0xfb: {  	v3 =	vperm.xlane v3, v2;
	v4 =	vadd.s32 v1, v4;
	_ =	sdelay $0x1  }
0xfc: {  	v3 =	vadd.s32 v1, v3;
	_ =	sdelay $0x1  }
0xfd: {  	s16 =	simm.s32 $0x16000  }
0xfe: {  	[tilespmem:s16], [sflag:$0x3] =	stream.indirect_vreg.gather [hbm4b:s1+s3], $0x80, v4, vm0, $0xb8;
	[tilespmem:$0x1B000] =	vst v63  }
0xff: {  	s17 =	simm.s32 $0x16800  }
0x100: {  	[tilespmem:s17], [sflag:$0x3] =	stream.indirect_vreg.gather [hbm4b:s1+s3], $0x80, v3, vm0, $0xb8;
	[tilespmem:$0x1B000] =	vst v63  }
0x101: {  	v3 =	vld [tilespmem:$0x160];
	_ =	sdelay $0x4  }
0x102: {  	v62 =	vshll.u32 v3, $0x1  }
0x103: {  	v3 =	vand.u32 $0x7, v3;
	v4 =	vand.u32 $0xFFFFFFF0, v62  }
0x104: {  	v3 =	vor.u32 v3, v4  }
0x105: {  	v4 =	vperm.xlane v3, v0;
	_ =	sdelay $0x1  }
0x106: {  	v3 =	vperm.xlane v3, v2;
	v4 =	vadd.s32 v1, v4;
	_ =	sdelay $0x1  }
0x107: {  	v3 =	vadd.s32 v1, v3;
	_ =	sdelay $0x1  }
0x108: {  	s18 =	simm.s32 $0x17000  }
0x109: {  	[tilespmem:s18], [sflag:$0x3] =	stream.indirect_vreg.gather [hbm4b:s1+s3], $0x80, v4, vm0, $0xb8;
	[tilespmem:$0x1B000] =	vst v63  }
0x10a: {  	s19 =	simm.s32 $0x17800  }
0x10b: {  	[tilespmem:s19], [sflag:$0x3] =	stream.indirect_vreg.gather [hbm4b:s1+s3], $0x80, v3, vm0, $0xb8;
	[tilespmem:$0x1B000] =	vst v63  }
0x10c: {  	v3 =	vld [tilespmem:$0x170];
	_ =	sdelay $0x4  }
0x10d: {  	v63 =	vshll.u32 v3, $0x1  }
0x10e: {  	v3 =	vand.u32 $0x7, v3;
	v4 =	vand.u32 $0xFFFFFFF0, v63  }
0x10f: {  	v3 =	vor.u32 v3, v4  }
0x110: {  	v4 =	vperm.xlane v3, v0;
	_ =	sdelay $0x1  }
0x111: {  	v3 =	vperm.xlane v3, v2;
	v4 =	vadd.s32 v1, v4;
	_ =	sdelay $0x1  }
0x112: {  	v3 =	vadd.s32 v1, v3;
	_ =	sdelay $0x1  }
0x113: {  	s20 =	simm.s32 $0x18000  }
0x114: {  	[tilespmem:s20], [sflag:$0x3] =	stream.indirect_vreg.gather [hbm4b:s1+s3], $0x80, v4, vm0, $0xb8;
	[tilespmem:$0x1B000] =	vst v63  }
0x115: {  	s14 =	simm.s32 $0x0;
	s21 =	simm.s32 $0x18800  }
0x116: {  	[tilespmem:s21], [sflag:$0x3] =	stream.indirect_vreg.gather [hbm4b:s1+s3], $0x80, v3, vm0, $0xb8;
	[tilespmem:$0x1B000] =	vst v63  }
.LBB2_2:
0x117: {  	_ =	swait.ge [sflag:s11], $0x8000;
	s16 =	simm.s32 $0x0  }
0x118: {  	[sflag:s11] =	ssyncset.done $0x0;
	s15 =	sand.u32 $0x7800, s16;
	s17 =	sand.u32 $0x300, s16  }
0x119: {  	[sflag:s11] =	ssyncadd.s32 $0xFFFF8000;
	s15 =	sor.u32 s17, s15  }
0x11a: {  	v10 =	vld [tilespmem:s15+$0x1080]  }
0x11b: {  	v11 =	vld [tilespmem:s15+$0x1090]  }
0x11c: {  	v13 =	vld [tilespmem:s15+$0x10A0]  }
0x11d: {  	v14 =	vld [tilespmem:s15+$0x10B0]  }
0x11e: {  	v18 =	vld [tilespmem:s15+$0x10C0]  }
0x11f: {  	v19 =	vld [tilespmem:s15+$0x10D0]  }
0x120: {  	v23 =	vld [tilespmem:s15+$0x10E0]  }
0x121: {  	v21 =	vld [tilespmem:s15+$0x10F0]  }
0x122: {  	v9 =	vld [tilespmem:s15+$0x1480]  }
0x123: {  	v8 =	vld [tilespmem:s15+$0x1490]  }
0x124: {  	v6 =	vld [tilespmem:s15+$0x14A0]  }
0x125: {  	v4 =	vld [tilespmem:s15+$0x14B0]  }
0x126: {  	v3 =	vld [tilespmem:s15+$0x1000]  }
0x127: {  	v5 =	vld [tilespmem:s15+$0x1010]  }
0x128: {  	v12 =	vld [tilespmem:s15+$0x1020]  }
0x129: {  	v15 =	vld [tilespmem:s15+$0x1030]  }
0x12a: {  	v24 =	vld [tilespmem:s15+$0x1060]  }
0x12b: {  	v25 =	vld [tilespmem:s15+$0x1070]  }
0x12c: {  	v7 =	vimm.f32 $0.0e+00;
	v20 =	vld [tilespmem:s15+$0x1040]  }
0x12d: {  	v22 =	vld [tilespmem:s15+$0x1050];
	v16 =	vadd.f32 v3, v7  }
0x12e: {  	v26 =	vld [tilespmem:s15+$0x1400];
	v17 =	vadd.f32 v5, v7;
	v27 =	vadd.f32 v12, v7  }
0x12f: {  	v29 =	vld [tilespmem:s15+$0x1410];
	v28 =	vadd.f32 v15, v7;
	v32 =	vadd.f32 v24, v7  }
0x130: {  	v30 =	vld [tilespmem:s15+$0x1430];
	v31 =	vadd.f32 v25, v7;
	v15 =	vadd.f32 v10, v16  }
0x131: {  	v3 =	vld [tilespmem:s15+$0x14C0];
	v12 =	vadd.f32 v11, v17;
	v16 =	vadd.f32 v13, v27  }
0x132: {  	v5 =	vld [tilespmem:s15+$0x14D0];
	v24 =	vimm.f32 $0.0e+00;
	v10 =	vadd.f32 v20, v7;
	v11 =	vadd.f32 v22, v7  }
0x133: {  	v17 =	vadd.f32 v14, v28;
	v28 =	vld [tilespmem:s15+$0x1420];
	v22 =	vimm.f32 $0.0e+00;
	v13 =	vimm.f32 $0.0e+00  }
0x134: {  	v25 =	vld [tilespmem:s15+$0x1440];
	v14 =	vimm.f32 $0.0e+00;
	v20 =	vadd.f32 v18, v10;
	v18 =	vadd.f32 v19, v11  }
0x135: {  	s17 =	simm.s32 $0x100;
	v27 =	vld [tilespmem:s15+$0x1450];
	v19 =	vimm.f32 $0.0e+00;
	v11 =	vimm.f32 $0.0e+00;
	v10 =	vimm.f32 $0.0e+00  }
.LBB2_3:
0x136: {  	p0 =	sne.s32 s17, $0x3F00;
	v32 =	vadd.f32 v23, v32;
	v31 =	vadd.f32 v21, v31;
	v21 =	vld [tilespmem:s15+$0x1460]  }
0x137: {  	v7 =	vadd.f32 v26, v7;
	v23 =	vadd.f32 v29, v24;
	s16 =	sadd.s32 $0x200, s16;
	v26 =	vld [tilespmem:s15+$0x1470]  }
0x138: {  	s19 =	sand.u32 $0x300, s17;
	s18 =	sand.u32 $0x7800, s16;
	v22 =	vadd.f32 v28, v22;
	v19 =	vadd.f32 v30, v19;
	v28 =	vld [tilespmem:s15+$0x14E0]  }
0x139: {  	v7 =	vadd.f32 v9, v7;
	v24 =	vadd.f32 v8, v23;
	v8 =	vld [tilespmem:s15+$0x14F0];
	s15 =	sor.u32 s19, s18  }
0x13a: {  	v22 =	vadd.f32 v6, v22;
	v29 =	vld [tilespmem:s15+$0x1080];
	v19 =	vadd.f32 v4, v19  }
0x13b: {  	v4 =	vadd.f32 v25, v13;
	v6 =	vadd.f32 v27, v14;
	v30 =	vld [tilespmem:s15+$0x1090]  }
0x13c: {  	v9 =	vadd.f32 v21, v11;
	v25 =	vld [tilespmem:s15+$0x10A0];
	v10 =	vadd.f32 v26, v10  }
0x13d: {  	v13 =	vadd.f32 v3, v4;
	v14 =	vadd.f32 v5, v6;
	v27 =	vld [tilespmem:s15+$0x10B0]  }
0x13e: {  	v11 =	vadd.f32 v28, v9;
	v33 =	vld [tilespmem:s15+$0x10C0];
	v10 =	vadd.f32 v8, v10  }
0x13f: {  	v34 =	vld [tilespmem:s15+$0x10D0]  }
0x140: {  	v23 =	vld [tilespmem:s15+$0x10E0]  }
0x141: {  	v21 =	vld [tilespmem:s15+$0x10F0]  }
0x142: {  	v9 =	vld [tilespmem:s15+$0x1480]  }
0x143: {  	v8 =	vld [tilespmem:s15+$0x1490]  }
0x144: {  	v6 =	vld [tilespmem:s15+$0x14A0]  }
0x145: {  	v4 =	vld [tilespmem:s15+$0x14B0]  }
0x146: {  	v3 =	vld [tilespmem:s15+$0x14C0]  }
0x147: {  	v5 =	vld [tilespmem:s15+$0x14D0]  }
0x148: {  	v26 =	vld [tilespmem:s15+$0x1000]  }
0x149: {  	v28 =	vld [tilespmem:s15+$0x1010]  }
0x14a: {  	v35 =	vld [tilespmem:s15+$0x1020]  }
0x14b: {  	v36 =	vld [tilespmem:s15+$0x1030]  }
0x14c: {  	v37 =	vld [tilespmem:s15+$0x1040]  }
0x14d: {  	v38 =	vld [tilespmem:s15+$0x1050]  }
0x14e: {  	v39 =	vld [tilespmem:s15+$0x1060]  }
0x14f: {  	v15 =	vadd.f32 v26, v15;
	v12 =	vadd.f32 v28, v12;
	v40 =	vld [tilespmem:s15+$0x1070]  }
0x150: {  	v16 =	vadd.f32 v35, v16;
	v17 =	vadd.f32 v36, v17;
	v26 =	vld [tilespmem:s15+$0x1400]  }
.Ltmp0:
0x151: {  	v15 =	vadd.f32 v29, v15;
	v12 =	vadd.f32 v30, v12;
	v29 =	vld [tilespmem:s15+$0x1410];
	(pc) =	sbr.rel @p0 .LBB2_3-.Ltmp0, $4  }
0x152: {  	v16 =	vadd.f32 v25, v16;
	v17 =	vadd.f32 v27, v17;
	v28 =	vld [tilespmem:s15+$0x1420]  }
0x153: {  	v20 =	vadd.f32 v37, v20;
	v18 =	vadd.f32 v38, v18;
	v30 =	vld [tilespmem:s15+$0x1430]  }
0x154: {  	v32 =	vadd.f32 v39, v32;
	v31 =	vadd.f32 v40, v31;
	v25 =	vld [tilespmem:s15+$0x1440]  }
0x155: {  	s17 =	sadd.s32 $0x100, s17;
	v20 =	vadd.f32 v33, v20;
	v18 =	vadd.f32 v34, v18;
	v27 =	vld [tilespmem:s15+$0x1450]  }
0x156: {  	s16 =	smul.u32 $0x300, s14  }
0x157: {  	s17 =	smul.u32 $0x180, s14  }
0x158: {  	v33 =	vld [tilespmem:s15+$0x1460]  }
0x159: {  	v34 =	vld [tilespmem:s15+$0x1470];
	s16 =	sand.u32 $0x3800, s16;
	s17 =	sand.u32 $0x380, s17  }
0x15a: {  	v35 =	vld [tilespmem:s15+$0x14E0];
	s17 =	sor.u32 s17, s16  }
0x15b: {  	v36 =	vld [tilespmem:s15+$0x14F0];
	[tilespmem:s17+$0x19000] =	vst v15;
	s15 =	sadd.s32 $0x19000, s17  }
0x15c: {  	[tilespmem:s15+$0x10] =	vst v12  }
0x15d: {  	v7 =	vadd.f32 v26, v7;
	[tilespmem:s15+$0x20] =	vst v16  }
0x15e: {  	[tilespmem:s15+$0x30] =	vst v17  }
0x15f: {  	v7 =	vadd.f32 v9, v7;
	v9 =	vadd.f32 v30, v19;
	[tilespmem:s15+$0x40] =	vst v20  }
0x160: {  	v15 =	vadd.f32 v21, v31;
	[tilespmem:s15+$0x50] =	vst v18  }
0x161: {  	v4 =	vadd.f32 v4, v9;
	v16 =	vadd.f32 v29, v24;
	[tilespmem:s15+$0x400] =	vst v7  }
0x162: {  	v12 =	vadd.f32 v23, v32;
	v17 =	vadd.f32 v28, v22;
	[tilespmem:s15+$0x70] =	vst v15  }
0x163: {  	v7 =	vadd.f32 v27, v14;
	[tilespmem:s15+$0x430] =	vst v4;
	v8 =	vadd.f32 v8, v16  }
0x164: {  	[tilespmem:s15+$0x60] =	vst v12;
	v6 =	vadd.f32 v6, v17;
	v12 =	vadd.f32 v25, v13  }
0x165: {  	v5 =	vadd.f32 v5, v7;
	[tilespmem:s15+$0x410] =	vst v8;
	v8 =	vadd.f32 v33, v11  }
0x166: {  	v3 =	vadd.f32 v3, v12;
	[tilespmem:s15+$0x420] =	vst v6;
	v6 =	vadd.f32 v34, v10  }
0x167: {  	[tilespmem:s15+$0x450] =	vst v5;
	v4 =	vadd.f32 v35, v8  }
0x168: {  	s18 =	smul.u32 $0x600, s14;
	[tilespmem:s15+$0x440] =	vst v3;
	v3 =	vadd.f32 v36, v6  }
0x169: {  	[tilespmem:s15+$0x460] =	vst v4  }
0x16a: {  	[tilespmem:s15+$0x470] =	vst v3;
	s15 =	sshra.s32 s18, $0x2  }
0x16b: {  	v3 =	vld [tilespmem:s15+$0x180];
	_ =	sdelay $0x4  }
0x16c: {  	v4 =	vshll.u32 v3, $0x1  }
0x16d: {  	v3 =	vand.u32 $0x7, v3;
	v4 =	vand.u32 $0xFFFFFFF0, v4  }
0x16e: {  	v3 =	vor.u32 v3, v4  }
0x16f: {  	v4 =	vperm.xlane v3, v0;
	_ =	sdelay $0x1  }
0x170: {  	v3 =	vperm.xlane v3, v2;
	v4 =	vadd.s32 v1, v4;
	_ =	sdelay $0x1  }
0x171: {  	v3 =	vadd.s32 v1, v3;
	_ =	sdelay $0x1  }
0x172: {  	s19 =	simm.s32 $0x1000;
	s16 =	simm.s32 $0x0  }
0x173: {  	[tilespmem:s19], [sflag:$0x1] =	stream.indirect_vreg.gather [hbm4b:s1+s16], $0x80, v4, vm0, $0xb8;
	[tilespmem:$0x1B000] =	vst v63  }
0x174: {  	s20 =	simm.s32 $0x1800  }
0x175: {  	[tilespmem:s20], [sflag:$0x1] =	stream.indirect_vreg.gather [hbm4b:s1+s16], $0x80, v3, vm0, $0xb8;
	[tilespmem:$0x1B000] =	vst v63  }
0x176: {  	v3 =	vld [tilespmem:s15+$0x190];
	_ =	sdelay $0x4  }
0x177: {  	v4 =	vshll.u32 v3, $0x1  }
0x178: {  	v3 =	vand.u32 $0x7, v3;
	v4 =	vand.u32 $0xFFFFFFF0, v4  }
0x179: {  	v3 =	vor.u32 v3, v4  }
0x17a: {  	v4 =	vperm.xlane v3, v0;
	_ =	sdelay $0x1  }
0x17b: {  	v3 =	vperm.xlane v3, v2;
	v4 =	vadd.s32 v1, v4;
	_ =	sdelay $0x1  }
0x17c: {  	v3 =	vadd.s32 v1, v3;
	_ =	sdelay $0x1  }
0x17d: {  	s21 =	simm.s32 $0x2000  }
0x17e: {  	[tilespmem:s21], [sflag:$0x1] =	stream.indirect_vreg.gather [hbm4b:s1+s16], $0x80, v4, vm0, $0xb8;
	[tilespmem:$0x1B000] =	vst v63  }
0x17f: {  	s18 =	simm.s32 $0x2800  }
0x180: {  	[tilespmem:s18], [sflag:$0x1] =	stream.indirect_vreg.gather [hbm4b:s1+s16], $0x80, v3, vm0, $0xb8;
	[tilespmem:$0x1B000] =	vst v63  }
0x181: {  	v3 =	vld [tilespmem:s15+$0x1A0];
	_ =	sdelay $0x4  }
0x182: {  	v4 =	vshll.u32 v3, $0x1  }
0x183: {  	v3 =	vand.u32 $0x7, v3;
	v4 =	vand.u32 $0xFFFFFFF0, v4  }
0x184: {  	v3 =	vor.u32 v3, v4  }
0x185: {  	v4 =	vperm.xlane v3, v0;
	_ =	sdelay $0x1  }
0x186: {  	v3 =	vperm.xlane v3, v2;
	v4 =	vadd.s32 v1, v4;
	_ =	sdelay $0x1  }
0x187: {  	v3 =	vadd.s32 v1, v3;
	_ =	sdelay $0x1  }
0x188: {  	s19 =	simm.s32 $0x3000  }
0x189: {  	[tilespmem:s19], [sflag:$0x1] =	stream.indirect_vreg.gather [hbm4b:s1+s16], $0x80, v4, vm0, $0xb8;
	[tilespmem:$0x1B000] =	vst v63  }
0x18a: {  	s20 =	simm.s32 $0x3800  }
0x18b: {  	[tilespmem:s20], [sflag:$0x1] =	stream.indirect_vreg.gather [hbm4b:s1+s16], $0x80, v3, vm0, $0xb8;
	[tilespmem:$0x1B000] =	vst v63  }
0x18c: {  	v3 =	vld [tilespmem:s15+$0x1B0];
	_ =	sdelay $0x4  }
0x18d: {  	v4 =	vshll.u32 v3, $0x1  }
0x18e: {  	v3 =	vand.u32 $0x7, v3;
	v4 =	vand.u32 $0xFFFFFFF0, v4  }
0x18f: {  	v3 =	vor.u32 v3, v4  }
0x190: {  	v4 =	vperm.xlane v3, v0;
	_ =	sdelay $0x1  }
0x191: {  	v3 =	vperm.xlane v3, v2;
	v4 =	vadd.s32 v1, v4;
	_ =	sdelay $0x1  }
0x192: {  	v3 =	vadd.s32 v1, v3;
	_ =	sdelay $0x1  }
0x193: {  	s21 =	simm.s32 $0x4000  }
0x194: {  	[tilespmem:s21], [sflag:$0x1] =	stream.indirect_vreg.gather [hbm4b:s1+s16], $0x80, v4, vm0, $0xb8;
	[tilespmem:$0x1B000] =	vst v63  }
0x195: {  	s18 =	simm.s32 $0x4800  }
0x196: {  	[tilespmem:s18], [sflag:$0x1] =	stream.indirect_vreg.gather [hbm4b:s1+s16], $0x80, v3, vm0, $0xb8;
	[tilespmem:$0x1B000] =	vst v63  }
0x197: {  	v3 =	vld [tilespmem:s15+$0x1C0];
	_ =	sdelay $0x4  }
0x198: {  	v4 =	vshll.u32 v3, $0x1  }
0x199: {  	v3 =	vand.u32 $0x7, v3;
	v4 =	vand.u32 $0xFFFFFFF0, v4  }
0x19a: {  	v3 =	vor.u32 v3, v4  }
0x19b: {  	v4 =	vperm.xlane v3, v0;
	_ =	sdelay $0x1  }
0x19c: {  	v3 =	vperm.xlane v3, v2;
	v4 =	vadd.s32 v1, v4;
	_ =	sdelay $0x1  }
0x19d: {  	v3 =	vadd.s32 v1, v3;
	_ =	sdelay $0x1  }
0x19e: {  	s19 =	simm.s32 $0x5000  }
0x19f: {  	[tilespmem:s19], [sflag:$0x1] =	stream.indirect_vreg.gather [hbm4b:s1+s16], $0x80, v4, vm0, $0xb8;
	[tilespmem:$0x1B000] =	vst v63  }
0x1a0: {  	s20 =	simm.s32 $0x5800  }
0x1a1: {  	[tilespmem:s20], [sflag:$0x1] =	stream.indirect_vreg.gather [hbm4b:s1+s16], $0x80, v3, vm0, $0xb8;
	[tilespmem:$0x1B000] =	vst v63  }
0x1a2: {  	v3 =	vld [tilespmem:s15+$0x1D0];
	_ =	sdelay $0x4  }
0x1a3: {  	v4 =	vshll.u32 v3, $0x1  }
0x1a4: {  	v3 =	vand.u32 $0x7, v3;
	v4 =	vand.u32 $0xFFFFFFF0, v4  }
0x1a5: {  	v3 =	vor.u32 v3, v4  }
0x1a6: {  	v4 =	vperm.xlane v3, v0;
	_ =	sdelay $0x1  }
0x1a7: {  	v3 =	vperm.xlane v3, v2;
	v4 =	vadd.s32 v1, v4;
	_ =	sdelay $0x1  }
0x1a8: {  	v3 =	vadd.s32 v1, v3;
	_ =	sdelay $0x1  }
0x1a9: {  	s21 =	simm.s32 $0x6000  }
0x1aa: {  	[tilespmem:s21], [sflag:$0x1] =	stream.indirect_vreg.gather [hbm4b:s1+s16], $0x80, v4, vm0, $0xb8;
	[tilespmem:$0x1B000] =	vst v63  }
0x1ab: {  	s18 =	simm.s32 $0x6800  }
0x1ac: {  	[tilespmem:s18], [sflag:$0x1] =	stream.indirect_vreg.gather [hbm4b:s1+s16], $0x80, v3, vm0, $0xb8;
	[tilespmem:$0x1B000] =	vst v63  }
0x1ad: {  	v3 =	vld [tilespmem:s15+$0x1E0];
	_ =	sdelay $0x4  }
0x1ae: {  	v4 =	vshll.u32 v3, $0x1  }
0x1af: {  	v3 =	vand.u32 $0x7, v3;
	v4 =	vand.u32 $0xFFFFFFF0, v4  }
0x1b0: {  	v3 =	vor.u32 v3, v4  }
0x1b1: {  	v4 =	vperm.xlane v3, v0;
	_ =	sdelay $0x1  }
0x1b2: {  	v3 =	vperm.xlane v3, v2;
	v4 =	vadd.s32 v1, v4;
	_ =	sdelay $0x1  }
0x1b3: {  	v3 =	vadd.s32 v1, v3;
	_ =	sdelay $0x1  }
0x1b4: {  	s19 =	simm.s32 $0x7000  }
0x1b5: {  	[tilespmem:s19], [sflag:$0x1] =	stream.indirect_vreg.gather [hbm4b:s1+s16], $0x80, v4, vm0, $0xb8;
	[tilespmem:$0x1B000] =	vst v63  }
0x1b6: {  	s20 =	simm.s32 $0x7800  }
0x1b7: {  	[tilespmem:s20], [sflag:$0x1] =	stream.indirect_vreg.gather [hbm4b:s1+s16], $0x80, v3, vm0, $0xb8;
	[tilespmem:$0x1B000] =	vst v63  }
0x1b8: {  	v3 =	vld [tilespmem:s15+$0x1F0];
	_ =	sdelay $0x4  }
0x1b9: {  	v4 =	vshll.u32 v3, $0x1  }
0x1ba: {  	v3 =	vand.u32 $0x7, v3;
	v4 =	vand.u32 $0xFFFFFFF0, v4  }
0x1bb: {  	v3 =	vor.u32 v3, v4  }
0x1bc: {  	v4 =	vperm.xlane v3, v0;
	_ =	sdelay $0x1  }
0x1bd: {  	v3 =	vperm.xlane v3, v2;
	v4 =	vadd.s32 v1, v4;
	_ =	sdelay $0x1  }
0x1be: {  	v3 =	vadd.s32 v1, v3;
	_ =	sdelay $0x2  }
0x1bf: {  	[tilespmem:s22], [sflag:$0x1] =	stream.indirect_vreg.gather [hbm4b:s1+s16], $0x80, v4, vm0, $0xb8;
	[tilespmem:$0x1B000] =	vst v63  }
0x1c0: {  	_ = 	snop  }
0x1c1: {  	[tilespmem:s23], [sflag:$0x1] =	stream.indirect_vreg.gather [hbm4b:s1+s16], $0x80, v3, vm0, $0xb8;
	[tilespmem:$0x1B000] =	vst v63  }
0x1c2: {  	_ =	swait.ge [sflag:s12], $0x8000  }
0x1c3: {  	s21 =	sand.u32 $0x7800, s16;
	s18 =	sand.u32 $0x300, s16;
	[sflag:s12] =	ssyncset.done $0x0  }
0x1c4: {  	s17 =	sor.u32 s18, s21;
	[sflag:s12] =	ssyncadd.s32 $0xFFFF8000  }
0x1c5: {  	v10 =	vld [tilespmem:s17+$0x9080]  }
0x1c6: {  	v11 =	vld [tilespmem:s17+$0x9090]  }
0x1c7: {  	v13 =	vld [tilespmem:s17+$0x90A0]  }
0x1c8: {  	v14 =	vld [tilespmem:s17+$0x90B0]  }
0x1c9: {  	v18 =	vld [tilespmem:s17+$0x90C0]  }
0x1ca: {  	v19 =	vld [tilespmem:s17+$0x90D0]  }
0x1cb: {  	v23 =	vld [tilespmem:s17+$0x90E0]  }
0x1cc: {  	v21 =	vld [tilespmem:s17+$0x90F0]  }
0x1cd: {  	v9 =	vld [tilespmem:s17+$0x9480]  }
0x1ce: {  	v8 =	vld [tilespmem:s17+$0x9490]  }
0x1cf: {  	v6 =	vld [tilespmem:s17+$0x94A0]  }
0x1d0: {  	v4 =	vld [tilespmem:s17+$0x94B0]  }
0x1d1: {  	v3 =	vld [tilespmem:s17+$0x9000]  }
0x1d2: {  	v5 =	vld [tilespmem:s17+$0x9010]  }
0x1d3: {  	v12 =	vld [tilespmem:s17+$0x9020]  }
0x1d4: {  	v15 =	vld [tilespmem:s17+$0x9030]  }
0x1d5: {  	v24 =	vld [tilespmem:s17+$0x9060]  }
0x1d6: {  	v25 =	vld [tilespmem:s17+$0x9070]  }
0x1d7: {  	v7 =	vimm.f32 $0.0e+00;
	v20 =	vld [tilespmem:s17+$0x9040]  }
0x1d8: {  	v22 =	vld [tilespmem:s17+$0x9050];
	v16 =	vadd.f32 v3, v7  }
0x1d9: {  	v26 =	vld [tilespmem:s17+$0x9400];
	v17 =	vadd.f32 v5, v7;
	v27 =	vadd.f32 v12, v7  }
0x1da: {  	v29 =	vld [tilespmem:s17+$0x9410];
	v28 =	vadd.f32 v15, v7;
	v32 =	vadd.f32 v24, v7  }
0x1db: {  	v30 =	vld [tilespmem:s17+$0x9430];
	v31 =	vadd.f32 v25, v7;
	v15 =	vadd.f32 v10, v16  }
0x1dc: {  	v3 =	vld [tilespmem:s17+$0x94C0];
	v12 =	vadd.f32 v11, v17;
	v16 =	vadd.f32 v13, v27  }
0x1dd: {  	v5 =	vld [tilespmem:s17+$0x94D0];
	v24 =	vimm.f32 $0.0e+00;
	v10 =	vadd.f32 v20, v7;
	v11 =	vadd.f32 v22, v7  }
0x1de: {  	v17 =	vadd.f32 v14, v28;
	v28 =	vld [tilespmem:s17+$0x9420];
	v22 =	vimm.f32 $0.0e+00;
	v13 =	vimm.f32 $0.0e+00  }
0x1df: {  	v25 =	vld [tilespmem:s17+$0x9440];
	v14 =	vimm.f32 $0.0e+00;
	v20 =	vadd.f32 v18, v10;
	v18 =	vadd.f32 v19, v11  }
0x1e0: {  	s18 =	simm.s32 $0x100;
	v27 =	vld [tilespmem:s17+$0x9450];
	v19 =	vimm.f32 $0.0e+00;
	v11 =	vimm.f32 $0.0e+00;
	v10 =	vimm.f32 $0.0e+00  }
.LBB2_5:
0x1e1: {  	p0 =	sne.s32 s18, $0x3F00;
	v32 =	vadd.f32 v23, v32;
	v31 =	vadd.f32 v21, v31;
	v21 =	vld [tilespmem:s17+$0x9460]  }
0x1e2: {  	v7 =	vadd.f32 v26, v7;
	v23 =	vadd.f32 v29, v24;
	s16 =	sadd.s32 $0x200, s16;
	v26 =	vld [tilespmem:s17+$0x9470]  }
0x1e3: {  	s20 =	sand.u32 $0x300, s18;
	s19 =	sand.u32 $0x7800, s16;
	v22 =	vadd.f32 v28, v22;
	v19 =	vadd.f32 v30, v19;
	v28 =	vld [tilespmem:s17+$0x94E0]  }
0x1e4: {  	v7 =	vadd.f32 v9, v7;
	v24 =	vadd.f32 v8, v23;
	v8 =	vld [tilespmem:s17+$0x94F0];
	s17 =	sor.u32 s20, s19  }
0x1e5: {  	v22 =	vadd.f32 v6, v22;
	v29 =	vld [tilespmem:s17+$0x9080];
	v19 =	vadd.f32 v4, v19  }
0x1e6: {  	v4 =	vadd.f32 v25, v13;
	v6 =	vadd.f32 v27, v14;
	v30 =	vld [tilespmem:s17+$0x9090]  }
0x1e7: {  	v9 =	vadd.f32 v21, v11;
	v25 =	vld [tilespmem:s17+$0x90A0];
	v10 =	vadd.f32 v26, v10  }
0x1e8: {  	v13 =	vadd.f32 v3, v4;
	v14 =	vadd.f32 v5, v6;
	v27 =	vld [tilespmem:s17+$0x90B0]  }
0x1e9: {  	v11 =	vadd.f32 v28, v9;
	v33 =	vld [tilespmem:s17+$0x90C0];
	v10 =	vadd.f32 v8, v10  }
0x1ea: {  	v34 =	vld [tilespmem:s17+$0x90D0]  }
0x1eb: {  	v23 =	vld [tilespmem:s17+$0x90E0]  }
0x1ec: {  	v21 =	vld [tilespmem:s17+$0x90F0]  }
0x1ed: {  	v9 =	vld [tilespmem:s17+$0x9480]  }
0x1ee: {  	v8 =	vld [tilespmem:s17+$0x9490]  }
0x1ef: {  	v6 =	vld [tilespmem:s17+$0x94A0]  }
0x1f0: {  	v4 =	vld [tilespmem:s17+$0x94B0]  }
0x1f1: {  	v3 =	vld [tilespmem:s17+$0x94C0]  }
0x1f2: {  	v5 =	vld [tilespmem:s17+$0x94D0]  }
0x1f3: {  	v26 =	vld [tilespmem:s17+$0x9000]  }
0x1f4: {  	v28 =	vld [tilespmem:s17+$0x9010]  }
0x1f5: {  	v35 =	vld [tilespmem:s17+$0x9020]  }
0x1f6: {  	v36 =	vld [tilespmem:s17+$0x9030]  }
0x1f7: {  	v37 =	vld [tilespmem:s17+$0x9040]  }
0x1f8: {  	v38 =	vld [tilespmem:s17+$0x9050]  }
0x1f9: {  	v39 =	vld [tilespmem:s17+$0x9060]  }
0x1fa: {  	v15 =	vadd.f32 v26, v15;
	v12 =	vadd.f32 v28, v12;
	v40 =	vld [tilespmem:s17+$0x9070]  }
0x1fb: {  	v16 =	vadd.f32 v35, v16;
	v17 =	vadd.f32 v36, v17;
	v26 =	vld [tilespmem:s17+$0x9400]  }
.Ltmp1:
0x1fc: {  	v15 =	vadd.f32 v29, v15;
	v12 =	vadd.f32 v30, v12;
	v29 =	vld [tilespmem:s17+$0x9410];
	(pc) =	sbr.rel @p0 .LBB2_5-.Ltmp1, $4  }
0x1fd: {  	v16 =	vadd.f32 v25, v16;
	v17 =	vadd.f32 v27, v17;
	v28 =	vld [tilespmem:s17+$0x9420]  }
0x1fe: {  	v20 =	vadd.f32 v37, v20;
	v18 =	vadd.f32 v38, v18;
	v30 =	vld [tilespmem:s17+$0x9430]  }
0x1ff: {  	v32 =	vadd.f32 v39, v32;
	v31 =	vadd.f32 v40, v31;
	v25 =	vld [tilespmem:s17+$0x9440]  }
0x200: {  	s18 =	sadd.s32 $0x100, s18;
	v20 =	vadd.f32 v33, v20;
	v18 =	vadd.f32 v34, v18;
	v27 =	vld [tilespmem:s17+$0x9450]  }
0x201: {  	s16 =	smul.u32 $0x3, s14;
	_ =	sdelay $0x1  }
0x202: {  	s18 =	sadd.s32 $0x1, s16  }
0x203: {  	v33 =	vld [tilespmem:s17+$0x9460];
	s19 =	sshll.u32 s18, $0x8;
	s18 =	sshll.u32 s18, $0x7  }
0x204: {  	v34 =	vld [tilespmem:s17+$0x9470];
	s19 =	sand.u32 $0x7800, s19;
	s18 =	sand.u32 $0x380, s18  }
0x205: {  	v35 =	vld [tilespmem:s17+$0x94E0];
	s19 =	sor.u32 s18, s19  }
0x206: {  	v36 =	vld [tilespmem:s17+$0x94F0];
	[tilespmem:s19+$0x19000] =	vst v15;
	s17 =	sadd.s32 $0x19000, s19  }
0x207: {  	v7 =	vadd.f32 v26, v7;
	[tilespmem:s17+$0x10] =	vst v12  }
0x208: {  	[tilespmem:s17+$0x20] =	vst v16  }
0x209: {  	v7 =	vadd.f32 v9, v7;
	v9 =	vadd.f32 v30, v19;
	[tilespmem:s17+$0x30] =	vst v17  }
0x20a: {  	[tilespmem:s17+$0x40] =	vst v20  }
0x20b: {  	v4 =	vadd.f32 v4, v9;
	[tilespmem:s17+$0x50] =	vst v18  }
0x20c: {  	v15 =	vadd.f32 v21, v31;
	v16 =	vadd.f32 v29, v24;
	[tilespmem:s17+$0x400] =	vst v7  }
0x20d: {  	v12 =	vadd.f32 v23, v32;
	v17 =	vadd.f32 v28, v22;
	[tilespmem:s17+$0x430] =	vst v4  }
0x20e: {  	v7 =	vadd.f32 v27, v14;
	[tilespmem:s17+$0x70] =	vst v15;
	v8 =	vadd.f32 v8, v16  }
0x20f: {  	[tilespmem:s17+$0x60] =	vst v12;
	v6 =	vadd.f32 v6, v17;
	v12 =	vadd.f32 v25, v13  }
0x210: {  	v5 =	vadd.f32 v5, v7;
	[tilespmem:s17+$0x410] =	vst v8;
	v8 =	vadd.f32 v33, v11  }
0x211: {  	v3 =	vadd.f32 v3, v12;
	[tilespmem:s17+$0x420] =	vst v6;
	v6 =	vadd.f32 v34, v10  }
0x212: {  	[tilespmem:s17+$0x450] =	vst v5;
	v4 =	vadd.f32 v35, v8  }
0x213: {  	[tilespmem:s17+$0x440] =	vst v3;
	v3 =	vadd.f32 v36, v6  }
0x214: {  	[tilespmem:s17+$0x460] =	vst v4  }
0x215: {  	[tilespmem:s17+$0x470] =	vst v3  }
0x216: {  	v3 =	vld [tilespmem:s15+$0x200];
	_ =	sdelay $0x4  }
0x217: {  	v4 =	vshll.u32 v3, $0x1  }
0x218: {  	v3 =	vand.u32 $0x7, v3;
	v4 =	vand.u32 $0xFFFFFFF0, v4  }
0x219: {  	v3 =	vor.u32 v3, v4  }
0x21a: {  	v4 =	vperm.xlane v3, v0;
	_ =	sdelay $0x1  }
0x21b: {  	v3 =	vperm.xlane v3, v2;
	v4 =	vadd.s32 v1, v4;
	_ =	sdelay $0x1  }
0x21c: {  	v3 =	vadd.s32 v1, v3;
	_ =	sdelay $0x1  }
0x21d: {  	s17 =	simm.s32 $0x0  }
0x21e: {  	[tilespmem:s24], [sflag:$0x2] =	stream.indirect_vreg.gather [hbm4b:s1+s17], $0x80, v4, vm0, $0xb8;
	[tilespmem:$0x1B000] =	vst v63  }
0x21f: {  	_ = 	snop  }
0x220: {  	[tilespmem:s25], [sflag:$0x2] =	stream.indirect_vreg.gather [hbm4b:s1+s17], $0x80, v3, vm0, $0xb8;
	[tilespmem:$0x1B000] =	vst v63  }
0x221: {  	v3 =	vld [tilespmem:s15+$0x210];
	_ =	sdelay $0x4  }
0x222: {  	v4 =	vshll.u32 v3, $0x1  }
0x223: {  	v3 =	vand.u32 $0x7, v3;
	v4 =	vand.u32 $0xFFFFFFF0, v4  }
0x224: {  	v3 =	vor.u32 v3, v4  }
0x225: {  	v4 =	vperm.xlane v3, v0;
	_ =	sdelay $0x1  }
0x226: {  	v3 =	vperm.xlane v3, v2;
	v4 =	vadd.s32 v1, v4;
	_ =	sdelay $0x1  }
0x227: {  	v3 =	vadd.s32 v1, v3;
	_ =	sdelay $0x2  }
0x228: {  	[tilespmem:s26], [sflag:$0x2] =	stream.indirect_vreg.gather [hbm4b:s1+s17], $0x80, v4, vm0, $0xb8;
	[tilespmem:$0x1B000] =	vst v63  }
0x229: {  	_ = 	snop  }
0x22a: {  	[tilespmem:s28], [sflag:$0x2] =	stream.indirect_vreg.gather [hbm4b:s1+s17], $0x80, v3, vm0, $0xb8;
	[tilespmem:$0x1B000] =	vst v63  }
0x22b: {  	v3 =	vld [tilespmem:s15+$0x220];
	_ =	sdelay $0x4  }
0x22c: {  	v4 =	vshll.u32 v3, $0x1  }
0x22d: {  	v3 =	vand.u32 $0x7, v3;
	v4 =	vand.u32 $0xFFFFFFF0, v4  }
0x22e: {  	v3 =	vor.u32 v3, v4  }
0x22f: {  	v4 =	vperm.xlane v3, v0;
	_ =	sdelay $0x1  }
0x230: {  	v3 =	vperm.xlane v3, v2;
	v4 =	vadd.s32 v1, v4;
	_ =	sdelay $0x1  }
0x231: {  	v3 =	vadd.s32 v1, v3;
	_ =	sdelay $0x2  }
0x232: {  	[tilespmem:s29], [sflag:$0x2] =	stream.indirect_vreg.gather [hbm4b:s1+s17], $0x80, v4, vm0, $0xb8;
	[tilespmem:$0x1B000] =	vst v63  }
0x233: {  	_ = 	snop  }
0x234: {  	[tilespmem:s30], [sflag:$0x2] =	stream.indirect_vreg.gather [hbm4b:s1+s17], $0x80, v3, vm0, $0xb8;
	[tilespmem:$0x1B000] =	vst v63  }
0x235: {  	v3 =	vld [tilespmem:s15+$0x230];
	_ =	sdelay $0x4  }
0x236: {  	v4 =	vshll.u32 v3, $0x1  }
0x237: {  	v3 =	vand.u32 $0x7, v3;
	v4 =	vand.u32 $0xFFFFFFF0, v4  }
0x238: {  	v3 =	vor.u32 v3, v4  }
0x239: {  	v4 =	vperm.xlane v3, v0;
	_ =	sdelay $0x1  }
0x23a: {  	v3 =	vperm.xlane v3, v2;
	v4 =	vadd.s32 v1, v4;
	_ =	sdelay $0x1  }
0x23b: {  	v3 =	vadd.s32 v1, v3;
	_ =	sdelay $0x2  }
0x23c: {  	[tilespmem:s31], [sflag:$0x2] =	stream.indirect_vreg.gather [hbm4b:s1+s17], $0x80, v4, vm0, $0xb8;
	[tilespmem:$0x1B000] =	vst v63  }
0x23d: {  	_ = 	snop  }
0x23e: {  	[tilespmem:s0], [sflag:$0x2] =	stream.indirect_vreg.gather [hbm4b:s1+s17], $0x80, v3, vm0, $0xb8;
	[tilespmem:$0x1B000] =	vst v63  }
0x23f: {  	v3 =	vld [tilespmem:s15+$0x240];
	_ =	sdelay $0x4  }
0x240: {  	v4 =	vshll.u32 v3, $0x1  }
0x241: {  	v3 =	vand.u32 $0x7, v3;
	v4 =	vand.u32 $0xFFFFFFF0, v4  }
0x242: {  	v3 =	vor.u32 v3, v4  }
0x243: {  	v4 =	vperm.xlane v3, v0;
	_ =	sdelay $0x1  }
0x244: {  	v3 =	vperm.xlane v3, v2;
	v4 =	vadd.s32 v1, v4;
	_ =	sdelay $0x1  }
0x245: {  	v3 =	vadd.s32 v1, v3;
	_ =	sdelay $0x2  }
0x246: {  	[tilespmem:s2], [sflag:$0x2] =	stream.indirect_vreg.gather [hbm4b:s1+s17], $0x80, v4, vm0, $0xb8;
	[tilespmem:$0x1B000] =	vst v63  }
0x247: {  	_ = 	snop  }
0x248: {  	[tilespmem:s4], [sflag:$0x2] =	stream.indirect_vreg.gather [hbm4b:s1+s17], $0x80, v3, vm0, $0xb8;
	[tilespmem:$0x1B000] =	vst v63  }
0x249: {  	v3 =	vld [tilespmem:s15+$0x250];
	_ =	sdelay $0x4  }
0x24a: {  	v4 =	vshll.u32 v3, $0x1  }
0x24b: {  	v3 =	vand.u32 $0x7, v3;
	v4 =	vand.u32 $0xFFFFFFF0, v4  }
0x24c: {  	v3 =	vor.u32 v3, v4  }
0x24d: {  	v4 =	vperm.xlane v3, v0;
	_ =	sdelay $0x1  }
0x24e: {  	v3 =	vperm.xlane v3, v2;
	v4 =	vadd.s32 v1, v4;
	_ =	sdelay $0x1  }
0x24f: {  	v3 =	vadd.s32 v1, v3;
	_ =	sdelay $0x2  }
0x250: {  	[tilespmem:s5], [sflag:$0x2] =	stream.indirect_vreg.gather [hbm4b:s1+s17], $0x80, v4, vm0, $0xb8;
	[tilespmem:$0x1B000] =	vst v63  }
0x251: {  	_ = 	snop  }
0x252: {  	[tilespmem:s6], [sflag:$0x2] =	stream.indirect_vreg.gather [hbm4b:s1+s17], $0x80, v3, vm0, $0xb8;
	[tilespmem:$0x1B000] =	vst v63  }
0x253: {  	v3 =	vld [tilespmem:s15+$0x260];
	_ =	sdelay $0x4  }
0x254: {  	v4 =	vshll.u32 v3, $0x1  }
0x255: {  	v3 =	vand.u32 $0x7, v3;
	v4 =	vand.u32 $0xFFFFFFF0, v4  }
0x256: {  	v3 =	vor.u32 v3, v4  }
0x257: {  	v4 =	vperm.xlane v3, v0;
	_ =	sdelay $0x1  }
0x258: {  	v3 =	vperm.xlane v3, v2;
	v4 =	vadd.s32 v1, v4;
	_ =	sdelay $0x1  }
0x259: {  	v3 =	vadd.s32 v1, v3;
	_ =	sdelay $0x2  }
0x25a: {  	[tilespmem:s7], [sflag:$0x2] =	stream.indirect_vreg.gather [hbm4b:s1+s17], $0x80, v4, vm0, $0xb8;
	[tilespmem:$0x1B000] =	vst v63  }
0x25b: {  	_ = 	snop  }
0x25c: {  	[tilespmem:s8], [sflag:$0x2] =	stream.indirect_vreg.gather [hbm4b:s1+s17], $0x80, v3, vm0, $0xb8;
	[tilespmem:$0x1B000] =	vst v63  }
0x25d: {  	v3 =	vld [tilespmem:s15+$0x270];
	_ =	sdelay $0x4  }
0x25e: {  	v4 =	vshll.u32 v3, $0x1  }
0x25f: {  	v3 =	vand.u32 $0x7, v3;
	v4 =	vand.u32 $0xFFFFFFF0, v4  }
0x260: {  	v3 =	vor.u32 v3, v4  }
0x261: {  	v4 =	vperm.xlane v3, v0;
	_ =	sdelay $0x1  }
0x262: {  	v3 =	vperm.xlane v3, v2;
	v4 =	vadd.s32 v1, v4;
	_ =	sdelay $0x1  }
0x263: {  	v3 =	vadd.s32 v1, v3;
	_ =	sdelay $0x2  }
0x264: {  	[tilespmem:s9], [sflag:$0x2] =	stream.indirect_vreg.gather [hbm4b:s1+s17], $0x80, v4, vm0, $0xb8;
	[tilespmem:$0x1B000] =	vst v63  }
0x265: {  	_ = 	snop  }
0x266: {  	[tilespmem:s10], [sflag:$0x2] =	stream.indirect_vreg.gather [hbm4b:s1+s17], $0x80, v3, vm0, $0xb8;
	[tilespmem:$0x1B000] =	vst v63  }
0x267: {  	_ =	swait.ge [sflag:s13], $0x8000  }
0x268: {  	s20 =	sand.u32 $0x7800, s17;
	s21 =	sand.u32 $0x300, s17;
	[sflag:s13] =	ssyncset.done $0x0  }
0x269: {  	s19 =	sor.u32 s21, s20;
	[sflag:s13] =	ssyncadd.s32 $0xFFFF8000  }
0x26a: {  	s18 =	sadd.s32 $0x11000, s19;
	v3 =	vld [tilespmem:s19+$0x11000]  }
0x26b: {  	v9 =	vld [tilespmem:s18+$0x80]  }
0x26c: {  	v11 =	vld [tilespmem:s18+$0x90]  }
0x26d: {  	v12 =	vld [tilespmem:s18+$0xA0]  }
0x26e: {  	v13 =	vld [tilespmem:s18+$0xB0]  }
0x26f: {  	v23 =	vld [tilespmem:s18+$0xC0]  }
0x270: {  	v24 =	vld [tilespmem:s18+$0xD0]  }
0x271: {  	v22 =	vld [tilespmem:s18+$0xE0]  }
0x272: {  	v21 =	vld [tilespmem:s18+$0xF0]  }
0x273: {  	v10 =	vld [tilespmem:s18+$0x480]  }
0x274: {  	v8 =	vld [tilespmem:s18+$0x490]  }
0x275: {  	v7 =	vld [tilespmem:s18+$0x4A0]  }
0x276: {  	v4 =	vld [tilespmem:s18+$0x10]  }
0x277: {  	v14 =	vld [tilespmem:s18+$0x20]  }
0x278: {  	v15 =	vld [tilespmem:s18+$0x30]  }
0x279: {  	v18 =	vld [tilespmem:s18+$0x40]  }
0x27a: {  	v19 =	vld [tilespmem:s18+$0x50]  }
0x27b: {  	v20 =	vld [tilespmem:s18+$0x60]  }
0x27c: {  	v5 =	vimm.f32 $0.0e+00;
	v29 =	vld [tilespmem:s18+$0x70]  }
0x27d: {  	v6 =	vld [tilespmem:s18+$0x4B0];
	v16 =	vadd.f32 v3, v5  }
0x27e: {  	v26 =	vld [tilespmem:s18+$0x400];
	v25 =	vadd.f32 v4, v5;
	v14 =	vadd.f32 v14, v5  }
0x27f: {  	v28 =	vld [tilespmem:s18+$0x410];
	v27 =	vadd.f32 v15, v5;
	v33 =	vadd.f32 v18, v5  }
0x280: {  	v3 =	vld [tilespmem:s18+$0x4C0];
	v31 =	vadd.f32 v19, v5;
	v32 =	vadd.f32 v20, v5  }
0x281: {  	v4 =	vld [tilespmem:s18+$0x4D0];
	v30 =	vadd.f32 v29, v5;
	v20 =	vimm.f32 $0.0e+00;
	v19 =	vimm.f32 $0.0e+00  }
0x282: {  	v29 =	vld [tilespmem:s18+$0x430];
	v18 =	vimm.f32 $0.0e+00;
	v17 =	vadd.f32 v9, v16;
	v15 =	vadd.f32 v11, v25  }
0x283: {  	v16 =	vadd.f32 v12, v14;
	v14 =	vadd.f32 v13, v27;
	v27 =	vld [tilespmem:s18+$0x420];
	v12 =	vimm.f32 $0.0e+00  }
0x284: {  	s19 =	simm.s32 $0x100;
	v25 =	vld [tilespmem:s18+$0x440];
	v13 =	vimm.f32 $0.0e+00;
	v11 =	vimm.f32 $0.0e+00;
	v9 =	vimm.f32 $0.0e+00  }
.LBB2_7:
0x285: {  	p0 =	sne.s32 s19, $0x3F00;
	v33 =	vadd.f32 v23, v33;
	v31 =	vadd.f32 v24, v31;
	v23 =	vld [tilespmem:s18+$0x450]  }
0x286: {  	v32 =	vadd.f32 v22, v32;
	v30 =	vadd.f32 v21, v30;
	v21 =	vld [tilespmem:s18+$0x460]  }
0x287: {  	v5 =	vadd.f32 v26, v5;
	s17 =	sadd.s32 $0x200, s17;
	v20 =	vadd.f32 v28, v20;
	v22 =	vld [tilespmem:s18+$0x470]  }
0x288: {  	s21 =	sand.u32 $0x300, s19;
	s20 =	sand.u32 $0x7800, s17;
	v19 =	vadd.f32 v27, v19;
	v18 =	vadd.f32 v29, v18;
	v24 =	vld [tilespmem:s18+$0x4E0]  }
0x289: {  	s20 =	sor.u32 s21, s20;
	v5 =	vadd.f32 v10, v5;
	v20 =	vadd.f32 v8, v20;
	v8 =	vld [tilespmem:s18+$0x4F0]  }
0x28a: {  	s18 =	sadd.s32 $0x11000, s20;
	v19 =	vadd.f32 v7, v19;
	v26 =	vld [tilespmem:s20+$0x11000];
	v18 =	vadd.f32 v6, v18  }
0x28b: {  	v6 =	vadd.f32 v25, v12;
	v7 =	vadd.f32 v23, v13;
	v27 =	vld [tilespmem:s18+$0x80]  }
0x28c: {  	v10 =	vadd.f32 v21, v11;
	v25 =	vld [tilespmem:s18+$0x90];
	v9 =	vadd.f32 v22, v9  }
0x28d: {  	v12 =	vadd.f32 v3, v6;
	v13 =	vadd.f32 v4, v7;
	v29 =	vld [tilespmem:s18+$0xA0]  }
0x28e: {  	v11 =	vadd.f32 v24, v10;
	v34 =	vld [tilespmem:s18+$0xB0];
	v9 =	vadd.f32 v8, v9  }
0x28f: {  	v23 =	vld [tilespmem:s18+$0xC0]  }
0x290: {  	v24 =	vld [tilespmem:s18+$0xD0]  }
0x291: {  	v22 =	vld [tilespmem:s18+$0xE0]  }
0x292: {  	v21 =	vld [tilespmem:s18+$0xF0]  }
0x293: {  	v10 =	vld [tilespmem:s18+$0x480]  }
0x294: {  	v8 =	vld [tilespmem:s18+$0x490]  }
0x295: {  	v7 =	vld [tilespmem:s18+$0x4A0]  }
0x296: {  	v6 =	vld [tilespmem:s18+$0x4B0]  }
0x297: {  	v3 =	vld [tilespmem:s18+$0x4C0]  }
0x298: {  	v4 =	vld [tilespmem:s18+$0x4D0]  }
0x299: {  	v28 =	vld [tilespmem:s18+$0x10]  }
0x29a: {  	v35 =	vld [tilespmem:s18+$0x20]  }
0x29b: {  	v36 =	vld [tilespmem:s18+$0x30]  }
0x29c: {  	v37 =	vld [tilespmem:s18+$0x40]  }
0x29d: {  	v38 =	vld [tilespmem:s18+$0x50]  }
0x29e: {  	v39 =	vld [tilespmem:s18+$0x60]  }
0x29f: {  	v17 =	vadd.f32 v26, v17;
	v15 =	vadd.f32 v28, v15;
	v40 =	vld [tilespmem:s18+$0x70]  }
.Ltmp2:
0x2a0: {  	v16 =	vadd.f32 v35, v16;
	v14 =	vadd.f32 v36, v14;
	v26 =	vld [tilespmem:s18+$0x400];
	(pc) =	sbr.rel @p0 .LBB2_7-.Ltmp2, $4  }
0x2a1: {  	v17 =	vadd.f32 v27, v17;
	v15 =	vadd.f32 v25, v15;
	v28 =	vld [tilespmem:s18+$0x410]  }
0x2a2: {  	v16 =	vadd.f32 v29, v16;
	v14 =	vadd.f32 v34, v14;
	v27 =	vld [tilespmem:s18+$0x420]  }
0x2a3: {  	v33 =	vadd.f32 v37, v33;
	v31 =	vadd.f32 v38, v31;
	v29 =	vld [tilespmem:s18+$0x430]  }
0x2a4: {  	s19 =	sadd.s32 $0x100, s19;
	v32 =	vadd.f32 v39, v32;
	v30 =	vadd.f32 v40, v30;
	v25 =	vld [tilespmem:s18+$0x440]  }
0x2a5: {  	v34 =	vld [tilespmem:s18+$0x450];
	s16 =	sadd.s32 $0x2, s16  }
0x2a6: {  	v35 =	vld [tilespmem:s18+$0x460];
	s17 =	sshll.u32 s16, $0x8;
	s16 =	sshll.u32 s16, $0x7  }
0x2a7: {  	v36 =	vld [tilespmem:s18+$0x470];
	s17 =	sand.u32 $0x7800, s17;
	s16 =	sand.u32 $0x380, s16  }
0x2a8: {  	v37 =	vld [tilespmem:s18+$0x4E0];
	s16 =	sor.u32 s16, s17  }
0x2a9: {  	v38 =	vld [tilespmem:s18+$0x4F0];
	[tilespmem:s16+$0x19000] =	vst v17;
	s16 =	sadd.s32 $0x19000, s16  }
0x2aa: {  	[tilespmem:s16+$0x10] =	vst v15  }
0x2ab: {  	v44 =	vadd.f32 v23, v33;
	[tilespmem:s16+$0x20] =	vst v16  }
0x2ac: {  	v45 =	vadd.f32 v24, v31;
	[tilespmem:s16+$0x30] =	vst v14  }
0x2ad: {  	v5 =	vadd.f32 v26, v5;
	v46 =	vadd.f32 v22, v32;
	[tilespmem:s16+$0x40] =	vst v44  }
0x2ae: {  	v47 =	vadd.f32 v21, v30;
	v48 =	vadd.f32 v28, v20;
	[tilespmem:s16+$0x50] =	vst v45  }
0x2af: {  	v49 =	vadd.f32 v27, v19;
	v5 =	vadd.f32 v10, v5;
	[tilespmem:s16+$0x60] =	vst v46  }
0x2b0: {  	v50 =	vadd.f32 v29, v18;
	v8 =	vadd.f32 v8, v48;
	[tilespmem:s16+$0x70] =	vst v47  }
0x2b1: {  	v7 =	vadd.f32 v7, v49;
	v12 =	vadd.f32 v25, v12;
	[tilespmem:s16+$0x400] =	vst v5  }
0x2b2: {  	v51 =	vadd.f32 v6, v50;
	v52 =	vadd.f32 v34, v13;
	[tilespmem:s16+$0x410] =	vst v8  }
0x2b3: {  	v53 =	vadd.f32 v35, v11;
	v3 =	vadd.f32 v3, v12;
	[tilespmem:s16+$0x420] =	vst v7  }
0x2b4: {  	v54 =	vadd.f32 v36, v9;
	v4 =	vadd.f32 v4, v52;
	[tilespmem:s16+$0x430] =	vst v51  }
0x2b5: {  	v55 =	vadd.f32 v37, v53;
	[tilespmem:s16+$0x440] =	vst v3  }
0x2b6: {  	v3 =	vadd.f32 v38, v54;
	[tilespmem:s16+$0x450] =	vst v4  }
0x2b7: {  	[tilespmem:s16+$0x460] =	vst v55  }
0x2b8: {  	[tilespmem:s16+$0x470] =	vst v3  }
0x2b9: {  	v3 =	vld [tilespmem:s15+$0x280];
	_ =	sdelay $0x4  }
0x2ba: {  	v56 =	vshll.u32 v3, $0x1  }
0x2bb: {  	v3 =	vand.u32 $0x7, v3;
	v4 =	vand.u32 $0xFFFFFFF0, v56  }
0x2bc: {  	v3 =	vor.u32 v3, v4  }
0x2bd: {  	v4 =	vperm.xlane v3, v0;
	_ =	sdelay $0x1  }
0x2be: {  	v3 =	vperm.xlane v3, v2;
	v4 =	vadd.s32 v1, v4;
	_ =	sdelay $0x1  }
0x2bf: {  	v3 =	vadd.s32 v1, v3;
	_ =	sdelay $0x1  }
0x2c0: {  	s21 =	simm.s32 $0x11000  }
0x2c1: {  	[tilespmem:s21], [sflag:$0x3] =	stream.indirect_vreg.gather [hbm4b:s1+s3], $0x80, v4, vm0, $0xb8;
	[tilespmem:$0x1B000] =	vst v63  }
0x2c2: {  	s17 =	simm.s32 $0x11800  }
0x2c3: {  	[tilespmem:s17], [sflag:$0x3] =	stream.indirect_vreg.gather [hbm4b:s1+s3], $0x80, v3, vm0, $0xb8;
	[tilespmem:$0x1B000] =	vst v63  }
0x2c4: {  	v3 =	vld [tilespmem:s15+$0x290];
	_ =	sdelay $0x4  }
0x2c5: {  	v57 =	vshll.u32 v3, $0x1  }
0x2c6: {  	v3 =	vand.u32 $0x7, v3;
	v4 =	vand.u32 $0xFFFFFFF0, v57  }
0x2c7: {  	v3 =	vor.u32 v3, v4  }
0x2c8: {  	v4 =	vperm.xlane v3, v0;
	_ =	sdelay $0x1  }
0x2c9: {  	v3 =	vperm.xlane v3, v2;
	v4 =	vadd.s32 v1, v4;
	_ =	sdelay $0x1  }
0x2ca: {  	v3 =	vadd.s32 v1, v3;
	_ =	sdelay $0x1  }
0x2cb: {  	s18 =	simm.s32 $0x12000  }
0x2cc: {  	[tilespmem:s18], [sflag:$0x3] =	stream.indirect_vreg.gather [hbm4b:s1+s3], $0x80, v4, vm0, $0xb8;
	[tilespmem:$0x1B000] =	vst v63  }
0x2cd: {  	s19 =	simm.s32 $0x12800  }
0x2ce: {  	[tilespmem:s19], [sflag:$0x3] =	stream.indirect_vreg.gather [hbm4b:s1+s3], $0x80, v3, vm0, $0xb8;
	[tilespmem:$0x1B000] =	vst v63  }
0x2cf: {  	v3 =	vld [tilespmem:s15+$0x2A0];
	_ =	sdelay $0x4  }
0x2d0: {  	v58 =	vshll.u32 v3, $0x1  }
0x2d1: {  	v3 =	vand.u32 $0x7, v3;
	v4 =	vand.u32 $0xFFFFFFF0, v58  }
0x2d2: {  	v3 =	vor.u32 v3, v4  }
0x2d3: {  	v4 =	vperm.xlane v3, v0;
	_ =	sdelay $0x1  }
0x2d4: {  	v3 =	vperm.xlane v3, v2;
	v4 =	vadd.s32 v1, v4;
	_ =	sdelay $0x1  }
0x2d5: {  	v3 =	vadd.s32 v1, v3;
	_ =	sdelay $0x1  }
0x2d6: {  	s20 =	simm.s32 $0x13000  }
0x2d7: {  	[tilespmem:s20], [sflag:$0x3] =	stream.indirect_vreg.gather [hbm4b:s1+s3], $0x80, v4, vm0, $0xb8;
	[tilespmem:$0x1B000] =	vst v63  }
0x2d8: {  	s21 =	simm.s32 $0x13800  }
0x2d9: {  	[tilespmem:s21], [sflag:$0x3] =	stream.indirect_vreg.gather [hbm4b:s1+s3], $0x80, v3, vm0, $0xb8;
	[tilespmem:$0x1B000] =	vst v63  }
0x2da: {  	v3 =	vld [tilespmem:s15+$0x2B0];
	_ =	sdelay $0x4  }
0x2db: {  	v59 =	vshll.u32 v3, $0x1  }
0x2dc: {  	v3 =	vand.u32 $0x7, v3;
	v4 =	vand.u32 $0xFFFFFFF0, v59  }
0x2dd: {  	v3 =	vor.u32 v3, v4  }
0x2de: {  	v4 =	vperm.xlane v3, v0;
	_ =	sdelay $0x1  }
0x2df: {  	v3 =	vperm.xlane v3, v2;
	v4 =	vadd.s32 v1, v4;
	_ =	sdelay $0x1  }
0x2e0: {  	v3 =	vadd.s32 v1, v3;
	_ =	sdelay $0x1  }
0x2e1: {  	s17 =	simm.s32 $0x14000  }
0x2e2: {  	[tilespmem:s17], [sflag:$0x3] =	stream.indirect_vreg.gather [hbm4b:s1+s3], $0x80, v4, vm0, $0xb8;
	[tilespmem:$0x1B000] =	vst v63  }
0x2e3: {  	s18 =	simm.s32 $0x14800  }
0x2e4: {  	[tilespmem:s18], [sflag:$0x3] =	stream.indirect_vreg.gather [hbm4b:s1+s3], $0x80, v3, vm0, $0xb8;
	[tilespmem:$0x1B000] =	vst v63  }
0x2e5: {  	v3 =	vld [tilespmem:s15+$0x2C0];
	_ =	sdelay $0x4  }
0x2e6: {  	v60 =	vshll.u32 v3, $0x1  }
0x2e7: {  	v3 =	vand.u32 $0x7, v3;
	v4 =	vand.u32 $0xFFFFFFF0, v60  }
0x2e8: {  	v3 =	vor.u32 v3, v4  }
0x2e9: {  	v4 =	vperm.xlane v3, v0;
	_ =	sdelay $0x1  }
0x2ea: {  	v3 =	vperm.xlane v3, v2;
	v4 =	vadd.s32 v1, v4;
	_ =	sdelay $0x1  }
0x2eb: {  	v3 =	vadd.s32 v1, v3;
	_ =	sdelay $0x1  }
0x2ec: {  	s19 =	simm.s32 $0x15000  }
0x2ed: {  	[tilespmem:s19], [sflag:$0x3] =	stream.indirect_vreg.gather [hbm4b:s1+s3], $0x80, v4, vm0, $0xb8;
	[tilespmem:$0x1B000] =	vst v63  }
0x2ee: {  	s20 =	simm.s32 $0x15800  }
0x2ef: {  	[tilespmem:s20], [sflag:$0x3] =	stream.indirect_vreg.gather [hbm4b:s1+s3], $0x80, v3, vm0, $0xb8;
	[tilespmem:$0x1B000] =	vst v63  }
0x2f0: {  	v3 =	vld [tilespmem:s15+$0x2D0];
	_ =	sdelay $0x4  }
0x2f1: {  	v61 =	vshll.u32 v3, $0x1  }
0x2f2: {  	v3 =	vand.u32 $0x7, v3;
	v4 =	vand.u32 $0xFFFFFFF0, v61  }
0x2f3: {  	v3 =	vor.u32 v3, v4  }
0x2f4: {  	v4 =	vperm.xlane v3, v0;
	_ =	sdelay $0x1  }
0x2f5: {  	v3 =	vperm.xlane v3, v2;
	v4 =	vadd.s32 v1, v4;
	_ =	sdelay $0x1  }
0x2f6: {  	v3 =	vadd.s32 v1, v3;
	_ =	sdelay $0x1  }
0x2f7: {  	s21 =	simm.s32 $0x16000  }
0x2f8: {  	[tilespmem:s21], [sflag:$0x3] =	stream.indirect_vreg.gather [hbm4b:s1+s3], $0x80, v4, vm0, $0xb8;
	[tilespmem:$0x1B000] =	vst v63  }
0x2f9: {  	s17 =	simm.s32 $0x16800  }
0x2fa: {  	[tilespmem:s17], [sflag:$0x3] =	stream.indirect_vreg.gather [hbm4b:s1+s3], $0x80, v3, vm0, $0xb8;
	[tilespmem:$0x1B000] =	vst v63  }
0x2fb: {  	v3 =	vld [tilespmem:s15+$0x2E0];
	_ =	sdelay $0x4  }
0x2fc: {  	v62 =	vshll.u32 v3, $0x1  }
0x2fd: {  	v3 =	vand.u32 $0x7, v3;
	v4 =	vand.u32 $0xFFFFFFF0, v62  }
0x2fe: {  	v3 =	vor.u32 v3, v4  }
0x2ff: {  	v4 =	vperm.xlane v3, v0;
	_ =	sdelay $0x1  }
0x300: {  	v3 =	vperm.xlane v3, v2;
	v4 =	vadd.s32 v1, v4;
	_ =	sdelay $0x1  }
0x301: {  	v3 =	vadd.s32 v1, v3;
	_ =	sdelay $0x1  }
0x302: {  	s18 =	simm.s32 $0x17000  }
0x303: {  	[tilespmem:s18], [sflag:$0x3] =	stream.indirect_vreg.gather [hbm4b:s1+s3], $0x80, v4, vm0, $0xb8;
	[tilespmem:$0x1B000] =	vst v63  }
0x304: {  	s19 =	simm.s32 $0x17800  }
0x305: {  	[tilespmem:s19], [sflag:$0x3] =	stream.indirect_vreg.gather [hbm4b:s1+s3], $0x80, v3, vm0, $0xb8;
	[tilespmem:$0x1B000] =	vst v63  }
0x306: {  	v3 =	vld [tilespmem:s15+$0x2F0];
	_ =	sdelay $0x4  }
0x307: {  	v63 =	vshll.u32 v3, $0x1  }
0x308: {  	v3 =	vand.u32 $0x7, v3;
	v4 =	vand.u32 $0xFFFFFFF0, v63  }
0x309: {  	v3 =	vor.u32 v3, v4  }
0x30a: {  	v4 =	vperm.xlane v3, v0;
	_ =	sdelay $0x1  }
0x30b: {  	v3 =	vperm.xlane v3, v2;
	v4 =	vadd.s32 v1, v4  }
0x30c: {  	s14 =	sadd.s32 $0x1, s14  }
0x30d: {  	p0 =	sne.s32 s14, $0x9;
	v3 =	vadd.s32 v1, v3  }
.Ltmp3:
0x30e: {  	_ = 	snop;
	(pc) =	sbr.rel @p0 .LBB2_2-.Ltmp3, $4  }
0x30f: {  	s20 =	simm.s32 $0x18000  }
0x310: {  	[tilespmem:s20], [sflag:$0x3] =	stream.indirect_vreg.gather [hbm4b:s1+s3], $0x80, v4, vm0, $0xb8;
	[tilespmem:$0x1B000] =	vst v63  }
0x311: {  	s21 =	simm.s32 $0x18800  }
0x312: {  	[tilespmem:s21], [sflag:$0x3] =	stream.indirect_vreg.gather [hbm4b:s1+s3], $0x80, v3, vm0, $0xb8;
	[tilespmem:$0x1B000] =	vst v63  }
0x313: {  	_ =	swait.ge [sflag:s11], $0x8000;
	s14 =	simm.s32 $0x0  }
0x314: {  	[sflag:s11] =	ssyncset.done $0x0;
	s15 =	sand.u32 $0x7800, s14;
	s16 =	sand.u32 $0x300, s14  }
0x315: {  	[sflag:s11] =	ssyncadd.s32 $0xFFFF8000;
	s15 =	sor.u32 s16, s15  }
0x316: {  	v10 =	vld [tilespmem:s15+$0x1080]  }
0x317: {  	v11 =	vld [tilespmem:s15+$0x1090]  }
0x318: {  	v12 =	vld [tilespmem:s15+$0x10A0]  }
0x319: {  	v13 =	vld [tilespmem:s15+$0x10B0]  }
0x31a: {  	v18 =	vld [tilespmem:s15+$0x10C0]  }
0x31b: {  	v20 =	vld [tilespmem:s15+$0x10D0]  }
0x31c: {  	v22 =	vld [tilespmem:s15+$0x10E0]  }
0x31d: {  	v24 =	vld [tilespmem:s15+$0x10F0]  }
0x31e: {  	v8 =	vld [tilespmem:s15+$0x1480]  }
0x31f: {  	v9 =	vld [tilespmem:s15+$0x1490]  }
0x320: {  	v7 =	vld [tilespmem:s15+$0x14A0]  }
0x321: {  	v5 =	vld [tilespmem:s15+$0x14B0]  }
0x322: {  	v3 =	vld [tilespmem:s15+$0x1000]  }
0x323: {  	v4 =	vld [tilespmem:s15+$0x1010]  }
0x324: {  	v14 =	vld [tilespmem:s15+$0x1020]  }
0x325: {  	v15 =	vld [tilespmem:s15+$0x1030]  }
0x326: {  	v23 =	vld [tilespmem:s15+$0x1060]  }
0x327: {  	v25 =	vld [tilespmem:s15+$0x1070]  }
0x328: {  	v6 =	vimm.f32 $0.0e+00;
	v19 =	vld [tilespmem:s15+$0x1040]  }
0x329: {  	v21 =	vld [tilespmem:s15+$0x1050];
	v16 =	vadd.f32 v3, v6  }
0x32a: {  	v27 =	vld [tilespmem:s15+$0x1400];
	v17 =	vadd.f32 v4, v6;
	v14 =	vadd.f32 v14, v6  }
0x32b: {  	v29 =	vld [tilespmem:s15+$0x1410];
	v26 =	vadd.f32 v15, v6;
	v31 =	vadd.f32 v23, v6  }
0x32c: {  	v28 =	vld [tilespmem:s15+$0x1420];
	v32 =	vadd.f32 v25, v6;
	v15 =	vadd.f32 v10, v16  }
0x32d: {  	v30 =	vld [tilespmem:s15+$0x1430];
	v16 =	vadd.f32 v11, v17;
	v17 =	vadd.f32 v12, v14  }
0x32e: {  	v3 =	vld [tilespmem:s15+$0x14C0];
	v23 =	vimm.f32 $0.0e+00;
	v10 =	vadd.f32 v19, v6;
	v11 =	vadd.f32 v21, v6  }
0x32f: {  	v4 =	vld [tilespmem:s15+$0x14D0];
	v14 =	vadd.f32 v13, v26;
	v21 =	vimm.f32 $0.0e+00;
	v12 =	vimm.f32 $0.0e+00  }
0x330: {  	v25 =	vld [tilespmem:s15+$0x1440];
	v13 =	vimm.f32 $0.0e+00;
	v19 =	vadd.f32 v18, v10;
	v18 =	vadd.f32 v20, v11  }
0x331: {  	s16 =	simm.s32 $0x100;
	v26 =	vld [tilespmem:s15+$0x1450];
	v20 =	vimm.f32 $0.0e+00;
	v11 =	vimm.f32 $0.0e+00;
	v10 =	vimm.f32 $0.0e+00  }
.LBB2_10:
0x332: {  	p0 =	sne.s32 s16, $0x3F00;
	v31 =	vadd.f32 v22, v31;
	v32 =	vadd.f32 v24, v32;
	v22 =	vld [tilespmem:s15+$0x1460]  }
0x333: {  	v6 =	vadd.f32 v27, v6;
	v23 =	vadd.f32 v29, v23;
	s14 =	sadd.s32 $0x200, s14;
	v24 =	vld [tilespmem:s15+$0x1470]  }
0x334: {  	s18 =	sand.u32 $0x300, s16;
	s17 =	sand.u32 $0x7800, s14;
	v20 =	vadd.f32 v28, v20;
	v21 =	vadd.f32 v30, v21;
	v27 =	vld [tilespmem:s15+$0x14E0]  }
0x335: {  	v6 =	vadd.f32 v8, v6;
	v23 =	vadd.f32 v9, v23;
	v8 =	vld [tilespmem:s15+$0x14F0];
	s15 =	sor.u32 s18, s17  }
0x336: {  	v20 =	vadd.f32 v7, v20;
	v28 =	vld [tilespmem:s15+$0x1080];
	v21 =	vadd.f32 v5, v21  }
0x337: {  	v5 =	vadd.f32 v25, v11;
	v7 =	vadd.f32 v26, v12;
	v29 =	vld [tilespmem:s15+$0x1090]  }
0x338: {  	v9 =	vadd.f32 v22, v13;
	v25 =	vld [tilespmem:s15+$0x10A0];
	v10 =	vadd.f32 v24, v10  }
0x339: {  	v11 =	vadd.f32 v3, v5;
	v12 =	vadd.f32 v4, v7;
	v26 =	vld [tilespmem:s15+$0x10B0]  }
0x33a: {  	v13 =	vadd.f32 v27, v9;
	v33 =	vld [tilespmem:s15+$0x10C0];
	v10 =	vadd.f32 v8, v10  }
0x33b: {  	v34 =	vld [tilespmem:s15+$0x10D0]  }
0x33c: {  	v22 =	vld [tilespmem:s15+$0x10E0]  }
0x33d: {  	v24 =	vld [tilespmem:s15+$0x10F0]  }
0x33e: {  	v8 =	vld [tilespmem:s15+$0x1480]  }
0x33f: {  	v9 =	vld [tilespmem:s15+$0x1490]  }
0x340: {  	v7 =	vld [tilespmem:s15+$0x14A0]  }
0x341: {  	v5 =	vld [tilespmem:s15+$0x14B0]  }
0x342: {  	v3 =	vld [tilespmem:s15+$0x14C0]  }
0x343: {  	v4 =	vld [tilespmem:s15+$0x14D0]  }
0x344: {  	v27 =	vld [tilespmem:s15+$0x1000]  }
0x345: {  	v30 =	vld [tilespmem:s15+$0x1010]  }
0x346: {  	v35 =	vld [tilespmem:s15+$0x1020]  }
0x347: {  	v36 =	vld [tilespmem:s15+$0x1030]  }
0x348: {  	v37 =	vld [tilespmem:s15+$0x1040]  }
0x349: {  	v38 =	vld [tilespmem:s15+$0x1050]  }
0x34a: {  	v39 =	vld [tilespmem:s15+$0x1060]  }
0x34b: {  	v15 =	vadd.f32 v27, v15;
	v16 =	vadd.f32 v30, v16;
	v40 =	vld [tilespmem:s15+$0x1070]  }
0x34c: {  	v17 =	vadd.f32 v35, v17;
	v14 =	vadd.f32 v36, v14;
	v27 =	vld [tilespmem:s15+$0x1400]  }
.Ltmp4:
0x34d: {  	v15 =	vadd.f32 v28, v15;
	v16 =	vadd.f32 v29, v16;
	v29 =	vld [tilespmem:s15+$0x1410];
	(pc) =	sbr.rel @p0 .LBB2_10-.Ltmp4, $4  }
0x34e: {  	v17 =	vadd.f32 v25, v17;
	v14 =	vadd.f32 v26, v14;
	v28 =	vld [tilespmem:s15+$0x1420]  }
0x34f: {  	v19 =	vadd.f32 v37, v19;
	v18 =	vadd.f32 v38, v18;
	v30 =	vld [tilespmem:s15+$0x1430]  }
0x350: {  	v31 =	vadd.f32 v39, v31;
	v32 =	vadd.f32 v40, v32;
	v25 =	vld [tilespmem:s15+$0x1440]  }
0x351: {  	s16 =	sadd.s32 $0x100, s16;
	v19 =	vadd.f32 v33, v19;
	v18 =	vadd.f32 v34, v18;
	v26 =	vld [tilespmem:s15+$0x1450]  }
0x352: {  	v33 =	vld [tilespmem:s15+$0x1460]  }
0x353: {  	v34 =	vld [tilespmem:s15+$0x1470]  }
0x354: {  	v35 =	vld [tilespmem:s15+$0x14E0]  }
0x355: {  	v36 =	vld [tilespmem:s15+$0x14F0];
	[tilespmem:$0x1A980] =	vst v15  }
0x356: {  	[tilespmem:$0x1A990] =	vst v16;
	v15 =	vld [tilespmem:$0xF00]  }
0x357: {  	[tilespmem:$0x1A9A0] =	vst v17  }
0x358: {  	v16 =	vadd.f32 v22, v31;
	v17 =	vadd.f32 v24, v32;
	[tilespmem:$0x1A9B0] =	vst v14  }
0x359: {  	v6 =	vadd.f32 v27, v6;
	v14 =	vadd.f32 v29, v23;
	[tilespmem:$0x1A9C0] =	vst v19  }
0x35a: {  	v19 =	vadd.f32 v28, v20;
	[tilespmem:$0x1A9D0] =	vst v18;
	v20 =	vadd.f32 v30, v21  }
0x35b: {  	v6 =	vadd.f32 v8, v6;
	v8 =	vadd.f32 v9, v14;
	[tilespmem:$0x1A9E0] =	vst v16;
	v9 =	vshll.u32 v15, $0x1  }
0x35c: {  	[tilespmem:$0x1A9F0] =	vst v17;
	v7 =	vadd.f32 v7, v19;
	v14 =	vand.u32 $0x7, v15;
	v9 =	vand.u32 $0xFFFFFFF0, v9  }
0x35d: {  	v11 =	vadd.f32 v25, v11;
	v5 =	vadd.f32 v5, v20;
	[tilespmem:$0x1AD80] =	vst v6;
	v6 =	vor.u32 v14, v9  }
0x35e: {  	[tilespmem:$0x1AD90] =	vst v8;
	v10 =	vadd.f32 v34, v10;
	v9 =	vadd.f32 v26, v12;
	v8 =	vperm.xlane v6, v0  }
0x35f: {  	v3 =	vadd.f32 v3, v11;
	[tilespmem:$0x1ADA0] =	vst v7;
	v12 =	vadd.f32 v33, v13  }
0x360: {  	[tilespmem:$0x1ADB0] =	vst v5;
	v6 =	vperm.xlane v6, v2;
	v4 =	vadd.f32 v4, v9;
	v5 =	vadd.s32 v1, v8  }
0x361: {  	[tilespmem:$0x1ADC0] =	vst v3;
	v3 =	vadd.f32 v36, v10  }
0x362: {  	v7 =	vadd.f32 v35, v12;
	[tilespmem:$0x1ADD0] =	vst v4;
	v4 =	vadd.s32 v1, v6  }
0x363: {  	[tilespmem:$0x1ADF0] =	vst v3  }
0x364: {  	s14 =	simm.s32 $0x0;
	s19 =	simm.s32 $0x1000;
	[tilespmem:$0x1ADE0] =	vst v7  }
0x365: {  	[tilespmem:s19], [sflag:$0x1] =	stream.indirect_vreg.gather [hbm4b:s1+s14], $0x80, v5, vm0, $0xb8;
	[tilespmem:$0x1B000] =	vst v63  }
0x366: {  	s20 =	simm.s32 $0x1800  }
0x367: {  	[tilespmem:s20], [sflag:$0x1] =	stream.indirect_vreg.gather [hbm4b:s1+s14], $0x80, v4, vm0, $0xb8;
	[tilespmem:$0x1B000] =	vst v63  }
0x368: {  	v3 =	vld [tilespmem:$0xF10];
	_ =	sdelay $0x4  }
0x369: {  	v4 =	vshll.u32 v3, $0x1  }
0x36a: {  	v3 =	vand.u32 $0x7, v3;
	v4 =	vand.u32 $0xFFFFFFF0, v4  }
0x36b: {  	v3 =	vor.u32 v3, v4  }
0x36c: {  	v4 =	vperm.xlane v3, v0;
	_ =	sdelay $0x1  }
0x36d: {  	v3 =	vperm.xlane v3, v2;
	v4 =	vadd.s32 v1, v4;
	_ =	sdelay $0x1  }
0x36e: {  	v3 =	vadd.s32 v1, v3;
	_ =	sdelay $0x1  }
0x36f: {  	s21 =	simm.s32 $0x2000  }
0x370: {  	[tilespmem:s21], [sflag:$0x1] =	stream.indirect_vreg.gather [hbm4b:s1+s14], $0x80, v4, vm0, $0xb8;
	[tilespmem:$0x1B000] =	vst v63  }
0x371: {  	s16 =	simm.s32 $0x2800  }
0x372: {  	[tilespmem:s16], [sflag:$0x1] =	stream.indirect_vreg.gather [hbm4b:s1+s14], $0x80, v3, vm0, $0xb8;
	[tilespmem:$0x1B000] =	vst v63  }
0x373: {  	v3 =	vld [tilespmem:$0xF20];
	_ =	sdelay $0x4  }
0x374: {  	v4 =	vshll.u32 v3, $0x1  }
0x375: {  	v3 =	vand.u32 $0x7, v3;
	v4 =	vand.u32 $0xFFFFFFF0, v4  }
0x376: {  	v3 =	vor.u32 v3, v4  }
0x377: {  	v4 =	vperm.xlane v3, v0;
	_ =	sdelay $0x1  }
0x378: {  	v3 =	vperm.xlane v3, v2;
	v4 =	vadd.s32 v1, v4;
	_ =	sdelay $0x1  }
0x379: {  	v3 =	vadd.s32 v1, v3;
	_ =	sdelay $0x1  }
0x37a: {  	s17 =	simm.s32 $0x3000  }
0x37b: {  	[tilespmem:s17], [sflag:$0x1] =	stream.indirect_vreg.gather [hbm4b:s1+s14], $0x80, v4, vm0, $0xb8;
	[tilespmem:$0x1B000] =	vst v63  }
0x37c: {  	s18 =	simm.s32 $0x3800  }
0x37d: {  	[tilespmem:s18], [sflag:$0x1] =	stream.indirect_vreg.gather [hbm4b:s1+s14], $0x80, v3, vm0, $0xb8;
	[tilespmem:$0x1B000] =	vst v63  }
0x37e: {  	v3 =	vld [tilespmem:$0xF30];
	_ =	sdelay $0x4  }
0x37f: {  	v4 =	vshll.u32 v3, $0x1  }
0x380: {  	v3 =	vand.u32 $0x7, v3;
	v4 =	vand.u32 $0xFFFFFFF0, v4  }
0x381: {  	v3 =	vor.u32 v3, v4  }
0x382: {  	v4 =	vperm.xlane v3, v0;
	_ =	sdelay $0x1  }
0x383: {  	v3 =	vperm.xlane v3, v2;
	v4 =	vadd.s32 v1, v4;
	_ =	sdelay $0x1  }
0x384: {  	v3 =	vadd.s32 v1, v3;
	_ =	sdelay $0x1  }
0x385: {  	s19 =	simm.s32 $0x4000  }
0x386: {  	[tilespmem:s19], [sflag:$0x1] =	stream.indirect_vreg.gather [hbm4b:s1+s14], $0x80, v4, vm0, $0xb8;
	[tilespmem:$0x1B000] =	vst v63  }
0x387: {  	s20 =	simm.s32 $0x4800  }
0x388: {  	[tilespmem:s20], [sflag:$0x1] =	stream.indirect_vreg.gather [hbm4b:s1+s14], $0x80, v3, vm0, $0xb8;
	[tilespmem:$0x1B000] =	vst v63  }
0x389: {  	v3 =	vld [tilespmem:$0xF40];
	_ =	sdelay $0x4  }
0x38a: {  	v4 =	vshll.u32 v3, $0x1  }
0x38b: {  	v3 =	vand.u32 $0x7, v3;
	v4 =	vand.u32 $0xFFFFFFF0, v4  }
0x38c: {  	v3 =	vor.u32 v3, v4  }
0x38d: {  	v4 =	vperm.xlane v3, v0;
	_ =	sdelay $0x1  }
0x38e: {  	v3 =	vperm.xlane v3, v2;
	v4 =	vadd.s32 v1, v4;
	_ =	sdelay $0x1  }
0x38f: {  	v3 =	vadd.s32 v1, v3;
	_ =	sdelay $0x1  }
0x390: {  	s21 =	simm.s32 $0x5000  }
0x391: {  	[tilespmem:s21], [sflag:$0x1] =	stream.indirect_vreg.gather [hbm4b:s1+s14], $0x80, v4, vm0, $0xb8;
	[tilespmem:$0x1B000] =	vst v63  }
0x392: {  	s16 =	simm.s32 $0x5800  }
0x393: {  	[tilespmem:s16], [sflag:$0x1] =	stream.indirect_vreg.gather [hbm4b:s1+s14], $0x80, v3, vm0, $0xb8;
	[tilespmem:$0x1B000] =	vst v63  }
0x394: {  	v3 =	vld [tilespmem:$0xF50];
	_ =	sdelay $0x4  }
0x395: {  	v4 =	vshll.u32 v3, $0x1  }
0x396: {  	v3 =	vand.u32 $0x7, v3;
	v4 =	vand.u32 $0xFFFFFFF0, v4  }
0x397: {  	v3 =	vor.u32 v3, v4  }
0x398: {  	v4 =	vperm.xlane v3, v0;
	_ =	sdelay $0x1  }
0x399: {  	v3 =	vperm.xlane v3, v2;
	v4 =	vadd.s32 v1, v4;
	_ =	sdelay $0x1  }
0x39a: {  	v3 =	vadd.s32 v1, v3;
	_ =	sdelay $0x1  }
0x39b: {  	s17 =	simm.s32 $0x6000  }
0x39c: {  	[tilespmem:s17], [sflag:$0x1] =	stream.indirect_vreg.gather [hbm4b:s1+s14], $0x80, v4, vm0, $0xb8;
	[tilespmem:$0x1B000] =	vst v63  }
0x39d: {  	s18 =	simm.s32 $0x6800  }
0x39e: {  	[tilespmem:s18], [sflag:$0x1] =	stream.indirect_vreg.gather [hbm4b:s1+s14], $0x80, v3, vm0, $0xb8;
	[tilespmem:$0x1B000] =	vst v63  }
0x39f: {  	v3 =	vld [tilespmem:$0xF60];
	_ =	sdelay $0x4  }
0x3a0: {  	v4 =	vshll.u32 v3, $0x1  }
0x3a1: {  	v3 =	vand.u32 $0x7, v3;
	v4 =	vand.u32 $0xFFFFFFF0, v4  }
0x3a2: {  	v3 =	vor.u32 v3, v4  }
0x3a3: {  	v4 =	vperm.xlane v3, v0;
	_ =	sdelay $0x1  }
0x3a4: {  	v3 =	vperm.xlane v3, v2;
	v4 =	vadd.s32 v1, v4;
	_ =	sdelay $0x1  }
0x3a5: {  	v3 =	vadd.s32 v1, v3;
	_ =	sdelay $0x1  }
0x3a6: {  	s19 =	simm.s32 $0x7000  }
0x3a7: {  	[tilespmem:s19], [sflag:$0x1] =	stream.indirect_vreg.gather [hbm4b:s1+s14], $0x80, v4, vm0, $0xb8;
	[tilespmem:$0x1B000] =	vst v63  }
0x3a8: {  	s20 =	simm.s32 $0x7800  }
0x3a9: {  	[tilespmem:s20], [sflag:$0x1] =	stream.indirect_vreg.gather [hbm4b:s1+s14], $0x80, v3, vm0, $0xb8;
	[tilespmem:$0x1B000] =	vst v63  }
0x3aa: {  	v3 =	vld [tilespmem:$0xF70];
	_ =	sdelay $0x4  }
0x3ab: {  	v4 =	vshll.u32 v3, $0x1  }
0x3ac: {  	v3 =	vand.u32 $0x7, v3;
	v4 =	vand.u32 $0xFFFFFFF0, v4  }
0x3ad: {  	v3 =	vor.u32 v3, v4  }
0x3ae: {  	v4 =	vperm.xlane v3, v0;
	_ =	sdelay $0x1  }
0x3af: {  	v3 =	vperm.xlane v3, v2;
	v4 =	vadd.s32 v1, v4;
	_ =	sdelay $0x1  }
0x3b0: {  	v3 =	vadd.s32 v1, v3;
	_ =	sdelay $0x2  }
0x3b1: {  	[tilespmem:s22], [sflag:$0x1] =	stream.indirect_vreg.gather [hbm4b:s1+s14], $0x80, v4, vm0, $0xb8;
	[tilespmem:$0x1B000] =	vst v63  }
0x3b2: {  	_ = 	snop  }
0x3b3: {  	[tilespmem:s23], [sflag:$0x1] =	stream.indirect_vreg.gather [hbm4b:s1+s14], $0x80, v3, vm0, $0xb8;
	[tilespmem:$0x1B000] =	vst v63  }
0x3b4: {  	_ =	swait.ge [sflag:s12], $0x8000  }
0x3b5: {  	s21 =	sand.u32 $0x7800, s14;
	s16 =	sand.u32 $0x300, s14;
	[sflag:s12] =	ssyncset.done $0x0  }
0x3b6: {  	s15 =	sor.u32 s16, s21;
	[sflag:s12] =	ssyncadd.s32 $0xFFFF8000  }
0x3b7: {  	v10 =	vld [tilespmem:s15+$0x9080]  }
0x3b8: {  	v11 =	vld [tilespmem:s15+$0x9090]  }
0x3b9: {  	v12 =	vld [tilespmem:s15+$0x90A0]  }
0x3ba: {  	v13 =	vld [tilespmem:s15+$0x90B0]  }
0x3bb: {  	v18 =	vld [tilespmem:s15+$0x90C0]  }
0x3bc: {  	v20 =	vld [tilespmem:s15+$0x90D0]  }
0x3bd: {  	v22 =	vld [tilespmem:s15+$0x90E0]  }
0x3be: {  	v24 =	vld [tilespmem:s15+$0x90F0]  }
0x3bf: {  	v8 =	vld [tilespmem:s15+$0x9480]  }
0x3c0: {  	v9 =	vld [tilespmem:s15+$0x9490]  }
0x3c1: {  	v7 =	vld [tilespmem:s15+$0x94A0]  }
0x3c2: {  	v5 =	vld [tilespmem:s15+$0x94B0]  }
0x3c3: {  	v3 =	vld [tilespmem:s15+$0x9000]  }
0x3c4: {  	v4 =	vld [tilespmem:s15+$0x9010]  }
0x3c5: {  	v14 =	vld [tilespmem:s15+$0x9020]  }
0x3c6: {  	v15 =	vld [tilespmem:s15+$0x9030]  }
0x3c7: {  	v23 =	vld [tilespmem:s15+$0x9060]  }
0x3c8: {  	v25 =	vld [tilespmem:s15+$0x9070]  }
0x3c9: {  	v6 =	vimm.f32 $0.0e+00;
	v19 =	vld [tilespmem:s15+$0x9040]  }
0x3ca: {  	v21 =	vld [tilespmem:s15+$0x9050];
	v16 =	vadd.f32 v3, v6  }
0x3cb: {  	v27 =	vld [tilespmem:s15+$0x9400];
	v17 =	vadd.f32 v4, v6;
	v14 =	vadd.f32 v14, v6  }
0x3cc: {  	v29 =	vld [tilespmem:s15+$0x9410];
	v26 =	vadd.f32 v15, v6;
	v31 =	vadd.f32 v23, v6  }
0x3cd: {  	v28 =	vld [tilespmem:s15+$0x9420];
	v32 =	vadd.f32 v25, v6;
	v15 =	vadd.f32 v10, v16  }
0x3ce: {  	v30 =	vld [tilespmem:s15+$0x9430];
	v16 =	vadd.f32 v11, v17;
	v17 =	vadd.f32 v12, v14  }
0x3cf: {  	v3 =	vld [tilespmem:s15+$0x94C0];
	v23 =	vimm.f32 $0.0e+00;
	v10 =	vadd.f32 v19, v6;
	v11 =	vadd.f32 v21, v6  }
0x3d0: {  	v4 =	vld [tilespmem:s15+$0x94D0];
	v14 =	vadd.f32 v13, v26;
	v21 =	vimm.f32 $0.0e+00;
	v12 =	vimm.f32 $0.0e+00  }
0x3d1: {  	v25 =	vld [tilespmem:s15+$0x9440];
	v13 =	vimm.f32 $0.0e+00;
	v19 =	vadd.f32 v18, v10;
	v18 =	vadd.f32 v20, v11  }
0x3d2: {  	s16 =	simm.s32 $0x100;
	v26 =	vld [tilespmem:s15+$0x9450];
	v20 =	vimm.f32 $0.0e+00;
	v11 =	vimm.f32 $0.0e+00;
	v10 =	vimm.f32 $0.0e+00  }
.LBB2_12:
0x3d3: {  	p0 =	sne.s32 s16, $0x3F00;
	v31 =	vadd.f32 v22, v31;
	v32 =	vadd.f32 v24, v32;
	v22 =	vld [tilespmem:s15+$0x9460]  }
0x3d4: {  	v6 =	vadd.f32 v27, v6;
	v23 =	vadd.f32 v29, v23;
	s14 =	sadd.s32 $0x200, s14;
	v24 =	vld [tilespmem:s15+$0x9470]  }
0x3d5: {  	s18 =	sand.u32 $0x300, s16;
	s17 =	sand.u32 $0x7800, s14;
	v20 =	vadd.f32 v28, v20;
	v21 =	vadd.f32 v30, v21;
	v27 =	vld [tilespmem:s15+$0x94E0]  }
0x3d6: {  	v6 =	vadd.f32 v8, v6;
	v23 =	vadd.f32 v9, v23;
	v8 =	vld [tilespmem:s15+$0x94F0];
	s15 =	sor.u32 s18, s17  }
0x3d7: {  	v20 =	vadd.f32 v7, v20;
	v28 =	vld [tilespmem:s15+$0x9080];
	v21 =	vadd.f32 v5, v21  }
0x3d8: {  	v5 =	vadd.f32 v25, v11;
	v7 =	vadd.f32 v26, v12;
	v29 =	vld [tilespmem:s15+$0x9090]  }
0x3d9: {  	v9 =	vadd.f32 v22, v13;
	v25 =	vld [tilespmem:s15+$0x90A0];
	v10 =	vadd.f32 v24, v10  }
0x3da: {  	v11 =	vadd.f32 v3, v5;
	v12 =	vadd.f32 v4, v7;
	v26 =	vld [tilespmem:s15+$0x90B0]  }
0x3db: {  	v13 =	vadd.f32 v27, v9;
	v33 =	vld [tilespmem:s15+$0x90C0];
	v10 =	vadd.f32 v8, v10  }
0x3dc: {  	v34 =	vld [tilespmem:s15+$0x90D0]  }
0x3dd: {  	v22 =	vld [tilespmem:s15+$0x90E0]  }
0x3de: {  	v24 =	vld [tilespmem:s15+$0x90F0]  }
0x3df: {  	v8 =	vld [tilespmem:s15+$0x9480]  }
0x3e0: {  	v9 =	vld [tilespmem:s15+$0x9490]  }
0x3e1: {  	v7 =	vld [tilespmem:s15+$0x94A0]  }
0x3e2: {  	v5 =	vld [tilespmem:s15+$0x94B0]  }
0x3e3: {  	v3 =	vld [tilespmem:s15+$0x94C0]  }
0x3e4: {  	v4 =	vld [tilespmem:s15+$0x94D0]  }
0x3e5: {  	v27 =	vld [tilespmem:s15+$0x9000]  }
0x3e6: {  	v30 =	vld [tilespmem:s15+$0x9010]  }
0x3e7: {  	v35 =	vld [tilespmem:s15+$0x9020]  }
0x3e8: {  	v36 =	vld [tilespmem:s15+$0x9030]  }
0x3e9: {  	v37 =	vld [tilespmem:s15+$0x9040]  }
0x3ea: {  	v38 =	vld [tilespmem:s15+$0x9050]  }
0x3eb: {  	v39 =	vld [tilespmem:s15+$0x9060]  }
0x3ec: {  	v15 =	vadd.f32 v27, v15;
	v16 =	vadd.f32 v30, v16;
	v40 =	vld [tilespmem:s15+$0x9070]  }
0x3ed: {  	v17 =	vadd.f32 v35, v17;
	v14 =	vadd.f32 v36, v14;
	v27 =	vld [tilespmem:s15+$0x9400]  }
.Ltmp5:
0x3ee: {  	v15 =	vadd.f32 v28, v15;
	v16 =	vadd.f32 v29, v16;
	v29 =	vld [tilespmem:s15+$0x9410];
	(pc) =	sbr.rel @p0 .LBB2_12-.Ltmp5, $4  }
0x3ef: {  	v17 =	vadd.f32 v25, v17;
	v14 =	vadd.f32 v26, v14;
	v28 =	vld [tilespmem:s15+$0x9420]  }
0x3f0: {  	v19 =	vadd.f32 v37, v19;
	v18 =	vadd.f32 v38, v18;
	v30 =	vld [tilespmem:s15+$0x9430]  }
0x3f1: {  	v31 =	vadd.f32 v39, v31;
	v32 =	vadd.f32 v40, v32;
	v25 =	vld [tilespmem:s15+$0x9440]  }
0x3f2: {  	s16 =	sadd.s32 $0x100, s16;
	v19 =	vadd.f32 v33, v19;
	v18 =	vadd.f32 v34, v18;
	v26 =	vld [tilespmem:s15+$0x9450]  }
0x3f3: {  	v33 =	vld [tilespmem:s15+$0x9460]  }
0x3f4: {  	v34 =	vld [tilespmem:s15+$0x9470]  }
0x3f5: {  	v35 =	vld [tilespmem:s15+$0x94E0]  }
0x3f6: {  	v36 =	vld [tilespmem:s15+$0x94F0];
	[tilespmem:$0x1AA00] =	vst v15  }
0x3f7: {  	[tilespmem:$0x1AA10] =	vst v16;
	v15 =	vld [tilespmem:$0xF80]  }
0x3f8: {  	[tilespmem:$0x1AA20] =	vst v17  }
0x3f9: {  	v16 =	vadd.f32 v22, v31;
	v17 =	vadd.f32 v24, v32;
	[tilespmem:$0x1AA30] =	vst v14  }
0x3fa: {  	v6 =	vadd.f32 v27, v6;
	v14 =	vadd.f32 v29, v23;
	[tilespmem:$0x1AA40] =	vst v19  }
0x3fb: {  	v19 =	vadd.f32 v28, v20;
	[tilespmem:$0x1AA50] =	vst v18;
	v20 =	vadd.f32 v30, v21  }
0x3fc: {  	v6 =	vadd.f32 v8, v6;
	v8 =	vadd.f32 v9, v14;
	[tilespmem:$0x1AA60] =	vst v16;
	v9 =	vshll.u32 v15, $0x1  }
0x3fd: {  	[tilespmem:$0x1AA70] =	vst v17;
	v7 =	vadd.f32 v7, v19;
	v14 =	vand.u32 $0x7, v15;
	v9 =	vand.u32 $0xFFFFFFF0, v9  }
0x3fe: {  	v11 =	vadd.f32 v25, v11;
	v5 =	vadd.f32 v5, v20;
	[tilespmem:$0x1AE00] =	vst v6;
	v6 =	vor.u32 v14, v9  }
0x3ff: {  	[tilespmem:$0x1AE10] =	vst v8;
	v10 =	vadd.f32 v34, v10;
	v9 =	vadd.f32 v26, v12;
	v8 =	vperm.xlane v6, v0  }
0x400: {  	v3 =	vadd.f32 v3, v11;
	[tilespmem:$0x1AE20] =	vst v7;
	v12 =	vadd.f32 v33, v13  }
0x401: {  	[tilespmem:$0x1AE30] =	vst v5;
	v6 =	vperm.xlane v6, v2;
	v4 =	vadd.f32 v4, v9;
	v5 =	vadd.s32 v1, v8  }
0x402: {  	[tilespmem:$0x1AE40] =	vst v3;
	v3 =	vadd.f32 v36, v10  }
0x403: {  	v7 =	vadd.f32 v35, v12;
	[tilespmem:$0x1AE50] =	vst v4;
	v4 =	vadd.s32 v1, v6  }
0x404: {  	[tilespmem:$0x1AE70] =	vst v3  }
0x405: {  	s14 =	simm.s32 $0x0;
	[tilespmem:$0x1AE60] =	vst v7  }
0x406: {  	[tilespmem:s24], [sflag:$0x2] =	stream.indirect_vreg.gather [hbm4b:s1+s14], $0x80, v5, vm0, $0xb8;
	[tilespmem:$0x1B000] =	vst v63  }
0x407: {  	_ = 	snop  }
0x408: {  	[tilespmem:s25], [sflag:$0x2] =	stream.indirect_vreg.gather [hbm4b:s1+s14], $0x80, v4, vm0, $0xb8;
	[tilespmem:$0x1B000] =	vst v63  }
0x409: {  	v3 =	vld [tilespmem:$0xF90];
	_ =	sdelay $0x4  }
0x40a: {  	v4 =	vshll.u32 v3, $0x1  }
0x40b: {  	v3 =	vand.u32 $0x7, v3;
	v4 =	vand.u32 $0xFFFFFFF0, v4  }
0x40c: {  	v3 =	vor.u32 v3, v4  }
0x40d: {  	v4 =	vperm.xlane v3, v0;
	_ =	sdelay $0x1  }
0x40e: {  	v3 =	vperm.xlane v3, v2;
	v4 =	vadd.s32 v1, v4;
	_ =	sdelay $0x1  }
0x40f: {  	v3 =	vadd.s32 v1, v3;
	_ =	sdelay $0x2  }
0x410: {  	[tilespmem:s26], [sflag:$0x2] =	stream.indirect_vreg.gather [hbm4b:s1+s14], $0x80, v4, vm0, $0xb8;
	[tilespmem:$0x1B000] =	vst v63  }
0x411: {  	_ = 	snop  }
0x412: {  	[tilespmem:s28], [sflag:$0x2] =	stream.indirect_vreg.gather [hbm4b:s1+s14], $0x80, v3, vm0, $0xb8;
	[tilespmem:$0x1B000] =	vst v63  }
0x413: {  	v3 =	vld [tilespmem:$0xFA0];
	_ =	sdelay $0x4  }
0x414: {  	v4 =	vshll.u32 v3, $0x1  }
0x415: {  	v3 =	vand.u32 $0x7, v3;
	v4 =	vand.u32 $0xFFFFFFF0, v4  }
0x416: {  	v3 =	vor.u32 v3, v4  }
0x417: {  	v4 =	vperm.xlane v3, v0;
	_ =	sdelay $0x1  }
0x418: {  	v3 =	vperm.xlane v3, v2;
	v4 =	vadd.s32 v1, v4;
	_ =	sdelay $0x1  }
0x419: {  	v3 =	vadd.s32 v1, v3;
	_ =	sdelay $0x2  }
0x41a: {  	[tilespmem:s29], [sflag:$0x2] =	stream.indirect_vreg.gather [hbm4b:s1+s14], $0x80, v4, vm0, $0xb8;
	[tilespmem:$0x1B000] =	vst v63  }
0x41b: {  	_ = 	snop  }
0x41c: {  	[tilespmem:s30], [sflag:$0x2] =	stream.indirect_vreg.gather [hbm4b:s1+s14], $0x80, v3, vm0, $0xb8;
	[tilespmem:$0x1B000] =	vst v63  }
0x41d: {  	v3 =	vld [tilespmem:$0xFB0];
	_ =	sdelay $0x4  }
0x41e: {  	v4 =	vshll.u32 v3, $0x1  }
0x41f: {  	v3 =	vand.u32 $0x7, v3;
	v4 =	vand.u32 $0xFFFFFFF0, v4  }
0x420: {  	v3 =	vor.u32 v3, v4  }
0x421: {  	v4 =	vperm.xlane v3, v0;
	_ =	sdelay $0x1  }
0x422: {  	v3 =	vperm.xlane v3, v2;
	v4 =	vadd.s32 v1, v4;
	_ =	sdelay $0x1  }
0x423: {  	v3 =	vadd.s32 v1, v3;
	_ =	sdelay $0x2  }
0x424: {  	[tilespmem:s31], [sflag:$0x2] =	stream.indirect_vreg.gather [hbm4b:s1+s14], $0x80, v4, vm0, $0xb8;
	[tilespmem:$0x1B000] =	vst v63  }
0x425: {  	_ = 	snop  }
0x426: {  	[tilespmem:s0], [sflag:$0x2] =	stream.indirect_vreg.gather [hbm4b:s1+s14], $0x80, v3, vm0, $0xb8;
	[tilespmem:$0x1B000] =	vst v63  }
0x427: {  	v3 =	vld [tilespmem:$0xFC0];
	_ =	sdelay $0x4  }
0x428: {  	v4 =	vshll.u32 v3, $0x1  }
0x429: {  	v3 =	vand.u32 $0x7, v3;
	v4 =	vand.u32 $0xFFFFFFF0, v4  }
0x42a: {  	v3 =	vor.u32 v3, v4  }
0x42b: {  	v4 =	vperm.xlane v3, v0;
	_ =	sdelay $0x1  }
0x42c: {  	v3 =	vperm.xlane v3, v2;
	v4 =	vadd.s32 v1, v4;
	_ =	sdelay $0x1  }
0x42d: {  	v3 =	vadd.s32 v1, v3;
	_ =	sdelay $0x2  }
0x42e: {  	[tilespmem:s2], [sflag:$0x2] =	stream.indirect_vreg.gather [hbm4b:s1+s14], $0x80, v4, vm0, $0xb8;
	[tilespmem:$0x1B000] =	vst v63  }
0x42f: {  	_ = 	snop  }
0x430: {  	[tilespmem:s4], [sflag:$0x2] =	stream.indirect_vreg.gather [hbm4b:s1+s14], $0x80, v3, vm0, $0xb8;
	[tilespmem:$0x1B000] =	vst v63  }
0x431: {  	v3 =	vld [tilespmem:$0xFD0];
	_ =	sdelay $0x4  }
0x432: {  	v4 =	vshll.u32 v3, $0x1  }
0x433: {  	v3 =	vand.u32 $0x7, v3;
	v4 =	vand.u32 $0xFFFFFFF0, v4  }
0x434: {  	v3 =	vor.u32 v3, v4  }
0x435: {  	v4 =	vperm.xlane v3, v0;
	_ =	sdelay $0x1  }
0x436: {  	v3 =	vperm.xlane v3, v2;
	v4 =	vadd.s32 v1, v4;
	_ =	sdelay $0x1  }
0x437: {  	v3 =	vadd.s32 v1, v3;
	_ =	sdelay $0x2  }
0x438: {  	[tilespmem:s5], [sflag:$0x2] =	stream.indirect_vreg.gather [hbm4b:s1+s14], $0x80, v4, vm0, $0xb8;
	[tilespmem:$0x1B000] =	vst v63  }
0x439: {  	_ = 	snop  }
0x43a: {  	[tilespmem:s6], [sflag:$0x2] =	stream.indirect_vreg.gather [hbm4b:s1+s14], $0x80, v3, vm0, $0xb8;
	[tilespmem:$0x1B000] =	vst v63  }
0x43b: {  	v3 =	vld [tilespmem:$0xFE0];
	_ =	sdelay $0x4  }
0x43c: {  	v4 =	vshll.u32 v3, $0x1  }
0x43d: {  	v3 =	vand.u32 $0x7, v3;
	v4 =	vand.u32 $0xFFFFFFF0, v4  }
0x43e: {  	v3 =	vor.u32 v3, v4  }
0x43f: {  	v4 =	vperm.xlane v3, v0;
	_ =	sdelay $0x1  }
0x440: {  	v3 =	vperm.xlane v3, v2;
	v4 =	vadd.s32 v1, v4;
	_ =	sdelay $0x1  }
0x441: {  	v3 =	vadd.s32 v1, v3;
	_ =	sdelay $0x2  }
0x442: {  	[tilespmem:s7], [sflag:$0x2] =	stream.indirect_vreg.gather [hbm4b:s1+s14], $0x80, v4, vm0, $0xb8;
	[tilespmem:$0x1B000] =	vst v63  }
0x443: {  	_ = 	snop  }
0x444: {  	[tilespmem:s8], [sflag:$0x2] =	stream.indirect_vreg.gather [hbm4b:s1+s14], $0x80, v3, vm0, $0xb8;
	[tilespmem:$0x1B000] =	vst v63  }
0x445: {  	v3 =	vld [tilespmem:$0xFF0];
	_ =	sdelay $0x4  }
0x446: {  	v4 =	vshll.u32 v3, $0x1  }
0x447: {  	v3 =	vand.u32 $0x7, v3;
	v4 =	vand.u32 $0xFFFFFFF0, v4  }
0x448: {  	v3 =	vor.u32 v3, v4  }
0x449: {  	v4 =	vperm.xlane v3, v0;
	_ =	sdelay $0x1  }
0x44a: {  	v3 =	vperm.xlane v3, v2;
	v4 =	vadd.s32 v1, v4;
	_ =	sdelay $0x1  }
0x44b: {  	v3 =	vadd.s32 v1, v3;
	_ =	sdelay $0x2  }
0x44c: {  	[tilespmem:s9], [sflag:$0x2] =	stream.indirect_vreg.gather [hbm4b:s1+s14], $0x80, v4, vm0, $0xb8;
	[tilespmem:$0x1B000] =	vst v63  }
0x44d: {  	_ = 	snop  }
0x44e: {  	[tilespmem:s10], [sflag:$0x2] =	stream.indirect_vreg.gather [hbm4b:s1+s14], $0x80, v3, vm0, $0xb8;
	[tilespmem:$0x1B000] =	vst v63  }
0x44f: {  	_ =	swait.ge [sflag:s13], $0x8000  }
0x450: {  	s21 =	sand.u32 $0x7800, s14;
	s16 =	sand.u32 $0x300, s14;
	[sflag:s13] =	ssyncset.done $0x0  }
0x451: {  	s16 =	sor.u32 s16, s21;
	[sflag:s13] =	ssyncadd.s32 $0xFFFF8000  }
0x452: {  	s15 =	sadd.s32 $0x11000, s16;
	v3 =	vld [tilespmem:s16+$0x11000]  }
0x453: {  	v9 =	vld [tilespmem:s15+$0x80]  }
0x454: {  	v11 =	vld [tilespmem:s15+$0x90]  }
0x455: {  	v12 =	vld [tilespmem:s15+$0xA0]  }
0x456: {  	v13 =	vld [tilespmem:s15+$0xB0]  }
0x457: {  	v23 =	vld [tilespmem:s15+$0xC0]  }
0x458: {  	v24 =	vld [tilespmem:s15+$0xD0]  }
0x459: {  	v22 =	vld [tilespmem:s15+$0xE0]  }
0x45a: {  	v21 =	vld [tilespmem:s15+$0xF0]  }
0x45b: {  	v10 =	vld [tilespmem:s15+$0x480]  }
0x45c: {  	v8 =	vld [tilespmem:s15+$0x490]  }
0x45d: {  	v7 =	vld [tilespmem:s15+$0x4A0]  }
0x45e: {  	v4 =	vld [tilespmem:s15+$0x10]  }
0x45f: {  	v14 =	vld [tilespmem:s15+$0x20]  }
0x460: {  	v15 =	vld [tilespmem:s15+$0x30]  }
0x461: {  	v18 =	vld [tilespmem:s15+$0x40]  }
0x462: {  	v19 =	vld [tilespmem:s15+$0x50]  }
0x463: {  	v20 =	vld [tilespmem:s15+$0x60]  }
0x464: {  	v5 =	vimm.f32 $0.0e+00;
	v25 =	vld [tilespmem:s15+$0x70]  }
0x465: {  	v6 =	vld [tilespmem:s15+$0x4B0];
	v16 =	vadd.f32 v3, v5  }
0x466: {  	v26 =	vld [tilespmem:s15+$0x400];
	v17 =	vadd.f32 v4, v5;
	v14 =	vadd.f32 v14, v5  }
0x467: {  	v28 =	vld [tilespmem:s15+$0x410];
	v27 =	vadd.f32 v15, v5;
	v33 =	vadd.f32 v18, v5  }
0x468: {  	v29 =	vld [tilespmem:s15+$0x430];
	v31 =	vadd.f32 v19, v5;
	v32 =	vadd.f32 v20, v5  }
0x469: {  	v3 =	vld [tilespmem:s15+$0x4C0];
	v30 =	vadd.f32 v25, v5;
	v20 =	vimm.f32 $0.0e+00;
	v19 =	vimm.f32 $0.0e+00  }
0x46a: {  	v4 =	vld [tilespmem:s15+$0x4D0];
	v18 =	vimm.f32 $0.0e+00;
	v15 =	vadd.f32 v9, v16;
	v16 =	vadd.f32 v11, v17  }
0x46b: {  	v17 =	vadd.f32 v12, v14;
	v14 =	vadd.f32 v13, v27;
	v27 =	vld [tilespmem:s15+$0x420];
	v12 =	vimm.f32 $0.0e+00  }
0x46c: {  	s16 =	simm.s32 $0x100;
	v25 =	vld [tilespmem:s15+$0x440];
	v13 =	vimm.f32 $0.0e+00;
	v11 =	vimm.f32 $0.0e+00;
	v9 =	vimm.f32 $0.0e+00  }
.LBB2_14:
0x46d: {  	p0 =	sne.s32 s16, $0x3F00;
	v33 =	vadd.f32 v23, v33;
	v31 =	vadd.f32 v24, v31;
	v23 =	vld [tilespmem:s15+$0x450]  }
0x46e: {  	v32 =	vadd.f32 v22, v32;
	v30 =	vadd.f32 v21, v30;
	v21 =	vld [tilespmem:s15+$0x460]  }
0x46f: {  	v5 =	vadd.f32 v26, v5;
	s14 =	sadd.s32 $0x200, s14;
	v20 =	vadd.f32 v28, v20;
	v22 =	vld [tilespmem:s15+$0x470]  }
0x470: {  	s18 =	sand.u32 $0x300, s16;
	s17 =	sand.u32 $0x7800, s14;
	v19 =	vadd.f32 v27, v19;
	v18 =	vadd.f32 v29, v18;
	v24 =	vld [tilespmem:s15+$0x4E0]  }
0x471: {  	s17 =	sor.u32 s18, s17;
	v5 =	vadd.f32 v10, v5;
	v20 =	vadd.f32 v8, v20;
	v8 =	vld [tilespmem:s15+$0x4F0]  }
0x472: {  	s15 =	sadd.s32 $0x11000, s17;
	v19 =	vadd.f32 v7, v19;
	v26 =	vld [tilespmem:s17+$0x11000];
	v18 =	vadd.f32 v6, v18  }
0x473: {  	v6 =	vadd.f32 v25, v12;
	v7 =	vadd.f32 v23, v13;
	v27 =	vld [tilespmem:s15+$0x80]  }
0x474: {  	v10 =	vadd.f32 v21, v11;
	v25 =	vld [tilespmem:s15+$0x90];
	v9 =	vadd.f32 v22, v9  }
0x475: {  	v12 =	vadd.f32 v3, v6;
	v13 =	vadd.f32 v4, v7;
	v29 =	vld [tilespmem:s15+$0xA0]  }
0x476: {  	v11 =	vadd.f32 v24, v10;
	v34 =	vld [tilespmem:s15+$0xB0];
	v9 =	vadd.f32 v8, v9  }
0x477: {  	v23 =	vld [tilespmem:s15+$0xC0]  }
0x478: {  	v24 =	vld [tilespmem:s15+$0xD0]  }
0x479: {  	v22 =	vld [tilespmem:s15+$0xE0]  }
0x47a: {  	v21 =	vld [tilespmem:s15+$0xF0]  }
0x47b: {  	v10 =	vld [tilespmem:s15+$0x480]  }
0x47c: {  	v8 =	vld [tilespmem:s15+$0x490]  }
0x47d: {  	v7 =	vld [tilespmem:s15+$0x4A0]  }
0x47e: {  	v6 =	vld [tilespmem:s15+$0x4B0]  }
0x47f: {  	v3 =	vld [tilespmem:s15+$0x4C0]  }
0x480: {  	v4 =	vld [tilespmem:s15+$0x4D0]  }
0x481: {  	v28 =	vld [tilespmem:s15+$0x10]  }
0x482: {  	v35 =	vld [tilespmem:s15+$0x20]  }
0x483: {  	v36 =	vld [tilespmem:s15+$0x30]  }
0x484: {  	v37 =	vld [tilespmem:s15+$0x40]  }
0x485: {  	v38 =	vld [tilespmem:s15+$0x50]  }
0x486: {  	v39 =	vld [tilespmem:s15+$0x60]  }
0x487: {  	v15 =	vadd.f32 v26, v15;
	v16 =	vadd.f32 v28, v16;
	v40 =	vld [tilespmem:s15+$0x70]  }
.Ltmp6:
0x488: {  	v17 =	vadd.f32 v35, v17;
	v14 =	vadd.f32 v36, v14;
	v26 =	vld [tilespmem:s15+$0x400];
	(pc) =	sbr.rel @p0 .LBB2_14-.Ltmp6, $4  }
0x489: {  	v15 =	vadd.f32 v27, v15;
	v16 =	vadd.f32 v25, v16;
	v28 =	vld [tilespmem:s15+$0x410]  }
0x48a: {  	v17 =	vadd.f32 v29, v17;
	v14 =	vadd.f32 v34, v14;
	v27 =	vld [tilespmem:s15+$0x420]  }
0x48b: {  	v33 =	vadd.f32 v37, v33;
	v31 =	vadd.f32 v38, v31;
	v29 =	vld [tilespmem:s15+$0x430]  }
0x48c: {  	s16 =	sadd.s32 $0x100, s16;
	v32 =	vadd.f32 v39, v32;
	v30 =	vadd.f32 v40, v30;
	v25 =	vld [tilespmem:s15+$0x440]  }
0x48d: {  	v34 =	vld [tilespmem:s15+$0x450]  }
0x48e: {  	v35 =	vld [tilespmem:s15+$0x460]  }
0x48f: {  	v36 =	vld [tilespmem:s15+$0x470]  }
0x490: {  	v37 =	vld [tilespmem:s15+$0x4E0]  }
0x491: {  	v38 =	vld [tilespmem:s15+$0x4F0];
	[tilespmem:$0x1AA80] =	vst v15  }
0x492: {  	[tilespmem:$0x1AA90] =	vst v16  }
0x493: {  	v15 =	vadd.f32 v23, v33;
	[tilespmem:$0x1AAA0] =	vst v17  }
0x494: {  	v16 =	vadd.f32 v24, v31;
	[tilespmem:$0x1AAB0] =	vst v14  }
0x495: {  	v5 =	vadd.f32 v26, v5;
	v14 =	vadd.f32 v22, v32;
	[tilespmem:$0x1AAC0] =	vst v15  }
0x496: {  	v17 =	vadd.f32 v28, v20;
	v15 =	vadd.f32 v21, v30;
	[tilespmem:$0x1AAD0] =	vst v16  }
0x497: {  	v16 =	vadd.f32 v27, v19;
	v5 =	vadd.f32 v10, v5;
	[tilespmem:$0x1AAE0] =	vst v14  }
0x498: {  	v10 =	vadd.f32 v29, v18;
	v8 =	vadd.f32 v8, v17;
	[tilespmem:$0x1AAF0] =	vst v15  }
0x499: {  	v7 =	vadd.f32 v7, v16;
	v12 =	vadd.f32 v25, v12;
	[tilespmem:$0x1AE80] =	vst v5  }
0x49a: {  	v5 =	vadd.f32 v6, v10;
	v6 =	vadd.f32 v34, v13;
	[tilespmem:$0x1AE90] =	vst v8  }
0x49b: {  	v8 =	vadd.f32 v35, v11;
	v3 =	vadd.f32 v3, v12;
	[tilespmem:$0x1AEA0] =	vst v7  }
0x49c: {  	v7 =	vadd.f32 v36, v9;
	v4 =	vadd.f32 v4, v6;
	[tilespmem:$0x1AEB0] =	vst v5  }
0x49d: {  	v5 =	vadd.f32 v37, v8;
	[tilespmem:$0x1AEC0] =	vst v3  }
0x49e: {  	v3 =	vadd.f32 v38, v7;
	[tilespmem:$0x1AED0] =	vst v4  }
0x49f: {  	[tilespmem:$0x1AEE0] =	vst v5  }
0x4a0: {  	[tilespmem:$0x1AEF0] =	vst v3  }
0x4a1: {  	s14 =	simm.s32 $0x0;
	_ =	swait.ge [sflag:s11], $0x8000  }
0x4a2: {  	s21 =	sand.u32 $0x7800, s14;
	s16 =	sand.u32 $0x300, s14;
	[sflag:s11] =	ssyncset.done $0x0  }
0x4a3: {  	s15 =	sor.u32 s16, s21;
	[sflag:s11] =	ssyncadd.s32 $0xFFFF8000  }
0x4a4: {  	v10 =	vld [tilespmem:s15+$0x1080]  }
0x4a5: {  	v11 =	vld [tilespmem:s15+$0x1090]  }
0x4a6: {  	v14 =	vld [tilespmem:s15+$0x10A0]  }
0x4a7: {  	v15 =	vld [tilespmem:s15+$0x10B0]  }
0x4a8: {  	v18 =	vld [tilespmem:s15+$0x10C0]  }
0x4a9: {  	v19 =	vld [tilespmem:s15+$0x10D0]  }
0x4aa: {  	v23 =	vld [tilespmem:s15+$0x10E0]  }
0x4ab: {  	v21 =	vld [tilespmem:s15+$0x10F0]  }
0x4ac: {  	v9 =	vld [tilespmem:s15+$0x1480]  }
0x4ad: {  	v8 =	vld [tilespmem:s15+$0x1490]  }
0x4ae: {  	v6 =	vld [tilespmem:s15+$0x14A0]  }
0x4af: {  	v4 =	vld [tilespmem:s15+$0x14B0]  }
0x4b0: {  	v3 =	vld [tilespmem:s15+$0x1000]  }
0x4b1: {  	v5 =	vld [tilespmem:s15+$0x1010]  }
0x4b2: {  	v12 =	vld [tilespmem:s15+$0x1020]  }
0x4b3: {  	v13 =	vld [tilespmem:s15+$0x1030]  }
0x4b4: {  	v24 =	vld [tilespmem:s15+$0x1060]  }
0x4b5: {  	v25 =	vld [tilespmem:s15+$0x1070]  }
0x4b6: {  	v7 =	vimm.f32 $0.0e+00;
	v20 =	vld [tilespmem:s15+$0x1040]  }
0x4b7: {  	v22 =	vld [tilespmem:s15+$0x1050];
	v16 =	vadd.f32 v3, v7  }
0x4b8: {  	v26 =	vld [tilespmem:s15+$0x1400];
	v17 =	vadd.f32 v5, v7;
	v27 =	vadd.f32 v12, v7  }
0x4b9: {  	v29 =	vld [tilespmem:s15+$0x1410];
	v28 =	vadd.f32 v13, v7;
	v32 =	vadd.f32 v24, v7  }
0x4ba: {  	v30 =	vld [tilespmem:s15+$0x1430];
	v31 =	vadd.f32 v25, v7;
	v12 =	vadd.f32 v10, v16  }
0x4bb: {  	v3 =	vld [tilespmem:s15+$0x14C0];
	v13 =	vadd.f32 v11, v17;
	v16 =	vadd.f32 v14, v27  }
0x4bc: {  	v5 =	vld [tilespmem:s15+$0x14D0];
	v24 =	vimm.f32 $0.0e+00;
	v10 =	vadd.f32 v20, v7;
	v11 =	vadd.f32 v22, v7  }
0x4bd: {  	v17 =	vadd.f32 v15, v28;
	v28 =	vld [tilespmem:s15+$0x1420];
	v22 =	vimm.f32 $0.0e+00;
	v14 =	vimm.f32 $0.0e+00  }
0x4be: {  	v25 =	vld [tilespmem:s15+$0x1440];
	v15 =	vimm.f32 $0.0e+00;
	v20 =	vadd.f32 v18, v10;
	v18 =	vadd.f32 v19, v11  }
0x4bf: {  	s16 =	simm.s32 $0x100;
	v27 =	vld [tilespmem:s15+$0x1450];
	v19 =	vimm.f32 $0.0e+00;
	v11 =	vimm.f32 $0.0e+00;
	v10 =	vimm.f32 $0.0e+00  }
.LBB2_16:
0x4c0: {  	p0 =	sne.s32 s16, $0x3F00;
	v32 =	vadd.f32 v23, v32;
	v31 =	vadd.f32 v21, v31;
	v21 =	vld [tilespmem:s15+$0x1460]  }
0x4c1: {  	v7 =	vadd.f32 v26, v7;
	v23 =	vadd.f32 v29, v24;
	s14 =	sadd.s32 $0x200, s14;
	v26 =	vld [tilespmem:s15+$0x1470]  }
0x4c2: {  	s18 =	sand.u32 $0x300, s16;
	s17 =	sand.u32 $0x7800, s14;
	v22 =	vadd.f32 v28, v22;
	v19 =	vadd.f32 v30, v19;
	v28 =	vld [tilespmem:s15+$0x14E0]  }
0x4c3: {  	v7 =	vadd.f32 v9, v7;
	v24 =	vadd.f32 v8, v23;
	v8 =	vld [tilespmem:s15+$0x14F0];
	s15 =	sor.u32 s18, s17  }
0x4c4: {  	v22 =	vadd.f32 v6, v22;
	v29 =	vld [tilespmem:s15+$0x1080];
	v19 =	vadd.f32 v4, v19  }
0x4c5: {  	v4 =	vadd.f32 v25, v14;
	v6 =	vadd.f32 v27, v15;
	v30 =	vld [tilespmem:s15+$0x1090]  }
0x4c6: {  	v9 =	vadd.f32 v21, v11;
	v25 =	vld [tilespmem:s15+$0x10A0];
	v10 =	vadd.f32 v26, v10  }
0x4c7: {  	v14 =	vadd.f32 v3, v4;
	v15 =	vadd.f32 v5, v6;
	v27 =	vld [tilespmem:s15+$0x10B0]  }
0x4c8: {  	v11 =	vadd.f32 v28, v9;
	v33 =	vld [tilespmem:s15+$0x10C0];
	v10 =	vadd.f32 v8, v10  }
0x4c9: {  	v34 =	vld [tilespmem:s15+$0x10D0]  }
0x4ca: {  	v23 =	vld [tilespmem:s15+$0x10E0]  }
0x4cb: {  	v21 =	vld [tilespmem:s15+$0x10F0]  }
0x4cc: {  	v9 =	vld [tilespmem:s15+$0x1480]  }
0x4cd: {  	v8 =	vld [tilespmem:s15+$0x1490]  }
0x4ce: {  	v6 =	vld [tilespmem:s15+$0x14A0]  }
0x4cf: {  	v4 =	vld [tilespmem:s15+$0x14B0]  }
0x4d0: {  	v3 =	vld [tilespmem:s15+$0x14C0]  }
0x4d1: {  	v5 =	vld [tilespmem:s15+$0x14D0]  }
0x4d2: {  	v26 =	vld [tilespmem:s15+$0x1000]  }
0x4d3: {  	v28 =	vld [tilespmem:s15+$0x1010]  }
0x4d4: {  	v35 =	vld [tilespmem:s15+$0x1020]  }
0x4d5: {  	v36 =	vld [tilespmem:s15+$0x1030]  }
0x4d6: {  	v37 =	vld [tilespmem:s15+$0x1040]  }
0x4d7: {  	v38 =	vld [tilespmem:s15+$0x1050]  }
0x4d8: {  	v39 =	vld [tilespmem:s15+$0x1060]  }
0x4d9: {  	v12 =	vadd.f32 v26, v12;
	v13 =	vadd.f32 v28, v13;
	v40 =	vld [tilespmem:s15+$0x1070]  }
0x4da: {  	v16 =	vadd.f32 v35, v16;
	v17 =	vadd.f32 v36, v17;
	v26 =	vld [tilespmem:s15+$0x1400]  }
.Ltmp7:
0x4db: {  	v12 =	vadd.f32 v29, v12;
	v13 =	vadd.f32 v30, v13;
	v29 =	vld [tilespmem:s15+$0x1410];
	(pc) =	sbr.rel @p0 .LBB2_16-.Ltmp7, $4  }
0x4dc: {  	v16 =	vadd.f32 v25, v16;
	v17 =	vadd.f32 v27, v17;
	v28 =	vld [tilespmem:s15+$0x1420]  }
0x4dd: {  	v20 =	vadd.f32 v37, v20;
	v18 =	vadd.f32 v38, v18;
	v30 =	vld [tilespmem:s15+$0x1430]  }
0x4de: {  	v32 =	vadd.f32 v39, v32;
	v31 =	vadd.f32 v40, v31;
	v25 =	vld [tilespmem:s15+$0x1440]  }
0x4df: {  	s16 =	sadd.s32 $0x100, s16;
	v20 =	vadd.f32 v33, v20;
	v18 =	vadd.f32 v34, v18;
	v27 =	vld [tilespmem:s15+$0x1450]  }
0x4e0: {  	v33 =	vld [tilespmem:s15+$0x1460]  }
0x4e1: {  	v34 =	vld [tilespmem:s15+$0x1470]  }
0x4e2: {  	v35 =	vld [tilespmem:s15+$0x14E0]  }
0x4e3: {  	v36 =	vld [tilespmem:s15+$0x14F0];
	[tilespmem:$0x1AB00] =	vst v12  }
0x4e4: {  	[tilespmem:$0x1AB10] =	vst v13  }
0x4e5: {  	[tilespmem:$0x1AB20] =	vst v16  }
0x4e6: {  	[tilespmem:$0x1AB30] =	vst v17  }
0x4e7: {  	v12 =	vadd.f32 v23, v32;
	v7 =	vadd.f32 v26, v7;
	[tilespmem:$0x1AB40] =	vst v20  }
0x4e8: {  	v13 =	vadd.f32 v21, v31;
	v16 =	vadd.f32 v29, v24;
	[tilespmem:$0x1AB50] =	vst v18  }
0x4e9: {  	v17 =	vadd.f32 v28, v22;
	v7 =	vadd.f32 v9, v7;
	[tilespmem:$0x1AB60] =	vst v12  }
0x4ea: {  	v9 =	vadd.f32 v30, v19;
	v8 =	vadd.f32 v8, v16;
	[tilespmem:$0x1AB70] =	vst v13  }
0x4eb: {  	v6 =	vadd.f32 v6, v17;
	v12 =	vadd.f32 v25, v14;
	[tilespmem:$0x1AF00] =	vst v7  }
0x4ec: {  	v4 =	vadd.f32 v4, v9;
	v7 =	vadd.f32 v27, v15;
	[tilespmem:$0x1AF10] =	vst v8  }
0x4ed: {  	v8 =	vadd.f32 v33, v11;
	v3 =	vadd.f32 v3, v12;
	[tilespmem:$0x1AF20] =	vst v6  }
0x4ee: {  	v6 =	vadd.f32 v34, v10;
	v5 =	vadd.f32 v5, v7;
	[tilespmem:$0x1AF30] =	vst v4  }
0x4ef: {  	v4 =	vadd.f32 v35, v8;
	[tilespmem:$0x1AF40] =	vst v3  }
0x4f0: {  	v3 =	vadd.f32 v36, v6;
	[tilespmem:$0x1AF50] =	vst v5  }
0x4f1: {  	[tilespmem:$0x1AF60] =	vst v4  }
0x4f2: {  	[tilespmem:$0x1AF70] =	vst v3  }
0x4f3: {  	s14 =	simm.s32 $0x0;
	_ =	swait.ge [sflag:s12], $0x8000  }
0x4f4: {  	s21 =	sand.u32 $0x7800, s14;
	s16 =	sand.u32 $0x300, s14;
	[sflag:s12] =	ssyncset.done $0x0  }
0x4f5: {  	s15 =	sor.u32 s16, s21;
	[sflag:s12] =	ssyncadd.s32 $0xFFFF8000  }
0x4f6: {  	v10 =	vld [tilespmem:s15+$0x9080]  }
0x4f7: {  	v11 =	vld [tilespmem:s15+$0x9090]  }
0x4f8: {  	v14 =	vld [tilespmem:s15+$0x90A0]  }
0x4f9: {  	v15 =	vld [tilespmem:s15+$0x90B0]  }
0x4fa: {  	v18 =	vld [tilespmem:s15+$0x90C0]  }
0x4fb: {  	v19 =	vld [tilespmem:s15+$0x90D0]  }
0x4fc: {  	v23 =	vld [tilespmem:s15+$0x90E0]  }
0x4fd: {  	v21 =	vld [tilespmem:s15+$0x90F0]  }
0x4fe: {  	v9 =	vld [tilespmem:s15+$0x9480]  }
0x4ff: {  	v8 =	vld [tilespmem:s15+$0x9490]  }
0x500: {  	v6 =	vld [tilespmem:s15+$0x94A0]  }
0x501: {  	v4 =	vld [tilespmem:s15+$0x94B0]  }
0x502: {  	v3 =	vld [tilespmem:s15+$0x9000]  }
0x503: {  	v5 =	vld [tilespmem:s15+$0x9010]  }
0x504: {  	v12 =	vld [tilespmem:s15+$0x9020]  }
0x505: {  	v13 =	vld [tilespmem:s15+$0x9030]  }
0x506: {  	v24 =	vld [tilespmem:s15+$0x9060]  }
0x507: {  	v25 =	vld [tilespmem:s15+$0x9070]  }
0x508: {  	v7 =	vimm.f32 $0.0e+00;
	v20 =	vld [tilespmem:s15+$0x9040]  }
0x509: {  	v22 =	vld [tilespmem:s15+$0x9050];
	v16 =	vadd.f32 v3, v7  }
0x50a: {  	v26 =	vld [tilespmem:s15+$0x9400];
	v17 =	vadd.f32 v5, v7;
	v27 =	vadd.f32 v12, v7  }
0x50b: {  	v29 =	vld [tilespmem:s15+$0x9410];
	v28 =	vadd.f32 v13, v7;
	v32 =	vadd.f32 v24, v7  }
0x50c: {  	v30 =	vld [tilespmem:s15+$0x9430];
	v31 =	vadd.f32 v25, v7;
	v12 =	vadd.f32 v10, v16  }
0x50d: {  	v3 =	vld [tilespmem:s15+$0x94C0];
	v13 =	vadd.f32 v11, v17;
	v16 =	vadd.f32 v14, v27  }
0x50e: {  	v5 =	vld [tilespmem:s15+$0x94D0];
	v24 =	vimm.f32 $0.0e+00;
	v10 =	vadd.f32 v20, v7;
	v11 =	vadd.f32 v22, v7  }
0x50f: {  	v17 =	vadd.f32 v15, v28;
	v28 =	vld [tilespmem:s15+$0x9420];
	v22 =	vimm.f32 $0.0e+00;
	v14 =	vimm.f32 $0.0e+00  }
0x510: {  	v25 =	vld [tilespmem:s15+$0x9440];
	v15 =	vimm.f32 $0.0e+00;
	v20 =	vadd.f32 v18, v10;
	v18 =	vadd.f32 v19, v11  }
0x511: {  	s16 =	simm.s32 $0x100;
	v27 =	vld [tilespmem:s15+$0x9450];
	v19 =	vimm.f32 $0.0e+00;
	v11 =	vimm.f32 $0.0e+00;
	v10 =	vimm.f32 $0.0e+00  }
.LBB2_18:
0x512: {  	p0 =	sne.s32 s16, $0x3F00;
	v32 =	vadd.f32 v23, v32;
	v31 =	vadd.f32 v21, v31;
	v21 =	vld [tilespmem:s15+$0x9460]  }
0x513: {  	v7 =	vadd.f32 v26, v7;
	v23 =	vadd.f32 v29, v24;
	s14 =	sadd.s32 $0x200, s14;
	v26 =	vld [tilespmem:s15+$0x9470]  }
0x514: {  	s18 =	sand.u32 $0x300, s16;
	s17 =	sand.u32 $0x7800, s14;
	v22 =	vadd.f32 v28, v22;
	v19 =	vadd.f32 v30, v19;
	v28 =	vld [tilespmem:s15+$0x94E0]  }
0x515: {  	v7 =	vadd.f32 v9, v7;
	v24 =	vadd.f32 v8, v23;
	v8 =	vld [tilespmem:s15+$0x94F0];
	s15 =	sor.u32 s18, s17  }
0x516: {  	v22 =	vadd.f32 v6, v22;
	v29 =	vld [tilespmem:s15+$0x9080];
	v19 =	vadd.f32 v4, v19  }
0x517: {  	v4 =	vadd.f32 v25, v14;
	v6 =	vadd.f32 v27, v15;
	v30 =	vld [tilespmem:s15+$0x9090]  }
0x518: {  	v9 =	vadd.f32 v21, v11;
	v25 =	vld [tilespmem:s15+$0x90A0];
	v10 =	vadd.f32 v26, v10  }
0x519: {  	v14 =	vadd.f32 v3, v4;
	v15 =	vadd.f32 v5, v6;
	v27 =	vld [tilespmem:s15+$0x90B0]  }
0x51a: {  	v11 =	vadd.f32 v28, v9;
	v33 =	vld [tilespmem:s15+$0x90C0];
	v10 =	vadd.f32 v8, v10  }
0x51b: {  	v34 =	vld [tilespmem:s15+$0x90D0]  }
0x51c: {  	v23 =	vld [tilespmem:s15+$0x90E0]  }
0x51d: {  	v21 =	vld [tilespmem:s15+$0x90F0]  }
0x51e: {  	v9 =	vld [tilespmem:s15+$0x9480]  }
0x51f: {  	v8 =	vld [tilespmem:s15+$0x9490]  }
0x520: {  	v6 =	vld [tilespmem:s15+$0x94A0]  }
0x521: {  	v4 =	vld [tilespmem:s15+$0x94B0]  }
0x522: {  	v3 =	vld [tilespmem:s15+$0x94C0]  }
0x523: {  	v5 =	vld [tilespmem:s15+$0x94D0]  }
0x524: {  	v26 =	vld [tilespmem:s15+$0x9000]  }
0x525: {  	v28 =	vld [tilespmem:s15+$0x9010]  }
0x526: {  	v35 =	vld [tilespmem:s15+$0x9020]  }
0x527: {  	v36 =	vld [tilespmem:s15+$0x9030]  }
0x528: {  	v37 =	vld [tilespmem:s15+$0x9040]  }
0x529: {  	v38 =	vld [tilespmem:s15+$0x9050]  }
0x52a: {  	v39 =	vld [tilespmem:s15+$0x9060]  }
0x52b: {  	v12 =	vadd.f32 v26, v12;
	v13 =	vadd.f32 v28, v13;
	v40 =	vld [tilespmem:s15+$0x9070]  }
0x52c: {  	v16 =	vadd.f32 v35, v16;
	v17 =	vadd.f32 v36, v17;
	v26 =	vld [tilespmem:s15+$0x9400]  }
.Ltmp8:
0x52d: {  	v12 =	vadd.f32 v29, v12;
	v13 =	vadd.f32 v30, v13;
	v29 =	vld [tilespmem:s15+$0x9410];
	(pc) =	sbr.rel @p0 .LBB2_18-.Ltmp8, $4  }
0x52e: {  	v16 =	vadd.f32 v25, v16;
	v17 =	vadd.f32 v27, v17;
	v28 =	vld [tilespmem:s15+$0x9420]  }
0x52f: {  	v20 =	vadd.f32 v37, v20;
	v18 =	vadd.f32 v38, v18;
	v30 =	vld [tilespmem:s15+$0x9430]  }
0x530: {  	v32 =	vadd.f32 v39, v32;
	v31 =	vadd.f32 v40, v31;
	v25 =	vld [tilespmem:s15+$0x9440]  }
0x531: {  	s16 =	sadd.s32 $0x100, s16;
	v20 =	vadd.f32 v33, v20;
	v18 =	vadd.f32 v34, v18;
	v27 =	vld [tilespmem:s15+$0x9450]  }
0x532: {  	v33 =	vld [tilespmem:s15+$0x9460]  }
0x533: {  	v34 =	vld [tilespmem:s15+$0x9470]  }
0x534: {  	v35 =	vld [tilespmem:s15+$0x94E0]  }
0x535: {  	v36 =	vld [tilespmem:s15+$0x94F0];
	[tilespmem:$0x1AB80] =	vst v12  }
0x536: {  	[tilespmem:$0x1AB90] =	vst v13  }
0x537: {  	[tilespmem:$0x1ABA0] =	vst v16  }
0x538: {  	[tilespmem:$0x1ABB0] =	vst v17  }
0x539: {  	v54 =	vadd.f32 v23, v32;
	v7 =	vadd.f32 v26, v7;
	[tilespmem:$0x1ABC0] =	vst v20  }
0x53a: {  	v55 =	vadd.f32 v21, v31;
	v56 =	vadd.f32 v29, v24;
	[tilespmem:$0x1ABD0] =	vst v18  }
0x53b: {  	v57 =	vadd.f32 v28, v22;
	v7 =	vadd.f32 v9, v7;
	[tilespmem:$0x1ABE0] =	vst v54  }
0x53c: {  	v58 =	vadd.f32 v30, v19;
	v8 =	vadd.f32 v8, v56;
	[tilespmem:$0x1ABF0] =	vst v55  }
0x53d: {  	v6 =	vadd.f32 v6, v57;
	v59 =	vadd.f32 v25, v14;
	[tilespmem:$0x1AF80] =	vst v7  }
0x53e: {  	v4 =	vadd.f32 v4, v58;
	v60 =	vadd.f32 v27, v15;
	[tilespmem:$0x1AF90] =	vst v8  }
0x53f: {  	v61 =	vadd.f32 v33, v11;
	v3 =	vadd.f32 v3, v59;
	[tilespmem:$0x1AFA0] =	vst v6  }
0x540: {  	v62 =	vadd.f32 v34, v10;
	v5 =	vadd.f32 v5, v60;
	[tilespmem:$0x1AFB0] =	vst v4  }
0x541: {  	v63 =	vadd.f32 v35, v61;
	[tilespmem:$0x1AFC0] =	vst v3  }
0x542: {  	v3 =	vadd.f32 v36, v62;
	[tilespmem:$0x1AFD0] =	vst v5  }
0x543: {  	[tilespmem:$0x1AFE0] =	vst v63  }
0x544: {  	s14 =	rddreg [dreg:$0x5];
	s20 =	simm.s32 $0x19000;
	s15 =	simm.s32 $0x4;
	[tilespmem:$0x1AFF0] =	vst v3  }
0x545: {  	[hbm4b:s14+s3] =	stream.linear.scatter [tilespmem:s20], [sflag:$0x4], $0x2000, $0x38;
	[tilespmem:$0x1B000] =	vst v63  }
0x546: {  	_ =	swait.ge [sflag:s15], $0x2000  }
0x547: {  	s16 =	rddreg [dreg:$0x7]  }
0x548: {  	s21 =	rddreg [dreg:$0x6];
	s16 =	sadd.s32 $0x1, s16  }
0x549: {  	p0 =	sne.s32 s16, s21  }
.Ltmp9:
0x54a: {  	_ = 	snop;
	(pc) =	sbr.rel @p0 .LBB2_1-.Ltmp9, $3  }
0x54b: {  	_ =	sdelay $0x1  }
0x54c: {  	[sflag:s15] =	ssyncset.done $0x0  }
0x54d: {  	[sflag:s15] =	ssyncadd.s32 $0xFFFFE000  }
0x54e: {  	_ =	sfence.sel $0x180000  }
0x54f: {  	[bflag:$0x0] =	sbarrier.arrive $0xFFFF  }
0x550: {  	_ =	strace $0x90000047  }
0x551: {  	s0 =	stileid.u32;
	[bflag:$0x2] =	sbarrier.arrive $0xFFFF  }
0x552: {  	p0 =	sne.s32 s0, $0x0;
	s0 =	rddreg [dreg:$0x3]  }
0x553: {  	s0 =	sadd.s32 @!p0 $0x100000, s0  }
0x554: {  	[sflag:s0] =	ssyncadd.tile.s32 @!p0 $0x1;
	_ =	shalt  }
.Lfunc_end2:
_tile_overlayer_lowered:
.L_overlay_start_2:
0x555: {  	(tag) =	ssettag $0x2  }
0x556: {  	s0 =	rddreg [dreg:$0x0];
	s2 =	stileid.u32  }
0x557: {  	s1 =	rddreg [dreg:$0x1];
	p0 =	sne.s32 s2, $0x0  }
0x558: {  	s3 =	rddreg [dreg:$0x2];
	[bflag:$0x3] =	sbarrier.arrive $0xFFFF;
	s2 =	simm.s32 @!p0 $0x1C04  }
0x559: {  	[timem:s3], [sflag:s2] =	dma.local @!p0 [hbm:s0], s1  }
0x55a: {  	s0 =	simm.s32 @!p0 $0x4  }
0x55b: {  	_ =	swait.ge @!p0 [sflag:s0], s1  }
0x55c: {  	s1 =	ssub.s32 @!p0 $0x0, s1;
	[sflag:s0] =	ssyncset.done @!p0 $0x0  }
0x55d: {  	[sflag:s0] =	ssyncadd.s32 @!p0 s1  }
0x55e: {  	[bflag:$0x3] =	sbarrier.arrive $0xFFFF  }
0x55f: {  	_ =	shalt  }

</sc_bundles>
